<compile_context>
chip_gen: v7x
topology: tpu7x:2x2x1
jax: 0.10.2.dev20260603
libtpu: 0.0.44.dev20260713+nightly
codegen_flags: <defaults>
</compile_context>

<pallas_src>
import functools

import jax
import jax.numpy as jnp
from jax import lax
from jax.experimental import pallas as pl
from jax.experimental.pallas import tpu as pltpu
from jax.experimental.pallas import tpu_sc as plsc

N_NODES = 10000
N_EDGES = 320000
D_FEAT = 128
D_EDGE = 16
E_OUT = 16
N_OUT = 128

NC = 2
NS = 16
CHUNK = 512
G = 128
NG = CHUNK // G
NSTEPS = N_EDGES // CHUNK
N_PAD = 10240
ROWS_PER_SUB = N_PAD // NS

F32 = jnp.float32



def _nodeproj_body(x_ref, wsT_ref, wdT_ref, xs_ref, xd_ref):
    xb = x_ref[...]
    xs_ref[...] = jnp.dot(xb, wsT_ref[...], preferred_element_type=F32)
    xd_ref[...] = jnp.dot(xb, wdT_ref[...], preferred_element_type=F32)


def _node_proj(x, wsT, wdT):
    blk = 2048
    return pl.pallas_call(
        _nodeproj_body,
        grid=(N_PAD // blk,),
        in_specs=[
            pl.BlockSpec((blk, D_FEAT), lambda i: (i, 0)),
            pl.BlockSpec((D_FEAT, E_OUT), lambda i: (0, 0)),
            pl.BlockSpec((D_FEAT, E_OUT), lambda i: (0, 0)),
        ],
        out_specs=[
            pl.BlockSpec((blk, E_OUT), lambda i: (i, 0)),
            pl.BlockSpec((blk, E_OUT), lambda i: (i, 0)),
        ],
        out_shape=[
            jax.ShapeDtypeStruct((N_PAD, E_OUT), F32),
            jax.ShapeDtypeStruct((N_PAD, E_OUT), F32),
        ],
    )(x, wsT, wdT)


EB = 2560
ET = EB // 128


def _edgeproj_body(eT_ref, we_ref, be_ref, o_ref):
    o_ref[...] = jnp.dot(we_ref[...], eT_ref[...],
                         preferred_element_type=F32) + be_ref[...]


def _edge_proj(edataT, we_e, bec):
    return pl.pallas_call(
        _edgeproj_body,
        grid=(N_EDGES // EB,),
        in_specs=[
            pl.BlockSpec((D_EDGE, EB), lambda i: (0, i)),
            pl.BlockSpec((E_OUT, D_EDGE), lambda i: (0, 0)),
            pl.BlockSpec((E_OUT, 1), lambda i: (0, 0)),
        ],
        out_specs=pl.BlockSpec((E_OUT, EB), lambda i: (0, i)),
        out_shape=jax.ShapeDtypeStruct((E_OUT, N_EDGES), F32),
    )(edataT, we_e, bec)


def _final_body(x_ref, sp_ref, cp_ref, wxT_ref, wnT_ref, bn_ref, o_ref):
    sp = sp_ref[...][:, :N_NODES]
    cp = cp_ref[...][:, :N_NODES]
    sums = sp[0] + sp[1]
    cnt = cp[0, :, 0:1] + cp[1, :, 0:1]
    ndata = sums / jnp.maximum(cnt, 1.0)
    o_ref[...] = (
        jnp.dot(x_ref[...], wxT_ref[...], preferred_element_type=F32)
        + jnp.dot(ndata, wnT_ref[...], preferred_element_type=F32)
        + bn_ref[...]
    )


def _final_proj(x, sums_p, cnts_p, wxT, wnT, bn2):
    return pl.pallas_call(
        _final_body,
        grid=(1,),
        in_specs=[
            pl.BlockSpec((N_NODES, D_FEAT), lambda i: (0, 0)),
            pl.BlockSpec((NC, N_PAD, E_OUT), lambda i: (0, 0, 0)),
            pl.BlockSpec((NC, N_PAD, E_OUT), lambda i: (0, 0, 0)),
            pl.BlockSpec((D_FEAT, N_OUT), lambda i: (0, 0)),
            pl.BlockSpec((E_OUT, N_OUT), lambda i: (0, 0)),
            pl.BlockSpec((1, N_OUT), lambda i: (0, 0)),
        ],
        out_specs=pl.BlockSpec((N_NODES, N_OUT), lambda i: (0, 0)),
        out_shape=jax.ShapeDtypeStruct((N_NODES, N_OUT), F32),
    )(x, sums_p, cnts_p, wxT, wnT, bn2)



def _sc_edge_body(ep_hbm, row_hbm, col_hbm, xs_hbm, xd_hbm,
                  enew_hbm, sums_hbm, cnts_hbm,
                  acc_s, acc_c, xs_sh, xd_sh, xs_c, xd_c, rows_c,
                  ones_c, zbuf, sem_g, sem_s):
    c = lax.axis_index("core")
    s = lax.axis_index("subcore")
    ii = lax.iota(jnp.int32, 16)
    band_i = ii // 8
    feat_i = ii % 8

    @pl.loop(0, ROWS_PER_SUB)
    def _(i):
        zbuf[i, :] = jnp.zeros((E_OUT,), F32)

    @pl.loop(0, G)
    def _(i):
        ones_c[i, :] = jnp.ones((E_OUT,), F32)

    base = s * ROWS_PER_SUB
    pltpu.sync_copy(zbuf, acc_s.at[pl.ds(base, ROWS_PER_SUB)])
    pltpu.sync_copy(zbuf, acc_c.at[pl.ds(base, ROWS_PER_SUB)])
    pltpu.sync_copy(xs_hbm.at[pl.ds(base, ROWS_PER_SUB)],
                    xs_sh.at[pl.ds(base, ROWS_PER_SUB)])
    pltpu.sync_copy(xd_hbm.at[pl.ds(base, ROWS_PER_SUB)],
                    xd_sh.at[pl.ds(base, ROWS_PER_SUB)])
    plsc.subcore_barrier()

    def body(ep_v, row_v, col_v, out_v):
        ds = []
        for g in range(NG):
            ds.append(pltpu.async_copy(
                xs_sh.at[row_v.at[0, g]], xs_c.at[pl.ds(g * G, G)], sem_g))
            ds.append(pltpu.async_copy(
                xd_sh.at[col_v.at[0, g]], xd_c.at[pl.ds(g * G, G)], sem_g))
        for d in ds:
            d.wait()

        for t in range(NG):
            tv = jnp.full((16,), t, jnp.int32)

            @pl.loop(0, G)
            def _(ce):
                e = t * G + ce
                cv = jnp.full((16,), ce, jnp.int32)
                idx = [band_i, tv, feat_i, cv]
                v = plsc.load_gather(ep_v, idx)
                v = v + xs_c[e, :] + xd_c[e, :]
                rows_c[e, :] = v
                plsc.store_scatter(out_v, idx, v)

        ds = []
        for g in range(NG):
            ds.append(pltpu.async_copy(
                rows_c.at[pl.ds(g * G, G)], acc_s.at[row_v.at[0, g]],
                sem_s, add=True))
            ds.append(pltpu.async_copy(
                ones_c, acc_c.at[row_v.at[0, g]], sem_s, add=True))
        for d in ds:
            d.wait()

    pltpu.emit_pipeline(
        body,
        grid=(NSTEPS,),
        in_specs=[
            pl.BlockSpec((2, NG, 8, G), lambda i: (0, i, 0, 0)),
            pl.BlockSpec((1, NG, G), lambda i: (i, 0, 0)),
            pl.BlockSpec((1, NG, G), lambda i: (i, 0, 0)),
        ],
        out_specs=[pl.BlockSpec((2, NG, 8, G), lambda i: (0, i, 0, 0))],
        core_axis_name=("core", "subcore"),
        dimension_semantics=(pltpu.PARALLEL,),
    )(ep_hbm, row_hbm, col_hbm, enew_hbm)

    plsc.subcore_barrier()
    pltpu.sync_copy(acc_s.at[pl.ds(base, ROWS_PER_SUB)],
                    sums_hbm.at[c, pl.ds(base, ROWS_PER_SUB)])
    pltpu.sync_copy(acc_c.at[pl.ds(base, ROWS_PER_SUB)],
                    cnts_hbm.at[c, pl.ds(base, ROWS_PER_SUB)])


def _sc_edge(ep4, row3, col3, xs, xd):
    mesh = plsc.VectorSubcoreMesh(
        core_axis_name="core", subcore_axis_name="subcore")
    f = pl.kernel(
        _sc_edge_body,
        out_type=(
            jax.ShapeDtypeStruct((2, N_EDGES // G, 8, G), F32),
            jax.ShapeDtypeStruct((NC, N_PAD, E_OUT), F32),
            jax.ShapeDtypeStruct((NC, N_PAD, E_OUT), F32),
        ),
        mesh=mesh,
        scratch_types=[
            pltpu.VMEM_SHARED((N_PAD, E_OUT), F32),
            pltpu.VMEM_SHARED((N_PAD, E_OUT), F32),
            pltpu.VMEM_SHARED((N_PAD, E_OUT), F32),
            pltpu.VMEM_SHARED((N_PAD, E_OUT), F32),
            pltpu.VMEM((CHUNK, E_OUT), F32),
            pltpu.VMEM((CHUNK, E_OUT), F32),
            pltpu.VMEM((CHUNK, E_OUT), F32),
            pltpu.VMEM((G, E_OUT), F32),
            pltpu.VMEM((ROWS_PER_SUB, E_OUT), F32),
            pltpu.SemaphoreType.DMA,
            pltpu.SemaphoreType.DMA,
        ],
        compiler_params=pltpu.CompilerParams(
            use_tc_tiling_on_sc=False, needs_layout_passes=False),
    )
    return f(ep4, row3, col3, xs, xd)



def kernel(x, edata, edge_index, We, be, Wn, bn):
    row = edge_index[0].astype(jnp.int32)
    col = edge_index[1].astype(jnp.int32)
    row3 = row.reshape(NSTEPS, NG, G)
    col3 = col.reshape(NSTEPS, NG, G)

    WeT = We.T
    weT = WeT[:D_EDGE]
    wsT = WeT[D_EDGE:D_EDGE + D_FEAT]
    wdT = WeT[D_EDGE + D_FEAT:]
    WnT = Wn.T
    wxT = WnT[:D_FEAT]
    wnT = WnT[D_FEAT:]

    xs, xd = _node_proj(x, wsT, wdT)
    we_e = We[:, :D_EDGE]
    epT = _edge_proj(edata.T, we_e, be.reshape(E_OUT, 1))
    ep4 = (epT.reshape(2, 8, N_EDGES // 128, 128)
           .transpose(0, 2, 1, 3))
    enew4, sums_p, cnts_p = _sc_edge(ep4, row3, col3, xs, xd)
    edata_new = (enew4.transpose(0, 2, 1, 3)
                 .reshape(E_OUT, N_EDGES).T)
    x_new = _final_proj(x, sums_p, cnts_p, wxT, wnT,
                        bn.reshape(1, N_OUT))
    return (x_new, edata_new)

# --- scband reference (transcript-rebuilt; emitter-appended) ---
"""Pipeline reference for scband-node-edge-conv-31808527794890 (READ-ONLY COPY).

The authoritative reference and input builder live on the scoring server;
editing this copy changes nothing except your own understanding.
"""

import jax, jax.numpy as jnp
import numpy as np

N_NODES = 10000
N_EDGES = 320000
D_FEAT = 128
D_EDGE = 16
E_OUT = 16
N_OUT = 128


def setup_inputs(seed: int = 0) -> dict:
    key = jax.random.key(seed)
    k1, k2, k3, k4, k5, k6, k7 = jax.random.split(key, 7)
    x = jax.random.normal(k1, (N_NODES, D_FEAT), dtype=jnp.float32)
    edata = jax.random.normal(k2, (N_EDGES, D_EDGE), dtype=jnp.float32)
    edge_index = jax.random.randint(k3, (2, N_EDGES), 0, N_NODES, dtype=jnp.int64)
    # e_lin: Linear(e_in + 2*n_in -> e_out)
    e_in_dim = D_EDGE + 2 * D_FEAT
    We = jax.random.normal(k4, (E_OUT, e_in_dim), dtype=jnp.float32) * (1.0 / np.sqrt(e_in_dim))
    be = jax.random.normal(k5, (E_OUT,), dtype=jnp.float32) * 0.01
    # n_lin: Linear(n_in + e_out -> n_out)
    n_in_dim = D_FEAT + E_OUT
    Wn = jax.random.normal(k6, (N_OUT, n_in_dim), dtype=jnp.float32) * (1.0 / np.sqrt(n_in_dim))
    bn = jax.random.normal(k7, (N_OUT,), dtype=jnp.float32) * 0.01
    return {"x": x, "edata": edata, "edge_index": edge_index, "We": We, "be": be, "Wn": Wn, "bn": bn}


def reference(x, edata, edge_index, We, be, Wn, bn):
    row = edge_index[0]
    col = edge_index[1]
    x_src = jnp.take(x, row, axis=0)
    x_dst = jnp.take(x, col, axis=0)
    e_cat = jnp.concatenate([edata, x_src, x_dst], axis=-1)
    edata_new = e_cat @ We.T + be
    # scatter_mean over src index (row), dim_size = num nodes
    sums = jax.ops.segment_sum(edata_new, row, num_segments=x.shape[0])
    counts = jax.ops.segment_sum(jnp.ones((edata_new.shape[0],), dtype=x.dtype), row, num_segments=x.shape[0])
    ndata = sums / jnp.clip(counts, 1.0, None)[:, None]
    x_cat = jnp.concatenate([x, ndata], axis=-1)
    x_new = x_cat @ Wn.T + bn
    return (x_new, edata_new)

if __name__ == "__main__":
    import jax
    _d = setup_inputs()
    print(jax.jit(kernel)(*tuple(_d.values())))

</pallas_src>

<mosaic_0001>
#map = affine_map<(d0, d1) -> (0, 0, 0, 0)>
#map1 = affine_map<(d0, d1) -> (0, 0, 0)>
#map2 = affine_map<(d0, d1) -> (0, 0)>
module attributes {stable_mosaic.version = 14 : i64} {
  func.func @_sc_edge_body(%arg0: i32, %arg1: i32, %arg2: memref<2x2500x8x128xf32, #tpu.memory_space<hbm>>, %arg3: memref<625x4x128xi32, #tpu.memory_space<hbm>>, %arg4: memref<625x4x128xi32, #tpu.memory_space<hbm>>, %arg5: memref<10240x16xf32, #tpu.memory_space<hbm>>, %arg6: memref<10240x16xf32, #tpu.memory_space<hbm>>, %arg7: memref<2x2500x8x128xf32, #tpu.memory_space<hbm>>, %arg8: memref<2x10240x16xf32, #tpu.memory_space<hbm>>, %arg9: memref<2x10240x16xf32, #tpu.memory_space<hbm>>, %arg10: memref<10240x16xf32, #tpu.memory_space<vmem_shared>>, %arg11: memref<10240x16xf32, #tpu.memory_space<vmem_shared>>, %arg12: memref<10240x16xf32, #tpu.memory_space<vmem_shared>>, %arg13: memref<10240x16xf32, #tpu.memory_space<vmem_shared>>, %arg14: memref<512x16xf32, #tpu.memory_space<vmem>>, %arg15: memref<512x16xf32, #tpu.memory_space<vmem>>, %arg16: memref<512x16xf32, #tpu.memory_space<vmem>>, %arg17: memref<128x16xf32, #tpu.memory_space<vmem>>, %arg18: memref<640x16xf32, #tpu.memory_space<vmem>>, %arg19: memref<!tpu.dma_semaphore, #tpu.memory_space<semaphore_mem>>, %arg20: memref<!tpu.dma_semaphore, #tpu.memory_space<semaphore_mem>>) attributes {dimension_semantics = [#tpu.dimension_semantics<core_parallel>, #tpu.dimension_semantics<subcore_parallel>], iteration_bounds = array<i64: 2, 16>, scalar_prefetch = 0 : i64, scratch_operands = 11 : i64, tpu.core_type = #tpu.core_type<sc_vector_subcore>, window_params = [{transform_indices = #map}, {transform_indices = #map1}, {transform_indices = #map1}, {transform_indices = #map2}, {transform_indices = #map2}, {transform_indices = #map}, {transform_indices = #map1}, {transform_indices = #map1}]} {
    %iota3A = tpu.iota {dimensions = array<i32: 0>} : vector<16xi32>
    %jit3A = arith.constant 8 : i32
    %div3A = vector.broadcast %jit3A : i32 to vector<16xi32>
    %div3A_0 = arith.divsi %iota3A, %div3A : vector<16xi32>
    %sign3A = arith.constant 0 : i32
    %sign3A_1 = vector.broadcast %sign3A : i32 to vector<16xi32>
    %sign3A_2 = arith.cmpi sgt, %iota3A, %sign3A_1 : vector<16xi32>
    %sign3A_3 = arith.extui %sign3A_2 : vector<16xi1> to vector<16xi32>
    %sign3A_4 = arith.constant 0 : i32
    %sign3A_5 = vector.broadcast %sign3A_4 : i32 to vector<16xi32>
    %sign3A_6 = arith.cmpi slt, %iota3A, %sign3A_5 : vector<16xi32>
    %sign3A_7 = arith.extui %sign3A_6 : vector<16xi1> to vector<16xi32>
    %sign3A_8 = arith.subi %sign3A_3, %sign3A_7 : vector<16xi32>
    %sign3A_9 = arith.constant 0 : i32
    %sign3A_10 = arith.cmpi sgt, %jit3A, %sign3A_9 : i32
    %sign3A_11 = arith.extui %sign3A_10 : i1 to i32
    %sign3A_12 = arith.constant 0 : i32
    %sign3A_13 = arith.cmpi slt, %jit3A, %sign3A_12 : i32
    %sign3A_14 = arith.extui %sign3A_13 : i1 to i32
    %sign3A_15 = arith.subi %sign3A_11, %sign3A_14 : i32
    %ne3A = vector.broadcast %sign3A_15 : i32 to vector<16xi32>
    %ne3A_16 = arith.cmpi ne, %sign3A_8, %ne3A : vector<16xi32>
    %rem3A = vector.broadcast %jit3A : i32 to vector<16xi32>
    %rem3A_17 = arith.remsi %iota3A, %rem3A : vector<16xi32>
    %ne3A_18 = arith.constant 0 : i32
    %ne3A_19 = vector.broadcast %ne3A_18 : i32 to vector<16xi32>
    %ne3A_20 = arith.cmpi ne, %rem3A_17, %ne3A_19 : vector<16xi32>
    %and3A = arith.andi %ne3A_16, %ne3A_20 : vector<16xi1>
    %sub3A = arith.constant 1 : i32
    %sub3A_21 = vector.broadcast %sub3A : i32 to vector<16xi32>
    %sub3A_22 = arith.subi %div3A_0, %sub3A_21 : vector<16xi32>
    %select_n3A = arith.select %and3A, %sub3A_22, %div3A_0 : vector<16xi1>, vector<16xi32>
    %jit3A_23 = arith.constant 8 : i32
    %eq3A = arith.constant 0 : i32
    %eq3A_24 = arith.cmpi eq, %jit3A_23, %eq3A : i32
    %jit3A_25 = arith.constant 1 : i32
    %select_n3A_26 = arith.select %eq3A_24, %jit3A_25, %jit3A_23 : i32
    %rem3A_27 = vector.broadcast %select_n3A_26 : i32 to vector<16xi32>
    %rem3A_28 = arith.remsi %iota3A, %rem3A_27 : vector<16xi32>
    %ne3A_29 = arith.constant 0 : i32
    %ne3A_30 = vector.broadcast %ne3A_29 : i32 to vector<16xi32>
    %ne3A_31 = arith.cmpi ne, %rem3A_28, %ne3A_30 : vector<16xi32>
    %lt3A = arith.constant 0 : i32
    %lt3A_32 = vector.broadcast %lt3A : i32 to vector<16xi32>
    %lt3A_33 = arith.cmpi slt, %rem3A_28, %lt3A_32 : vector<16xi32>
    %lt3A_34 = arith.constant 0 : i32
    %lt3A_35 = arith.cmpi slt, %select_n3A_26, %lt3A_34 : i32
    %ne3A_36 = vector.broadcast %lt3A_35 : i1 to vector<16xi1>
    %ne3A_37 = vector.broadcast %ne3A_36 : vector<16xi1> to vector<16xi1>
    %ne3A_38 = arith.xori %lt3A_33, %ne3A_37 : vector<16xi1>
    %and3A_39 = arith.andi %ne3A_38, %ne3A_31 : vector<16xi1>
    %add3A = vector.broadcast %select_n3A_26 : i32 to vector<16xi32>
    %add3A_40 = arith.addi %rem3A_28, %add3A : vector<16xi32>
    %select_n3A_41 = arith.select %and3A_39, %add3A_40, %rem3A_28 : vector<16xi1>, vector<16xi32>
    %scan3A = arith.constant 0 : i32
    %scan3A_42 = arith.constant 640 : i32
    %scan3A_43 = arith.addi %scan3A, %scan3A_42 : i32
    %scan3A_44 = arith.constant 1 : i32
    scf.for %scan3A_75 = %scan3A to %scan3A_43 step %scan3A_44  : i32 {
      %mul3A_76 = arith.constant 1 : i32
      %mul3A_77 = arith.muli %scan3A_75, %mul3A_76 : i32
      %add3A_78 = arith.constant 0 : i32
      %add3A_79 = arith.addi %add3A_78, %mul3A_77 : i32
      %broadcast_in_dim3A = arith.constant 0.000000e+00 : f32
      %broadcast_in_dim3A_80 = vector.broadcast %broadcast_in_dim3A : f32 to vector<16xf32>
      %swap3A = arith.index_cast %add3A_79 : i32 to index
      %swap3A_81 = arith.constant 0 : index
      %swap3A_82 = tpu.vector_load %arg18[%swap3A, %swap3A_81] {strides = array<i32>} : memref<640x16xf32, #tpu.memory_space<vmem>>, vector<16xf32>,
      tpu.vector_store %arg18[%swap3A, %swap3A_81], %broadcast_in_dim3A_80 {strides = array<i32>} : memref<640x16xf32, #tpu.memory_space<vmem>>, vector<16xf32>,
    }
    %scan3A_45 = arith.constant 640 : i32
    %scan3A_46 = arith.constant 0 : i32
    %scan3A_47 = arith.constant 128 : i32
    %scan3A_48 = arith.addi %scan3A_46, %scan3A_47 : i32
    %scan3A_49 = arith.constant 1 : i32
    scf.for %scan3A_75 = %scan3A_46 to %scan3A_48 step %scan3A_49  : i32 {
      %mul3A_76 = arith.constant 1 : i32
      %mul3A_77 = arith.muli %scan3A_75, %mul3A_76 : i32
      %add3A_78 = arith.constant 0 : i32
      %add3A_79 = arith.addi %add3A_78, %mul3A_77 : i32
      %broadcast_in_dim3A = arith.constant 1.000000e+00 : f32
      %broadcast_in_dim3A_80 = vector.broadcast %broadcast_in_dim3A : f32 to vector<16xf32>
      %swap3A = arith.index_cast %add3A_79 : i32 to index
      %swap3A_81 = arith.constant 0 : index
      %swap3A_82 = tpu.vector_load %arg17[%swap3A, %swap3A_81] {strides = array<i32>} : memref<128x16xf32, #tpu.memory_space<vmem>>, vector<16xf32>,
      tpu.vector_store %arg17[%swap3A, %swap3A_81], %broadcast_in_dim3A_80 {strides = array<i32>} : memref<128x16xf32, #tpu.memory_space<vmem>>, vector<16xf32>,
    }
    %scan3A_50 = arith.constant 128 : i32
    %mul3A = arith.constant 640 : i32
    %mul3A_51 = arith.muli %arg1, %mul3A : i32
    "tpu.region"() ({
      %run_scoped3A = tpu.sem_alloc : memref<!tpu.dma_semaphore, #tpu.memory_space<semaphore_mem>>
      %dma_start3A = arith.constant 0 : i32
      %dma_start3A_75 = tpu.memref_slice %arg10[%mul3A_51, %dma_start3A] : memref<10240x16xf32, #tpu.memory_space<vmem_shared>> -> memref<640x16xf32, #tpu.memory_space<vmem_shared>>
      %dma_start3A_76 = arith.constant 0 : i32
      %dma_start3A_77 = tpu.memref_slice %arg10[%mul3A_51, %dma_start3A_76] : memref<10240x16xf32, #tpu.memory_space<vmem_shared>> -> memref<640x16xf32, #tpu.memory_space<vmem_shared>>
      tpu.enqueue_dma source(%arg18 : memref<640x16xf32, #tpu.memory_space<vmem>>) target(%dma_start3A_77 : memref<640x16xf32, #tpu.memory_space<vmem_shared>>) target_semaphore(%run_scoped3A : memref<!tpu.dma_semaphore, #tpu.memory_space<semaphore_mem>>)
      %dma_wait3A = arith.constant 0 : i32
      %dma_wait3A_78 = tpu.memref_slice %arg10[%mul3A_51, %dma_wait3A] : memref<10240x16xf32, #tpu.memory_space<vmem_shared>> -> memref<640x16xf32, #tpu.memory_space<vmem_shared>>
      %dma_wait3A_79 = arith.constant 0 : i32
      %dma_wait3A_80 = tpu.memref_slice %arg10[%mul3A_51, %dma_wait3A_79] : memref<10240x16xf32, #tpu.memory_space<vmem_shared>> -> memref<640x16xf32, #tpu.memory_space<vmem_shared>>
      tpu.wait_dma2 semaphore(%run_scoped3A : memref<!tpu.dma_semaphore, #tpu.memory_space<semaphore_mem>>) src(%arg18 : memref<640x16xf32, #tpu.memory_space<vmem>>) dst(%dma_wait3A_80 : memref<640x16xf32, #tpu.memory_space<vmem_shared>>)
      tpu.yield
    }) : () -> ()
    "tpu.region"() ({
      %run_scoped3A = tpu.sem_alloc : memref<!tpu.dma_semaphore, #tpu.memory_space<semaphore_mem>>
      %dma_start3A = arith.constant 0 : i32
      %dma_start3A_75 = tpu.memref_slice %arg11[%mul3A_51, %dma_start3A] : memref<10240x16xf32, #tpu.memory_space<vmem_shared>> -> memref<640x16xf32, #tpu.memory_space<vmem_shared>>
      %dma_start3A_76 = arith.constant 0 : i32
      %dma_start3A_77 = tpu.memref_slice %arg11[%mul3A_51, %dma_start3A_76] : memref<10240x16xf32, #tpu.memory_space<vmem_shared>> -> memref<640x16xf32, #tpu.memory_space<vmem_shared>>
      tpu.enqueue_dma source(%arg18 : memref<640x16xf32, #tpu.memory_space<vmem>>) target(%dma_start3A_77 : memref<640x16xf32, #tpu.memory_space<vmem_shared>>) target_semaphore(%run_scoped3A : memref<!tpu.dma_semaphore, #tpu.memory_space<semaphore_mem>>)
      %dma_wait3A = arith.constant 0 : i32
      %dma_wait3A_78 = tpu.memref_slice %arg11[%mul3A_51, %dma_wait3A] : memref<10240x16xf32, #tpu.memory_space<vmem_shared>> -> memref<640x16xf32, #tpu.memory_space<vmem_shared>>
      %dma_wait3A_79 = arith.constant 0 : i32
      %dma_wait3A_80 = tpu.memref_slice %arg11[%mul3A_51, %dma_wait3A_79] : memref<10240x16xf32, #tpu.memory_space<vmem_shared>> -> memref<640x16xf32, #tpu.memory_space<vmem_shared>>
      tpu.wait_dma2 semaphore(%run_scoped3A : memref<!tpu.dma_semaphore, #tpu.memory_space<semaphore_mem>>) src(%arg18 : memref<640x16xf32, #tpu.memory_space<vmem>>) dst(%dma_wait3A_80 : memref<640x16xf32, #tpu.memory_space<vmem_shared>>)
      tpu.yield
    }) : () -> ()
    "tpu.region"() ({
      %run_scoped3A = tpu.sem_alloc : memref<!tpu.dma_semaphore, #tpu.memory_space<semaphore_mem>>
      %dma_start3A = arith.constant 0 : i32
      %dma_start3A_75 = tpu.memref_slice %arg12[%mul3A_51, %dma_start3A] : memref<10240x16xf32, #tpu.memory_space<vmem_shared>> -> memref<640x16xf32, #tpu.memory_space<vmem_shared>>
      %dma_start3A_76 = arith.constant 0 : i32
      %dma_start3A_77 = tpu.memref_slice %arg5[%mul3A_51, %dma_start3A_76] : memref<10240x16xf32, #tpu.memory_space<hbm>> -> memref<640x16xf32, #tpu.memory_space<hbm>>
      tpu.enqueue_dma source(%dma_start3A_77 : memref<640x16xf32, #tpu.memory_space<hbm>>) target(%dma_start3A_75 : memref<640x16xf32, #tpu.memory_space<vmem_shared>>) target_semaphore(%run_scoped3A : memref<!tpu.dma_semaphore, #tpu.memory_space<semaphore_mem>>)
      %dma_wait3A = arith.constant 0 : i32
      %dma_wait3A_78 = tpu.memref_slice %arg12[%mul3A_51, %dma_wait3A] : memref<10240x16xf32, #tpu.memory_space<vmem_shared>> -> memref<640x16xf32, #tpu.memory_space<vmem_shared>>
      %dma_wait3A_79 = arith.constant 0 : i32
      %dma_wait3A_80 = tpu.memref_slice %arg5[%mul3A_51, %dma_wait3A_79] : memref<10240x16xf32, #tpu.memory_space<hbm>> -> memref<640x16xf32, #tpu.memory_space<hbm>>
      tpu.wait_dma2 semaphore(%run_scoped3A : memref<!tpu.dma_semaphore, #tpu.memory_space<semaphore_mem>>) src(%dma_wait3A_80 : memref<640x16xf32, #tpu.memory_space<hbm>>) dst(%dma_wait3A_78 : memref<640x16xf32, #tpu.memory_space<vmem_shared>>)
      tpu.yield
    }) : () -> ()
    "tpu.region"() ({
      %run_scoped3A = tpu.sem_alloc : memref<!tpu.dma_semaphore, #tpu.memory_space<semaphore_mem>>
      %dma_start3A = arith.constant 0 : i32
      %dma_start3A_75 = tpu.memref_slice %arg13[%mul3A_51, %dma_start3A] : memref<10240x16xf32, #tpu.memory_space<vmem_shared>> -> memref<640x16xf32, #tpu.memory_space<vmem_shared>>
      %dma_start3A_76 = arith.constant 0 : i32
      %dma_start3A_77 = tpu.memref_slice %arg6[%mul3A_51, %dma_start3A_76] : memref<10240x16xf32, #tpu.memory_space<hbm>> -> memref<640x16xf32, #tpu.memory_space<hbm>>
      tpu.enqueue_dma source(%dma_start3A_77 : memref<640x16xf32, #tpu.memory_space<hbm>>) target(%dma_start3A_75 : memref<640x16xf32, #tpu.memory_space<vmem_shared>>) target_semaphore(%run_scoped3A : memref<!tpu.dma_semaphore, #tpu.memory_space<semaphore_mem>>)
      %dma_wait3A = arith.constant 0 : i32
      %dma_wait3A_78 = tpu.memref_slice %arg13[%mul3A_51, %dma_wait3A] : memref<10240x16xf32, #tpu.memory_space<vmem_shared>> -> memref<640x16xf32, #tpu.memory_space<vmem_shared>>
      %dma_wait3A_79 = arith.constant 0 : i32
      %dma_wait3A_80 = tpu.memref_slice %arg6[%mul3A_51, %dma_wait3A_79] : memref<10240x16xf32, #tpu.memory_space<hbm>> -> memref<640x16xf32, #tpu.memory_space<hbm>>
      tpu.wait_dma2 semaphore(%run_scoped3A : memref<!tpu.dma_semaphore, #tpu.memory_space<semaphore_mem>>) src(%dma_wait3A_80 : memref<640x16xf32, #tpu.memory_space<hbm>>) dst(%dma_wait3A_78 : memref<640x16xf32, #tpu.memory_space<vmem_shared>>)
      tpu.yield
    }) : () -> ()
    %barrier3A = arith.constant 0 : index
    tpu.barrier barrier_id(%barrier3A)
    %mul3A_52 = arith.constant 1 : i32
    %mul3A_53 = arith.muli %arg1, %mul3A_52 : i32
    %add3A_54 = arith.constant 0 : i32
    %add3A_55 = arith.addi %add3A_54, %mul3A_53 : i32
    %mul3A_56 = arith.constant 16 : i32
    %mul3A_57 = arith.muli %arg0, %mul3A_56 : i32
    %add3A_58 = arith.addi %add3A_55, %mul3A_57 : i32
    %lt3A_59 = arith.constant 17 : i32
    %lt3A_60 = arith.cmpi slt, %add3A_58, %lt3A_59 : i32
    %jit3A_61 = arith.constant 20 : i32
    %jit3A_62 = arith.constant 19 : i32
    %select_n3A_63 = arith.select %lt3A_60, %jit3A_61, %jit3A_62 : i32
    %lt3A_64 = arith.constant 17 : i32
    %lt3A_65 = arith.cmpi slt, %add3A_58, %lt3A_64 : i32
    %mul3A_66 = arith.muli %add3A_58, %select_n3A_63 : i32
    %mul3A_67 = arith.constant 19 : i32
    %mul3A_68 = arith.muli %add3A_58, %mul3A_67 : i32
    %add3A_69 = arith.constant 17 : i32
    %add3A_70 = arith.addi %mul3A_68, %add3A_69 : i32
    %select_n3A_71 = arith.select %lt3A_65, %mul3A_66, %add3A_70 : i32
    %mul3A_72 = arith.constant 1 : i32
    %mul3A_73 = arith.muli %mul3A_72, %select_n3A_63 : i32
    "tpu.region"() ({
      %run_scoped3A = memref.alloca() : memref<2x2x4x8x128xf32, #tpu.memory_space<vmem>>
      %run_scoped3A_75 = tpu.sem_alloc : memref<2x!tpu.dma_semaphore, #tpu.memory_space<semaphore_mem>>
      %run_scoped3A_76 = memref.alloca() : memref<2x1x4x128xi32, #tpu.memory_space<vmem>>
      %run_scoped3A_77 = tpu.sem_alloc : memref<2x!tpu.dma_semaphore, #tpu.memory_space<semaphore_mem>>
      %run_scoped3A_78 = memref.alloca() : memref<2x1x4x128xi32, #tpu.memory_space<vmem>>
      %run_scoped3A_79 = tpu.sem_alloc : memref<2x!tpu.dma_semaphore, #tpu.memory_space<semaphore_mem>>
      %run_scoped3A_80 = memref.alloca() : memref<2x2x4x8x128xf32, #tpu.memory_space<vmem>>
      %run_scoped3A_81 = tpu.sem_alloc : memref<2x!tpu.dma_semaphore, #tpu.memory_space<semaphore_mem>>
      %gt3A = arith.constant 0 : i32
      %gt3A_82 = arith.cmpi sgt, %mul3A_73, %gt3A : i32
      %convert_element_type3A = arith.extui %gt3A_82 : i1 to i32
      %cond3A = arith.constant 0 : i32
      %cond3A_83 = arith.cmpi ne, %convert_element_type3A, %cond3A : i32
      scf.if %cond3A_83 {
        %mul3A_84 = arith.constant 1 : i32
        %mul3A_85 = arith.muli %mul3A_84, %select_n3A_63 : i32
        %sub3A_86 = arith.constant 1 : i32
        %sub3A_87 = arith.subi %mul3A_85, %sub3A_86 : i32
        %eq3A_88 = arith.constant 0 : i32
        %eq3A_89 = arith.cmpi eq, %sub3A_87, %eq3A_88 : i32
        %add3A_90 = arith.constant 0 : i32
        %add3A_91 = arith.addi %add3A_90, %select_n3A_71 : i32
        %select_n3A_92 = arith.constant true
        %select_n3A_93 = arith.constant 0 : i32
        %select_n3A_94 = arith.constant -1 : i32
        %select_n3A_95 = arith.select %select_n3A_92, %select_n3A_94, %select_n3A_93 : i32
        %eq3A_96 = arith.constant -1 : i32
        %eq3A_97 = arith.cmpi eq, %select_n3A_95, %eq3A_96 : i32
        %sub3A_98 = arith.constant 1 : i32
        %sub3A_99 = arith.subi %select_n3A_63, %sub3A_98 : i32
        %select_n3A_100 = arith.select %eq3A_97, %sub3A_99, %select_n3A_95 : i32
        %add3A_101 = arith.addi %select_n3A_100, %select_n3A_71 : i32
        %select_n3A_102 = arith.constant true
        %select_n3A_103 = arith.constant 0 : i32
        %select_n3A_104 = arith.constant 1 : i32
        %select_n3A_105 = arith.select %select_n3A_102, %select_n3A_104, %select_n3A_103 : i32
        %eq3A_106 = arith.cmpi eq, %select_n3A_105, %select_n3A_63 : i32
        %select_n3A_107 = arith.constant 0 : i32
        %select_n3A_108 = arith.select %eq3A_106, %select_n3A_107, %select_n3A_105 : i32
        %add3A_109 = arith.addi %select_n3A_108, %select_n3A_71 : i32
        %add3A_110 = arith.constant 1 : i32
        %add3A_111 = arith.addi %select_n3A_108, %add3A_110 : i32
        %select_n3A_112 = arith.constant true
        %select_n3A_113 = arith.select %select_n3A_112, %add3A_111, %select_n3A_108 : i32
        %eq3A_114 = arith.cmpi eq, %select_n3A_113, %select_n3A_63 : i32
        %select_n3A_115 = arith.constant 0 : i32
        %select_n3A_116 = arith.select %eq3A_114, %select_n3A_115, %select_n3A_113 : i32
        %add3A_117 = arith.addi %select_n3A_116, %select_n3A_71 : i32
        "tpu.trace_start"() <{level = 10 : i32, message = "ep_initialize_0"}> : () -> ()
        %rem3A_118 = arith.constant 0 : i32
        %rem3A_119 = arith.constant 2 : i32
        %rem3A_120 = arith.remui %rem3A_118, %rem3A_119 : i32
        %mul3A_121 = arith.constant 4 : i32
        %mul3A_122 = arith.muli %mul3A_121, %add3A_91 : i32
        %dma_start3A = arith.constant 0 : i32
        %dma_start3A_123 = arith.constant 0 : i32
        %dma_start3A_124 = arith.constant 0 : i32
        %dma_start3A_125 = arith.constant 0 : i32
        %dma_start3A_126 = tpu.memref_slice %run_scoped3A[%rem3A_120, %dma_start3A, %dma_start3A_123, %dma_start3A_124, %dma_start3A_125] : memref<2x2x4x8x128xf32, #tpu.memory_space<vmem>> -> memref<1x2x4x8x128xf32, #tpu.memory_space<vmem>>
        %dma_start3A_127 = tpu.memref_squeeze %dma_start3A_126 : memref<1x2x4x8x128xf32, #tpu.memory_space<vmem>> -> memref<2x4x8x128xf32, #tpu.memory_space<vmem>>
        %dma_start3A_128 = arith.constant 0 : i32
        %dma_start3A_129 = arith.constant 0 : i32
        %dma_start3A_130 = arith.constant 0 : i32
        %dma_start3A_131 = tpu.memref_slice %arg2[%dma_start3A_128, %mul3A_122, %dma_start3A_129, %dma_start3A_130] : memref<2x2500x8x128xf32, #tpu.memory_space<hbm>> -> memref<2x4x8x128xf32, #tpu.memory_space<hbm>>
        %dma_start3A_132 = tpu.memref_slice %run_scoped3A_75[%rem3A_120] : memref<2x!tpu.dma_semaphore, #tpu.memory_space<semaphore_mem>> -> memref<1x!tpu.dma_semaphore, #tpu.memory_space<semaphore_mem>>
        %dma_start3A_133 = tpu.memref_squeeze %dma_start3A_132 : memref<1x!tpu.dma_semaphore, #tpu.memory_space<semaphore_mem>> -> memref<!tpu.dma_semaphore, #tpu.memory_space<semaphore_mem>>
        %dma_start3A_134 = arith.constant 0 : i32
        %dma_start3A_135 = arith.constant 0 : i32
        %dma_start3A_136 = arith.constant 0 : i32
        %dma_start3A_137 = arith.constant 0 : i32
        %dma_start3A_138 = tpu.memref_slice %run_scoped3A[%rem3A_120, %dma_start3A_134, %dma_start3A_135, %dma_start3A_136, %dma_start3A_137] : memref<2x2x4x8x128xf32, #tpu.memory_space<vmem>> -> memref<1x2x4x8x128xf32, #tpu.memory_space<vmem>>
        %dma_start3A_139 = tpu.memref_squeeze %dma_start3A_138 : memref<1x2x4x8x128xf32, #tpu.memory_space<vmem>> -> memref<2x4x8x128xf32, #tpu.memory_space<vmem>>
        %dma_start3A_140 = arith.constant 0 : i32
        %dma_start3A_141 = arith.constant 0 : i32
        %dma_start3A_142 = arith.constant 0 : i32
        %dma_start3A_143 = tpu.memref_slice %arg2[%dma_start3A_140, %mul3A_122, %dma_start3A_141, %dma_start3A_142] : memref<2x2500x8x128xf32, #tpu.memory_space<hbm>> -> memref<2x4x8x128xf32, #tpu.memory_space<hbm>>
        tpu.enqueue_dma source(%dma_start3A_143 : memref<2x4x8x128xf32, #tpu.memory_space<hbm>>) target(%dma_start3A_139 : memref<2x4x8x128xf32, #tpu.memory_space<vmem>>) target_semaphore(%dma_start3A_133 : memref<!tpu.dma_semaphore, #tpu.memory_space<semaphore_mem>>)
        %add3A_144 = arith.constant 0 : i32
        %add3A_145 = arith.constant 1 : i32
        %add3A_146 = arith.addi %add3A_144, %add3A_145 : i32
        %select_n3A_147 = arith.constant true
        %select_n3A_148 = arith.constant 0 : i32
        %select_n3A_149 = arith.select %select_n3A_147, %add3A_146, %select_n3A_148 : i32
        %rem3A_150 = arith.constant 0 : i32
        %rem3A_151 = arith.constant 2 : i32
        %rem3A_152 = arith.remui %rem3A_150, %rem3A_151 : i32
        %mul3A_153 = arith.constant 1 : i32
        %mul3A_154 = arith.muli %mul3A_153, %add3A_91 : i32
        %dma_start3A_155 = arith.constant 0 : i32
        %dma_start3A_156 = arith.constant 0 : i32
        %dma_start3A_157 = arith.constant 0 : i32
        %dma_start3A_158 = tpu.memref_slice %run_scoped3A_76[%rem3A_152, %dma_start3A_155, %dma_start3A_156, %dma_start3A_157] : memref<2x1x4x128xi32, #tpu.memory_space<vmem>> -> memref<1x1x4x128xi32, #tpu.memory_space<vmem>>
        %dma_start3A_159 = tpu.memref_squeeze %dma_start3A_158 : memref<1x1x4x128xi32, #tpu.memory_space<vmem>> -> memref<1x4x128xi32, #tpu.memory_space<vmem>>
        %dma_start3A_160 = arith.constant 0 : i32
        %dma_start3A_161 = arith.constant 0 : i32
        %dma_start3A_162 = tpu.memref_slice %arg3[%mul3A_154, %dma_start3A_160, %dma_start3A_161] : memref<625x4x128xi32, #tpu.memory_space<hbm>> -> memref<1x4x128xi32, #tpu.memory_space<hbm>>
        %dma_start3A_163 = tpu.memref_slice %run_scoped3A_77[%rem3A_152] : memref<2x!tpu.dma_semaphore, #tpu.memory_space<semaphore_mem>> -> memref<1x!tpu.dma_semaphore, #tpu.memory_space<semaphore_mem>>
        %dma_start3A_164 = tpu.memref_squeeze %dma_start3A_163 : memref<1x!tpu.dma_semaphore, #tpu.memory_space<semaphore_mem>> -> memref<!tpu.dma_semaphore, #tpu.memory_space<semaphore_mem>>
        %dma_start3A_165 = arith.constant 0 : i32
        %dma_start3A_166 = arith.constant 0 : i32
        %dma_start3A_167 = arith.constant 0 : i32
        %dma_start3A_168 = tpu.memref_slice %run_scoped3A_76[%rem3A_152, %dma_start3A_165, %dma_start3A_166, %dma_start3A_167] : memref<2x1x4x128xi32, #tpu.memory_space<vmem>> -> memref<1x1x4x128xi32, #tpu.memory_space<vmem>>
        %dma_start3A_169 = tpu.memref_squeeze %dma_start3A_168 : memref<1x1x4x128xi32, #tpu.memory_space<vmem>> -> memref<1x4x128xi32, #tpu.memory_space<vmem>>
        %dma_start3A_170 = arith.constant 0 : i32
        %dma_start3A_171 = arith.constant 0 : i32
        %dma_start3A_172 = tpu.memref_slice %arg3[%mul3A_154, %dma_start3A_170, %dma_start3A_171] : memref<625x4x128xi32, #tpu.memory_space<hbm>> -> memref<1x4x128xi32, #tpu.memory_space<hbm>>
        tpu.enqueue_dma source(%dma_start3A_172 : memref<1x4x128xi32, #tpu.memory_space<hbm>>) target(%dma_start3A_169 : memref<1x4x128xi32, #tpu.memory_space<vmem>>) target_semaphore(%dma_start3A_164 : memref<!tpu.dma_semaphore, #tpu.memory_space<semaphore_mem>>)
        %add3A_173 = arith.constant 0 : i32
        %add3A_174 = arith.constant 1 : i32
        %add3A_175 = arith.addi %add3A_173, %add3A_174 : i32
        %select_n3A_176 = arith.constant true
        %select_n3A_177 = arith.constant 0 : i32
        %select_n3A_178 = arith.select %select_n3A_176, %add3A_175, %select_n3A_177 : i32
        %rem3A_179 = arith.constant 0 : i32
        %rem3A_180 = arith.constant 2 : i32
        %rem3A_181 = arith.remui %rem3A_179, %rem3A_180 : i32
        %mul3A_182 = arith.constant 1 : i32
        %mul3A_183 = arith.muli %mul3A_182, %add3A_91 : i32
        %dma_start3A_184 = arith.constant 0 : i32
        %dma_start3A_185 = arith.constant 0 : i32
        %dma_start3A_186 = arith.constant 0 : i32
        %dma_start3A_187 = tpu.memref_slice %run_scoped3A_78[%rem3A_181, %dma_start3A_184, %dma_start3A_185, %dma_start3A_186] : memref<2x1x4x128xi32, #tpu.memory_space<vmem>> -> memref<1x1x4x128xi32, #tpu.memory_space<vmem>>
        %dma_start3A_188 = tpu.memref_squeeze %dma_start3A_187 : memref<1x1x4x128xi32, #tpu.memory_space<vmem>> -> memref<1x4x128xi32, #tpu.memory_space<vmem>>
        %dma_start3A_189 = arith.constant 0 : i32
        %dma_start3A_190 = arith.constant 0 : i32
        %dma_start3A_191 = tpu.memref_slice %arg4[%mul3A_183, %dma_start3A_189, %dma_start3A_190] : memref<625x4x128xi32, #tpu.memory_space<hbm>> -> memref<1x4x128xi32, #tpu.memory_space<hbm>>
        %dma_start3A_192 = tpu.memref_slice %run_scoped3A_79[%rem3A_181] : memref<2x!tpu.dma_semaphore, #tpu.memory_space<semaphore_mem>> -> memref<1x!tpu.dma_semaphore, #tpu.memory_space<semaphore_mem>>
        %dma_start3A_193 = tpu.memref_squeeze %dma_start3A_192 : memref<1x!tpu.dma_semaphore, #tpu.memory_space<semaphore_mem>> -> memref<!tpu.dma_semaphore, #tpu.memory_space<semaphore_mem>>
        %dma_start3A_194 = arith.constant 0 : i32
        %dma_start3A_195 = arith.constant 0 : i32
        %dma_start3A_196 = arith.constant 0 : i32
        %dma_start3A_197 = tpu.memref_slice %run_scoped3A_78[%rem3A_181, %dma_start3A_194, %dma_start3A_195, %dma_start3A_196] : memref<2x1x4x128xi32, #tpu.memory_space<vmem>> -> memref<1x1x4x128xi32, #tpu.memory_space<vmem>>
        %dma_start3A_198 = tpu.memref_squeeze %dma_start3A_197 : memref<1x1x4x128xi32, #tpu.memory_space<vmem>> -> memref<1x4x128xi32, #tpu.memory_space<vmem>>
        %dma_start3A_199 = arith.constant 0 : i32
        %dma_start3A_200 = arith.constant 0 : i32
        %dma_start3A_201 = tpu.memref_slice %arg4[%mul3A_183, %dma_start3A_199, %dma_start3A_200] : memref<625x4x128xi32, #tpu.memory_space<hbm>> -> memref<1x4x128xi32, #tpu.memory_space<hbm>>
        tpu.enqueue_dma source(%dma_start3A_201 : memref<1x4x128xi32, #tpu.memory_space<hbm>>) target(%dma_start3A_198 : memref<1x4x128xi32, #tpu.memory_space<vmem>>) target_semaphore(%dma_start3A_193 : memref<!tpu.dma_semaphore, #tpu.memory_space<semaphore_mem>>)
        %add3A_202 = arith.constant 0 : i32
        %add3A_203 = arith.constant 1 : i32
        %add3A_204 = arith.addi %add3A_202, %add3A_203 : i32
        %select_n3A_205 = arith.constant true
        %select_n3A_206 = arith.constant 0 : i32
        %select_n3A_207 = arith.select %select_n3A_205, %add3A_204, %select_n3A_206 : i32
        %while3A = arith.constant 0 : i32
        %while3A_208 = arith.constant 0 : i32
        %while3A_209 = arith.constant 0 : i32
        %while3A_210 = arith.constant 0 : i32
        %while3A_211 = arith.constant 0 : i32
        %while3A_212 = arith.constant 0 : i32
        %while3A_213 = arith.constant 0 : i32
        "tpu.trace_stop"() : () -> ()
        %while3A_214 = arith.subi %mul3A_73, %while3A : i32
        %while3A_215 = arith.addi %while3A, %while3A_214 : i32
        %while3A_216 = arith.constant 1 : i32
        %while3A_217 = arith.divsi %while3A_214, %while3A_216 : i32
        %while3A_218 = arith.muli %while3A_217, %while3A_216 : i32
        %while3A_219 = arith.addi %while3A, %while3A_218 : i32
        %while3A_220 = arith.constant 1 : i32
        %while3A_221:9 = scf.for %while3A_281 = %while3A to %while3A_219 step %while3A_220 iter_args(%while3A_282 = %select_n3A_149, %while3A_283 = %while3A_208, %while3A_284 = %select_n3A_178, %while3A_285 = %while3A_209, %while3A_286 = %select_n3A_207, %while3A_287 = %while3A_210, %while3A_288 = %while3A_211, %while3A_289 = %while3A_212, %while3A_290 = %while3A_213) -> (i32, i32, i32, i32, i32, i32, i32, i32, i32)  : i32 {
          %mul3A_291 = arith.constant 1 : i32
          %mul3A_292 = arith.muli %mul3A_291, %select_n3A_63 : i32
          %eq3A_293 = arith.constant 0 : i32
          %eq3A_294 = arith.cmpi eq, %while3A_281, %eq3A_293 : i32
          %sub3A_295 = arith.constant 1 : i32
          %sub3A_296 = arith.subi %mul3A_292, %sub3A_295 : i32
          %eq3A_297 = arith.cmpi eq, %while3A_281, %sub3A_296 : i32
          %add3A_298 = arith.addi %while3A_290, %select_n3A_71 : i32
          %sub3A_299 = arith.constant 1 : i32
          %sub3A_300 = arith.subi %while3A_290, %sub3A_299 : i32
          %select_n3A_301 = arith.constant true
          %select_n3A_302 = arith.select %select_n3A_301, %sub3A_300, %while3A_290 : i32
          %eq3A_303 = arith.constant -1 : i32
          %eq3A_304 = arith.cmpi eq, %select_n3A_302, %eq3A_303 : i32
          %sub3A_305 = arith.constant 1 : i32
          %sub3A_306 = arith.subi %select_n3A_63, %sub3A_305 : i32
          %select_n3A_307 = arith.select %eq3A_304, %sub3A_306, %select_n3A_302 : i32
          %add3A_308 = arith.addi %select_n3A_307, %select_n3A_71 : i32
          %add3A_309 = arith.constant 1 : i32
          %add3A_310 = arith.addi %while3A_290, %add3A_309 : i32
          %select_n3A_311 = arith.constant true
          %select_n3A_312 = arith.select %select_n3A_311, %add3A_310, %while3A_290 : i32
          %eq3A_313 = arith.cmpi eq, %select_n3A_312, %select_n3A_63 : i32
          %select_n3A_314 = arith.constant 0 : i32
          %select_n3A_315 = arith.select %eq3A_313, %select_n3A_314, %select_n3A_312 : i32
          %add3A_316 = arith.addi %select_n3A_315, %select_n3A_71 : i32
          %add3A_317 = arith.constant 1 : i32
          %add3A_318 = arith.addi %select_n3A_315, %add3A_317 : i32
          %select_n3A_319 = arith.constant true
          %select_n3A_320 = arith.select %select_n3A_319, %add3A_318, %select_n3A_315 : i32
          %eq3A_321 = arith.cmpi eq, %select_n3A_320, %select_n3A_63 : i32
          %select_n3A_322 = arith.constant 0 : i32
          %select_n3A_323 = arith.select %eq3A_321, %select_n3A_322, %select_n3A_320 : i32
          %add3A_324 = arith.addi %select_n3A_323, %select_n3A_71 : i32
          %ne3A_325 = arith.cmpi ne, %add3A_298, %add3A_316 : i32
          %or3A = arith.constant false
          %or3A_326 = arith.ori %or3A, %ne3A_325 : i1
          %or3A_327 = arith.constant false
          %or3A_328 = arith.ori %or3A_326, %or3A_327 : i1
          %or3A_329 = arith.constant false
          %or3A_330 = arith.ori %or3A_328, %or3A_329 : i1
          %sub3A_331 = arith.constant 2 : i32
          %sub3A_332 = arith.subi %mul3A_292, %sub3A_331 : i32
          %add3A_333 = arith.constant 1 : i32
          %add3A_334 = arith.addi %sub3A_332, %add3A_333 : i32
          %ge3A = arith.cmpi sge, %while3A_281, %add3A_334 : i32
          %not3A = arith.constant true
          %not3A_335 = arith.xori %ge3A, %not3A : i1
          %and3A_336 = arith.andi %or3A_330, %not3A_335 : i1
          %convert_element_type3A_337 = arith.extui %and3A_336 : i1 to i32
          %cond3A_338 = arith.constant 0 : i32
          %cond3A_339 = arith.cmpi ne, %convert_element_type3A_337, %cond3A_338 : i32
          scf.if %cond3A_339 {
            "tpu.trace_start"() <{level = 10 : i32, message = "ep_copy_in"}> : () -> ()
            %rem3A_1130 = arith.constant 2 : i32
            %rem3A_1131 = arith.remui %while3A_282, %rem3A_1130 : i32
            %mul3A_1132 = arith.constant 4 : i32
            %mul3A_1133 = arith.muli %mul3A_1132, %add3A_316 : i32
            %dma_start3A_1134 = arith.constant 0 : i32
            %dma_start3A_1135 = arith.constant 0 : i32
            %dma_start3A_1136 = arith.constant 0 : i32
            %dma_start3A_1137 = arith.constant 0 : i32
            %dma_start3A_1138 = tpu.memref_slice %run_scoped3A[%rem3A_1131, %dma_start3A_1134, %dma_start3A_1135, %dma_start3A_1136, %dma_start3A_1137] : memref<2x2x4x8x128xf32, #tpu.memory_space<vmem>> -> memref<1x2x4x8x128xf32, #tpu.memory_space<vmem>>
            %dma_start3A_1139 = tpu.memref_squeeze %dma_start3A_1138 : memref<1x2x4x8x128xf32, #tpu.memory_space<vmem>> -> memref<2x4x8x128xf32, #tpu.memory_space<vmem>>
            %dma_start3A_1140 = arith.constant 0 : i32
            %dma_start3A_1141 = arith.constant 0 : i32
            %dma_start3A_1142 = arith.constant 0 : i32
            %dma_start3A_1143 = tpu.memref_slice %arg2[%dma_start3A_1140, %mul3A_1133, %dma_start3A_1141, %dma_start3A_1142] : memref<2x2500x8x128xf32, #tpu.memory_space<hbm>> -> memref<2x4x8x128xf32, #tpu.memory_space<hbm>>
            %dma_start3A_1144 = tpu.memref_slice %run_scoped3A_75[%rem3A_1131] : memref<2x!tpu.dma_semaphore, #tpu.memory_space<semaphore_mem>> -> memref<1x!tpu.dma_semaphore, #tpu.memory_space<semaphore_mem>>
            %dma_start3A_1145 = tpu.memref_squeeze %dma_start3A_1144 : memref<1x!tpu.dma_semaphore, #tpu.memory_space<semaphore_mem>> -> memref<!tpu.dma_semaphore, #tpu.memory_space<semaphore_mem>>
            %dma_start3A_1146 = arith.constant 0 : i32
            %dma_start3A_1147 = arith.constant 0 : i32
            %dma_start3A_1148 = arith.constant 0 : i32
            %dma_start3A_1149 = arith.constant 0 : i32
            %dma_start3A_1150 = tpu.memref_slice %run_scoped3A[%rem3A_1131, %dma_start3A_1146, %dma_start3A_1147, %dma_start3A_1148, %dma_start3A_1149] : memref<2x2x4x8x128xf32, #tpu.memory_space<vmem>> -> memref<1x2x4x8x128xf32, #tpu.memory_space<vmem>>
            %dma_start3A_1151 = tpu.memref_squeeze %dma_start3A_1150 : memref<1x2x4x8x128xf32, #tpu.memory_space<vmem>> -> memref<2x4x8x128xf32, #tpu.memory_space<vmem>>
            %dma_start3A_1152 = arith.constant 0 : i32
            %dma_start3A_1153 = arith.constant 0 : i32
            %dma_start3A_1154 = arith.constant 0 : i32
            %dma_start3A_1155 = tpu.memref_slice %arg2[%dma_start3A_1152, %mul3A_1133, %dma_start3A_1153, %dma_start3A_1154] : memref<2x2500x8x128xf32, #tpu.memory_space<hbm>> -> memref<2x4x8x128xf32, #tpu.memory_space<hbm>>
            tpu.enqueue_dma source(%dma_start3A_1155 : memref<2x4x8x128xf32, #tpu.memory_space<hbm>>) target(%dma_start3A_1151 : memref<2x4x8x128xf32, #tpu.memory_space<vmem>>) target_semaphore(%dma_start3A_1145 : memref<!tpu.dma_semaphore, #tpu.memory_space<semaphore_mem>>)
            "tpu.trace_stop"() : () -> ()
          } else {
          }
          %and3A_340 = arith.constant true
          %and3A_341 = arith.andi %and3A_336, %and3A_340 : i1
          %add3A_342 = arith.constant 1 : i32
          %add3A_343 = arith.addi %while3A_282, %add3A_342 : i32
          %select_n3A_344 = arith.select %and3A_341, %add3A_343, %while3A_282 : i32
          %ne3A_345 = arith.cmpi ne, %add3A_298, %add3A_316 : i32
          %or3A_346 = arith.constant false
          %or3A_347 = arith.ori %or3A_346, %ne3A_345 : i1
          %or3A_348 = arith.constant false
          %or3A_349 = arith.ori %or3A_347, %or3A_348 : i1
          %or3A_350 = arith.constant false
          %or3A_351 = arith.ori %or3A_349, %or3A_350 : i1
          %sub3A_352 = arith.constant 2 : i32
          %sub3A_353 = arith.subi %mul3A_292, %sub3A_352 : i32
          %add3A_354 = arith.constant 1 : i32
          %add3A_355 = arith.addi %sub3A_353, %add3A_354 : i32
          %ge3A_356 = arith.cmpi sge, %while3A_281, %add3A_355 : i32
          %not3A_357 = arith.constant true
          %not3A_358 = arith.xori %ge3A_356, %not3A_357 : i1
          %and3A_359 = arith.andi %or3A_351, %not3A_358 : i1
          %convert_element_type3A_360 = arith.extui %and3A_359 : i1 to i32
          %cond3A_361 = arith.constant 0 : i32
          %cond3A_362 = arith.cmpi ne, %convert_element_type3A_360, %cond3A_361 : i32
          scf.if %cond3A_362 {
            "tpu.trace_start"() <{level = 10 : i32, message = "ep_copy_in"}> : () -> ()
            %rem3A_1130 = arith.constant 2 : i32
            %rem3A_1131 = arith.remui %while3A_284, %rem3A_1130 : i32
            %mul3A_1132 = arith.constant 1 : i32
            %mul3A_1133 = arith.muli %mul3A_1132, %add3A_316 : i32
            %dma_start3A_1134 = arith.constant 0 : i32
            %dma_start3A_1135 = arith.constant 0 : i32
            %dma_start3A_1136 = arith.constant 0 : i32
            %dma_start3A_1137 = tpu.memref_slice %run_scoped3A_76[%rem3A_1131, %dma_start3A_1134, %dma_start3A_1135, %dma_start3A_1136] : memref<2x1x4x128xi32, #tpu.memory_space<vmem>> -> memref<1x1x4x128xi32, #tpu.memory_space<vmem>>
            %dma_start3A_1138 = tpu.memref_squeeze %dma_start3A_1137 : memref<1x1x4x128xi32, #tpu.memory_space<vmem>> -> memref<1x4x128xi32, #tpu.memory_space<vmem>>
            %dma_start3A_1139 = arith.constant 0 : i32
            %dma_start3A_1140 = arith.constant 0 : i32
            %dma_start3A_1141 = tpu.memref_slice %arg3[%mul3A_1133, %dma_start3A_1139, %dma_start3A_1140] : memref<625x4x128xi32, #tpu.memory_space<hbm>> -> memref<1x4x128xi32, #tpu.memory_space<hbm>>
            %dma_start3A_1142 = tpu.memref_slice %run_scoped3A_77[%rem3A_1131] : memref<2x!tpu.dma_semaphore, #tpu.memory_space<semaphore_mem>> -> memref<1x!tpu.dma_semaphore, #tpu.memory_space<semaphore_mem>>
            %dma_start3A_1143 = tpu.memref_squeeze %dma_start3A_1142 : memref<1x!tpu.dma_semaphore, #tpu.memory_space<semaphore_mem>> -> memref<!tpu.dma_semaphore, #tpu.memory_space<semaphore_mem>>
            %dma_start3A_1144 = arith.constant 0 : i32
            %dma_start3A_1145 = arith.constant 0 : i32
            %dma_start3A_1146 = arith.constant 0 : i32
            %dma_start3A_1147 = tpu.memref_slice %run_scoped3A_76[%rem3A_1131, %dma_start3A_1144, %dma_start3A_1145, %dma_start3A_1146] : memref<2x1x4x128xi32, #tpu.memory_space<vmem>> -> memref<1x1x4x128xi32, #tpu.memory_space<vmem>>
            %dma_start3A_1148 = tpu.memref_squeeze %dma_start3A_1147 : memref<1x1x4x128xi32, #tpu.memory_space<vmem>> -> memref<1x4x128xi32, #tpu.memory_space<vmem>>
            %dma_start3A_1149 = arith.constant 0 : i32
            %dma_start3A_1150 = arith.constant 0 : i32
            %dma_start3A_1151 = tpu.memref_slice %arg3[%mul3A_1133, %dma_start3A_1149, %dma_start3A_1150] : memref<625x4x128xi32, #tpu.memory_space<hbm>> -> memref<1x4x128xi32, #tpu.memory_space<hbm>>
            tpu.enqueue_dma source(%dma_start3A_1151 : memref<1x4x128xi32, #tpu.memory_space<hbm>>) target(%dma_start3A_1148 : memref<1x4x128xi32, #tpu.memory_space<vmem>>) target_semaphore(%dma_start3A_1143 : memref<!tpu.dma_semaphore, #tpu.memory_space<semaphore_mem>>)
            "tpu.trace_stop"() : () -> ()
          } else {
          }
          %and3A_363 = arith.constant true
          %and3A_364 = arith.andi %and3A_359, %and3A_363 : i1
          %add3A_365 = arith.constant 1 : i32
          %add3A_366 = arith.addi %while3A_284, %add3A_365 : i32
          %select_n3A_367 = arith.select %and3A_364, %add3A_366, %while3A_284 : i32
          %ne3A_368 = arith.cmpi ne, %add3A_298, %add3A_316 : i32
          %or3A_369 = arith.constant false
          %or3A_370 = arith.ori %or3A_369, %ne3A_368 : i1
          %or3A_371 = arith.constant false
          %or3A_372 = arith.ori %or3A_370, %or3A_371 : i1
          %or3A_373 = arith.constant false
          %or3A_374 = arith.ori %or3A_372, %or3A_373 : i1
          %sub3A_375 = arith.constant 2 : i32
          %sub3A_376 = arith.subi %mul3A_292, %sub3A_375 : i32
          %add3A_377 = arith.constant 1 : i32
          %add3A_378 = arith.addi %sub3A_376, %add3A_377 : i32
          %ge3A_379 = arith.cmpi sge, %while3A_281, %add3A_378 : i32
          %not3A_380 = arith.constant true
          %not3A_381 = arith.xori %ge3A_379, %not3A_380 : i1
          %and3A_382 = arith.andi %or3A_374, %not3A_381 : i1
          %convert_element_type3A_383 = arith.extui %and3A_382 : i1 to i32
          %cond3A_384 = arith.constant 0 : i32
          %cond3A_385 = arith.cmpi ne, %convert_element_type3A_383, %cond3A_384 : i32
          scf.if %cond3A_385 {
            "tpu.trace_start"() <{level = 10 : i32, message = "ep_copy_in"}> : () -> ()
            %rem3A_1130 = arith.constant 2 : i32
            %rem3A_1131 = arith.remui %while3A_286, %rem3A_1130 : i32
            %mul3A_1132 = arith.constant 1 : i32
            %mul3A_1133 = arith.muli %mul3A_1132, %add3A_316 : i32
            %dma_start3A_1134 = arith.constant 0 : i32
            %dma_start3A_1135 = arith.constant 0 : i32
            %dma_start3A_1136 = arith.constant 0 : i32
            %dma_start3A_1137 = tpu.memref_slice %run_scoped3A_78[%rem3A_1131, %dma_start3A_1134, %dma_start3A_1135, %dma_start3A_1136] : memref<2x1x4x128xi32, #tpu.memory_space<vmem>> -> memref<1x1x4x128xi32, #tpu.memory_space<vmem>>
            %dma_start3A_1138 = tpu.memref_squeeze %dma_start3A_1137 : memref<1x1x4x128xi32, #tpu.memory_space<vmem>> -> memref<1x4x128xi32, #tpu.memory_space<vmem>>
            %dma_start3A_1139 = arith.constant 0 : i32
            %dma_start3A_1140 = arith.constant 0 : i32
            %dma_start3A_1141 = tpu.memref_slice %arg4[%mul3A_1133, %dma_start3A_1139, %dma_start3A_1140] : memref<625x4x128xi32, #tpu.memory_space<hbm>> -> memref<1x4x128xi32, #tpu.memory_space<hbm>>
            %dma_start3A_1142 = tpu.memref_slice %run_scoped3A_79[%rem3A_1131] : memref<2x!tpu.dma_semaphore, #tpu.memory_space<semaphore_mem>> -> memref<1x!tpu.dma_semaphore, #tpu.memory_space<semaphore_mem>>
            %dma_start3A_1143 = tpu.memref_squeeze %dma_start3A_1142 : memref<1x!tpu.dma_semaphore, #tpu.memory_space<semaphore_mem>> -> memref<!tpu.dma_semaphore, #tpu.memory_space<semaphore_mem>>
            %dma_start3A_1144 = arith.constant 0 : i32
            %dma_start3A_1145 = arith.constant 0 : i32
            %dma_start3A_1146 = arith.constant 0 : i32
            %dma_start3A_1147 = tpu.memref_slice %run_scoped3A_78[%rem3A_1131, %dma_start3A_1144, %dma_start3A_1145, %dma_start3A_1146] : memref<2x1x4x128xi32, #tpu.memory_space<vmem>> -> memref<1x1x4x128xi32, #tpu.memory_space<vmem>>
            %dma_start3A_1148 = tpu.memref_squeeze %dma_start3A_1147 : memref<1x1x4x128xi32, #tpu.memory_space<vmem>> -> memref<1x4x128xi32, #tpu.memory_space<vmem>>
            %dma_start3A_1149 = arith.constant 0 : i32
            %dma_start3A_1150 = arith.constant 0 : i32
            %dma_start3A_1151 = tpu.memref_slice %arg4[%mul3A_1133, %dma_start3A_1149, %dma_start3A_1150] : memref<625x4x128xi32, #tpu.memory_space<hbm>> -> memref<1x4x128xi32, #tpu.memory_space<hbm>>
            tpu.enqueue_dma source(%dma_start3A_1151 : memref<1x4x128xi32, #tpu.memory_space<hbm>>) target(%dma_start3A_1148 : memref<1x4x128xi32, #tpu.memory_space<vmem>>) target_semaphore(%dma_start3A_1143 : memref<!tpu.dma_semaphore, #tpu.memory_space<semaphore_mem>>)
            "tpu.trace_stop"() : () -> ()
          } else {
          }
          %and3A_386 = arith.constant true
          %and3A_387 = arith.andi %and3A_382, %and3A_386 : i1
          %add3A_388 = arith.constant 1 : i32
          %add3A_389 = arith.addi %while3A_286, %add3A_388 : i32
          %select_n3A_390 = arith.select %and3A_387, %add3A_389, %while3A_286 : i32
          %ne3A_391 = arith.cmpi ne, %add3A_298, %add3A_316 : i32
          %or3A_392 = arith.constant false
          %or3A_393 = arith.ori %or3A_392, %ne3A_391 : i1
          %or3A_394 = arith.constant false
          %or3A_395 = arith.ori %or3A_393, %or3A_394 : i1
          %or3A_396 = arith.constant false
          %or3A_397 = arith.ori %or3A_395, %or3A_396 : i1
          %sub3A_398 = arith.constant 2 : i32
          %sub3A_399 = arith.subi %mul3A_292, %sub3A_398 : i32
          %add3A_400 = arith.constant 1 : i32
          %add3A_401 = arith.addi %sub3A_399, %add3A_400 : i32
          %ge3A_402 = arith.cmpi sge, %while3A_281, %add3A_401 : i32
          %not3A_403 = arith.constant true
          %not3A_404 = arith.xori %ge3A_402, %not3A_403 : i1
          %and3A_405 = arith.andi %or3A_397, %not3A_404 : i1
          %ne3A_406 = arith.cmpi ne, %add3A_298, %add3A_308 : i32
          %or3A_407 = arith.constant false
          %or3A_408 = arith.ori %or3A_407, %ne3A_406 : i1
          %or3A_409 = arith.constant false
          %or3A_410 = arith.ori %or3A_408, %or3A_409 : i1
          %or3A_411 = arith.constant false
          %or3A_412 = arith.ori %or3A_410, %or3A_411 : i1
          %or3A_413 = arith.ori %or3A_412, %eq3A_294 : i1
          %convert_element_type3A_414 = arith.extui %or3A_413 : i1 to i32
          %cond3A_415 = arith.constant 0 : i32
          %cond3A_416 = arith.cmpi ne, %convert_element_type3A_414, %cond3A_415 : i32
          scf.if %cond3A_416 {
            "tpu.trace_start"() <{level = 10 : i32, message = "ep_wait_in"}> : () -> ()
            %mul3A_1130 = arith.constant 4 : i32
            %mul3A_1131 = arith.muli %mul3A_1130, %add3A_298 : i32
            %rem3A_1132 = arith.constant 2 : i32
            %rem3A_1133 = arith.remui %while3A_283, %rem3A_1132 : i32
            %dma_wait3A_1134 = arith.constant 0 : i32
            %dma_wait3A_1135 = arith.constant 0 : i32
            %dma_wait3A_1136 = arith.constant 0 : i32
            %dma_wait3A_1137 = arith.constant 0 : i32
            %dma_wait3A_1138 = tpu.memref_slice %run_scoped3A[%rem3A_1133, %dma_wait3A_1134, %dma_wait3A_1135, %dma_wait3A_1136, %dma_wait3A_1137] : memref<2x2x4x8x128xf32, #tpu.memory_space<vmem>> -> memref<1x2x4x8x128xf32, #tpu.memory_space<vmem>>
            %dma_wait3A_1139 = tpu.memref_squeeze %dma_wait3A_1138 : memref<1x2x4x8x128xf32, #tpu.memory_space<vmem>> -> memref<2x4x8x128xf32, #tpu.memory_space<vmem>>
            %dma_wait3A_1140 = arith.constant 0 : i32
            %dma_wait3A_1141 = arith.constant 0 : i32
            %dma_wait3A_1142 = arith.constant 0 : i32
            %dma_wait3A_1143 = tpu.memref_slice %arg2[%dma_wait3A_1140, %mul3A_1131, %dma_wait3A_1141, %dma_wait3A_1142] : memref<2x2500x8x128xf32, #tpu.memory_space<hbm>> -> memref<2x4x8x128xf32, #tpu.memory_space<hbm>>
            %dma_wait3A_1144 = tpu.memref_slice %run_scoped3A_75[%rem3A_1133] : memref<2x!tpu.dma_semaphore, #tpu.memory_space<semaphore_mem>> -> memref<1x!tpu.dma_semaphore, #tpu.memory_space<semaphore_mem>>
            %dma_wait3A_1145 = tpu.memref_squeeze %dma_wait3A_1144 : memref<1x!tpu.dma_semaphore, #tpu.memory_space<semaphore_mem>> -> memref<!tpu.dma_semaphore, #tpu.memory_space<semaphore_mem>>
            %dma_wait3A_1146 = arith.constant 0 : i32
            %dma_wait3A_1147 = arith.constant 0 : i32
            %dma_wait3A_1148 = arith.constant 0 : i32
            %dma_wait3A_1149 = arith.constant 0 : i32
            %dma_wait3A_1150 = tpu.memref_slice %run_scoped3A[%rem3A_1133, %dma_wait3A_1146, %dma_wait3A_1147, %dma_wait3A_1148, %dma_wait3A_1149] : memref<2x2x4x8x128xf32, #tpu.memory_space<vmem>> -> memref<1x2x4x8x128xf32, #tpu.memory_space<vmem>>
            %dma_wait3A_1151 = tpu.memref_squeeze %dma_wait3A_1150 : memref<1x2x4x8x128xf32, #tpu.memory_space<vmem>> -> memref<2x4x8x128xf32, #tpu.memory_space<vmem>>
            %dma_wait3A_1152 = arith.constant 0 : i32
            %dma_wait3A_1153 = arith.constant 0 : i32
            %dma_wait3A_1154 = arith.constant 0 : i32
            %dma_wait3A_1155 = tpu.memref_slice %arg2[%dma_wait3A_1152, %mul3A_1131, %dma_wait3A_1153, %dma_wait3A_1154] : memref<2x2500x8x128xf32, #tpu.memory_space<hbm>> -> memref<2x4x8x128xf32, #tpu.memory_space<hbm>>
            tpu.wait_dma2 semaphore(%dma_wait3A_1145 : memref<!tpu.dma_semaphore, #tpu.memory_space<semaphore_mem>>) src(%dma_wait3A_1155 : memref<2x4x8x128xf32, #tpu.memory_space<hbm>>) dst(%dma_wait3A_1151 : memref<2x4x8x128xf32, #tpu.memory_space<vmem>>)
            "tpu.trace_stop"() : () -> ()
          } else {
          }
          %ne3A_417 = arith.cmpi ne, %add3A_298, %add3A_308 : i32
          %or3A_418 = arith.constant false
          %or3A_419 = arith.ori %or3A_418, %ne3A_417 : i1
          %or3A_420 = arith.constant false
          %or3A_421 = arith.ori %or3A_419, %or3A_420 : i1
          %or3A_422 = arith.constant false
          %or3A_423 = arith.ori %or3A_421, %or3A_422 : i1
          %or3A_424 = arith.ori %or3A_423, %eq3A_294 : i1
          %convert_element_type3A_425 = arith.extui %or3A_424 : i1 to i32
          %cond3A_426 = arith.constant 0 : i32
          %cond3A_427 = arith.cmpi ne, %convert_element_type3A_425, %cond3A_426 : i32
          scf.if %cond3A_427 {
            "tpu.trace_start"() <{level = 10 : i32, message = "ep_wait_in"}> : () -> ()
            %mul3A_1130 = arith.constant 1 : i32
            %mul3A_1131 = arith.muli %mul3A_1130, %add3A_298 : i32
            %rem3A_1132 = arith.constant 2 : i32
            %rem3A_1133 = arith.remui %while3A_285, %rem3A_1132 : i32
            %dma_wait3A_1134 = arith.constant 0 : i32
            %dma_wait3A_1135 = arith.constant 0 : i32
            %dma_wait3A_1136 = arith.constant 0 : i32
            %dma_wait3A_1137 = tpu.memref_slice %run_scoped3A_76[%rem3A_1133, %dma_wait3A_1134, %dma_wait3A_1135, %dma_wait3A_1136] : memref<2x1x4x128xi32, #tpu.memory_space<vmem>> -> memref<1x1x4x128xi32, #tpu.memory_space<vmem>>
            %dma_wait3A_1138 = tpu.memref_squeeze %dma_wait3A_1137 : memref<1x1x4x128xi32, #tpu.memory_space<vmem>> -> memref<1x4x128xi32, #tpu.memory_space<vmem>>
            %dma_wait3A_1139 = arith.constant 0 : i32
            %dma_wait3A_1140 = arith.constant 0 : i32
            %dma_wait3A_1141 = tpu.memref_slice %arg3[%mul3A_1131, %dma_wait3A_1139, %dma_wait3A_1140] : memref<625x4x128xi32, #tpu.memory_space<hbm>> -> memref<1x4x128xi32, #tpu.memory_space<hbm>>
            %dma_wait3A_1142 = tpu.memref_slice %run_scoped3A_77[%rem3A_1133] : memref<2x!tpu.dma_semaphore, #tpu.memory_space<semaphore_mem>> -> memref<1x!tpu.dma_semaphore, #tpu.memory_space<semaphore_mem>>
            %dma_wait3A_1143 = tpu.memref_squeeze %dma_wait3A_1142 : memref<1x!tpu.dma_semaphore, #tpu.memory_space<semaphore_mem>> -> memref<!tpu.dma_semaphore, #tpu.memory_space<semaphore_mem>>
            %dma_wait3A_1144 = arith.constant 0 : i32
            %dma_wait3A_1145 = arith.constant 0 : i32
            %dma_wait3A_1146 = arith.constant 0 : i32
            %dma_wait3A_1147 = tpu.memref_slice %run_scoped3A_76[%rem3A_1133, %dma_wait3A_1144, %dma_wait3A_1145, %dma_wait3A_1146] : memref<2x1x4x128xi32, #tpu.memory_space<vmem>> -> memref<1x1x4x128xi32, #tpu.memory_space<vmem>>
            %dma_wait3A_1148 = tpu.memref_squeeze %dma_wait3A_1147 : memref<1x1x4x128xi32, #tpu.memory_space<vmem>> -> memref<1x4x128xi32, #tpu.memory_space<vmem>>
            %dma_wait3A_1149 = arith.constant 0 : i32
            %dma_wait3A_1150 = arith.constant 0 : i32
            %dma_wait3A_1151 = tpu.memref_slice %arg3[%mul3A_1131, %dma_wait3A_1149, %dma_wait3A_1150] : memref<625x4x128xi32, #tpu.memory_space<hbm>> -> memref<1x4x128xi32, #tpu.memory_space<hbm>>
            tpu.wait_dma2 semaphore(%dma_wait3A_1143 : memref<!tpu.dma_semaphore, #tpu.memory_space<semaphore_mem>>) src(%dma_wait3A_1151 : memref<1x4x128xi32, #tpu.memory_space<hbm>>) dst(%dma_wait3A_1148 : memref<1x4x128xi32, #tpu.memory_space<vmem>>)
            "tpu.trace_stop"() : () -> ()
          } else {
          }
          %ne3A_428 = arith.cmpi ne, %add3A_298, %add3A_308 : i32
          %or3A_429 = arith.constant false
          %or3A_430 = arith.ori %or3A_429, %ne3A_428 : i1
          %or3A_431 = arith.constant false
          %or3A_432 = arith.ori %or3A_430, %or3A_431 : i1
          %or3A_433 = arith.constant false
          %or3A_434 = arith.ori %or3A_432, %or3A_433 : i1
          %or3A_435 = arith.ori %or3A_434, %eq3A_294 : i1
          %convert_element_type3A_436 = arith.extui %or3A_435 : i1 to i32
          %cond3A_437 = arith.constant 0 : i32
          %cond3A_438 = arith.cmpi ne, %convert_element_type3A_436, %cond3A_437 : i32
          scf.if %cond3A_438 {
            "tpu.trace_start"() <{level = 10 : i32, message = "ep_wait_in"}> : () -> ()
            %mul3A_1130 = arith.constant 1 : i32
            %mul3A_1131 = arith.muli %mul3A_1130, %add3A_298 : i32
            %rem3A_1132 = arith.constant 2 : i32
            %rem3A_1133 = arith.remui %while3A_287, %rem3A_1132 : i32
            %dma_wait3A_1134 = arith.constant 0 : i32
            %dma_wait3A_1135 = arith.constant 0 : i32
            %dma_wait3A_1136 = arith.constant 0 : i32
            %dma_wait3A_1137 = tpu.memref_slice %run_scoped3A_78[%rem3A_1133, %dma_wait3A_1134, %dma_wait3A_1135, %dma_wait3A_1136] : memref<2x1x4x128xi32, #tpu.memory_space<vmem>> -> memref<1x1x4x128xi32, #tpu.memory_space<vmem>>
            %dma_wait3A_1138 = tpu.memref_squeeze %dma_wait3A_1137 : memref<1x1x4x128xi32, #tpu.memory_space<vmem>> -> memref<1x4x128xi32, #tpu.memory_space<vmem>>
            %dma_wait3A_1139 = arith.constant 0 : i32
            %dma_wait3A_1140 = arith.constant 0 : i32
            %dma_wait3A_1141 = tpu.memref_slice %arg4[%mul3A_1131, %dma_wait3A_1139, %dma_wait3A_1140] : memref<625x4x128xi32, #tpu.memory_space<hbm>> -> memref<1x4x128xi32, #tpu.memory_space<hbm>>
            %dma_wait3A_1142 = tpu.memref_slice %run_scoped3A_79[%rem3A_1133] : memref<2x!tpu.dma_semaphore, #tpu.memory_space<semaphore_mem>> -> memref<1x!tpu.dma_semaphore, #tpu.memory_space<semaphore_mem>>
            %dma_wait3A_1143 = tpu.memref_squeeze %dma_wait3A_1142 : memref<1x!tpu.dma_semaphore, #tpu.memory_space<semaphore_mem>> -> memref<!tpu.dma_semaphore, #tpu.memory_space<semaphore_mem>>
            %dma_wait3A_1144 = arith.constant 0 : i32
            %dma_wait3A_1145 = arith.constant 0 : i32
            %dma_wait3A_1146 = arith.constant 0 : i32
            %dma_wait3A_1147 = tpu.memref_slice %run_scoped3A_78[%rem3A_1133, %dma_wait3A_1144, %dma_wait3A_1145, %dma_wait3A_1146] : memref<2x1x4x128xi32, #tpu.memory_space<vmem>> -> memref<1x1x4x128xi32, #tpu.memory_space<vmem>>
            %dma_wait3A_1148 = tpu.memref_squeeze %dma_wait3A_1147 : memref<1x1x4x128xi32, #tpu.memory_space<vmem>> -> memref<1x4x128xi32, #tpu.memory_space<vmem>>
            %dma_wait3A_1149 = arith.constant 0 : i32
            %dma_wait3A_1150 = arith.constant 0 : i32
            %dma_wait3A_1151 = tpu.memref_slice %arg4[%mul3A_1131, %dma_wait3A_1149, %dma_wait3A_1150] : memref<625x4x128xi32, #tpu.memory_space<hbm>> -> memref<1x4x128xi32, #tpu.memory_space<hbm>>
            tpu.wait_dma2 semaphore(%dma_wait3A_1143 : memref<!tpu.dma_semaphore, #tpu.memory_space<semaphore_mem>>) src(%dma_wait3A_1151 : memref<1x4x128xi32, #tpu.memory_space<hbm>>) dst(%dma_wait3A_1148 : memref<1x4x128xi32, #tpu.memory_space<vmem>>)
            "tpu.trace_stop"() : () -> ()
          } else {
          }
          %ne3A_439 = arith.cmpi ne, %add3A_298, %add3A_308 : i32
          %or3A_440 = arith.constant false
          %or3A_441 = arith.ori %or3A_440, %ne3A_439 : i1
          %or3A_442 = arith.constant false
          %or3A_443 = arith.ori %or3A_441, %or3A_442 : i1
          %or3A_444 = arith.constant false
          %or3A_445 = arith.ori %or3A_443, %or3A_444 : i1
          %or3A_446 = arith.ori %or3A_445, %eq3A_294 : i1
          %convert_element_type3A_447 = arith.extui %or3A_446 : i1 to i32
          %cond3A_448 = arith.constant 0 : i32
          %cond3A_449 = arith.cmpi ne, %convert_element_type3A_447, %cond3A_448 : i32
          scf.if %cond3A_449 {
          } else {
          }
          %rem3A_450 = arith.constant 2 : i32
          %rem3A_451 = arith.remui %while3A_283, %rem3A_450 : i32
          %rem3A_452 = arith.constant 2 : i32
          %rem3A_453 = arith.remui %while3A_285, %rem3A_452 : i32
          %rem3A_454 = arith.constant 2 : i32
          %rem3A_455 = arith.remui %while3A_287, %rem3A_454 : i32
          %rem3A_456 = arith.constant 2 : i32
          %rem3A_457 = arith.remui %while3A_288, %rem3A_456 : i32
          %dma_start3A_458 = arith.constant 0 : i32
          %dma_start3A_459 = arith.constant 0 : i32
          "tpu.trace_start"() <{level = 10 : i32, message = "ep_run_kernel"}> : () -> ()
          %dma_start3A_460 = arith.constant 0 : i32
          %dma_start3A_461 = arith.constant 0 : i32
          %dma_start3A_462 = tpu.memref_slice %arg14[%dma_start3A_460, %dma_start3A_461] : memref<512x16xf32, #tpu.memory_space<vmem>> -> memref<128x16xf32, #tpu.memory_space<vmem>>
          %dma_start3A_463 = arith.constant 0 : i32
          %dma_start3A_464 = arith.constant 0 : i32
          %dma_start3A_465 = arith.constant 0 : i32
          %dma_start3A_466 = tpu.memref_slice %run_scoped3A_76[%rem3A_453, %dma_start3A_463, %dma_start3A_464, %dma_start3A_465] : memref<2x1x4x128xi32, #tpu.memory_space<vmem>> -> memref<1x1x4x128xi32, #tpu.memory_space<vmem>>
          %dma_start3A_467 = tpu.memref_squeeze %dma_start3A_466 : memref<1x1x4x128xi32, #tpu.memory_space<vmem>> -> memref<1x4x128xi32, #tpu.memory_space<vmem>>
          %dma_start3A_468 = arith.constant 0 : i32
          %dma_start3A_469 = tpu.memref_slice %dma_start3A_467[%dma_start3A_458, %dma_start3A_459, %dma_start3A_468] : memref<1x4x128xi32, #tpu.memory_space<vmem>> -> memref<1x1x128xi32, #tpu.memory_space<vmem>>
          %dma_start3A_470 = tpu.memref_squeeze %dma_start3A_469 : memref<1x1x128xi32, #tpu.memory_space<vmem>> -> memref<128xi32, #tpu.memory_space<vmem>>
          %dma_start3A_471 = arith.constant 0 : i32
          %dma_start3A_472 = arith.constant 0 : i32
          %dma_start3A_473 = tpu.memref_slice %arg12[%dma_start3A_471, %dma_start3A_472] : memref<10240x16xf32, #tpu.memory_space<vmem_shared>> -> memref<10240x16xf32, #tpu.memory_space<vmem_shared>>
          tpu.enqueue_indirect_dma source(%dma_start3A_473 : memref<10240x16xf32, #tpu.memory_space<vmem_shared>>) target(%dma_start3A_462 : memref<128x16xf32, #tpu.memory_space<vmem>>) offsets(%dma_start3A_470 : memref<128xi32, #tpu.memory_space<vmem>>) semaphore(%arg19 : memref<!tpu.dma_semaphore, #tpu.memory_space<semaphore_mem>>)
          %dma_start3A_474 = arith.constant 0 : i32
          %dma_start3A_475 = arith.constant 0 : i32
          %dma_start3A_476 = arith.constant 0 : i32
          %dma_start3A_477 = arith.constant 0 : i32
          %dma_start3A_478 = tpu.memref_slice %arg15[%dma_start3A_476, %dma_start3A_477] : memref<512x16xf32, #tpu.memory_space<vmem>> -> memref<128x16xf32, #tpu.memory_space<vmem>>
          %dma_start3A_479 = arith.constant 0 : i32
          %dma_start3A_480 = arith.constant 0 : i32
          %dma_start3A_481 = arith.constant 0 : i32
          %dma_start3A_482 = tpu.memref_slice %run_scoped3A_78[%rem3A_455, %dma_start3A_479, %dma_start3A_480, %dma_start3A_481] : memref<2x1x4x128xi32, #tpu.memory_space<vmem>> -> memref<1x1x4x128xi32, #tpu.memory_space<vmem>>
          %dma_start3A_483 = tpu.memref_squeeze %dma_start3A_482 : memref<1x1x4x128xi32, #tpu.memory_space<vmem>> -> memref<1x4x128xi32, #tpu.memory_space<vmem>>
          %dma_start3A_484 = arith.constant 0 : i32
          %dma_start3A_485 = tpu.memref_slice %dma_start3A_483[%dma_start3A_474, %dma_start3A_475, %dma_start3A_484] : memref<1x4x128xi32, #tpu.memory_space<vmem>> -> memref<1x1x128xi32, #tpu.memory_space<vmem>>
          %dma_start3A_486 = tpu.memref_squeeze %dma_start3A_485 : memref<1x1x128xi32, #tpu.memory_space<vmem>> -> memref<128xi32, #tpu.memory_space<vmem>>
          %dma_start3A_487 = arith.constant 0 : i32
          %dma_start3A_488 = arith.constant 0 : i32
          %dma_start3A_489 = tpu.memref_slice %arg13[%dma_start3A_487, %dma_start3A_488] : memref<10240x16xf32, #tpu.memory_space<vmem_shared>> -> memref<10240x16xf32, #tpu.memory_space<vmem_shared>>
          tpu.enqueue_indirect_dma source(%dma_start3A_489 : memref<10240x16xf32, #tpu.memory_space<vmem_shared>>) target(%dma_start3A_478 : memref<128x16xf32, #tpu.memory_space<vmem>>) offsets(%dma_start3A_486 : memref<128xi32, #tpu.memory_space<vmem>>) semaphore(%arg19 : memref<!tpu.dma_semaphore, #tpu.memory_space<semaphore_mem>>)
          %dma_start3A_490 = arith.constant 0 : i32
          %dma_start3A_491 = arith.constant 1 : i32
          %dma_start3A_492 = arith.constant 128 : i32
          %dma_start3A_493 = arith.constant 0 : i32
          %dma_start3A_494 = tpu.memref_slice %arg14[%dma_start3A_492, %dma_start3A_493] : memref<512x16xf32, #tpu.memory_space<vmem>> -> memref<128x16xf32, #tpu.memory_space<vmem>>
          %dma_start3A_495 = arith.constant 0 : i32
          %dma_start3A_496 = arith.constant 0 : i32
          %dma_start3A_497 = arith.constant 0 : i32
          %dma_start3A_498 = tpu.memref_slice %run_scoped3A_76[%rem3A_453, %dma_start3A_495, %dma_start3A_496, %dma_start3A_497] : memref<2x1x4x128xi32, #tpu.memory_space<vmem>> -> memref<1x1x4x128xi32, #tpu.memory_space<vmem>>
          %dma_start3A_499 = tpu.memref_squeeze %dma_start3A_498 : memref<1x1x4x128xi32, #tpu.memory_space<vmem>> -> memref<1x4x128xi32, #tpu.memory_space<vmem>>
          %dma_start3A_500 = arith.constant 0 : i32
          %dma_start3A_501 = tpu.memref_slice %dma_start3A_499[%dma_start3A_490, %dma_start3A_491, %dma_start3A_500] : memref<1x4x128xi32, #tpu.memory_space<vmem>> -> memref<1x1x128xi32, #tpu.memory_space<vmem>>
          %dma_start3A_502 = tpu.memref_squeeze %dma_start3A_501 : memref<1x1x128xi32, #tpu.memory_space<vmem>> -> memref<128xi32, #tpu.memory_space<vmem>>
          %dma_start3A_503 = arith.constant 0 : i32
          %dma_start3A_504 = arith.constant 0 : i32
          %dma_start3A_505 = tpu.memref_slice %arg12[%dma_start3A_503, %dma_start3A_504] : memref<10240x16xf32, #tpu.memory_space<vmem_shared>> -> memref<10240x16xf32, #tpu.memory_space<vmem_shared>>
          tpu.enqueue_indirect_dma source(%dma_start3A_505 : memref<10240x16xf32, #tpu.memory_space<vmem_shared>>) target(%dma_start3A_494 : memref<128x16xf32, #tpu.memory_space<vmem>>) offsets(%dma_start3A_502 : memref<128xi32, #tpu.memory_space<vmem>>) semaphore(%arg19 : memref<!tpu.dma_semaphore, #tpu.memory_space<semaphore_mem>>)
          %dma_start3A_506 = arith.constant 0 : i32
          %dma_start3A_507 = arith.constant 1 : i32
          %dma_start3A_508 = arith.constant 128 : i32
          %dma_start3A_509 = arith.constant 0 : i32
          %dma_start3A_510 = tpu.memref_slice %arg15[%dma_start3A_508, %dma_start3A_509] : memref<512x16xf32, #tpu.memory_space<vmem>> -> memref<128x16xf32, #tpu.memory_space<vmem>>
          %dma_start3A_511 = arith.constant 0 : i32
          %dma_start3A_512 = arith.constant 0 : i32
          %dma_start3A_513 = arith.constant 0 : i32
          %dma_start3A_514 = tpu.memref_slice %run_scoped3A_78[%rem3A_455, %dma_start3A_511, %dma_start3A_512, %dma_start3A_513] : memref<2x1x4x128xi32, #tpu.memory_space<vmem>> -> memref<1x1x4x128xi32, #tpu.memory_space<vmem>>
          %dma_start3A_515 = tpu.memref_squeeze %dma_start3A_514 : memref<1x1x4x128xi32, #tpu.memory_space<vmem>> -> memref<1x4x128xi32, #tpu.memory_space<vmem>>
          %dma_start3A_516 = arith.constant 0 : i32
          %dma_start3A_517 = tpu.memref_slice %dma_start3A_515[%dma_start3A_506, %dma_start3A_507, %dma_start3A_516] : memref<1x4x128xi32, #tpu.memory_space<vmem>> -> memref<1x1x128xi32, #tpu.memory_space<vmem>>
          %dma_start3A_518 = tpu.memref_squeeze %dma_start3A_517 : memref<1x1x128xi32, #tpu.memory_space<vmem>> -> memref<128xi32, #tpu.memory_space<vmem>>
          %dma_start3A_519 = arith.constant 0 : i32
          %dma_start3A_520 = arith.constant 0 : i32
          %dma_start3A_521 = tpu.memref_slice %arg13[%dma_start3A_519, %dma_start3A_520] : memref<10240x16xf32, #tpu.memory_space<vmem_shared>> -> memref<10240x16xf32, #tpu.memory_space<vmem_shared>>
          tpu.enqueue_indirect_dma source(%dma_start3A_521 : memref<10240x16xf32, #tpu.memory_space<vmem_shared>>) target(%dma_start3A_510 : memref<128x16xf32, #tpu.memory_space<vmem>>) offsets(%dma_start3A_518 : memref<128xi32, #tpu.memory_space<vmem>>) semaphore(%arg19 : memref<!tpu.dma_semaphore, #tpu.memory_space<semaphore_mem>>)
          %dma_start3A_522 = arith.constant 0 : i32
          %dma_start3A_523 = arith.constant 2 : i32
          %dma_start3A_524 = arith.constant 256 : i32
          %dma_start3A_525 = arith.constant 0 : i32
          %dma_start3A_526 = tpu.memref_slice %arg14[%dma_start3A_524, %dma_start3A_525] : memref<512x16xf32, #tpu.memory_space<vmem>> -> memref<128x16xf32, #tpu.memory_space<vmem>>
          %dma_start3A_527 = arith.constant 0 : i32
          %dma_start3A_528 = arith.constant 0 : i32
          %dma_start3A_529 = arith.constant 0 : i32
          %dma_start3A_530 = tpu.memref_slice %run_scoped3A_76[%rem3A_453, %dma_start3A_527, %dma_start3A_528, %dma_start3A_529] : memref<2x1x4x128xi32, #tpu.memory_space<vmem>> -> memref<1x1x4x128xi32, #tpu.memory_space<vmem>>
          %dma_start3A_531 = tpu.memref_squeeze %dma_start3A_530 : memref<1x1x4x128xi32, #tpu.memory_space<vmem>> -> memref<1x4x128xi32, #tpu.memory_space<vmem>>
          %dma_start3A_532 = arith.constant 0 : i32
          %dma_start3A_533 = tpu.memref_slice %dma_start3A_531[%dma_start3A_522, %dma_start3A_523, %dma_start3A_532] : memref<1x4x128xi32, #tpu.memory_space<vmem>> -> memref<1x1x128xi32, #tpu.memory_space<vmem>>
          %dma_start3A_534 = tpu.memref_squeeze %dma_start3A_533 : memref<1x1x128xi32, #tpu.memory_space<vmem>> -> memref<128xi32, #tpu.memory_space<vmem>>
          %dma_start3A_535 = arith.constant 0 : i32
          %dma_start3A_536 = arith.constant 0 : i32
          %dma_start3A_537 = tpu.memref_slice %arg12[%dma_start3A_535, %dma_start3A_536] : memref<10240x16xf32, #tpu.memory_space<vmem_shared>> -> memref<10240x16xf32, #tpu.memory_space<vmem_shared>>
          tpu.enqueue_indirect_dma source(%dma_start3A_537 : memref<10240x16xf32, #tpu.memory_space<vmem_shared>>) target(%dma_start3A_526 : memref<128x16xf32, #tpu.memory_space<vmem>>) offsets(%dma_start3A_534 : memref<128xi32, #tpu.memory_space<vmem>>) semaphore(%arg19 : memref<!tpu.dma_semaphore, #tpu.memory_space<semaphore_mem>>)
          %dma_start3A_538 = arith.constant 0 : i32
          %dma_start3A_539 = arith.constant 2 : i32
          %dma_start3A_540 = arith.constant 256 : i32
          %dma_start3A_541 = arith.constant 0 : i32
          %dma_start3A_542 = tpu.memref_slice %arg15[%dma_start3A_540, %dma_start3A_541] : memref<512x16xf32, #tpu.memory_space<vmem>> -> memref<128x16xf32, #tpu.memory_space<vmem>>
          %dma_start3A_543 = arith.constant 0 : i32
          %dma_start3A_544 = arith.constant 0 : i32
          %dma_start3A_545 = arith.constant 0 : i32
          %dma_start3A_546 = tpu.memref_slice %run_scoped3A_78[%rem3A_455, %dma_start3A_543, %dma_start3A_544, %dma_start3A_545] : memref<2x1x4x128xi32, #tpu.memory_space<vmem>> -> memref<1x1x4x128xi32, #tpu.memory_space<vmem>>
          %dma_start3A_547 = tpu.memref_squeeze %dma_start3A_546 : memref<1x1x4x128xi32, #tpu.memory_space<vmem>> -> memref<1x4x128xi32, #tpu.memory_space<vmem>>
          %dma_start3A_548 = arith.constant 0 : i32
          %dma_start3A_549 = tpu.memref_slice %dma_start3A_547[%dma_start3A_538, %dma_start3A_539, %dma_start3A_548] : memref<1x4x128xi32, #tpu.memory_space<vmem>> -> memref<1x1x128xi32, #tpu.memory_space<vmem>>
          %dma_start3A_550 = tpu.memref_squeeze %dma_start3A_549 : memref<1x1x128xi32, #tpu.memory_space<vmem>> -> memref<128xi32, #tpu.memory_space<vmem>>
          %dma_start3A_551 = arith.constant 0 : i32
          %dma_start3A_552 = arith.constant 0 : i32
          %dma_start3A_553 = tpu.memref_slice %arg13[%dma_start3A_551, %dma_start3A_552] : memref<10240x16xf32, #tpu.memory_space<vmem_shared>> -> memref<10240x16xf32, #tpu.memory_space<vmem_shared>>
          tpu.enqueue_indirect_dma source(%dma_start3A_553 : memref<10240x16xf32, #tpu.memory_space<vmem_shared>>) target(%dma_start3A_542 : memref<128x16xf32, #tpu.memory_space<vmem>>) offsets(%dma_start3A_550 : memref<128xi32, #tpu.memory_space<vmem>>) semaphore(%arg19 : memref<!tpu.dma_semaphore, #tpu.memory_space<semaphore_mem>>)
          %dma_start3A_554 = arith.constant 0 : i32
          %dma_start3A_555 = arith.constant 3 : i32
          %dma_start3A_556 = arith.constant 384 : i32
          %dma_start3A_557 = arith.constant 0 : i32
          %dma_start3A_558 = tpu.memref_slice %arg14[%dma_start3A_556, %dma_start3A_557] : memref<512x16xf32, #tpu.memory_space<vmem>> -> memref<128x16xf32, #tpu.memory_space<vmem>>
          %dma_start3A_559 = arith.constant 0 : i32
          %dma_start3A_560 = arith.constant 0 : i32
          %dma_start3A_561 = arith.constant 0 : i32
          %dma_start3A_562 = tpu.memref_slice %run_scoped3A_76[%rem3A_453, %dma_start3A_559, %dma_start3A_560, %dma_start3A_561] : memref<2x1x4x128xi32, #tpu.memory_space<vmem>> -> memref<1x1x4x128xi32, #tpu.memory_space<vmem>>
          %dma_start3A_563 = tpu.memref_squeeze %dma_start3A_562 : memref<1x1x4x128xi32, #tpu.memory_space<vmem>> -> memref<1x4x128xi32, #tpu.memory_space<vmem>>
          %dma_start3A_564 = arith.constant 0 : i32
          %dma_start3A_565 = tpu.memref_slice %dma_start3A_563[%dma_start3A_554, %dma_start3A_555, %dma_start3A_564] : memref<1x4x128xi32, #tpu.memory_space<vmem>> -> memref<1x1x128xi32, #tpu.memory_space<vmem>>
          %dma_start3A_566 = tpu.memref_squeeze %dma_start3A_565 : memref<1x1x128xi32, #tpu.memory_space<vmem>> -> memref<128xi32, #tpu.memory_space<vmem>>
          %dma_start3A_567 = arith.constant 0 : i32
          %dma_start3A_568 = arith.constant 0 : i32
          %dma_start3A_569 = tpu.memref_slice %arg12[%dma_start3A_567, %dma_start3A_568] : memref<10240x16xf32, #tpu.memory_space<vmem_shared>> -> memref<10240x16xf32, #tpu.memory_space<vmem_shared>>
          tpu.enqueue_indirect_dma source(%dma_start3A_569 : memref<10240x16xf32, #tpu.memory_space<vmem_shared>>) target(%dma_start3A_558 : memref<128x16xf32, #tpu.memory_space<vmem>>) offsets(%dma_start3A_566 : memref<128xi32, #tpu.memory_space<vmem>>) semaphore(%arg19 : memref<!tpu.dma_semaphore, #tpu.memory_space<semaphore_mem>>)
          %dma_start3A_570 = arith.constant 0 : i32
          %dma_start3A_571 = arith.constant 3 : i32
          %dma_start3A_572 = arith.constant 384 : i32
          %dma_start3A_573 = arith.constant 0 : i32
          %dma_start3A_574 = tpu.memref_slice %arg15[%dma_start3A_572, %dma_start3A_573] : memref<512x16xf32, #tpu.memory_space<vmem>> -> memref<128x16xf32, #tpu.memory_space<vmem>>
          %dma_start3A_575 = arith.constant 0 : i32
          %dma_start3A_576 = arith.constant 0 : i32
          %dma_start3A_577 = arith.constant 0 : i32
          %dma_start3A_578 = tpu.memref_slice %run_scoped3A_78[%rem3A_455, %dma_start3A_575, %dma_start3A_576, %dma_start3A_577] : memref<2x1x4x128xi32, #tpu.memory_space<vmem>> -> memref<1x1x4x128xi32, #tpu.memory_space<vmem>>
          %dma_start3A_579 = tpu.memref_squeeze %dma_start3A_578 : memref<1x1x4x128xi32, #tpu.memory_space<vmem>> -> memref<1x4x128xi32, #tpu.memory_space<vmem>>
          %dma_start3A_580 = arith.constant 0 : i32
          %dma_start3A_581 = tpu.memref_slice %dma_start3A_579[%dma_start3A_570, %dma_start3A_571, %dma_start3A_580] : memref<1x4x128xi32, #tpu.memory_space<vmem>> -> memref<1x1x128xi32, #tpu.memory_space<vmem>>
          %dma_start3A_582 = tpu.memref_squeeze %dma_start3A_581 : memref<1x1x128xi32, #tpu.memory_space<vmem>> -> memref<128xi32, #tpu.memory_space<vmem>>
          %dma_start3A_583 = arith.constant 0 : i32
          %dma_start3A_584 = arith.constant 0 : i32
          %dma_start3A_585 = tpu.memref_slice %arg13[%dma_start3A_583, %dma_start3A_584] : memref<10240x16xf32, #tpu.memory_space<vmem_shared>> -> memref<10240x16xf32, #tpu.memory_space<vmem_shared>>
          tpu.enqueue_indirect_dma source(%dma_start3A_585 : memref<10240x16xf32, #tpu.memory_space<vmem_shared>>) target(%dma_start3A_574 : memref<128x16xf32, #tpu.memory_space<vmem>>) offsets(%dma_start3A_582 : memref<128xi32, #tpu.memory_space<vmem>>) semaphore(%arg19 : memref<!tpu.dma_semaphore, #tpu.memory_space<semaphore_mem>>)
          %dma_wait3A = arith.constant 0 : i32
          %dma_wait3A_586 = arith.constant 0 : i32
          %dma_wait3A_587 = arith.constant 0 : i32
          %dma_wait3A_588 = arith.constant 0 : i32
          %dma_wait3A_589 = tpu.memref_slice %arg14[%dma_wait3A_587, %dma_wait3A_588] : memref<512x16xf32, #tpu.memory_space<vmem>> -> memref<128x16xf32, #tpu.memory_space<vmem>>
          %dma_wait3A_590 = arith.constant 0 : i32
          %dma_wait3A_591 = arith.constant 0 : i32
          %dma_wait3A_592 = arith.constant 0 : i32
          %dma_wait3A_593 = tpu.memref_slice %run_scoped3A_76[%rem3A_453, %dma_wait3A_590, %dma_wait3A_591, %dma_wait3A_592] : memref<2x1x4x128xi32, #tpu.memory_space<vmem>> -> memref<1x1x4x128xi32, #tpu.memory_space<vmem>>
          %dma_wait3A_594 = tpu.memref_squeeze %dma_wait3A_593 : memref<1x1x4x128xi32, #tpu.memory_space<vmem>> -> memref<1x4x128xi32, #tpu.memory_space<vmem>>
          %dma_wait3A_595 = arith.constant 0 : i32
          %dma_wait3A_596 = tpu.memref_slice %dma_wait3A_594[%dma_wait3A, %dma_wait3A_586, %dma_wait3A_595] : memref<1x4x128xi32, #tpu.memory_space<vmem>> -> memref<1x1x128xi32, #tpu.memory_space<vmem>>
          %dma_wait3A_597 = tpu.memref_squeeze %dma_wait3A_596 : memref<1x1x128xi32, #tpu.memory_space<vmem>> -> memref<128xi32, #tpu.memory_space<vmem>>
          %dma_wait3A_598 = arith.constant 0 : i32
          %dma_wait3A_599 = arith.constant 0 : i32
          %dma_wait3A_600 = tpu.memref_slice %arg12[%dma_wait3A_598, %dma_wait3A_599] : memref<10240x16xf32, #tpu.memory_space<vmem_shared>> -> memref<10240x16xf32, #tpu.memory_space<vmem_shared>>
          tpu.wait_indirect_dma semaphore(%arg19 : memref<!tpu.dma_semaphore, #tpu.memory_space<semaphore_mem>>) src(%dma_wait3A_600 : memref<10240x16xf32, #tpu.memory_space<vmem_shared>>) dst(%dma_wait3A_589 : memref<128x16xf32, #tpu.memory_space<vmem>>)
          %dma_wait3A_601 = arith.constant 0 : i32
          %dma_wait3A_602 = arith.constant 0 : i32
          %dma_wait3A_603 = arith.constant 0 : i32
          %dma_wait3A_604 = arith.constant 0 : i32
          %dma_wait3A_605 = tpu.memref_slice %arg15[%dma_wait3A_603, %dma_wait3A_604] : memref<512x16xf32, #tpu.memory_space<vmem>> -> memref<128x16xf32, #tpu.memory_space<vmem>>
          %dma_wait3A_606 = arith.constant 0 : i32
          %dma_wait3A_607 = arith.constant 0 : i32
          %dma_wait3A_608 = arith.constant 0 : i32
          %dma_wait3A_609 = tpu.memref_slice %run_scoped3A_78[%rem3A_455, %dma_wait3A_606, %dma_wait3A_607, %dma_wait3A_608] : memref<2x1x4x128xi32, #tpu.memory_space<vmem>> -> memref<1x1x4x128xi32, #tpu.memory_space<vmem>>
          %dma_wait3A_610 = tpu.memref_squeeze %dma_wait3A_609 : memref<1x1x4x128xi32, #tpu.memory_space<vmem>> -> memref<1x4x128xi32, #tpu.memory_space<vmem>>
          %dma_wait3A_611 = arith.constant 0 : i32
          %dma_wait3A_612 = tpu.memref_slice %dma_wait3A_610[%dma_wait3A_601, %dma_wait3A_602, %dma_wait3A_611] : memref<1x4x128xi32, #tpu.memory_space<vmem>> -> memref<1x1x128xi32, #tpu.memory_space<vmem>>
          %dma_wait3A_613 = tpu.memref_squeeze %dma_wait3A_612 : memref<1x1x128xi32, #tpu.memory_space<vmem>> -> memref<128xi32, #tpu.memory_space<vmem>>
          %dma_wait3A_614 = arith.constant 0 : i32
          %dma_wait3A_615 = arith.constant 0 : i32
          %dma_wait3A_616 = tpu.memref_slice %arg13[%dma_wait3A_614, %dma_wait3A_615] : memref<10240x16xf32, #tpu.memory_space<vmem_shared>> -> memref<10240x16xf32, #tpu.memory_space<vmem_shared>>
          tpu.wait_indirect_dma semaphore(%arg19 : memref<!tpu.dma_semaphore, #tpu.memory_space<semaphore_mem>>) src(%dma_wait3A_616 : memref<10240x16xf32, #tpu.memory_space<vmem_shared>>) dst(%dma_wait3A_605 : memref<128x16xf32, #tpu.memory_space<vmem>>)
          %dma_wait3A_617 = arith.constant 0 : i32
          %dma_wait3A_618 = arith.constant 1 : i32
          %dma_wait3A_619 = arith.constant 128 : i32
          %dma_wait3A_620 = arith.constant 0 : i32
          %dma_wait3A_621 = tpu.memref_slice %arg14[%dma_wait3A_619, %dma_wait3A_620] : memref<512x16xf32, #tpu.memory_space<vmem>> -> memref<128x16xf32, #tpu.memory_space<vmem>>
          %dma_wait3A_622 = arith.constant 0 : i32
          %dma_wait3A_623 = arith.constant 0 : i32
          %dma_wait3A_624 = arith.constant 0 : i32
          %dma_wait3A_625 = tpu.memref_slice %run_scoped3A_76[%rem3A_453, %dma_wait3A_622, %dma_wait3A_623, %dma_wait3A_624] : memref<2x1x4x128xi32, #tpu.memory_space<vmem>> -> memref<1x1x4x128xi32, #tpu.memory_space<vmem>>
          %dma_wait3A_626 = tpu.memref_squeeze %dma_wait3A_625 : memref<1x1x4x128xi32, #tpu.memory_space<vmem>> -> memref<1x4x128xi32, #tpu.memory_space<vmem>>
          %dma_wait3A_627 = arith.constant 0 : i32
          %dma_wait3A_628 = tpu.memref_slice %dma_wait3A_626[%dma_wait3A_617, %dma_wait3A_618, %dma_wait3A_627] : memref<1x4x128xi32, #tpu.memory_space<vmem>> -> memref<1x1x128xi32, #tpu.memory_space<vmem>>
          %dma_wait3A_629 = tpu.memref_squeeze %dma_wait3A_628 : memref<1x1x128xi32, #tpu.memory_space<vmem>> -> memref<128xi32, #tpu.memory_space<vmem>>
          %dma_wait3A_630 = arith.constant 0 : i32
          %dma_wait3A_631 = arith.constant 0 : i32
          %dma_wait3A_632 = tpu.memref_slice %arg12[%dma_wait3A_630, %dma_wait3A_631] : memref<10240x16xf32, #tpu.memory_space<vmem_shared>> -> memref<10240x16xf32, #tpu.memory_space<vmem_shared>>
          tpu.wait_indirect_dma semaphore(%arg19 : memref<!tpu.dma_semaphore, #tpu.memory_space<semaphore_mem>>) src(%dma_wait3A_632 : memref<10240x16xf32, #tpu.memory_space<vmem_shared>>) dst(%dma_wait3A_621 : memref<128x16xf32, #tpu.memory_space<vmem>>)
          %dma_wait3A_633 = arith.constant 0 : i32
          %dma_wait3A_634 = arith.constant 1 : i32
          %dma_wait3A_635 = arith.constant 128 : i32
          %dma_wait3A_636 = arith.constant 0 : i32
          %dma_wait3A_637 = tpu.memref_slice %arg15[%dma_wait3A_635, %dma_wait3A_636] : memref<512x16xf32, #tpu.memory_space<vmem>> -> memref<128x16xf32, #tpu.memory_space<vmem>>
          %dma_wait3A_638 = arith.constant 0 : i32
          %dma_wait3A_639 = arith.constant 0 : i32
          %dma_wait3A_640 = arith.constant 0 : i32
          %dma_wait3A_641 = tpu.memref_slice %run_scoped3A_78[%rem3A_455, %dma_wait3A_638, %dma_wait3A_639, %dma_wait3A_640] : memref<2x1x4x128xi32, #tpu.memory_space<vmem>> -> memref<1x1x4x128xi32, #tpu.memory_space<vmem>>
          %dma_wait3A_642 = tpu.memref_squeeze %dma_wait3A_641 : memref<1x1x4x128xi32, #tpu.memory_space<vmem>> -> memref<1x4x128xi32, #tpu.memory_space<vmem>>
          %dma_wait3A_643 = arith.constant 0 : i32
          %dma_wait3A_644 = tpu.memref_slice %dma_wait3A_642[%dma_wait3A_633, %dma_wait3A_634, %dma_wait3A_643] : memref<1x4x128xi32, #tpu.memory_space<vmem>> -> memref<1x1x128xi32, #tpu.memory_space<vmem>>
          %dma_wait3A_645 = tpu.memref_squeeze %dma_wait3A_644 : memref<1x1x128xi32, #tpu.memory_space<vmem>> -> memref<128xi32, #tpu.memory_space<vmem>>
          %dma_wait3A_646 = arith.constant 0 : i32
          %dma_wait3A_647 = arith.constant 0 : i32
          %dma_wait3A_648 = tpu.memref_slice %arg13[%dma_wait3A_646, %dma_wait3A_647] : memref<10240x16xf32, #tpu.memory_space<vmem_shared>> -> memref<10240x16xf32, #tpu.memory_space<vmem_shared>>
          tpu.wait_indirect_dma semaphore(%arg19 : memref<!tpu.dma_semaphore, #tpu.memory_space<semaphore_mem>>) src(%dma_wait3A_648 : memref<10240x16xf32, #tpu.memory_space<vmem_shared>>) dst(%dma_wait3A_637 : memref<128x16xf32, #tpu.memory_space<vmem>>)
          %dma_wait3A_649 = arith.constant 0 : i32
          %dma_wait3A_650 = arith.constant 2 : i32
          %dma_wait3A_651 = arith.constant 256 : i32
          %dma_wait3A_652 = arith.constant 0 : i32
          %dma_wait3A_653 = tpu.memref_slice %arg14[%dma_wait3A_651, %dma_wait3A_652] : memref<512x16xf32, #tpu.memory_space<vmem>> -> memref<128x16xf32, #tpu.memory_space<vmem>>
          %dma_wait3A_654 = arith.constant 0 : i32
          %dma_wait3A_655 = arith.constant 0 : i32
          %dma_wait3A_656 = arith.constant 0 : i32
          %dma_wait3A_657 = tpu.memref_slice %run_scoped3A_76[%rem3A_453, %dma_wait3A_654, %dma_wait3A_655, %dma_wait3A_656] : memref<2x1x4x128xi32, #tpu.memory_space<vmem>> -> memref<1x1x4x128xi32, #tpu.memory_space<vmem>>
          %dma_wait3A_658 = tpu.memref_squeeze %dma_wait3A_657 : memref<1x1x4x128xi32, #tpu.memory_space<vmem>> -> memref<1x4x128xi32, #tpu.memory_space<vmem>>
          %dma_wait3A_659 = arith.constant 0 : i32
          %dma_wait3A_660 = tpu.memref_slice %dma_wait3A_658[%dma_wait3A_649, %dma_wait3A_650, %dma_wait3A_659] : memref<1x4x128xi32, #tpu.memory_space<vmem>> -> memref<1x1x128xi32, #tpu.memory_space<vmem>>
          %dma_wait3A_661 = tpu.memref_squeeze %dma_wait3A_660 : memref<1x1x128xi32, #tpu.memory_space<vmem>> -> memref<128xi32, #tpu.memory_space<vmem>>
          %dma_wait3A_662 = arith.constant 0 : i32
          %dma_wait3A_663 = arith.constant 0 : i32
          %dma_wait3A_664 = tpu.memref_slice %arg12[%dma_wait3A_662, %dma_wait3A_663] : memref<10240x16xf32, #tpu.memory_space<vmem_shared>> -> memref<10240x16xf32, #tpu.memory_space<vmem_shared>>
          tpu.wait_indirect_dma semaphore(%arg19 : memref<!tpu.dma_semaphore, #tpu.memory_space<semaphore_mem>>) src(%dma_wait3A_664 : memref<10240x16xf32, #tpu.memory_space<vmem_shared>>) dst(%dma_wait3A_653 : memref<128x16xf32, #tpu.memory_space<vmem>>)
          %dma_wait3A_665 = arith.constant 0 : i32
          %dma_wait3A_666 = arith.constant 2 : i32
          %dma_wait3A_667 = arith.constant 256 : i32
          %dma_wait3A_668 = arith.constant 0 : i32
          %dma_wait3A_669 = tpu.memref_slice %arg15[%dma_wait3A_667, %dma_wait3A_668] : memref<512x16xf32, #tpu.memory_space<vmem>> -> memref<128x16xf32, #tpu.memory_space<vmem>>
          %dma_wait3A_670 = arith.constant 0 : i32
          %dma_wait3A_671 = arith.constant 0 : i32
          %dma_wait3A_672 = arith.constant 0 : i32
          %dma_wait3A_673 = tpu.memref_slice %run_scoped3A_78[%rem3A_455, %dma_wait3A_670, %dma_wait3A_671, %dma_wait3A_672] : memref<2x1x4x128xi32, #tpu.memory_space<vmem>> -> memref<1x1x4x128xi32, #tpu.memory_space<vmem>>
          %dma_wait3A_674 = tpu.memref_squeeze %dma_wait3A_673 : memref<1x1x4x128xi32, #tpu.memory_space<vmem>> -> memref<1x4x128xi32, #tpu.memory_space<vmem>>
          %dma_wait3A_675 = arith.constant 0 : i32
          %dma_wait3A_676 = tpu.memref_slice %dma_wait3A_674[%dma_wait3A_665, %dma_wait3A_666, %dma_wait3A_675] : memref<1x4x128xi32, #tpu.memory_space<vmem>> -> memref<1x1x128xi32, #tpu.memory_space<vmem>>
          %dma_wait3A_677 = tpu.memref_squeeze %dma_wait3A_676 : memref<1x1x128xi32, #tpu.memory_space<vmem>> -> memref<128xi32, #tpu.memory_space<vmem>>
          %dma_wait3A_678 = arith.constant 0 : i32
          %dma_wait3A_679 = arith.constant 0 : i32
          %dma_wait3A_680 = tpu.memref_slice %arg13[%dma_wait3A_678, %dma_wait3A_679] : memref<10240x16xf32, #tpu.memory_space<vmem_shared>> -> memref<10240x16xf32, #tpu.memory_space<vmem_shared>>
          tpu.wait_indirect_dma semaphore(%arg19 : memref<!tpu.dma_semaphore, #tpu.memory_space<semaphore_mem>>) src(%dma_wait3A_680 : memref<10240x16xf32, #tpu.memory_space<vmem_shared>>) dst(%dma_wait3A_669 : memref<128x16xf32, #tpu.memory_space<vmem>>)
          %dma_wait3A_681 = arith.constant 0 : i32
          %dma_wait3A_682 = arith.constant 3 : i32
          %dma_wait3A_683 = arith.constant 384 : i32
          %dma_wait3A_684 = arith.constant 0 : i32
          %dma_wait3A_685 = tpu.memref_slice %arg14[%dma_wait3A_683, %dma_wait3A_684] : memref<512x16xf32, #tpu.memory_space<vmem>> -> memref<128x16xf32, #tpu.memory_space<vmem>>
          %dma_wait3A_686 = arith.constant 0 : i32
          %dma_wait3A_687 = arith.constant 0 : i32
          %dma_wait3A_688 = arith.constant 0 : i32
          %dma_wait3A_689 = tpu.memref_slice %run_scoped3A_76[%rem3A_453, %dma_wait3A_686, %dma_wait3A_687, %dma_wait3A_688] : memref<2x1x4x128xi32, #tpu.memory_space<vmem>> -> memref<1x1x4x128xi32, #tpu.memory_space<vmem>>
          %dma_wait3A_690 = tpu.memref_squeeze %dma_wait3A_689 : memref<1x1x4x128xi32, #tpu.memory_space<vmem>> -> memref<1x4x128xi32, #tpu.memory_space<vmem>>
          %dma_wait3A_691 = arith.constant 0 : i32
          %dma_wait3A_692 = tpu.memref_slice %dma_wait3A_690[%dma_wait3A_681, %dma_wait3A_682, %dma_wait3A_691] : memref<1x4x128xi32, #tpu.memory_space<vmem>> -> memref<1x1x128xi32, #tpu.memory_space<vmem>>
          %dma_wait3A_693 = tpu.memref_squeeze %dma_wait3A_692 : memref<1x1x128xi32, #tpu.memory_space<vmem>> -> memref<128xi32, #tpu.memory_space<vmem>>
          %dma_wait3A_694 = arith.constant 0 : i32
          %dma_wait3A_695 = arith.constant 0 : i32
          %dma_wait3A_696 = tpu.memref_slice %arg12[%dma_wait3A_694, %dma_wait3A_695] : memref<10240x16xf32, #tpu.memory_space<vmem_shared>> -> memref<10240x16xf32, #tpu.memory_space<vmem_shared>>
          tpu.wait_indirect_dma semaphore(%arg19 : memref<!tpu.dma_semaphore, #tpu.memory_space<semaphore_mem>>) src(%dma_wait3A_696 : memref<10240x16xf32, #tpu.memory_space<vmem_shared>>) dst(%dma_wait3A_685 : memref<128x16xf32, #tpu.memory_space<vmem>>)
          %dma_wait3A_697 = arith.constant 0 : i32
          %dma_wait3A_698 = arith.constant 3 : i32
          %dma_wait3A_699 = arith.constant 384 : i32
          %dma_wait3A_700 = arith.constant 0 : i32
          %dma_wait3A_701 = tpu.memref_slice %arg15[%dma_wait3A_699, %dma_wait3A_700] : memref<512x16xf32, #tpu.memory_space<vmem>> -> memref<128x16xf32, #tpu.memory_space<vmem>>
          %dma_wait3A_702 = arith.constant 0 : i32
          %dma_wait3A_703 = arith.constant 0 : i32
          %dma_wait3A_704 = arith.constant 0 : i32
          %dma_wait3A_705 = tpu.memref_slice %run_scoped3A_78[%rem3A_455, %dma_wait3A_702, %dma_wait3A_703, %dma_wait3A_704] : memref<2x1x4x128xi32, #tpu.memory_space<vmem>> -> memref<1x1x4x128xi32, #tpu.memory_space<vmem>>
          %dma_wait3A_706 = tpu.memref_squeeze %dma_wait3A_705 : memref<1x1x4x128xi32, #tpu.memory_space<vmem>> -> memref<1x4x128xi32, #tpu.memory_space<vmem>>
          %dma_wait3A_707 = arith.constant 0 : i32
          %dma_wait3A_708 = tpu.memref_slice %dma_wait3A_706[%dma_wait3A_697, %dma_wait3A_698, %dma_wait3A_707] : memref<1x4x128xi32, #tpu.memory_space<vmem>> -> memref<1x1x128xi32, #tpu.memory_space<vmem>>
          %dma_wait3A_709 = tpu.memref_squeeze %dma_wait3A_708 : memref<1x1x128xi32, #tpu.memory_space<vmem>> -> memref<128xi32, #tpu.memory_space<vmem>>
          %dma_wait3A_710 = arith.constant 0 : i32
          %dma_wait3A_711 = arith.constant 0 : i32
          %dma_wait3A_712 = tpu.memref_slice %arg13[%dma_wait3A_710, %dma_wait3A_711] : memref<10240x16xf32, #tpu.memory_space<vmem_shared>> -> memref<10240x16xf32, #tpu.memory_space<vmem_shared>>
          tpu.wait_indirect_dma semaphore(%arg19 : memref<!tpu.dma_semaphore, #tpu.memory_space<semaphore_mem>>) src(%dma_wait3A_712 : memref<10240x16xf32, #tpu.memory_space<vmem_shared>>) dst(%dma_wait3A_701 : memref<128x16xf32, #tpu.memory_space<vmem>>)
          %broadcast_in_dim3A = arith.constant 0 : i32
          %broadcast_in_dim3A_713 = vector.broadcast %broadcast_in_dim3A : i32 to vector<16xi32>
          %scan3A_714 = arith.constant 0 : i32
          %scan3A_715 = arith.constant 128 : i32
          %scan3A_716 = arith.addi %scan3A_714, %scan3A_715 : i32
          %scan3A_717 = arith.constant 1 : i32
          scf.for %scan3A_1130 = %scan3A_714 to %scan3A_716 step %scan3A_717  : i32 {
            %mul3A_1131 = arith.constant 1 : i32
            %mul3A_1132 = arith.muli %scan3A_1130, %mul3A_1131 : i32
            %add3A_1133 = arith.constant 0 : i32
            %add3A_1134 = arith.addi %add3A_1133, %mul3A_1132 : i32
            %add3A_1135 = arith.constant 0 : i32
            %add3A_1136 = arith.addi %add3A_1135, %add3A_1134 : i32
            %broadcast_in_dim3A_1137 = vector.broadcast %add3A_1134 : i32 to vector<16xi32>
            %gather3A = arith.constant 0 : i32
            %gather3A_1138 = arith.constant 0 : i32
            %gather3A_1139 = arith.constant 0 : i32
            %gather3A_1140 = arith.constant 0 : i32
            %gather3A_1141 = tpu.memref_slice %run_scoped3A[%rem3A_451, %gather3A, %gather3A_1138, %gather3A_1139, %gather3A_1140] : memref<2x2x4x8x128xf32, #tpu.memory_space<vmem>> -> memref<1x2x4x8x128xf32, #tpu.memory_space<vmem>>
            %gather3A_1142 = tpu.memref_squeeze %gather3A_1141 : memref<1x2x4x8x128xf32, #tpu.memory_space<vmem>> -> memref<2x4x8x128xf32, #tpu.memory_space<vmem>>
            %gather3A_1143 = tpu.vector_load_idx %gather3A_1142[%select_n3A, %broadcast_in_dim3A_713, %select_n3A_41, %broadcast_in_dim3A_1137] : memref<2x4x8x128xf32, #tpu.memory_space<vmem>>[vector<16xi32>, vector<16xi32>, vector<16xi32>, vector<16xi32>], vector<16xf32>,
            %get3A = arith.index_cast %add3A_1136 : i32 to index
            %get3A_1144 = arith.constant 0 : index
            %get3A_1145 = tpu.vector_load %arg14[%get3A, %get3A_1144] {strides = array<i32>} : memref<512x16xf32, #tpu.memory_space<vmem>>, vector<16xf32>,
            %add3A_1146 = arith.addf %gather3A_1143, %get3A_1145 : vector<16xf32>
            %get3A_1147 = arith.index_cast %add3A_1136 : i32 to index
            %get3A_1148 = arith.constant 0 : index
            %get3A_1149 = tpu.vector_load %arg15[%get3A_1147, %get3A_1148] {strides = array<i32>} : memref<512x16xf32, #tpu.memory_space<vmem>>, vector<16xf32>,
            %add3A_1150 = arith.addf %add3A_1146, %get3A_1149 : vector<16xf32>
            %swap3A = arith.index_cast %add3A_1136 : i32 to index
            %swap3A_1151 = arith.constant 0 : index
            %swap3A_1152 = tpu.vector_load %arg16[%swap3A, %swap3A_1151] {strides = array<i32>} : memref<512x16xf32, #tpu.memory_space<vmem>>, vector<16xf32>,
            tpu.vector_store %arg16[%swap3A, %swap3A_1151], %add3A_1150 {strides = array<i32>} : memref<512x16xf32, #tpu.memory_space<vmem>>, vector<16xf32>,
            %scatter3A = arith.constant 0 : i32
            %scatter3A_1153 = arith.constant 0 : i32
            %scatter3A_1154 = arith.constant 0 : i32
            %scatter3A_1155 = arith.constant 0 : i32
            %scatter3A_1156 = tpu.memref_slice %run_scoped3A_80[%rem3A_457, %scatter3A, %scatter3A_1153, %scatter3A_1154, %scatter3A_1155] : memref<2x2x4x8x128xf32, #tpu.memory_space<vmem>> -> memref<1x2x4x8x128xf32, #tpu.memory_space<vmem>>
            %scatter3A_1157 = tpu.memref_squeeze %scatter3A_1156 : memref<1x2x4x8x128xf32, #tpu.memory_space<vmem>> -> memref<2x4x8x128xf32, #tpu.memory_space<vmem>>
            tpu.vector_store_idx %scatter3A_1157[%select_n3A, %broadcast_in_dim3A_713, %select_n3A_41, %broadcast_in_dim3A_1137], %add3A_1150 : memref<2x4x8x128xf32, #tpu.memory_space<vmem>>[vector<16xi32>, vector<16xi32>, vector<16xi32>, vector<16xi32>], vector<16xf32>,
          }
          %scan3A_718 = arith.constant 128 : i32
          %broadcast_in_dim3A_719 = arith.constant 1 : i32
          %broadcast_in_dim3A_720 = vector.broadcast %broadcast_in_dim3A_719 : i32 to vector<16xi32>
          %scan3A_721 = arith.constant 0 : i32
          %scan3A_722 = arith.constant 128 : i32
          %scan3A_723 = arith.addi %scan3A_721, %scan3A_722 : i32
          %scan3A_724 = arith.constant 1 : i32
          scf.for %scan3A_1130 = %scan3A_721 to %scan3A_723 step %scan3A_724  : i32 {
            %mul3A_1131 = arith.constant 1 : i32
            %mul3A_1132 = arith.muli %scan3A_1130, %mul3A_1131 : i32
            %add3A_1133 = arith.constant 0 : i32
            %add3A_1134 = arith.addi %add3A_1133, %mul3A_1132 : i32
            %add3A_1135 = arith.constant 128 : i32
            %add3A_1136 = arith.addi %add3A_1135, %add3A_1134 : i32
            %broadcast_in_dim3A_1137 = vector.broadcast %add3A_1134 : i32 to vector<16xi32>
            %gather3A = arith.constant 0 : i32
            %gather3A_1138 = arith.constant 0 : i32
            %gather3A_1139 = arith.constant 0 : i32
            %gather3A_1140 = arith.constant 0 : i32
            %gather3A_1141 = tpu.memref_slice %run_scoped3A[%rem3A_451, %gather3A, %gather3A_1138, %gather3A_1139, %gather3A_1140] : memref<2x2x4x8x128xf32, #tpu.memory_space<vmem>> -> memref<1x2x4x8x128xf32, #tpu.memory_space<vmem>>
            %gather3A_1142 = tpu.memref_squeeze %gather3A_1141 : memref<1x2x4x8x128xf32, #tpu.memory_space<vmem>> -> memref<2x4x8x128xf32, #tpu.memory_space<vmem>>
            %gather3A_1143 = tpu.vector_load_idx %gather3A_1142[%select_n3A, %broadcast_in_dim3A_720, %select_n3A_41, %broadcast_in_dim3A_1137] : memref<2x4x8x128xf32, #tpu.memory_space<vmem>>[vector<16xi32>, vector<16xi32>, vector<16xi32>, vector<16xi32>], vector<16xf32>,
            %get3A = arith.index_cast %add3A_1136 : i32 to index
            %get3A_1144 = arith.constant 0 : index
            %get3A_1145 = tpu.vector_load %arg14[%get3A, %get3A_1144] {strides = array<i32>} : memref<512x16xf32, #tpu.memory_space<vmem>>, vector<16xf32>,
            %add3A_1146 = arith.addf %gather3A_1143, %get3A_1145 : vector<16xf32>
            %get3A_1147 = arith.index_cast %add3A_1136 : i32 to index
            %get3A_1148 = arith.constant 0 : index
            %get3A_1149 = tpu.vector_load %arg15[%get3A_1147, %get3A_1148] {strides = array<i32>} : memref<512x16xf32, #tpu.memory_space<vmem>>, vector<16xf32>,
            %add3A_1150 = arith.addf %add3A_1146, %get3A_1149 : vector<16xf32>
            %swap3A = arith.index_cast %add3A_1136 : i32 to index
            %swap3A_1151 = arith.constant 0 : index
            %swap3A_1152 = tpu.vector_load %arg16[%swap3A, %swap3A_1151] {strides = array<i32>} : memref<512x16xf32, #tpu.memory_space<vmem>>, vector<16xf32>,
            tpu.vector_store %arg16[%swap3A, %swap3A_1151], %add3A_1150 {strides = array<i32>} : memref<512x16xf32, #tpu.memory_space<vmem>>, vector<16xf32>,
            %scatter3A = arith.constant 0 : i32
            %scatter3A_1153 = arith.constant 0 : i32
            %scatter3A_1154 = arith.constant 0 : i32
            %scatter3A_1155 = arith.constant 0 : i32
            %scatter3A_1156 = tpu.memref_slice %run_scoped3A_80[%rem3A_457, %scatter3A, %scatter3A_1153, %scatter3A_1154, %scatter3A_1155] : memref<2x2x4x8x128xf32, #tpu.memory_space<vmem>> -> memref<1x2x4x8x128xf32, #tpu.memory_space<vmem>>
            %scatter3A_1157 = tpu.memref_squeeze %scatter3A_1156 : memref<1x2x4x8x128xf32, #tpu.memory_space<vmem>> -> memref<2x4x8x128xf32, #tpu.memory_space<vmem>>
            tpu.vector_store_idx %scatter3A_1157[%select_n3A, %broadcast_in_dim3A_720, %select_n3A_41, %broadcast_in_dim3A_1137], %add3A_1150 : memref<2x4x8x128xf32, #tpu.memory_space<vmem>>[vector<16xi32>, vector<16xi32>, vector<16xi32>, vector<16xi32>], vector<16xf32>,
          }
          %scan3A_725 = arith.constant 128 : i32
          %broadcast_in_dim3A_726 = arith.constant 2 : i32
          %broadcast_in_dim3A_727 = vector.broadcast %broadcast_in_dim3A_726 : i32 to vector<16xi32>
          %scan3A_728 = arith.constant 0 : i32
          %scan3A_729 = arith.constant 128 : i32
          %scan3A_730 = arith.addi %scan3A_728, %scan3A_729 : i32
          %scan3A_731 = arith.constant 1 : i32
          scf.for %scan3A_1130 = %scan3A_728 to %scan3A_730 step %scan3A_731  : i32 {
            %mul3A_1131 = arith.constant 1 : i32
            %mul3A_1132 = arith.muli %scan3A_1130, %mul3A_1131 : i32
            %add3A_1133 = arith.constant 0 : i32
            %add3A_1134 = arith.addi %add3A_1133, %mul3A_1132 : i32
            %add3A_1135 = arith.constant 256 : i32
            %add3A_1136 = arith.addi %add3A_1135, %add3A_1134 : i32
            %broadcast_in_dim3A_1137 = vector.broadcast %add3A_1134 : i32 to vector<16xi32>
            %gather3A = arith.constant 0 : i32
            %gather3A_1138 = arith.constant 0 : i32
            %gather3A_1139 = arith.constant 0 : i32
            %gather3A_1140 = arith.constant 0 : i32
            %gather3A_1141 = tpu.memref_slice %run_scoped3A[%rem3A_451, %gather3A, %gather3A_1138, %gather3A_1139, %gather3A_1140] : memref<2x2x4x8x128xf32, #tpu.memory_space<vmem>> -> memref<1x2x4x8x128xf32, #tpu.memory_space<vmem>>
            %gather3A_1142 = tpu.memref_squeeze %gather3A_1141 : memref<1x2x4x8x128xf32, #tpu.memory_space<vmem>> -> memref<2x4x8x128xf32, #tpu.memory_space<vmem>>
            %gather3A_1143 = tpu.vector_load_idx %gather3A_1142[%select_n3A, %broadcast_in_dim3A_727, %select_n3A_41, %broadcast_in_dim3A_1137] : memref<2x4x8x128xf32, #tpu.memory_space<vmem>>[vector<16xi32>, vector<16xi32>, vector<16xi32>, vector<16xi32>], vector<16xf32>,
            %get3A = arith.index_cast %add3A_1136 : i32 to index
            %get3A_1144 = arith.constant 0 : index
            %get3A_1145 = tpu.vector_load %arg14[%get3A, %get3A_1144] {strides = array<i32>} : memref<512x16xf32, #tpu.memory_space<vmem>>, vector<16xf32>,
            %add3A_1146 = arith.addf %gather3A_1143, %get3A_1145 : vector<16xf32>
            %get3A_1147 = arith.index_cast %add3A_1136 : i32 to index
            %get3A_1148 = arith.constant 0 : index
            %get3A_1149 = tpu.vector_load %arg15[%get3A_1147, %get3A_1148] {strides = array<i32>} : memref<512x16xf32, #tpu.memory_space<vmem>>, vector<16xf32>,
            %add3A_1150 = arith.addf %add3A_1146, %get3A_1149 : vector<16xf32>
            %swap3A = arith.index_cast %add3A_1136 : i32 to index
            %swap3A_1151 = arith.constant 0 : index
            %swap3A_1152 = tpu.vector_load %arg16[%swap3A, %swap3A_1151] {strides = array<i32>} : memref<512x16xf32, #tpu.memory_space<vmem>>, vector<16xf32>,
            tpu.vector_store %arg16[%swap3A, %swap3A_1151], %add3A_1150 {strides = array<i32>} : memref<512x16xf32, #tpu.memory_space<vmem>>, vector<16xf32>,
            %scatter3A = arith.constant 0 : i32
            %scatter3A_1153 = arith.constant 0 : i32
            %scatter3A_1154 = arith.constant 0 : i32
            %scatter3A_1155 = arith.constant 0 : i32
            %scatter3A_1156 = tpu.memref_slice %run_scoped3A_80[%rem3A_457, %scatter3A, %scatter3A_1153, %scatter3A_1154, %scatter3A_1155] : memref<2x2x4x8x128xf32, #tpu.memory_space<vmem>> -> memref<1x2x4x8x128xf32, #tpu.memory_space<vmem>>
            %scatter3A_1157 = tpu.memref_squeeze %scatter3A_1156 : memref<1x2x4x8x128xf32, #tpu.memory_space<vmem>> -> memref<2x4x8x128xf32, #tpu.memory_space<vmem>>
            tpu.vector_store_idx %scatter3A_1157[%select_n3A, %broadcast_in_dim3A_727, %select_n3A_41, %broadcast_in_dim3A_1137], %add3A_1150 : memref<2x4x8x128xf32, #tpu.memory_space<vmem>>[vector<16xi32>, vector<16xi32>, vector<16xi32>, vector<16xi32>], vector<16xf32>,
          }
          %scan3A_732 = arith.constant 128 : i32
          %broadcast_in_dim3A_733 = arith.constant 3 : i32
          %broadcast_in_dim3A_734 = vector.broadcast %broadcast_in_dim3A_733 : i32 to vector<16xi32>
          %scan3A_735 = arith.constant 0 : i32
          %scan3A_736 = arith.constant 128 : i32
          %scan3A_737 = arith.addi %scan3A_735, %scan3A_736 : i32
          %scan3A_738 = arith.constant 1 : i32
          scf.for %scan3A_1130 = %scan3A_735 to %scan3A_737 step %scan3A_738  : i32 {
            %mul3A_1131 = arith.constant 1 : i32
            %mul3A_1132 = arith.muli %scan3A_1130, %mul3A_1131 : i32
            %add3A_1133 = arith.constant 0 : i32
            %add3A_1134 = arith.addi %add3A_1133, %mul3A_1132 : i32
            %add3A_1135 = arith.constant 384 : i32
            %add3A_1136 = arith.addi %add3A_1135, %add3A_1134 : i32
            %broadcast_in_dim3A_1137 = vector.broadcast %add3A_1134 : i32 to vector<16xi32>
            %gather3A = arith.constant 0 : i32
            %gather3A_1138 = arith.constant 0 : i32
            %gather3A_1139 = arith.constant 0 : i32
            %gather3A_1140 = arith.constant 0 : i32
            %gather3A_1141 = tpu.memref_slice %run_scoped3A[%rem3A_451, %gather3A, %gather3A_1138, %gather3A_1139, %gather3A_1140] : memref<2x2x4x8x128xf32, #tpu.memory_space<vmem>> -> memref<1x2x4x8x128xf32, #tpu.memory_space<vmem>>
            %gather3A_1142 = tpu.memref_squeeze %gather3A_1141 : memref<1x2x4x8x128xf32, #tpu.memory_space<vmem>> -> memref<2x4x8x128xf32, #tpu.memory_space<vmem>>
            %gather3A_1143 = tpu.vector_load_idx %gather3A_1142[%select_n3A, %broadcast_in_dim3A_734, %select_n3A_41, %broadcast_in_dim3A_1137] : memref<2x4x8x128xf32, #tpu.memory_space<vmem>>[vector<16xi32>, vector<16xi32>, vector<16xi32>, vector<16xi32>], vector<16xf32>,
            %get3A = arith.index_cast %add3A_1136 : i32 to index
            %get3A_1144 = arith.constant 0 : index
            %get3A_1145 = tpu.vector_load %arg14[%get3A, %get3A_1144] {strides = array<i32>} : memref<512x16xf32, #tpu.memory_space<vmem>>, vector<16xf32>,
            %add3A_1146 = arith.addf %gather3A_1143, %get3A_1145 : vector<16xf32>
            %get3A_1147 = arith.index_cast %add3A_1136 : i32 to index
            %get3A_1148 = arith.constant 0 : index
            %get3A_1149 = tpu.vector_load %arg15[%get3A_1147, %get3A_1148] {strides = array<i32>} : memref<512x16xf32, #tpu.memory_space<vmem>>, vector<16xf32>,
            %add3A_1150 = arith.addf %add3A_1146, %get3A_1149 : vector<16xf32>
            %swap3A = arith.index_cast %add3A_1136 : i32 to index
            %swap3A_1151 = arith.constant 0 : index
            %swap3A_1152 = tpu.vector_load %arg16[%swap3A, %swap3A_1151] {strides = array<i32>} : memref<512x16xf32, #tpu.memory_space<vmem>>, vector<16xf32>,
            tpu.vector_store %arg16[%swap3A, %swap3A_1151], %add3A_1150 {strides = array<i32>} : memref<512x16xf32, #tpu.memory_space<vmem>>, vector<16xf32>,
            %scatter3A = arith.constant 0 : i32
            %scatter3A_1153 = arith.constant 0 : i32
            %scatter3A_1154 = arith.constant 0 : i32
            %scatter3A_1155 = arith.constant 0 : i32
            %scatter3A_1156 = tpu.memref_slice %run_scoped3A_80[%rem3A_457, %scatter3A, %scatter3A_1153, %scatter3A_1154, %scatter3A_1155] : memref<2x2x4x8x128xf32, #tpu.memory_space<vmem>> -> memref<1x2x4x8x128xf32, #tpu.memory_space<vmem>>
            %scatter3A_1157 = tpu.memref_squeeze %scatter3A_1156 : memref<1x2x4x8x128xf32, #tpu.memory_space<vmem>> -> memref<2x4x8x128xf32, #tpu.memory_space<vmem>>
            tpu.vector_store_idx %scatter3A_1157[%select_n3A, %broadcast_in_dim3A_734, %select_n3A_41, %broadcast_in_dim3A_1137], %add3A_1150 : memref<2x4x8x128xf32, #tpu.memory_space<vmem>>[vector<16xi32>, vector<16xi32>, vector<16xi32>, vector<16xi32>], vector<16xf32>,
          }
          %scan3A_739 = arith.constant 128 : i32
          %dma_start3A_740 = arith.constant 0 : i32
          %dma_start3A_741 = arith.constant 0 : i32
          %dma_start3A_742 = arith.constant 0 : i32
          %dma_start3A_743 = arith.constant 0 : i32
          %dma_start3A_744 = tpu.memref_slice %arg16[%dma_start3A_742, %dma_start3A_743] : memref<512x16xf32, #tpu.memory_space<vmem>> -> memref<128x16xf32, #tpu.memory_space<vmem>>
          %dma_start3A_745 = arith.constant 0 : i32
          %dma_start3A_746 = arith.constant 0 : i32
          %dma_start3A_747 = arith.constant 0 : i32
          %dma_start3A_748 = tpu.memref_slice %run_scoped3A_76[%rem3A_453, %dma_start3A_745, %dma_start3A_746, %dma_start3A_747] : memref<2x1x4x128xi32, #tpu.memory_space<vmem>> -> memref<1x1x4x128xi32, #tpu.memory_space<vmem>>
          %dma_start3A_749 = tpu.memref_squeeze %dma_start3A_748 : memref<1x1x4x128xi32, #tpu.memory_space<vmem>> -> memref<1x4x128xi32, #tpu.memory_space<vmem>>
          %dma_start3A_750 = arith.constant 0 : i32
          %dma_start3A_751 = tpu.memref_slice %dma_start3A_749[%dma_start3A_740, %dma_start3A_741, %dma_start3A_750] : memref<1x4x128xi32, #tpu.memory_space<vmem>> -> memref<1x1x128xi32, #tpu.memory_space<vmem>>
          %dma_start3A_752 = tpu.memref_squeeze %dma_start3A_751 : memref<1x1x128xi32, #tpu.memory_space<vmem>> -> memref<128xi32, #tpu.memory_space<vmem>>
          %dma_start3A_753 = arith.constant 0 : i32
          %dma_start3A_754 = arith.constant 0 : i32
          %dma_start3A_755 = tpu.memref_slice %arg10[%dma_start3A_753, %dma_start3A_754] : memref<10240x16xf32, #tpu.memory_space<vmem_shared>> -> memref<10240x16xf32, #tpu.memory_space<vmem_shared>>
          tpu.enqueue_indirect_dma source(%dma_start3A_744 : memref<128x16xf32, #tpu.memory_space<vmem>>) target(%dma_start3A_755 : memref<10240x16xf32, #tpu.memory_space<vmem_shared>>) offsets(%dma_start3A_752 : memref<128xi32, #tpu.memory_space<vmem>>) semaphore(%arg20 : memref<!tpu.dma_semaphore, #tpu.memory_space<semaphore_mem>>) {add = true}
          %dma_start3A_756 = arith.constant 0 : i32
          %dma_start3A_757 = arith.constant 0 : i32
          %dma_start3A_758 = arith.constant 0 : i32
          %dma_start3A_759 = arith.constant 0 : i32
          %dma_start3A_760 = arith.constant 0 : i32
          %dma_start3A_761 = tpu.memref_slice %run_scoped3A_76[%rem3A_453, %dma_start3A_758, %dma_start3A_759, %dma_start3A_760] : memref<2x1x4x128xi32, #tpu.memory_space<vmem>> -> memref<1x1x4x128xi32, #tpu.memory_space<vmem>>
          %dma_start3A_762 = tpu.memref_squeeze %dma_start3A_761 : memref<1x1x4x128xi32, #tpu.memory_space<vmem>> -> memref<1x4x128xi32, #tpu.memory_space<vmem>>
          %dma_start3A_763 = arith.constant 0 : i32
          %dma_start3A_764 = tpu.memref_slice %dma_start3A_762[%dma_start3A_756, %dma_start3A_757, %dma_start3A_763] : memref<1x4x128xi32, #tpu.memory_space<vmem>> -> memref<1x1x128xi32, #tpu.memory_space<vmem>>
          %dma_start3A_765 = tpu.memref_squeeze %dma_start3A_764 : memref<1x1x128xi32, #tpu.memory_space<vmem>> -> memref<128xi32, #tpu.memory_space<vmem>>
          %dma_start3A_766 = arith.constant 0 : i32
          %dma_start3A_767 = arith.constant 0 : i32
          %dma_start3A_768 = tpu.memref_slice %arg11[%dma_start3A_766, %dma_start3A_767] : memref<10240x16xf32, #tpu.memory_space<vmem_shared>> -> memref<10240x16xf32, #tpu.memory_space<vmem_shared>>
          tpu.enqueue_indirect_dma source(%arg17 : memref<128x16xf32, #tpu.memory_space<vmem>>) target(%dma_start3A_768 : memref<10240x16xf32, #tpu.memory_space<vmem_shared>>) offsets(%dma_start3A_765 : memref<128xi32, #tpu.memory_space<vmem>>) semaphore(%arg20 : memref<!tpu.dma_semaphore, #tpu.memory_space<semaphore_mem>>) {add = true}
          %dma_start3A_769 = arith.constant 0 : i32
          %dma_start3A_770 = arith.constant 1 : i32
          %dma_start3A_771 = arith.constant 128 : i32
          %dma_start3A_772 = arith.constant 0 : i32
          %dma_start3A_773 = tpu.memref_slice %arg16[%dma_start3A_771, %dma_start3A_772] : memref<512x16xf32, #tpu.memory_space<vmem>> -> memref<128x16xf32, #tpu.memory_space<vmem>>
          %dma_start3A_774 = arith.constant 0 : i32
          %dma_start3A_775 = arith.constant 0 : i32
          %dma_start3A_776 = arith.constant 0 : i32
          %dma_start3A_777 = tpu.memref_slice %run_scoped3A_76[%rem3A_453, %dma_start3A_774, %dma_start3A_775, %dma_start3A_776] : memref<2x1x4x128xi32, #tpu.memory_space<vmem>> -> memref<1x1x4x128xi32, #tpu.memory_space<vmem>>
          %dma_start3A_778 = tpu.memref_squeeze %dma_start3A_777 : memref<1x1x4x128xi32, #tpu.memory_space<vmem>> -> memref<1x4x128xi32, #tpu.memory_space<vmem>>
          %dma_start3A_779 = arith.constant 0 : i32
          %dma_start3A_780 = tpu.memref_slice %dma_start3A_778[%dma_start3A_769, %dma_start3A_770, %dma_start3A_779] : memref<1x4x128xi32, #tpu.memory_space<vmem>> -> memref<1x1x128xi32, #tpu.memory_space<vmem>>
          %dma_start3A_781 = tpu.memref_squeeze %dma_start3A_780 : memref<1x1x128xi32, #tpu.memory_space<vmem>> -> memref<128xi32, #tpu.memory_space<vmem>>
          %dma_start3A_782 = arith.constant 0 : i32
          %dma_start3A_783 = arith.constant 0 : i32
          %dma_start3A_784 = tpu.memref_slice %arg10[%dma_start3A_782, %dma_start3A_783] : memref<10240x16xf32, #tpu.memory_space<vmem_shared>> -> memref<10240x16xf32, #tpu.memory_space<vmem_shared>>
          tpu.enqueue_indirect_dma source(%dma_start3A_773 : memref<128x16xf32, #tpu.memory_space<vmem>>) target(%dma_start3A_784 : memref<10240x16xf32, #tpu.memory_space<vmem_shared>>) offsets(%dma_start3A_781 : memref<128xi32, #tpu.memory_space<vmem>>) semaphore(%arg20 : memref<!tpu.dma_semaphore, #tpu.memory_space<semaphore_mem>>) {add = true}
          %dma_start3A_785 = arith.constant 0 : i32
          %dma_start3A_786 = arith.constant 1 : i32
          %dma_start3A_787 = arith.constant 0 : i32
          %dma_start3A_788 = arith.constant 0 : i32
          %dma_start3A_789 = arith.constant 0 : i32
          %dma_start3A_790 = tpu.memref_slice %run_scoped3A_76[%rem3A_453, %dma_start3A_787, %dma_start3A_788, %dma_start3A_789] : memref<2x1x4x128xi32, #tpu.memory_space<vmem>> -> memref<1x1x4x128xi32, #tpu.memory_space<vmem>>
          %dma_start3A_791 = tpu.memref_squeeze %dma_start3A_790 : memref<1x1x4x128xi32, #tpu.memory_space<vmem>> -> memref<1x4x128xi32, #tpu.memory_space<vmem>>
          %dma_start3A_792 = arith.constant 0 : i32
          %dma_start3A_793 = tpu.memref_slice %dma_start3A_791[%dma_start3A_785, %dma_start3A_786, %dma_start3A_792] : memref<1x4x128xi32, #tpu.memory_space<vmem>> -> memref<1x1x128xi32, #tpu.memory_space<vmem>>
          %dma_start3A_794 = tpu.memref_squeeze %dma_start3A_793 : memref<1x1x128xi32, #tpu.memory_space<vmem>> -> memref<128xi32, #tpu.memory_space<vmem>>
          %dma_start3A_795 = arith.constant 0 : i32
          %dma_start3A_796 = arith.constant 0 : i32
          %dma_start3A_797 = tpu.memref_slice %arg11[%dma_start3A_795, %dma_start3A_796] : memref<10240x16xf32, #tpu.memory_space<vmem_shared>> -> memref<10240x16xf32, #tpu.memory_space<vmem_shared>>
          tpu.enqueue_indirect_dma source(%arg17 : memref<128x16xf32, #tpu.memory_space<vmem>>) target(%dma_start3A_797 : memref<10240x16xf32, #tpu.memory_space<vmem_shared>>) offsets(%dma_start3A_794 : memref<128xi32, #tpu.memory_space<vmem>>) semaphore(%arg20 : memref<!tpu.dma_semaphore, #tpu.memory_space<semaphore_mem>>) {add = true}
          %dma_start3A_798 = arith.constant 0 : i32
          %dma_start3A_799 = arith.constant 2 : i32
          %dma_start3A_800 = arith.constant 256 : i32
          %dma_start3A_801 = arith.constant 0 : i32
          %dma_start3A_802 = tpu.memref_slice %arg16[%dma_start3A_800, %dma_start3A_801] : memref<512x16xf32, #tpu.memory_space<vmem>> -> memref<128x16xf32, #tpu.memory_space<vmem>>
          %dma_start3A_803 = arith.constant 0 : i32
          %dma_start3A_804 = arith.constant 0 : i32
          %dma_start3A_805 = arith.constant 0 : i32
          %dma_start3A_806 = tpu.memref_slice %run_scoped3A_76[%rem3A_453, %dma_start3A_803, %dma_start3A_804, %dma_start3A_805] : memref<2x1x4x128xi32, #tpu.memory_space<vmem>> -> memref<1x1x4x128xi32, #tpu.memory_space<vmem>>
          %dma_start3A_807 = tpu.memref_squeeze %dma_start3A_806 : memref<1x1x4x128xi32, #tpu.memory_space<vmem>> -> memref<1x4x128xi32, #tpu.memory_space<vmem>>
          %dma_start3A_808 = arith.constant 0 : i32
          %dma_start3A_809 = tpu.memref_slice %dma_start3A_807[%dma_start3A_798, %dma_start3A_799, %dma_start3A_808] : memref<1x4x128xi32, #tpu.memory_space<vmem>> -> memref<1x1x128xi32, #tpu.memory_space<vmem>>
          %dma_start3A_810 = tpu.memref_squeeze %dma_start3A_809 : memref<1x1x128xi32, #tpu.memory_space<vmem>> -> memref<128xi32, #tpu.memory_space<vmem>>
          %dma_start3A_811 = arith.constant 0 : i32
          %dma_start3A_812 = arith.constant 0 : i32
          %dma_start3A_813 = tpu.memref_slice %arg10[%dma_start3A_811, %dma_start3A_812] : memref<10240x16xf32, #tpu.memory_space<vmem_shared>> -> memref<10240x16xf32, #tpu.memory_space<vmem_shared>>
          tpu.enqueue_indirect_dma source(%dma_start3A_802 : memref<128x16xf32, #tpu.memory_space<vmem>>) target(%dma_start3A_813 : memref<10240x16xf32, #tpu.memory_space<vmem_shared>>) offsets(%dma_start3A_810 : memref<128xi32, #tpu.memory_space<vmem>>) semaphore(%arg20 : memref<!tpu.dma_semaphore, #tpu.memory_space<semaphore_mem>>) {add = true}
          %dma_start3A_814 = arith.constant 0 : i32
          %dma_start3A_815 = arith.constant 2 : i32
          %dma_start3A_816 = arith.constant 0 : i32
          %dma_start3A_817 = arith.constant 0 : i32
          %dma_start3A_818 = arith.constant 0 : i32
          %dma_start3A_819 = tpu.memref_slice %run_scoped3A_76[%rem3A_453, %dma_start3A_816, %dma_start3A_817, %dma_start3A_818] : memref<2x1x4x128xi32, #tpu.memory_space<vmem>> -> memref<1x1x4x128xi32, #tpu.memory_space<vmem>>
          %dma_start3A_820 = tpu.memref_squeeze %dma_start3A_819 : memref<1x1x4x128xi32, #tpu.memory_space<vmem>> -> memref<1x4x128xi32, #tpu.memory_space<vmem>>
          %dma_start3A_821 = arith.constant 0 : i32
          %dma_start3A_822 = tpu.memref_slice %dma_start3A_820[%dma_start3A_814, %dma_start3A_815, %dma_start3A_821] : memref<1x4x128xi32, #tpu.memory_space<vmem>> -> memref<1x1x128xi32, #tpu.memory_space<vmem>>
          %dma_start3A_823 = tpu.memref_squeeze %dma_start3A_822 : memref<1x1x128xi32, #tpu.memory_space<vmem>> -> memref<128xi32, #tpu.memory_space<vmem>>
          %dma_start3A_824 = arith.constant 0 : i32
          %dma_start3A_825 = arith.constant 0 : i32
          %dma_start3A_826 = tpu.memref_slice %arg11[%dma_start3A_824, %dma_start3A_825] : memref<10240x16xf32, #tpu.memory_space<vmem_shared>> -> memref<10240x16xf32, #tpu.memory_space<vmem_shared>>
          tpu.enqueue_indirect_dma source(%arg17 : memref<128x16xf32, #tpu.memory_space<vmem>>) target(%dma_start3A_826 : memref<10240x16xf32, #tpu.memory_space<vmem_shared>>) offsets(%dma_start3A_823 : memref<128xi32, #tpu.memory_space<vmem>>) semaphore(%arg20 : memref<!tpu.dma_semaphore, #tpu.memory_space<semaphore_mem>>) {add = true}
          %dma_start3A_827 = arith.constant 0 : i32
          %dma_start3A_828 = arith.constant 3 : i32
          %dma_start3A_829 = arith.constant 384 : i32
          %dma_start3A_830 = arith.constant 0 : i32
          %dma_start3A_831 = tpu.memref_slice %arg16[%dma_start3A_829, %dma_start3A_830] : memref<512x16xf32, #tpu.memory_space<vmem>> -> memref<128x16xf32, #tpu.memory_space<vmem>>
          %dma_start3A_832 = arith.constant 0 : i32
          %dma_start3A_833 = arith.constant 0 : i32
          %dma_start3A_834 = arith.constant 0 : i32
          %dma_start3A_835 = tpu.memref_slice %run_scoped3A_76[%rem3A_453, %dma_start3A_832, %dma_start3A_833, %dma_start3A_834] : memref<2x1x4x128xi32, #tpu.memory_space<vmem>> -> memref<1x1x4x128xi32, #tpu.memory_space<vmem>>
          %dma_start3A_836 = tpu.memref_squeeze %dma_start3A_835 : memref<1x1x4x128xi32, #tpu.memory_space<vmem>> -> memref<1x4x128xi32, #tpu.memory_space<vmem>>
          %dma_start3A_837 = arith.constant 0 : i32
          %dma_start3A_838 = tpu.memref_slice %dma_start3A_836[%dma_start3A_827, %dma_start3A_828, %dma_start3A_837] : memref<1x4x128xi32, #tpu.memory_space<vmem>> -> memref<1x1x128xi32, #tpu.memory_space<vmem>>
          %dma_start3A_839 = tpu.memref_squeeze %dma_start3A_838 : memref<1x1x128xi32, #tpu.memory_space<vmem>> -> memref<128xi32, #tpu.memory_space<vmem>>
          %dma_start3A_840 = arith.constant 0 : i32
          %dma_start3A_841 = arith.constant 0 : i32
          %dma_start3A_842 = tpu.memref_slice %arg10[%dma_start3A_840, %dma_start3A_841] : memref<10240x16xf32, #tpu.memory_space<vmem_shared>> -> memref<10240x16xf32, #tpu.memory_space<vmem_shared>>
          tpu.enqueue_indirect_dma source(%dma_start3A_831 : memref<128x16xf32, #tpu.memory_space<vmem>>) target(%dma_start3A_842 : memref<10240x16xf32, #tpu.memory_space<vmem_shared>>) offsets(%dma_start3A_839 : memref<128xi32, #tpu.memory_space<vmem>>) semaphore(%arg20 : memref<!tpu.dma_semaphore, #tpu.memory_space<semaphore_mem>>) {add = true}
          %dma_start3A_843 = arith.constant 0 : i32
          %dma_start3A_844 = arith.constant 3 : i32
          %dma_start3A_845 = arith.constant 0 : i32
          %dma_start3A_846 = arith.constant 0 : i32
          %dma_start3A_847 = arith.constant 0 : i32
          %dma_start3A_848 = tpu.memref_slice %run_scoped3A_76[%rem3A_453, %dma_start3A_845, %dma_start3A_846, %dma_start3A_847] : memref<2x1x4x128xi32, #tpu.memory_space<vmem>> -> memref<1x1x4x128xi32, #tpu.memory_space<vmem>>
          %dma_start3A_849 = tpu.memref_squeeze %dma_start3A_848 : memref<1x1x4x128xi32, #tpu.memory_space<vmem>> -> memref<1x4x128xi32, #tpu.memory_space<vmem>>
          %dma_start3A_850 = arith.constant 0 : i32
          %dma_start3A_851 = tpu.memref_slice %dma_start3A_849[%dma_start3A_843, %dma_start3A_844, %dma_start3A_850] : memref<1x4x128xi32, #tpu.memory_space<vmem>> -> memref<1x1x128xi32, #tpu.memory_space<vmem>>
          %dma_start3A_852 = tpu.memref_squeeze %dma_start3A_851 : memref<1x1x128xi32, #tpu.memory_space<vmem>> -> memref<128xi32, #tpu.memory_space<vmem>>
          %dma_start3A_853 = arith.constant 0 : i32
          %dma_start3A_854 = arith.constant 0 : i32
          %dma_start3A_855 = tpu.memref_slice %arg11[%dma_start3A_853, %dma_start3A_854] : memref<10240x16xf32, #tpu.memory_space<vmem_shared>> -> memref<10240x16xf32, #tpu.memory_space<vmem_shared>>
          tpu.enqueue_indirect_dma source(%arg17 : memref<128x16xf32, #tpu.memory_space<vmem>>) target(%dma_start3A_855 : memref<10240x16xf32, #tpu.memory_space<vmem_shared>>) offsets(%dma_start3A_852 : memref<128xi32, #tpu.memory_space<vmem>>) semaphore(%arg20 : memref<!tpu.dma_semaphore, #tpu.memory_space<semaphore_mem>>) {add = true}
          %dma_wait3A_856 = arith.constant 0 : i32
          %dma_wait3A_857 = arith.constant 0 : i32
          %dma_wait3A_858 = arith.constant 0 : i32
          %dma_wait3A_859 = arith.constant 0 : i32
          %dma_wait3A_860 = tpu.memref_slice %arg16[%dma_wait3A_858, %dma_wait3A_859] : memref<512x16xf32, #tpu.memory_space<vmem>> -> memref<128x16xf32, #tpu.memory_space<vmem>>
          %dma_wait3A_861 = arith.constant 0 : i32
          %dma_wait3A_862 = arith.constant 0 : i32
          %dma_wait3A_863 = arith.constant 0 : i32
          %dma_wait3A_864 = tpu.memref_slice %run_scoped3A_76[%rem3A_453, %dma_wait3A_861, %dma_wait3A_862, %dma_wait3A_863] : memref<2x1x4x128xi32, #tpu.memory_space<vmem>> -> memref<1x1x4x128xi32, #tpu.memory_space<vmem>>
          %dma_wait3A_865 = tpu.memref_squeeze %dma_wait3A_864 : memref<1x1x4x128xi32, #tpu.memory_space<vmem>> -> memref<1x4x128xi32, #tpu.memory_space<vmem>>
          %dma_wait3A_866 = arith.constant 0 : i32
          %dma_wait3A_867 = tpu.memref_slice %dma_wait3A_865[%dma_wait3A_856, %dma_wait3A_857, %dma_wait3A_866] : memref<1x4x128xi32, #tpu.memory_space<vmem>> -> memref<1x1x128xi32, #tpu.memory_space<vmem>>
          %dma_wait3A_868 = tpu.memref_squeeze %dma_wait3A_867 : memref<1x1x128xi32, #tpu.memory_space<vmem>> -> memref<128xi32, #tpu.memory_space<vmem>>
          %dma_wait3A_869 = arith.constant 0 : i32
          %dma_wait3A_870 = arith.constant 0 : i32
          %dma_wait3A_871 = tpu.memref_slice %arg10[%dma_wait3A_869, %dma_wait3A_870] : memref<10240x16xf32, #tpu.memory_space<vmem_shared>> -> memref<10240x16xf32, #tpu.memory_space<vmem_shared>>
          tpu.wait_indirect_dma semaphore(%arg20 : memref<!tpu.dma_semaphore, #tpu.memory_space<semaphore_mem>>) src(%dma_wait3A_860 : memref<128x16xf32, #tpu.memory_space<vmem>>) dst(%dma_wait3A_871 : memref<10240x16xf32, #tpu.memory_space<vmem_shared>>)
          %dma_wait3A_872 = arith.constant 0 : i32
          %dma_wait3A_873 = arith.constant 0 : i32
          %dma_wait3A_874 = arith.constant 0 : i32
          %dma_wait3A_875 = arith.constant 0 : i32
          %dma_wait3A_876 = arith.constant 0 : i32
          %dma_wait3A_877 = tpu.memref_slice %run_scoped3A_76[%rem3A_453, %dma_wait3A_874, %dma_wait3A_875, %dma_wait3A_876] : memref<2x1x4x128xi32, #tpu.memory_space<vmem>> -> memref<1x1x4x128xi32, #tpu.memory_space<vmem>>
          %dma_wait3A_878 = tpu.memref_squeeze %dma_wait3A_877 : memref<1x1x4x128xi32, #tpu.memory_space<vmem>> -> memref<1x4x128xi32, #tpu.memory_space<vmem>>
          %dma_wait3A_879 = arith.constant 0 : i32
          %dma_wait3A_880 = tpu.memref_slice %dma_wait3A_878[%dma_wait3A_872, %dma_wait3A_873, %dma_wait3A_879] : memref<1x4x128xi32, #tpu.memory_space<vmem>> -> memref<1x1x128xi32, #tpu.memory_space<vmem>>
          %dma_wait3A_881 = tpu.memref_squeeze %dma_wait3A_880 : memref<1x1x128xi32, #tpu.memory_space<vmem>> -> memref<128xi32, #tpu.memory_space<vmem>>
          %dma_wait3A_882 = arith.constant 0 : i32
          %dma_wait3A_883 = arith.constant 0 : i32
          %dma_wait3A_884 = tpu.memref_slice %arg11[%dma_wait3A_882, %dma_wait3A_883] : memref<10240x16xf32, #tpu.memory_space<vmem_shared>> -> memref<10240x16xf32, #tpu.memory_space<vmem_shared>>
          tpu.wait_indirect_dma semaphore(%arg20 : memref<!tpu.dma_semaphore, #tpu.memory_space<semaphore_mem>>) src(%arg17 : memref<128x16xf32, #tpu.memory_space<vmem>>) dst(%dma_wait3A_884 : memref<10240x16xf32, #tpu.memory_space<vmem_shared>>)
          %dma_wait3A_885 = arith.constant 0 : i32
          %dma_wait3A_886 = arith.constant 1 : i32
          %dma_wait3A_887 = arith.constant 128 : i32
          %dma_wait3A_888 = arith.constant 0 : i32
          %dma_wait3A_889 = tpu.memref_slice %arg16[%dma_wait3A_887, %dma_wait3A_888] : memref<512x16xf32, #tpu.memory_space<vmem>> -> memref<128x16xf32, #tpu.memory_space<vmem>>
          %dma_wait3A_890 = arith.constant 0 : i32
          %dma_wait3A_891 = arith.constant 0 : i32
          %dma_wait3A_892 = arith.constant 0 : i32
          %dma_wait3A_893 = tpu.memref_slice %run_scoped3A_76[%rem3A_453, %dma_wait3A_890, %dma_wait3A_891, %dma_wait3A_892] : memref<2x1x4x128xi32, #tpu.memory_space<vmem>> -> memref<1x1x4x128xi32, #tpu.memory_space<vmem>>
          %dma_wait3A_894 = tpu.memref_squeeze %dma_wait3A_893 : memref<1x1x4x128xi32, #tpu.memory_space<vmem>> -> memref<1x4x128xi32, #tpu.memory_space<vmem>>
          %dma_wait3A_895 = arith.constant 0 : i32
          %dma_wait3A_896 = tpu.memref_slice %dma_wait3A_894[%dma_wait3A_885, %dma_wait3A_886, %dma_wait3A_895] : memref<1x4x128xi32, #tpu.memory_space<vmem>> -> memref<1x1x128xi32, #tpu.memory_space<vmem>>
          %dma_wait3A_897 = tpu.memref_squeeze %dma_wait3A_896 : memref<1x1x128xi32, #tpu.memory_space<vmem>> -> memref<128xi32, #tpu.memory_space<vmem>>
          %dma_wait3A_898 = arith.constant 0 : i32
          %dma_wait3A_899 = arith.constant 0 : i32
          %dma_wait3A_900 = tpu.memref_slice %arg10[%dma_wait3A_898, %dma_wait3A_899] : memref<10240x16xf32, #tpu.memory_space<vmem_shared>> -> memref<10240x16xf32, #tpu.memory_space<vmem_shared>>
          tpu.wait_indirect_dma semaphore(%arg20 : memref<!tpu.dma_semaphore, #tpu.memory_space<semaphore_mem>>) src(%dma_wait3A_889 : memref<128x16xf32, #tpu.memory_space<vmem>>) dst(%dma_wait3A_900 : memref<10240x16xf32, #tpu.memory_space<vmem_shared>>)
          %dma_wait3A_901 = arith.constant 0 : i32
          %dma_wait3A_902 = arith.constant 1 : i32
          %dma_wait3A_903 = arith.constant 0 : i32
          %dma_wait3A_904 = arith.constant 0 : i32
          %dma_wait3A_905 = arith.constant 0 : i32
          %dma_wait3A_906 = tpu.memref_slice %run_scoped3A_76[%rem3A_453, %dma_wait3A_903, %dma_wait3A_904, %dma_wait3A_905] : memref<2x1x4x128xi32, #tpu.memory_space<vmem>> -> memref<1x1x4x128xi32, #tpu.memory_space<vmem>>
          %dma_wait3A_907 = tpu.memref_squeeze %dma_wait3A_906 : memref<1x1x4x128xi32, #tpu.memory_space<vmem>> -> memref<1x4x128xi32, #tpu.memory_space<vmem>>
          %dma_wait3A_908 = arith.constant 0 : i32
          %dma_wait3A_909 = tpu.memref_slice %dma_wait3A_907[%dma_wait3A_901, %dma_wait3A_902, %dma_wait3A_908] : memref<1x4x128xi32, #tpu.memory_space<vmem>> -> memref<1x1x128xi32, #tpu.memory_space<vmem>>
          %dma_wait3A_910 = tpu.memref_squeeze %dma_wait3A_909 : memref<1x1x128xi32, #tpu.memory_space<vmem>> -> memref<128xi32, #tpu.memory_space<vmem>>
          %dma_wait3A_911 = arith.constant 0 : i32
          %dma_wait3A_912 = arith.constant 0 : i32
          %dma_wait3A_913 = tpu.memref_slice %arg11[%dma_wait3A_911, %dma_wait3A_912] : memref<10240x16xf32, #tpu.memory_space<vmem_shared>> -> memref<10240x16xf32, #tpu.memory_space<vmem_shared>>
          tpu.wait_indirect_dma semaphore(%arg20 : memref<!tpu.dma_semaphore, #tpu.memory_space<semaphore_mem>>) src(%arg17 : memref<128x16xf32, #tpu.memory_space<vmem>>) dst(%dma_wait3A_913 : memref<10240x16xf32, #tpu.memory_space<vmem_shared>>)
          %dma_wait3A_914 = arith.constant 0 : i32
          %dma_wait3A_915 = arith.constant 2 : i32
          %dma_wait3A_916 = arith.constant 256 : i32
          %dma_wait3A_917 = arith.constant 0 : i32
          %dma_wait3A_918 = tpu.memref_slice %arg16[%dma_wait3A_916, %dma_wait3A_917] : memref<512x16xf32, #tpu.memory_space<vmem>> -> memref<128x16xf32, #tpu.memory_space<vmem>>
          %dma_wait3A_919 = arith.constant 0 : i32
          %dma_wait3A_920 = arith.constant 0 : i32
          %dma_wait3A_921 = arith.constant 0 : i32
          %dma_wait3A_922 = tpu.memref_slice %run_scoped3A_76[%rem3A_453, %dma_wait3A_919, %dma_wait3A_920, %dma_wait3A_921] : memref<2x1x4x128xi32, #tpu.memory_space<vmem>> -> memref<1x1x4x128xi32, #tpu.memory_space<vmem>>
          %dma_wait3A_923 = tpu.memref_squeeze %dma_wait3A_922 : memref<1x1x4x128xi32, #tpu.memory_space<vmem>> -> memref<1x4x128xi32, #tpu.memory_space<vmem>>
          %dma_wait3A_924 = arith.constant 0 : i32
          %dma_wait3A_925 = tpu.memref_slice %dma_wait3A_923[%dma_wait3A_914, %dma_wait3A_915, %dma_wait3A_924] : memref<1x4x128xi32, #tpu.memory_space<vmem>> -> memref<1x1x128xi32, #tpu.memory_space<vmem>>
          %dma_wait3A_926 = tpu.memref_squeeze %dma_wait3A_925 : memref<1x1x128xi32, #tpu.memory_space<vmem>> -> memref<128xi32, #tpu.memory_space<vmem>>
          %dma_wait3A_927 = arith.constant 0 : i32
          %dma_wait3A_928 = arith.constant 0 : i32
          %dma_wait3A_929 = tpu.memref_slice %arg10[%dma_wait3A_927, %dma_wait3A_928] : memref<10240x16xf32, #tpu.memory_space<vmem_shared>> -> memref<10240x16xf32, #tpu.memory_space<vmem_shared>>
          tpu.wait_indirect_dma semaphore(%arg20 : memref<!tpu.dma_semaphore, #tpu.memory_space<semaphore_mem>>) src(%dma_wait3A_918 : memref<128x16xf32, #tpu.memory_space<vmem>>) dst(%dma_wait3A_929 : memref<10240x16xf32, #tpu.memory_space<vmem_shared>>)
          %dma_wait3A_930 = arith.constant 0 : i32
          %dma_wait3A_931 = arith.constant 2 : i32
          %dma_wait3A_932 = arith.constant 0 : i32
          %dma_wait3A_933 = arith.constant 0 : i32
          %dma_wait3A_934 = arith.constant 0 : i32
          %dma_wait3A_935 = tpu.memref_slice %run_scoped3A_76[%rem3A_453, %dma_wait3A_932, %dma_wait3A_933, %dma_wait3A_934] : memref<2x1x4x128xi32, #tpu.memory_space<vmem>> -> memref<1x1x4x128xi32, #tpu.memory_space<vmem>>
          %dma_wait3A_936 = tpu.memref_squeeze %dma_wait3A_935 : memref<1x1x4x128xi32, #tpu.memory_space<vmem>> -> memref<1x4x128xi32, #tpu.memory_space<vmem>>
          %dma_wait3A_937 = arith.constant 0 : i32
          %dma_wait3A_938 = tpu.memref_slice %dma_wait3A_936[%dma_wait3A_930, %dma_wait3A_931, %dma_wait3A_937] : memref<1x4x128xi32, #tpu.memory_space<vmem>> -> memref<1x1x128xi32, #tpu.memory_space<vmem>>
          %dma_wait3A_939 = tpu.memref_squeeze %dma_wait3A_938 : memref<1x1x128xi32, #tpu.memory_space<vmem>> -> memref<128xi32, #tpu.memory_space<vmem>>
          %dma_wait3A_940 = arith.constant 0 : i32
          %dma_wait3A_941 = arith.constant 0 : i32
          %dma_wait3A_942 = tpu.memref_slice %arg11[%dma_wait3A_940, %dma_wait3A_941] : memref<10240x16xf32, #tpu.memory_space<vmem_shared>> -> memref<10240x16xf32, #tpu.memory_space<vmem_shared>>
          tpu.wait_indirect_dma semaphore(%arg20 : memref<!tpu.dma_semaphore, #tpu.memory_space<semaphore_mem>>) src(%arg17 : memref<128x16xf32, #tpu.memory_space<vmem>>) dst(%dma_wait3A_942 : memref<10240x16xf32, #tpu.memory_space<vmem_shared>>)
          %dma_wait3A_943 = arith.constant 0 : i32
          %dma_wait3A_944 = arith.constant 3 : i32
          %dma_wait3A_945 = arith.constant 384 : i32
          %dma_wait3A_946 = arith.constant 0 : i32
          %dma_wait3A_947 = tpu.memref_slice %arg16[%dma_wait3A_945, %dma_wait3A_946] : memref<512x16xf32, #tpu.memory_space<vmem>> -> memref<128x16xf32, #tpu.memory_space<vmem>>
          %dma_wait3A_948 = arith.constant 0 : i32
          %dma_wait3A_949 = arith.constant 0 : i32
          %dma_wait3A_950 = arith.constant 0 : i32
          %dma_wait3A_951 = tpu.memref_slice %run_scoped3A_76[%rem3A_453, %dma_wait3A_948, %dma_wait3A_949, %dma_wait3A_950] : memref<2x1x4x128xi32, #tpu.memory_space<vmem>> -> memref<1x1x4x128xi32, #tpu.memory_space<vmem>>
          %dma_wait3A_952 = tpu.memref_squeeze %dma_wait3A_951 : memref<1x1x4x128xi32, #tpu.memory_space<vmem>> -> memref<1x4x128xi32, #tpu.memory_space<vmem>>
          %dma_wait3A_953 = arith.constant 0 : i32
          %dma_wait3A_954 = tpu.memref_slice %dma_wait3A_952[%dma_wait3A_943, %dma_wait3A_944, %dma_wait3A_953] : memref<1x4x128xi32, #tpu.memory_space<vmem>> -> memref<1x1x128xi32, #tpu.memory_space<vmem>>
          %dma_wait3A_955 = tpu.memref_squeeze %dma_wait3A_954 : memref<1x1x128xi32, #tpu.memory_space<vmem>> -> memref<128xi32, #tpu.memory_space<vmem>>
          %dma_wait3A_956 = arith.constant 0 : i32
          %dma_wait3A_957 = arith.constant 0 : i32
          %dma_wait3A_958 = tpu.memref_slice %arg10[%dma_wait3A_956, %dma_wait3A_957] : memref<10240x16xf32, #tpu.memory_space<vmem_shared>> -> memref<10240x16xf32, #tpu.memory_space<vmem_shared>>
          tpu.wait_indirect_dma semaphore(%arg20 : memref<!tpu.dma_semaphore, #tpu.memory_space<semaphore_mem>>) src(%dma_wait3A_947 : memref<128x16xf32, #tpu.memory_space<vmem>>) dst(%dma_wait3A_958 : memref<10240x16xf32, #tpu.memory_space<vmem_shared>>)
          %dma_wait3A_959 = arith.constant 0 : i32
          %dma_wait3A_960 = arith.constant 3 : i32
          %dma_wait3A_961 = arith.constant 0 : i32
          %dma_wait3A_962 = arith.constant 0 : i32
          %dma_wait3A_963 = arith.constant 0 : i32
          %dma_wait3A_964 = tpu.memref_slice %run_scoped3A_76[%rem3A_453, %dma_wait3A_961, %dma_wait3A_962, %dma_wait3A_963] : memref<2x1x4x128xi32, #tpu.memory_space<vmem>> -> memref<1x1x4x128xi32, #tpu.memory_space<vmem>>
          %dma_wait3A_965 = tpu.memref_squeeze %dma_wait3A_964 : memref<1x1x4x128xi32, #tpu.memory_space<vmem>> -> memref<1x4x128xi32, #tpu.memory_space<vmem>>
          %dma_wait3A_966 = arith.constant 0 : i32
          %dma_wait3A_967 = tpu.memref_slice %dma_wait3A_965[%dma_wait3A_959, %dma_wait3A_960, %dma_wait3A_966] : memref<1x4x128xi32, #tpu.memory_space<vmem>> -> memref<1x1x128xi32, #tpu.memory_space<vmem>>
          %dma_wait3A_968 = tpu.memref_squeeze %dma_wait3A_967 : memref<1x1x128xi32, #tpu.memory_space<vmem>> -> memref<128xi32, #tpu.memory_space<vmem>>
          %dma_wait3A_969 = arith.constant 0 : i32
          %dma_wait3A_970 = arith.constant 0 : i32
          %dma_wait3A_971 = tpu.memref_slice %arg11[%dma_wait3A_969, %dma_wait3A_970] : memref<10240x16xf32, #tpu.memory_space<vmem_shared>> -> memref<10240x16xf32, #tpu.memory_space<vmem_shared>>
          tpu.wait_indirect_dma semaphore(%arg20 : memref<!tpu.dma_semaphore, #tpu.memory_space<semaphore_mem>>) src(%arg17 : memref<128x16xf32, #tpu.memory_space<vmem>>) dst(%dma_wait3A_971 : memref<10240x16xf32, #tpu.memory_space<vmem_shared>>)
          "tpu.trace_stop"() : () -> ()
          %ne3A_972 = arith.cmpi ne, %add3A_298, %add3A_316 : i32
          %or3A_973 = arith.constant false
          %or3A_974 = arith.ori %or3A_973, %ne3A_972 : i1
          %or3A_975 = arith.constant false
          %or3A_976 = arith.ori %or3A_974, %or3A_975 : i1
          %or3A_977 = arith.constant false
          %or3A_978 = arith.ori %or3A_976, %or3A_977 : i1
          %or3A_979 = arith.ori %or3A_978, %eq3A_297 : i1
          %convert_element_type3A_980 = arith.extui %or3A_979 : i1 to i32
          %cond3A_981 = arith.constant 0 : i32
          %cond3A_982 = arith.cmpi ne, %convert_element_type3A_980, %cond3A_981 : i32
          scf.if %cond3A_982 {
          } else {
          }
          %and3A_983 = arith.constant false
          %and3A_984 = arith.andi %or3A_979, %and3A_983 : i1
          %ne3A_985 = arith.cmpi ne, %add3A_298, %add3A_316 : i32
          %or3A_986 = arith.constant false
          %or3A_987 = arith.ori %or3A_986, %ne3A_985 : i1
          %or3A_988 = arith.constant false
          %or3A_989 = arith.ori %or3A_987, %or3A_988 : i1
          %or3A_990 = arith.constant false
          %or3A_991 = arith.ori %or3A_989, %or3A_990 : i1
          %or3A_992 = arith.ori %or3A_991, %eq3A_297 : i1
          %convert_element_type3A_993 = arith.extui %or3A_992 : i1 to i32
          %cond3A_994 = arith.constant 0 : i32
          %cond3A_995 = arith.cmpi ne, %convert_element_type3A_993, %cond3A_994 : i32
          scf.if %cond3A_995 {
          } else {
          }
          %and3A_996 = arith.constant false
          %and3A_997 = arith.andi %or3A_992, %and3A_996 : i1
          %ne3A_998 = arith.cmpi ne, %add3A_298, %add3A_316 : i32
          %or3A_999 = arith.constant false
          %or3A_1000 = arith.ori %or3A_999, %ne3A_998 : i1
          %or3A_1001 = arith.constant false
          %or3A_1002 = arith.ori %or3A_1000, %or3A_1001 : i1
          %or3A_1003 = arith.constant false
          %or3A_1004 = arith.ori %or3A_1002, %or3A_1003 : i1
          %or3A_1005 = arith.ori %or3A_1004, %eq3A_297 : i1
          %convert_element_type3A_1006 = arith.extui %or3A_1005 : i1 to i32
          %cond3A_1007 = arith.constant 0 : i32
          %cond3A_1008 = arith.cmpi ne, %convert_element_type3A_1006, %cond3A_1007 : i32
          scf.if %cond3A_1008 {
          } else {
          }
          %and3A_1009 = arith.constant false
          %and3A_1010 = arith.andi %or3A_1005, %and3A_1009 : i1
          %ne3A_1011 = arith.cmpi ne, %add3A_298, %add3A_316 : i32
          %or3A_1012 = arith.constant false
          %or3A_1013 = arith.ori %or3A_1012, %ne3A_1011 : i1
          %or3A_1014 = arith.constant false
          %or3A_1015 = arith.ori %or3A_1013, %or3A_1014 : i1
          %or3A_1016 = arith.constant false
          %or3A_1017 = arith.ori %or3A_1015, %or3A_1016 : i1
          %or3A_1018 = arith.ori %or3A_1017, %eq3A_297 : i1
          %convert_element_type3A_1019 = arith.extui %or3A_1018 : i1 to i32
          %cond3A_1020 = arith.constant 0 : i32
          %cond3A_1021 = arith.cmpi ne, %convert_element_type3A_1019, %cond3A_1020 : i32
          scf.if %cond3A_1021 {
            "tpu.trace_start"() <{level = 10 : i32, message = "ep_copy_out"}> : () -> ()
            %rem3A_1130 = arith.constant 2 : i32
            %rem3A_1131 = arith.remui %while3A_288, %rem3A_1130 : i32
            %mul3A_1132 = arith.constant 4 : i32
            %mul3A_1133 = arith.muli %mul3A_1132, %add3A_298 : i32
            %dma_start3A_1134 = arith.constant 0 : i32
            %dma_start3A_1135 = arith.constant 0 : i32
            %dma_start3A_1136 = arith.constant 0 : i32
            %dma_start3A_1137 = arith.constant 0 : i32
            %dma_start3A_1138 = tpu.memref_slice %run_scoped3A_80[%rem3A_1131, %dma_start3A_1134, %dma_start3A_1135, %dma_start3A_1136, %dma_start3A_1137] : memref<2x2x4x8x128xf32, #tpu.memory_space<vmem>> -> memref<1x2x4x8x128xf32, #tpu.memory_space<vmem>>
            %dma_start3A_1139 = tpu.memref_squeeze %dma_start3A_1138 : memref<1x2x4x8x128xf32, #tpu.memory_space<vmem>> -> memref<2x4x8x128xf32, #tpu.memory_space<vmem>>
            %dma_start3A_1140 = arith.constant 0 : i32
            %dma_start3A_1141 = arith.constant 0 : i32
            %dma_start3A_1142 = arith.constant 0 : i32
            %dma_start3A_1143 = tpu.memref_slice %arg7[%dma_start3A_1140, %mul3A_1133, %dma_start3A_1141, %dma_start3A_1142] : memref<2x2500x8x128xf32, #tpu.memory_space<hbm>> -> memref<2x4x8x128xf32, #tpu.memory_space<hbm>>
            %dma_start3A_1144 = tpu.memref_slice %run_scoped3A_81[%rem3A_1131] : memref<2x!tpu.dma_semaphore, #tpu.memory_space<semaphore_mem>> -> memref<1x!tpu.dma_semaphore, #tpu.memory_space<semaphore_mem>>
            %dma_start3A_1145 = tpu.memref_squeeze %dma_start3A_1144 : memref<1x!tpu.dma_semaphore, #tpu.memory_space<semaphore_mem>> -> memref<!tpu.dma_semaphore, #tpu.memory_space<semaphore_mem>>
            %dma_start3A_1146 = arith.constant 0 : i32
            %dma_start3A_1147 = arith.constant 0 : i32
            %dma_start3A_1148 = arith.constant 0 : i32
            %dma_start3A_1149 = tpu.memref_slice %arg7[%dma_start3A_1146, %mul3A_1133, %dma_start3A_1147, %dma_start3A_1148] : memref<2x2500x8x128xf32, #tpu.memory_space<hbm>> -> memref<2x4x8x128xf32, #tpu.memory_space<hbm>>
            %dma_start3A_1150 = arith.constant 0 : i32
            %dma_start3A_1151 = arith.constant 0 : i32
            %dma_start3A_1152 = arith.constant 0 : i32
            %dma_start3A_1153 = arith.constant 0 : i32
            %dma_start3A_1154 = tpu.memref_slice %run_scoped3A_80[%rem3A_1131, %dma_start3A_1150, %dma_start3A_1151, %dma_start3A_1152, %dma_start3A_1153] : memref<2x2x4x8x128xf32, #tpu.memory_space<vmem>> -> memref<1x2x4x8x128xf32, #tpu.memory_space<vmem>>
            %dma_start3A_1155 = tpu.memref_squeeze %dma_start3A_1154 : memref<1x2x4x8x128xf32, #tpu.memory_space<vmem>> -> memref<2x4x8x128xf32, #tpu.memory_space<vmem>>
            tpu.enqueue_dma source(%dma_start3A_1155 : memref<2x4x8x128xf32, #tpu.memory_space<vmem>>) target(%dma_start3A_1149 : memref<2x4x8x128xf32, #tpu.memory_space<hbm>>) target_semaphore(%dma_start3A_1145 : memref<!tpu.dma_semaphore, #tpu.memory_space<semaphore_mem>>)
            "tpu.trace_stop"() : () -> ()
          } else {
          }
          %and3A_1022 = arith.constant true
          %and3A_1023 = arith.andi %or3A_1018, %and3A_1022 : i1
          %add3A_1024 = arith.constant 1 : i32
          %add3A_1025 = arith.addi %while3A_288, %add3A_1024 : i32
          %select_n3A_1026 = arith.select %and3A_1023, %add3A_1025, %while3A_288 : i32
          %ne3A_1027 = arith.cmpi ne, %add3A_298, %add3A_308 : i32
          %or3A_1028 = arith.constant false
          %or3A_1029 = arith.ori %or3A_1028, %ne3A_1027 : i1
          %or3A_1030 = arith.constant false
          %or3A_1031 = arith.ori %or3A_1029, %or3A_1030 : i1
          %or3A_1032 = arith.constant false
          %or3A_1033 = arith.ori %or3A_1031, %or3A_1032 : i1
          %not3A_1034 = arith.constant true
          %not3A_1035 = arith.xori %eq3A_294, %not3A_1034 : i1
          %and3A_1036 = arith.andi %or3A_1033, %not3A_1035 : i1
          %convert_element_type3A_1037 = arith.extui %and3A_1036 : i1 to i32
          %cond3A_1038 = arith.constant 0 : i32
          %cond3A_1039 = arith.cmpi ne, %convert_element_type3A_1037, %cond3A_1038 : i32
          scf.if %cond3A_1039 {
          } else {
          }
          %and3A_1040 = arith.constant false
          %and3A_1041 = arith.andi %and3A_1036, %and3A_1040 : i1
          %ne3A_1042 = arith.cmpi ne, %add3A_298, %add3A_308 : i32
          %or3A_1043 = arith.constant false
          %or3A_1044 = arith.ori %or3A_1043, %ne3A_1042 : i1
          %or3A_1045 = arith.constant false
          %or3A_1046 = arith.ori %or3A_1044, %or3A_1045 : i1
          %or3A_1047 = arith.constant false
          %or3A_1048 = arith.ori %or3A_1046, %or3A_1047 : i1
          %not3A_1049 = arith.constant true
          %not3A_1050 = arith.xori %eq3A_294, %not3A_1049 : i1
          %and3A_1051 = arith.andi %or3A_1048, %not3A_1050 : i1
          %convert_element_type3A_1052 = arith.extui %and3A_1051 : i1 to i32
          %cond3A_1053 = arith.constant 0 : i32
          %cond3A_1054 = arith.cmpi ne, %convert_element_type3A_1052, %cond3A_1053 : i32
          scf.if %cond3A_1054 {
          } else {
          }
          %and3A_1055 = arith.constant false
          %and3A_1056 = arith.andi %and3A_1051, %and3A_1055 : i1
          %ne3A_1057 = arith.cmpi ne, %add3A_298, %add3A_308 : i32
          %or3A_1058 = arith.constant false
          %or3A_1059 = arith.ori %or3A_1058, %ne3A_1057 : i1
          %or3A_1060 = arith.constant false
          %or3A_1061 = arith.ori %or3A_1059, %or3A_1060 : i1
          %or3A_1062 = arith.constant false
          %or3A_1063 = arith.ori %or3A_1061, %or3A_1062 : i1
          %not3A_1064 = arith.constant true
          %not3A_1065 = arith.xori %eq3A_294, %not3A_1064 : i1
          %and3A_1066 = arith.andi %or3A_1063, %not3A_1065 : i1
          %convert_element_type3A_1067 = arith.extui %and3A_1066 : i1 to i32
          %cond3A_1068 = arith.constant 0 : i32
          %cond3A_1069 = arith.cmpi ne, %convert_element_type3A_1067, %cond3A_1068 : i32
          scf.if %cond3A_1069 {
          } else {
          }
          %and3A_1070 = arith.constant false
          %and3A_1071 = arith.andi %and3A_1066, %and3A_1070 : i1
          %ne3A_1072 = arith.cmpi ne, %add3A_298, %add3A_308 : i32
          %or3A_1073 = arith.constant false
          %or3A_1074 = arith.ori %or3A_1073, %ne3A_1072 : i1
          %or3A_1075 = arith.constant false
          %or3A_1076 = arith.ori %or3A_1074, %or3A_1075 : i1
          %or3A_1077 = arith.constant false
          %or3A_1078 = arith.ori %or3A_1076, %or3A_1077 : i1
          %not3A_1079 = arith.constant true
          %not3A_1080 = arith.xori %eq3A_294, %not3A_1079 : i1
          %and3A_1081 = arith.andi %or3A_1078, %not3A_1080 : i1
          %convert_element_type3A_1082 = arith.extui %and3A_1081 : i1 to i32
          %cond3A_1083 = arith.constant 0 : i32
          %cond3A_1084 = arith.cmpi ne, %convert_element_type3A_1082, %cond3A_1083 : i32
          scf.if %cond3A_1084 {
            "tpu.trace_start"() <{level = 10 : i32, message = "ep_wait_out"}> : () -> ()
            %rem3A_1130 = arith.constant 2 : i32
            %rem3A_1131 = arith.remui %while3A_289, %rem3A_1130 : i32
            %mul3A_1132 = arith.constant 4 : i32
            %mul3A_1133 = arith.muli %mul3A_1132, %add3A_308 : i32
            %dma_wait3A_1134 = arith.constant 0 : i32
            %dma_wait3A_1135 = arith.constant 0 : i32
            %dma_wait3A_1136 = arith.constant 0 : i32
            %dma_wait3A_1137 = arith.constant 0 : i32
            %dma_wait3A_1138 = tpu.memref_slice %run_scoped3A_80[%rem3A_1131, %dma_wait3A_1134, %dma_wait3A_1135, %dma_wait3A_1136, %dma_wait3A_1137] : memref<2x2x4x8x128xf32, #tpu.memory_space<vmem>> -> memref<1x2x4x8x128xf32, #tpu.memory_space<vmem>>
            %dma_wait3A_1139 = tpu.memref_squeeze %dma_wait3A_1138 : memref<1x2x4x8x128xf32, #tpu.memory_space<vmem>> -> memref<2x4x8x128xf32, #tpu.memory_space<vmem>>
            %dma_wait3A_1140 = arith.constant 0 : i32
            %dma_wait3A_1141 = arith.constant 0 : i32
            %dma_wait3A_1142 = arith.constant 0 : i32
            %dma_wait3A_1143 = tpu.memref_slice %arg7[%dma_wait3A_1140, %mul3A_1133, %dma_wait3A_1141, %dma_wait3A_1142] : memref<2x2500x8x128xf32, #tpu.memory_space<hbm>> -> memref<2x4x8x128xf32, #tpu.memory_space<hbm>>
            %dma_wait3A_1144 = tpu.memref_slice %run_scoped3A_81[%rem3A_1131] : memref<2x!tpu.dma_semaphore, #tpu.memory_space<semaphore_mem>> -> memref<1x!tpu.dma_semaphore, #tpu.memory_space<semaphore_mem>>
            %dma_wait3A_1145 = tpu.memref_squeeze %dma_wait3A_1144 : memref<1x!tpu.dma_semaphore, #tpu.memory_space<semaphore_mem>> -> memref<!tpu.dma_semaphore, #tpu.memory_space<semaphore_mem>>
            %dma_wait3A_1146 = arith.constant 0 : i32
            %dma_wait3A_1147 = arith.constant 0 : i32
            %dma_wait3A_1148 = arith.constant 0 : i32
            %dma_wait3A_1149 = tpu.memref_slice %arg7[%dma_wait3A_1146, %mul3A_1133, %dma_wait3A_1147, %dma_wait3A_1148] : memref<2x2500x8x128xf32, #tpu.memory_space<hbm>> -> memref<2x4x8x128xf32, #tpu.memory_space<hbm>>
            %dma_wait3A_1150 = arith.constant 0 : i32
            %dma_wait3A_1151 = arith.constant 0 : i32
            %dma_wait3A_1152 = arith.constant 0 : i32
            %dma_wait3A_1153 = arith.constant 0 : i32
            %dma_wait3A_1154 = tpu.memref_slice %run_scoped3A_80[%rem3A_1131, %dma_wait3A_1150, %dma_wait3A_1151, %dma_wait3A_1152, %dma_wait3A_1153] : memref<2x2x4x8x128xf32, #tpu.memory_space<vmem>> -> memref<1x2x4x8x128xf32, #tpu.memory_space<vmem>>
            %dma_wait3A_1155 = tpu.memref_squeeze %dma_wait3A_1154 : memref<1x2x4x8x128xf32, #tpu.memory_space<vmem>> -> memref<2x4x8x128xf32, #tpu.memory_space<vmem>>
            tpu.wait_dma2 semaphore(%dma_wait3A_1145 : memref<!tpu.dma_semaphore, #tpu.memory_space<semaphore_mem>>) src(%dma_wait3A_1155 : memref<2x4x8x128xf32, #tpu.memory_space<vmem>>) dst(%dma_wait3A_1149 : memref<2x4x8x128xf32, #tpu.memory_space<hbm>>)
            "tpu.trace_stop"() : () -> ()
          } else {
          }
          %and3A_1085 = arith.constant true
          %and3A_1086 = arith.andi %and3A_1081, %and3A_1085 : i1
          %add3A_1087 = arith.constant 1 : i32
          %add3A_1088 = arith.addi %while3A_289, %add3A_1087 : i32
          %select_n3A_1089 = arith.select %and3A_1086, %add3A_1088, %while3A_289 : i32
          %ne3A_1090 = arith.cmpi ne, %add3A_298, %add3A_316 : i32
          %or3A_1091 = arith.constant false
          %or3A_1092 = arith.ori %or3A_1091, %ne3A_1090 : i1
          %or3A_1093 = arith.constant false
          %or3A_1094 = arith.ori %or3A_1092, %or3A_1093 : i1
          %or3A_1095 = arith.constant false
          %or3A_1096 = arith.ori %or3A_1094, %or3A_1095 : i1
          %or3A_1097 = arith.ori %or3A_1096, %eq3A_297 : i1
          %add3A_1098 = arith.constant 1 : i32
          %add3A_1099 = arith.addi %while3A_283, %add3A_1098 : i32
          %select_n3A_1100 = arith.select %or3A_1097, %add3A_1099, %while3A_283 : i32
          %ne3A_1101 = arith.cmpi ne, %add3A_298, %add3A_316 : i32
          %or3A_1102 = arith.constant false
          %or3A_1103 = arith.ori %or3A_1102, %ne3A_1101 : i1
          %or3A_1104 = arith.constant false
          %or3A_1105 = arith.ori %or3A_1103, %or3A_1104 : i1
          %or3A_1106 = arith.constant false
          %or3A_1107 = arith.ori %or3A_1105, %or3A_1106 : i1
          %or3A_1108 = arith.ori %or3A_1107, %eq3A_297 : i1
          %add3A_1109 = arith.constant 1 : i32
          %add3A_1110 = arith.addi %while3A_285, %add3A_1109 : i32
          %select_n3A_1111 = arith.select %or3A_1108, %add3A_1110, %while3A_285 : i32
          %ne3A_1112 = arith.cmpi ne, %add3A_298, %add3A_316 : i32
          %or3A_1113 = arith.constant false
          %or3A_1114 = arith.ori %or3A_1113, %ne3A_1112 : i1
          %or3A_1115 = arith.constant false
          %or3A_1116 = arith.ori %or3A_1114, %or3A_1115 : i1
          %or3A_1117 = arith.constant false
          %or3A_1118 = arith.ori %or3A_1116, %or3A_1117 : i1
          %or3A_1119 = arith.ori %or3A_1118, %eq3A_297 : i1
          %add3A_1120 = arith.constant 1 : i32
          %add3A_1121 = arith.addi %while3A_287, %add3A_1120 : i32
          %select_n3A_1122 = arith.select %or3A_1119, %add3A_1121, %while3A_287 : i32
          %add3A_1123 = arith.constant 1 : i32
          %add3A_1124 = arith.addi %while3A_290, %add3A_1123 : i32
          %select_n3A_1125 = arith.constant true
          %select_n3A_1126 = arith.select %select_n3A_1125, %add3A_1124, %while3A_290 : i32
          %eq3A_1127 = arith.cmpi eq, %select_n3A_1126, %select_n3A_63 : i32
          %select_n3A_1128 = arith.constant 0 : i32
          %select_n3A_1129 = arith.select %eq3A_1127, %select_n3A_1128, %select_n3A_1126 : i32
          scf.yield %select_n3A_344, %select_n3A_1100, %select_n3A_367, %select_n3A_1111, %select_n3A_390, %select_n3A_1122, %select_n3A_1026, %select_n3A_1089, %select_n3A_1129 : i32, i32, i32, i32, i32, i32, i32, i32, i32
        }
        %while3A_222 = arith.constant 1 : i32
        %while3A_223:9 = scf.for %while3A_281 = %while3A_219 to %while3A_215 step %while3A_222 iter_args(%while3A_282 = %while3A_221#0, %while3A_283 = %while3A_221#1, %while3A_284 = %while3A_221#2, %while3A_285 = %while3A_221#3, %while3A_286 = %while3A_221#4, %while3A_287 = %while3A_221#5, %while3A_288 = %while3A_221#6, %while3A_289 = %while3A_221#7, %while3A_290 = %while3A_221#8) -> (i32, i32, i32, i32, i32, i32, i32, i32, i32)  : i32 {
          %mul3A_291 = arith.constant 1 : i32
          %mul3A_292 = arith.muli %mul3A_291, %select_n3A_63 : i32
          %eq3A_293 = arith.constant 0 : i32
          %eq3A_294 = arith.cmpi eq, %while3A_281, %eq3A_293 : i32
          %sub3A_295 = arith.constant 1 : i32
          %sub3A_296 = arith.subi %mul3A_292, %sub3A_295 : i32
          %eq3A_297 = arith.cmpi eq, %while3A_281, %sub3A_296 : i32
          %add3A_298 = arith.addi %while3A_290, %select_n3A_71 : i32
          %sub3A_299 = arith.constant 1 : i32
          %sub3A_300 = arith.subi %while3A_290, %sub3A_299 : i32
          %select_n3A_301 = arith.constant true
          %select_n3A_302 = arith.select %select_n3A_301, %sub3A_300, %while3A_290 : i32
          %eq3A_303 = arith.constant -1 : i32
          %eq3A_304 = arith.cmpi eq, %select_n3A_302, %eq3A_303 : i32
          %sub3A_305 = arith.constant 1 : i32
          %sub3A_306 = arith.subi %select_n3A_63, %sub3A_305 : i32
          %select_n3A_307 = arith.select %eq3A_304, %sub3A_306, %select_n3A_302 : i32
          %add3A_308 = arith.addi %select_n3A_307, %select_n3A_71 : i32
          %add3A_309 = arith.constant 1 : i32
          %add3A_310 = arith.addi %while3A_290, %add3A_309 : i32
          %select_n3A_311 = arith.constant true
          %select_n3A_312 = arith.select %select_n3A_311, %add3A_310, %while3A_290 : i32
          %eq3A_313 = arith.cmpi eq, %select_n3A_312, %select_n3A_63 : i32
          %select_n3A_314 = arith.constant 0 : i32
          %select_n3A_315 = arith.select %eq3A_313, %select_n3A_314, %select_n3A_312 : i32
          %add3A_316 = arith.addi %select_n3A_315, %select_n3A_71 : i32
          %add3A_317 = arith.constant 1 : i32
          %add3A_318 = arith.addi %select_n3A_315, %add3A_317 : i32
          %select_n3A_319 = arith.constant true
          %select_n3A_320 = arith.select %select_n3A_319, %add3A_318, %select_n3A_315 : i32
          %eq3A_321 = arith.cmpi eq, %select_n3A_320, %select_n3A_63 : i32
          %select_n3A_322 = arith.constant 0 : i32
          %select_n3A_323 = arith.select %eq3A_321, %select_n3A_322, %select_n3A_320 : i32
          %add3A_324 = arith.addi %select_n3A_323, %select_n3A_71 : i32
          %ne3A_325 = arith.cmpi ne, %add3A_298, %add3A_316 : i32
          %or3A = arith.constant false
          %or3A_326 = arith.ori %or3A, %ne3A_325 : i1
          %or3A_327 = arith.constant false
          %or3A_328 = arith.ori %or3A_326, %or3A_327 : i1
          %or3A_329 = arith.constant false
          %or3A_330 = arith.ori %or3A_328, %or3A_329 : i1
          %sub3A_331 = arith.constant 2 : i32
          %sub3A_332 = arith.subi %mul3A_292, %sub3A_331 : i32
          %add3A_333 = arith.constant 1 : i32
          %add3A_334 = arith.addi %sub3A_332, %add3A_333 : i32
          %ge3A = arith.cmpi sge, %while3A_281, %add3A_334 : i32
          %not3A = arith.constant true
          %not3A_335 = arith.xori %ge3A, %not3A : i1
          %and3A_336 = arith.andi %or3A_330, %not3A_335 : i1
          %convert_element_type3A_337 = arith.extui %and3A_336 : i1 to i32
          %cond3A_338 = arith.constant 0 : i32
          %cond3A_339 = arith.cmpi ne, %convert_element_type3A_337, %cond3A_338 : i32
          scf.if %cond3A_339 {
            "tpu.trace_start"() <{level = 10 : i32, message = "ep_copy_in"}> : () -> ()
            %rem3A_1130 = arith.constant 2 : i32
            %rem3A_1131 = arith.remui %while3A_282, %rem3A_1130 : i32
            %mul3A_1132 = arith.constant 4 : i32
            %mul3A_1133 = arith.muli %mul3A_1132, %add3A_316 : i32
            %dma_start3A_1134 = arith.constant 0 : i32
            %dma_start3A_1135 = arith.constant 0 : i32
            %dma_start3A_1136 = arith.constant 0 : i32
            %dma_start3A_1137 = arith.constant 0 : i32
            %dma_start3A_1138 = tpu.memref_slice %run_scoped3A[%rem3A_1131, %dma_start3A_1134, %dma_start3A_1135, %dma_start3A_1136, %dma_start3A_1137] : memref<2x2x4x8x128xf32, #tpu.memory_space<vmem>> -> memref<1x2x4x8x128xf32, #tpu.memory_space<vmem>>
            %dma_start3A_1139 = tpu.memref_squeeze %dma_start3A_1138 : memref<1x2x4x8x128xf32, #tpu.memory_space<vmem>> -> memref<2x4x8x128xf32, #tpu.memory_space<vmem>>
            %dma_start3A_1140 = arith.constant 0 : i32
            %dma_start3A_1141 = arith.constant 0 : i32
            %dma_start3A_1142 = arith.constant 0 : i32
            %dma_start3A_1143 = tpu.memref_slice %arg2[%dma_start3A_1140, %mul3A_1133, %dma_start3A_1141, %dma_start3A_1142] : memref<2x2500x8x128xf32, #tpu.memory_space<hbm>> -> memref<2x4x8x128xf32, #tpu.memory_space<hbm>>
            %dma_start3A_1144 = tpu.memref_slice %run_scoped3A_75[%rem3A_1131] : memref<2x!tpu.dma_semaphore, #tpu.memory_space<semaphore_mem>> -> memref<1x!tpu.dma_semaphore, #tpu.memory_space<semaphore_mem>>
            %dma_start3A_1145 = tpu.memref_squeeze %dma_start3A_1144 : memref<1x!tpu.dma_semaphore, #tpu.memory_space<semaphore_mem>> -> memref<!tpu.dma_semaphore, #tpu.memory_space<semaphore_mem>>
            %dma_start3A_1146 = arith.constant 0 : i32
            %dma_start3A_1147 = arith.constant 0 : i32
            %dma_start3A_1148 = arith.constant 0 : i32
            %dma_start3A_1149 = arith.constant 0 : i32
            %dma_start3A_1150 = tpu.memref_slice %run_scoped3A[%rem3A_1131, %dma_start3A_1146, %dma_start3A_1147, %dma_start3A_1148, %dma_start3A_1149] : memref<2x2x4x8x128xf32, #tpu.memory_space<vmem>> -> memref<1x2x4x8x128xf32, #tpu.memory_space<vmem>>
            %dma_start3A_1151 = tpu.memref_squeeze %dma_start3A_1150 : memref<1x2x4x8x128xf32, #tpu.memory_space<vmem>> -> memref<2x4x8x128xf32, #tpu.memory_space<vmem>>
            %dma_start3A_1152 = arith.constant 0 : i32
            %dma_start3A_1153 = arith.constant 0 : i32
            %dma_start3A_1154 = arith.constant 0 : i32
            %dma_start3A_1155 = tpu.memref_slice %arg2[%dma_start3A_1152, %mul3A_1133, %dma_start3A_1153, %dma_start3A_1154] : memref<2x2500x8x128xf32, #tpu.memory_space<hbm>> -> memref<2x4x8x128xf32, #tpu.memory_space<hbm>>
            tpu.enqueue_dma source(%dma_start3A_1155 : memref<2x4x8x128xf32, #tpu.memory_space<hbm>>) target(%dma_start3A_1151 : memref<2x4x8x128xf32, #tpu.memory_space<vmem>>) target_semaphore(%dma_start3A_1145 : memref<!tpu.dma_semaphore, #tpu.memory_space<semaphore_mem>>)
            "tpu.trace_stop"() : () -> ()
          } else {
          }
          %and3A_340 = arith.constant true
          %and3A_341 = arith.andi %and3A_336, %and3A_340 : i1
          %add3A_342 = arith.constant 1 : i32
          %add3A_343 = arith.addi %while3A_282, %add3A_342 : i32
          %select_n3A_344 = arith.select %and3A_341, %add3A_343, %while3A_282 : i32
          %ne3A_345 = arith.cmpi ne, %add3A_298, %add3A_316 : i32
          %or3A_346 = arith.constant false
          %or3A_347 = arith.ori %or3A_346, %ne3A_345 : i1
          %or3A_348 = arith.constant false
          %or3A_349 = arith.ori %or3A_347, %or3A_348 : i1
          %or3A_350 = arith.constant false
          %or3A_351 = arith.ori %or3A_349, %or3A_350 : i1
          %sub3A_352 = arith.constant 2 : i32
          %sub3A_353 = arith.subi %mul3A_292, %sub3A_352 : i32
          %add3A_354 = arith.constant 1 : i32
          %add3A_355 = arith.addi %sub3A_353, %add3A_354 : i32
          %ge3A_356 = arith.cmpi sge, %while3A_281, %add3A_355 : i32
          %not3A_357 = arith.constant true
          %not3A_358 = arith.xori %ge3A_356, %not3A_357 : i1
          %and3A_359 = arith.andi %or3A_351, %not3A_358 : i1
          %convert_element_type3A_360 = arith.extui %and3A_359 : i1 to i32
          %cond3A_361 = arith.constant 0 : i32
          %cond3A_362 = arith.cmpi ne, %convert_element_type3A_360, %cond3A_361 : i32
          scf.if %cond3A_362 {
            "tpu.trace_start"() <{level = 10 : i32, message = "ep_copy_in"}> : () -> ()
            %rem3A_1130 = arith.constant 2 : i32
            %rem3A_1131 = arith.remui %while3A_284, %rem3A_1130 : i32
            %mul3A_1132 = arith.constant 1 : i32
            %mul3A_1133 = arith.muli %mul3A_1132, %add3A_316 : i32
            %dma_start3A_1134 = arith.constant 0 : i32
            %dma_start3A_1135 = arith.constant 0 : i32
            %dma_start3A_1136 = arith.constant 0 : i32
            %dma_start3A_1137 = tpu.memref_slice %run_scoped3A_76[%rem3A_1131, %dma_start3A_1134, %dma_start3A_1135, %dma_start3A_1136] : memref<2x1x4x128xi32, #tpu.memory_space<vmem>> -> memref<1x1x4x128xi32, #tpu.memory_space<vmem>>
            %dma_start3A_1138 = tpu.memref_squeeze %dma_start3A_1137 : memref<1x1x4x128xi32, #tpu.memory_space<vmem>> -> memref<1x4x128xi32, #tpu.memory_space<vmem>>
            %dma_start3A_1139 = arith.constant 0 : i32
            %dma_start3A_1140 = arith.constant 0 : i32
            %dma_start3A_1141 = tpu.memref_slice %arg3[%mul3A_1133, %dma_start3A_1139, %dma_start3A_1140] : memref<625x4x128xi32, #tpu.memory_space<hbm>> -> memref<1x4x128xi32, #tpu.memory_space<hbm>>
            %dma_start3A_1142 = tpu.memref_slice %run_scoped3A_77[%rem3A_1131] : memref<2x!tpu.dma_semaphore, #tpu.memory_space<semaphore_mem>> -> memref<1x!tpu.dma_semaphore, #tpu.memory_space<semaphore_mem>>
            %dma_start3A_1143 = tpu.memref_squeeze %dma_start3A_1142 : memref<1x!tpu.dma_semaphore, #tpu.memory_space<semaphore_mem>> -> memref<!tpu.dma_semaphore, #tpu.memory_space<semaphore_mem>>
            %dma_start3A_1144 = arith.constant 0 : i32
            %dma_start3A_1145 = arith.constant 0 : i32
            %dma_start3A_1146 = arith.constant 0 : i32
            %dma_start3A_1147 = tpu.memref_slice %run_scoped3A_76[%rem3A_1131, %dma_start3A_1144, %dma_start3A_1145, %dma_start3A_1146] : memref<2x1x4x128xi32, #tpu.memory_space<vmem>> -> memref<1x1x4x128xi32, #tpu.memory_space<vmem>>
            %dma_start3A_1148 = tpu.memref_squeeze %dma_start3A_1147 : memref<1x1x4x128xi32, #tpu.memory_space<vmem>> -> memref<1x4x128xi32, #tpu.memory_space<vmem>>
            %dma_start3A_1149 = arith.constant 0 : i32
            %dma_start3A_1150 = arith.constant 0 : i32
            %dma_start3A_1151 = tpu.memref_slice %arg3[%mul3A_1133, %dma_start3A_1149, %dma_start3A_1150] : memref<625x4x128xi32, #tpu.memory_space<hbm>> -> memref<1x4x128xi32, #tpu.memory_space<hbm>>
            tpu.enqueue_dma source(%dma_start3A_1151 : memref<1x4x128xi32, #tpu.memory_space<hbm>>) target(%dma_start3A_1148 : memref<1x4x128xi32, #tpu.memory_space<vmem>>) target_semaphore(%dma_start3A_1143 : memref<!tpu.dma_semaphore, #tpu.memory_space<semaphore_mem>>)
            "tpu.trace_stop"() : () -> ()
          } else {
          }
          %and3A_363 = arith.constant true
          %and3A_364 = arith.andi %and3A_359, %and3A_363 : i1
          %add3A_365 = arith.constant 1 : i32
          %add3A_366 = arith.addi %while3A_284, %add3A_365 : i32
          %select_n3A_367 = arith.select %and3A_364, %add3A_366, %while3A_284 : i32
          %ne3A_368 = arith.cmpi ne, %add3A_298, %add3A_316 : i32
          %or3A_369 = arith.constant false
          %or3A_370 = arith.ori %or3A_369, %ne3A_368 : i1
          %or3A_371 = arith.constant false
          %or3A_372 = arith.ori %or3A_370, %or3A_371 : i1
          %or3A_373 = arith.constant false
          %or3A_374 = arith.ori %or3A_372, %or3A_373 : i1
          %sub3A_375 = arith.constant 2 : i32
          %sub3A_376 = arith.subi %mul3A_292, %sub3A_375 : i32
          %add3A_377 = arith.constant 1 : i32
          %add3A_378 = arith.addi %sub3A_376, %add3A_377 : i32
          %ge3A_379 = arith.cmpi sge, %while3A_281, %add3A_378 : i32
          %not3A_380 = arith.constant true
          %not3A_381 = arith.xori %ge3A_379, %not3A_380 : i1
          %and3A_382 = arith.andi %or3A_374, %not3A_381 : i1
          %convert_element_type3A_383 = arith.extui %and3A_382 : i1 to i32
          %cond3A_384 = arith.constant 0 : i32
          %cond3A_385 = arith.cmpi ne, %convert_element_type3A_383, %cond3A_384 : i32
          scf.if %cond3A_385 {
            "tpu.trace_start"() <{level = 10 : i32, message = "ep_copy_in"}> : () -> ()
            %rem3A_1130 = arith.constant 2 : i32
            %rem3A_1131 = arith.remui %while3A_286, %rem3A_1130 : i32
            %mul3A_1132 = arith.constant 1 : i32
            %mul3A_1133 = arith.muli %mul3A_1132, %add3A_316 : i32
            %dma_start3A_1134 = arith.constant 0 : i32
            %dma_start3A_1135 = arith.constant 0 : i32
            %dma_start3A_1136 = arith.constant 0 : i32
            %dma_start3A_1137 = tpu.memref_slice %run_scoped3A_78[%rem3A_1131, %dma_start3A_1134, %dma_start3A_1135, %dma_start3A_1136] : memref<2x1x4x128xi32, #tpu.memory_space<vmem>> -> memref<1x1x4x128xi32, #tpu.memory_space<vmem>>
            %dma_start3A_1138 = tpu.memref_squeeze %dma_start3A_1137 : memref<1x1x4x128xi32, #tpu.memory_space<vmem>> -> memref<1x4x128xi32, #tpu.memory_space<vmem>>
            %dma_start3A_1139 = arith.constant 0 : i32
            %dma_start3A_1140 = arith.constant 0 : i32
            %dma_start3A_1141 = tpu.memref_slice %arg4[%mul3A_1133, %dma_start3A_1139, %dma_start3A_1140] : memref<625x4x128xi32, #tpu.memory_space<hbm>> -> memref<1x4x128xi32, #tpu.memory_space<hbm>>
            %dma_start3A_1142 = tpu.memref_slice %run_scoped3A_79[%rem3A_1131] : memref<2x!tpu.dma_semaphore, #tpu.memory_space<semaphore_mem>> -> memref<1x!tpu.dma_semaphore, #tpu.memory_space<semaphore_mem>>
            %dma_start3A_1143 = tpu.memref_squeeze %dma_start3A_1142 : memref<1x!tpu.dma_semaphore, #tpu.memory_space<semaphore_mem>> -> memref<!tpu.dma_semaphore, #tpu.memory_space<semaphore_mem>>
            %dma_start3A_1144 = arith.constant 0 : i32
            %dma_start3A_1145 = arith.constant 0 : i32
            %dma_start3A_1146 = arith.constant 0 : i32
            %dma_start3A_1147 = tpu.memref_slice %run_scoped3A_78[%rem3A_1131, %dma_start3A_1144, %dma_start3A_1145, %dma_start3A_1146] : memref<2x1x4x128xi32, #tpu.memory_space<vmem>> -> memref<1x1x4x128xi32, #tpu.memory_space<vmem>>
            %dma_start3A_1148 = tpu.memref_squeeze %dma_start3A_1147 : memref<1x1x4x128xi32, #tpu.memory_space<vmem>> -> memref<1x4x128xi32, #tpu.memory_space<vmem>>
            %dma_start3A_1149 = arith.constant 0 : i32
            %dma_start3A_1150 = arith.constant 0 : i32
            %dma_start3A_1151 = tpu.memref_slice %arg4[%mul3A_1133, %dma_start3A_1149, %dma_start3A_1150] : memref<625x4x128xi32, #tpu.memory_space<hbm>> -> memref<1x4x128xi32, #tpu.memory_space<hbm>>
            tpu.enqueue_dma source(%dma_start3A_1151 : memref<1x4x128xi32, #tpu.memory_space<hbm>>) target(%dma_start3A_1148 : memref<1x4x128xi32, #tpu.memory_space<vmem>>) target_semaphore(%dma_start3A_1143 : memref<!tpu.dma_semaphore, #tpu.memory_space<semaphore_mem>>)
            "tpu.trace_stop"() : () -> ()
          } else {
          }
          %and3A_386 = arith.constant true
          %and3A_387 = arith.andi %and3A_382, %and3A_386 : i1
          %add3A_388 = arith.constant 1 : i32
          %add3A_389 = arith.addi %while3A_286, %add3A_388 : i32
          %select_n3A_390 = arith.select %and3A_387, %add3A_389, %while3A_286 : i32
          %ne3A_391 = arith.cmpi ne, %add3A_298, %add3A_316 : i32
          %or3A_392 = arith.constant false
          %or3A_393 = arith.ori %or3A_392, %ne3A_391 : i1
          %or3A_394 = arith.constant false
          %or3A_395 = arith.ori %or3A_393, %or3A_394 : i1
          %or3A_396 = arith.constant false
          %or3A_397 = arith.ori %or3A_395, %or3A_396 : i1
          %sub3A_398 = arith.constant 2 : i32
          %sub3A_399 = arith.subi %mul3A_292, %sub3A_398 : i32
          %add3A_400 = arith.constant 1 : i32
          %add3A_401 = arith.addi %sub3A_399, %add3A_400 : i32
          %ge3A_402 = arith.cmpi sge, %while3A_281, %add3A_401 : i32
          %not3A_403 = arith.constant true
          %not3A_404 = arith.xori %ge3A_402, %not3A_403 : i1
          %and3A_405 = arith.andi %or3A_397, %not3A_404 : i1
          %ne3A_406 = arith.cmpi ne, %add3A_298, %add3A_308 : i32
          %or3A_407 = arith.constant false
          %or3A_408 = arith.ori %or3A_407, %ne3A_406 : i1
          %or3A_409 = arith.constant false
          %or3A_410 = arith.ori %or3A_408, %or3A_409 : i1
          %or3A_411 = arith.constant false
          %or3A_412 = arith.ori %or3A_410, %or3A_411 : i1
          %or3A_413 = arith.ori %or3A_412, %eq3A_294 : i1
          %convert_element_type3A_414 = arith.extui %or3A_413 : i1 to i32
          %cond3A_415 = arith.constant 0 : i32
          %cond3A_416 = arith.cmpi ne, %convert_element_type3A_414, %cond3A_415 : i32
          scf.if %cond3A_416 {
            "tpu.trace_start"() <{level = 10 : i32, message = "ep_wait_in"}> : () -> ()
            %mul3A_1130 = arith.constant 4 : i32
            %mul3A_1131 = arith.muli %mul3A_1130, %add3A_298 : i32
            %rem3A_1132 = arith.constant 2 : i32
            %rem3A_1133 = arith.remui %while3A_283, %rem3A_1132 : i32
            %dma_wait3A_1134 = arith.constant 0 : i32
            %dma_wait3A_1135 = arith.constant 0 : i32
            %dma_wait3A_1136 = arith.constant 0 : i32
            %dma_wait3A_1137 = arith.constant 0 : i32
            %dma_wait3A_1138 = tpu.memref_slice %run_scoped3A[%rem3A_1133, %dma_wait3A_1134, %dma_wait3A_1135, %dma_wait3A_1136, %dma_wait3A_1137] : memref<2x2x4x8x128xf32, #tpu.memory_space<vmem>> -> memref<1x2x4x8x128xf32, #tpu.memory_space<vmem>>
            %dma_wait3A_1139 = tpu.memref_squeeze %dma_wait3A_1138 : memref<1x2x4x8x128xf32, #tpu.memory_space<vmem>> -> memref<2x4x8x128xf32, #tpu.memory_space<vmem>>
            %dma_wait3A_1140 = arith.constant 0 : i32
            %dma_wait3A_1141 = arith.constant 0 : i32
            %dma_wait3A_1142 = arith.constant 0 : i32
            %dma_wait3A_1143 = tpu.memref_slice %arg2[%dma_wait3A_1140, %mul3A_1131, %dma_wait3A_1141, %dma_wait3A_1142] : memref<2x2500x8x128xf32, #tpu.memory_space<hbm>> -> memref<2x4x8x128xf32, #tpu.memory_space<hbm>>
            %dma_wait3A_1144 = tpu.memref_slice %run_scoped3A_75[%rem3A_1133] : memref<2x!tpu.dma_semaphore, #tpu.memory_space<semaphore_mem>> -> memref<1x!tpu.dma_semaphore, #tpu.memory_space<semaphore_mem>>
            %dma_wait3A_1145 = tpu.memref_squeeze %dma_wait3A_1144 : memref<1x!tpu.dma_semaphore, #tpu.memory_space<semaphore_mem>> -> memref<!tpu.dma_semaphore, #tpu.memory_space<semaphore_mem>>
            %dma_wait3A_1146 = arith.constant 0 : i32
            %dma_wait3A_1147 = arith.constant 0 : i32
            %dma_wait3A_1148 = arith.constant 0 : i32
            %dma_wait3A_1149 = arith.constant 0 : i32
            %dma_wait3A_1150 = tpu.memref_slice %run_scoped3A[%rem3A_1133, %dma_wait3A_1146, %dma_wait3A_1147, %dma_wait3A_1148, %dma_wait3A_1149] : memref<2x2x4x8x128xf32, #tpu.memory_space<vmem>> -> memref<1x2x4x8x128xf32, #tpu.memory_space<vmem>>
            %dma_wait3A_1151 = tpu.memref_squeeze %dma_wait3A_1150 : memref<1x2x4x8x128xf32, #tpu.memory_space<vmem>> -> memref<2x4x8x128xf32, #tpu.memory_space<vmem>>
            %dma_wait3A_1152 = arith.constant 0 : i32
            %dma_wait3A_1153 = arith.constant 0 : i32
            %dma_wait3A_1154 = arith.constant 0 : i32
            %dma_wait3A_1155 = tpu.memref_slice %arg2[%dma_wait3A_1152, %mul3A_1131, %dma_wait3A_1153, %dma_wait3A_1154] : memref<2x2500x8x128xf32, #tpu.memory_space<hbm>> -> memref<2x4x8x128xf32, #tpu.memory_space<hbm>>
            tpu.wait_dma2 semaphore(%dma_wait3A_1145 : memref<!tpu.dma_semaphore, #tpu.memory_space<semaphore_mem>>) src(%dma_wait3A_1155 : memref<2x4x8x128xf32, #tpu.memory_space<hbm>>) dst(%dma_wait3A_1151 : memref<2x4x8x128xf32, #tpu.memory_space<vmem>>)
            "tpu.trace_stop"() : () -> ()
          } else {
          }
          %ne3A_417 = arith.cmpi ne, %add3A_298, %add3A_308 : i32
          %or3A_418 = arith.constant false
          %or3A_419 = arith.ori %or3A_418, %ne3A_417 : i1
          %or3A_420 = arith.constant false
          %or3A_421 = arith.ori %or3A_419, %or3A_420 : i1
          %or3A_422 = arith.constant false
          %or3A_423 = arith.ori %or3A_421, %or3A_422 : i1
          %or3A_424 = arith.ori %or3A_423, %eq3A_294 : i1
          %convert_element_type3A_425 = arith.extui %or3A_424 : i1 to i32
          %cond3A_426 = arith.constant 0 : i32
          %cond3A_427 = arith.cmpi ne, %convert_element_type3A_425, %cond3A_426 : i32
          scf.if %cond3A_427 {
            "tpu.trace_start"() <{level = 10 : i32, message = "ep_wait_in"}> : () -> ()
            %mul3A_1130 = arith.constant 1 : i32
            %mul3A_1131 = arith.muli %mul3A_1130, %add3A_298 : i32
            %rem3A_1132 = arith.constant 2 : i32
            %rem3A_1133 = arith.remui %while3A_285, %rem3A_1132 : i32
            %dma_wait3A_1134 = arith.constant 0 : i32
            %dma_wait3A_1135 = arith.constant 0 : i32
            %dma_wait3A_1136 = arith.constant 0 : i32
            %dma_wait3A_1137 = tpu.memref_slice %run_scoped3A_76[%rem3A_1133, %dma_wait3A_1134, %dma_wait3A_1135, %dma_wait3A_1136] : memref<2x1x4x128xi32, #tpu.memory_space<vmem>> -> memref<1x1x4x128xi32, #tpu.memory_space<vmem>>
            %dma_wait3A_1138 = tpu.memref_squeeze %dma_wait3A_1137 : memref<1x1x4x128xi32, #tpu.memory_space<vmem>> -> memref<1x4x128xi32, #tpu.memory_space<vmem>>
            %dma_wait3A_1139 = arith.constant 0 : i32
            %dma_wait3A_1140 = arith.constant 0 : i32
            %dma_wait3A_1141 = tpu.memref_slice %arg3[%mul3A_1131, %dma_wait3A_1139, %dma_wait3A_1140] : memref<625x4x128xi32, #tpu.memory_space<hbm>> -> memref<1x4x128xi32, #tpu.memory_space<hbm>>
            %dma_wait3A_1142 = tpu.memref_slice %run_scoped3A_77[%rem3A_1133] : memref<2x!tpu.dma_semaphore, #tpu.memory_space<semaphore_mem>> -> memref<1x!tpu.dma_semaphore, #tpu.memory_space<semaphore_mem>>
            %dma_wait3A_1143 = tpu.memref_squeeze %dma_wait3A_1142 : memref<1x!tpu.dma_semaphore, #tpu.memory_space<semaphore_mem>> -> memref<!tpu.dma_semaphore, #tpu.memory_space<semaphore_mem>>
            %dma_wait3A_1144 = arith.constant 0 : i32
            %dma_wait3A_1145 = arith.constant 0 : i32
            %dma_wait3A_1146 = arith.constant 0 : i32
            %dma_wait3A_1147 = tpu.memref_slice %run_scoped3A_76[%rem3A_1133, %dma_wait3A_1144, %dma_wait3A_1145, %dma_wait3A_1146] : memref<2x1x4x128xi32, #tpu.memory_space<vmem>> -> memref<1x1x4x128xi32, #tpu.memory_space<vmem>>
            %dma_wait3A_1148 = tpu.memref_squeeze %dma_wait3A_1147 : memref<1x1x4x128xi32, #tpu.memory_space<vmem>> -> memref<1x4x128xi32, #tpu.memory_space<vmem>>
            %dma_wait3A_1149 = arith.constant 0 : i32
            %dma_wait3A_1150 = arith.constant 0 : i32
            %dma_wait3A_1151 = tpu.memref_slice %arg3[%mul3A_1131, %dma_wait3A_1149, %dma_wait3A_1150] : memref<625x4x128xi32, #tpu.memory_space<hbm>> -> memref<1x4x128xi32, #tpu.memory_space<hbm>>
            tpu.wait_dma2 semaphore(%dma_wait3A_1143 : memref<!tpu.dma_semaphore, #tpu.memory_space<semaphore_mem>>) src(%dma_wait3A_1151 : memref<1x4x128xi32, #tpu.memory_space<hbm>>) dst(%dma_wait3A_1148 : memref<1x4x128xi32, #tpu.memory_space<vmem>>)
            "tpu.trace_stop"() : () -> ()
          } else {
          }
          %ne3A_428 = arith.cmpi ne, %add3A_298, %add3A_308 : i32
          %or3A_429 = arith.constant false
          %or3A_430 = arith.ori %or3A_429, %ne3A_428 : i1
          %or3A_431 = arith.constant false
          %or3A_432 = arith.ori %or3A_430, %or3A_431 : i1
          %or3A_433 = arith.constant false
          %or3A_434 = arith.ori %or3A_432, %or3A_433 : i1
          %or3A_435 = arith.ori %or3A_434, %eq3A_294 : i1
          %convert_element_type3A_436 = arith.extui %or3A_435 : i1 to i32
          %cond3A_437 = arith.constant 0 : i32
          %cond3A_438 = arith.cmpi ne, %convert_element_type3A_436, %cond3A_437 : i32
          scf.if %cond3A_438 {
            "tpu.trace_start"() <{level = 10 : i32, message = "ep_wait_in"}> : () -> ()
            %mul3A_1130 = arith.constant 1 : i32
            %mul3A_1131 = arith.muli %mul3A_1130, %add3A_298 : i32
            %rem3A_1132 = arith.constant 2 : i32
            %rem3A_1133 = arith.remui %while3A_287, %rem3A_1132 : i32
            %dma_wait3A_1134 = arith.constant 0 : i32
            %dma_wait3A_1135 = arith.constant 0 : i32
            %dma_wait3A_1136 = arith.constant 0 : i32
            %dma_wait3A_1137 = tpu.memref_slice %run_scoped3A_78[%rem3A_1133, %dma_wait3A_1134, %dma_wait3A_1135, %dma_wait3A_1136] : memref<2x1x4x128xi32, #tpu.memory_space<vmem>> -> memref<1x1x4x128xi32, #tpu.memory_space<vmem>>
            %dma_wait3A_1138 = tpu.memref_squeeze %dma_wait3A_1137 : memref<1x1x4x128xi32, #tpu.memory_space<vmem>> -> memref<1x4x128xi32, #tpu.memory_space<vmem>>
            %dma_wait3A_1139 = arith.constant 0 : i32
            %dma_wait3A_1140 = arith.constant 0 : i32
            %dma_wait3A_1141 = tpu.memref_slice %arg4[%mul3A_1131, %dma_wait3A_1139, %dma_wait3A_1140] : memref<625x4x128xi32, #tpu.memory_space<hbm>> -> memref<1x4x128xi32, #tpu.memory_space<hbm>>
            %dma_wait3A_1142 = tpu.memref_slice %run_scoped3A_79[%rem3A_1133] : memref<2x!tpu.dma_semaphore, #tpu.memory_space<semaphore_mem>> -> memref<1x!tpu.dma_semaphore, #tpu.memory_space<semaphore_mem>>
            %dma_wait3A_1143 = tpu.memref_squeeze %dma_wait3A_1142 : memref<1x!tpu.dma_semaphore, #tpu.memory_space<semaphore_mem>> -> memref<!tpu.dma_semaphore, #tpu.memory_space<semaphore_mem>>
            %dma_wait3A_1144 = arith.constant 0 : i32
            %dma_wait3A_1145 = arith.constant 0 : i32
            %dma_wait3A_1146 = arith.constant 0 : i32
            %dma_wait3A_1147 = tpu.memref_slice %run_scoped3A_78[%rem3A_1133, %dma_wait3A_1144, %dma_wait3A_1145, %dma_wait3A_1146] : memref<2x1x4x128xi32, #tpu.memory_space<vmem>> -> memref<1x1x4x128xi32, #tpu.memory_space<vmem>>
            %dma_wait3A_1148 = tpu.memref_squeeze %dma_wait3A_1147 : memref<1x1x4x128xi32, #tpu.memory_space<vmem>> -> memref<1x4x128xi32, #tpu.memory_space<vmem>>
            %dma_wait3A_1149 = arith.constant 0 : i32
            %dma_wait3A_1150 = arith.constant 0 : i32
            %dma_wait3A_1151 = tpu.memref_slice %arg4[%mul3A_1131, %dma_wait3A_1149, %dma_wait3A_1150] : memref<625x4x128xi32, #tpu.memory_space<hbm>> -> memref<1x4x128xi32, #tpu.memory_space<hbm>>
            tpu.wait_dma2 semaphore(%dma_wait3A_1143 : memref<!tpu.dma_semaphore, #tpu.memory_space<semaphore_mem>>) src(%dma_wait3A_1151 : memref<1x4x128xi32, #tpu.memory_space<hbm>>) dst(%dma_wait3A_1148 : memref<1x4x128xi32, #tpu.memory_space<vmem>>)
            "tpu.trace_stop"() : () -> ()
          } else {
          }
          %ne3A_439 = arith.cmpi ne, %add3A_298, %add3A_308 : i32
          %or3A_440 = arith.constant false
          %or3A_441 = arith.ori %or3A_440, %ne3A_439 : i1
          %or3A_442 = arith.constant false
          %or3A_443 = arith.ori %or3A_441, %or3A_442 : i1
          %or3A_444 = arith.constant false
          %or3A_445 = arith.ori %or3A_443, %or3A_444 : i1
          %or3A_446 = arith.ori %or3A_445, %eq3A_294 : i1
          %convert_element_type3A_447 = arith.extui %or3A_446 : i1 to i32
          %cond3A_448 = arith.constant 0 : i32
          %cond3A_449 = arith.cmpi ne, %convert_element_type3A_447, %cond3A_448 : i32
          scf.if %cond3A_449 {
          } else {
          }
          %rem3A_450 = arith.constant 2 : i32
          %rem3A_451 = arith.remui %while3A_283, %rem3A_450 : i32
          %rem3A_452 = arith.constant 2 : i32
          %rem3A_453 = arith.remui %while3A_285, %rem3A_452 : i32
          %rem3A_454 = arith.constant 2 : i32
          %rem3A_455 = arith.remui %while3A_287, %rem3A_454 : i32
          %rem3A_456 = arith.constant 2 : i32
          %rem3A_457 = arith.remui %while3A_288, %rem3A_456 : i32
          %dma_start3A_458 = arith.constant 0 : i32
          %dma_start3A_459 = arith.constant 0 : i32
          "tpu.trace_start"() <{level = 10 : i32, message = "ep_run_kernel"}> : () -> ()
          %dma_start3A_460 = arith.constant 0 : i32
          %dma_start3A_461 = arith.constant 0 : i32
          %dma_start3A_462 = tpu.memref_slice %arg14[%dma_start3A_460, %dma_start3A_461] : memref<512x16xf32, #tpu.memory_space<vmem>> -> memref<128x16xf32, #tpu.memory_space<vmem>>
          %dma_start3A_463 = arith.constant 0 : i32
          %dma_start3A_464 = arith.constant 0 : i32
          %dma_start3A_465 = arith.constant 0 : i32
          %dma_start3A_466 = tpu.memref_slice %run_scoped3A_76[%rem3A_453, %dma_start3A_463, %dma_start3A_464, %dma_start3A_465] : memref<2x1x4x128xi32, #tpu.memory_space<vmem>> -> memref<1x1x4x128xi32, #tpu.memory_space<vmem>>
          %dma_start3A_467 = tpu.memref_squeeze %dma_start3A_466 : memref<1x1x4x128xi32, #tpu.memory_space<vmem>> -> memref<1x4x128xi32, #tpu.memory_space<vmem>>
          %dma_start3A_468 = arith.constant 0 : i32
          %dma_start3A_469 = tpu.memref_slice %dma_start3A_467[%dma_start3A_458, %dma_start3A_459, %dma_start3A_468] : memref<1x4x128xi32, #tpu.memory_space<vmem>> -> memref<1x1x128xi32, #tpu.memory_space<vmem>>
          %dma_start3A_470 = tpu.memref_squeeze %dma_start3A_469 : memref<1x1x128xi32, #tpu.memory_space<vmem>> -> memref<128xi32, #tpu.memory_space<vmem>>
          %dma_start3A_471 = arith.constant 0 : i32
          %dma_start3A_472 = arith.constant 0 : i32
          %dma_start3A_473 = tpu.memref_slice %arg12[%dma_start3A_471, %dma_start3A_472] : memref<10240x16xf32, #tpu.memory_space<vmem_shared>> -> memref<10240x16xf32, #tpu.memory_space<vmem_shared>>
          tpu.enqueue_indirect_dma source(%dma_start3A_473 : memref<10240x16xf32, #tpu.memory_space<vmem_shared>>) target(%dma_start3A_462 : memref<128x16xf32, #tpu.memory_space<vmem>>) offsets(%dma_start3A_470 : memref<128xi32, #tpu.memory_space<vmem>>) semaphore(%arg19 : memref<!tpu.dma_semaphore, #tpu.memory_space<semaphore_mem>>)
          %dma_start3A_474 = arith.constant 0 : i32
          %dma_start3A_475 = arith.constant 0 : i32
          %dma_start3A_476 = arith.constant 0 : i32
          %dma_start3A_477 = arith.constant 0 : i32
          %dma_start3A_478 = tpu.memref_slice %arg15[%dma_start3A_476, %dma_start3A_477] : memref<512x16xf32, #tpu.memory_space<vmem>> -> memref<128x16xf32, #tpu.memory_space<vmem>>
          %dma_start3A_479 = arith.constant 0 : i32
          %dma_start3A_480 = arith.constant 0 : i32
          %dma_start3A_481 = arith.constant 0 : i32
          %dma_start3A_482 = tpu.memref_slice %run_scoped3A_78[%rem3A_455, %dma_start3A_479, %dma_start3A_480, %dma_start3A_481] : memref<2x1x4x128xi32, #tpu.memory_space<vmem>> -> memref<1x1x4x128xi32, #tpu.memory_space<vmem>>
          %dma_start3A_483 = tpu.memref_squeeze %dma_start3A_482 : memref<1x1x4x128xi32, #tpu.memory_space<vmem>> -> memref<1x4x128xi32, #tpu.memory_space<vmem>>
          %dma_start3A_484 = arith.constant 0 : i32
          %dma_start3A_485 = tpu.memref_slice %dma_start3A_483[%dma_start3A_474, %dma_start3A_475, %dma_start3A_484] : memref<1x4x128xi32, #tpu.memory_space<vmem>> -> memref<1x1x128xi32, #tpu.memory_space<vmem>>
          %dma_start3A_486 = tpu.memref_squeeze %dma_start3A_485 : memref<1x1x128xi32, #tpu.memory_space<vmem>> -> memref<128xi32, #tpu.memory_space<vmem>>
          %dma_start3A_487 = arith.constant 0 : i32
          %dma_start3A_488 = arith.constant 0 : i32
          %dma_start3A_489 = tpu.memref_slice %arg13[%dma_start3A_487, %dma_start3A_488] : memref<10240x16xf32, #tpu.memory_space<vmem_shared>> -> memref<10240x16xf32, #tpu.memory_space<vmem_shared>>
          tpu.enqueue_indirect_dma source(%dma_start3A_489 : memref<10240x16xf32, #tpu.memory_space<vmem_shared>>) target(%dma_start3A_478 : memref<128x16xf32, #tpu.memory_space<vmem>>) offsets(%dma_start3A_486 : memref<128xi32, #tpu.memory_space<vmem>>) semaphore(%arg19 : memref<!tpu.dma_semaphore, #tpu.memory_space<semaphore_mem>>)
          %dma_start3A_490 = arith.constant 0 : i32
          %dma_start3A_491 = arith.constant 1 : i32
          %dma_start3A_492 = arith.constant 128 : i32
          %dma_start3A_493 = arith.constant 0 : i32
          %dma_start3A_494 = tpu.memref_slice %arg14[%dma_start3A_492, %dma_start3A_493] : memref<512x16xf32, #tpu.memory_space<vmem>> -> memref<128x16xf32, #tpu.memory_space<vmem>>
          %dma_start3A_495 = arith.constant 0 : i32
          %dma_start3A_496 = arith.constant 0 : i32
          %dma_start3A_497 = arith.constant 0 : i32
          %dma_start3A_498 = tpu.memref_slice %run_scoped3A_76[%rem3A_453, %dma_start3A_495, %dma_start3A_496, %dma_start3A_497] : memref<2x1x4x128xi32, #tpu.memory_space<vmem>> -> memref<1x1x4x128xi32, #tpu.memory_space<vmem>>
          %dma_start3A_499 = tpu.memref_squeeze %dma_start3A_498 : memref<1x1x4x128xi32, #tpu.memory_space<vmem>> -> memref<1x4x128xi32, #tpu.memory_space<vmem>>
          %dma_start3A_500 = arith.constant 0 : i32
          %dma_start3A_501 = tpu.memref_slice %dma_start3A_499[%dma_start3A_490, %dma_start3A_491, %dma_start3A_500] : memref<1x4x128xi32, #tpu.memory_space<vmem>> -> memref<1x1x128xi32, #tpu.memory_space<vmem>>
          %dma_start3A_502 = tpu.memref_squeeze %dma_start3A_501 : memref<1x1x128xi32, #tpu.memory_space<vmem>> -> memref<128xi32, #tpu.memory_space<vmem>>
          %dma_start3A_503 = arith.constant 0 : i32
          %dma_start3A_504 = arith.constant 0 : i32
          %dma_start3A_505 = tpu.memref_slice %arg12[%dma_start3A_503, %dma_start3A_504] : memref<10240x16xf32, #tpu.memory_space<vmem_shared>> -> memref<10240x16xf32, #tpu.memory_space<vmem_shared>>
          tpu.enqueue_indirect_dma source(%dma_start3A_505 : memref<10240x16xf32, #tpu.memory_space<vmem_shared>>) target(%dma_start3A_494 : memref<128x16xf32, #tpu.memory_space<vmem>>) offsets(%dma_start3A_502 : memref<128xi32, #tpu.memory_space<vmem>>) semaphore(%arg19 : memref<!tpu.dma_semaphore, #tpu.memory_space<semaphore_mem>>)
          %dma_start3A_506 = arith.constant 0 : i32
          %dma_start3A_507 = arith.constant 1 : i32
          %dma_start3A_508 = arith.constant 128 : i32
          %dma_start3A_509 = arith.constant 0 : i32
          %dma_start3A_510 = tpu.memref_slice %arg15[%dma_start3A_508, %dma_start3A_509] : memref<512x16xf32, #tpu.memory_space<vmem>> -> memref<128x16xf32, #tpu.memory_space<vmem>>
          %dma_start3A_511 = arith.constant 0 : i32
          %dma_start3A_512 = arith.constant 0 : i32
          %dma_start3A_513 = arith.constant 0 : i32
          %dma_start3A_514 = tpu.memref_slice %run_scoped3A_78[%rem3A_455, %dma_start3A_511, %dma_start3A_512, %dma_start3A_513] : memref<2x1x4x128xi32, #tpu.memory_space<vmem>> -> memref<1x1x4x128xi32, #tpu.memory_space<vmem>>
          %dma_start3A_515 = tpu.memref_squeeze %dma_start3A_514 : memref<1x1x4x128xi32, #tpu.memory_space<vmem>> -> memref<1x4x128xi32, #tpu.memory_space<vmem>>
          %dma_start3A_516 = arith.constant 0 : i32
          %dma_start3A_517 = tpu.memref_slice %dma_start3A_515[%dma_start3A_506, %dma_start3A_507, %dma_start3A_516] : memref<1x4x128xi32, #tpu.memory_space<vmem>> -> memref<1x1x128xi32, #tpu.memory_space<vmem>>
          %dma_start3A_518 = tpu.memref_squeeze %dma_start3A_517 : memref<1x1x128xi32, #tpu.memory_space<vmem>> -> memref<128xi32, #tpu.memory_space<vmem>>
          %dma_start3A_519 = arith.constant 0 : i32
          %dma_start3A_520 = arith.constant 0 : i32
          %dma_start3A_521 = tpu.memref_slice %arg13[%dma_start3A_519, %dma_start3A_520] : memref<10240x16xf32, #tpu.memory_space<vmem_shared>> -> memref<10240x16xf32, #tpu.memory_space<vmem_shared>>
          tpu.enqueue_indirect_dma source(%dma_start3A_521 : memref<10240x16xf32, #tpu.memory_space<vmem_shared>>) target(%dma_start3A_510 : memref<128x16xf32, #tpu.memory_space<vmem>>) offsets(%dma_start3A_518 : memref<128xi32, #tpu.memory_space<vmem>>) semaphore(%arg19 : memref<!tpu.dma_semaphore, #tpu.memory_space<semaphore_mem>>)
          %dma_start3A_522 = arith.constant 0 : i32
          %dma_start3A_523 = arith.constant 2 : i32
          %dma_start3A_524 = arith.constant 256 : i32
          %dma_start3A_525 = arith.constant 0 : i32
          %dma_start3A_526 = tpu.memref_slice %arg14[%dma_start3A_524, %dma_start3A_525] : memref<512x16xf32, #tpu.memory_space<vmem>> -> memref<128x16xf32, #tpu.memory_space<vmem>>
          %dma_start3A_527 = arith.constant 0 : i32
          %dma_start3A_528 = arith.constant 0 : i32
          %dma_start3A_529 = arith.constant 0 : i32
          %dma_start3A_530 = tpu.memref_slice %run_scoped3A_76[%rem3A_453, %dma_start3A_527, %dma_start3A_528, %dma_start3A_529] : memref<2x1x4x128xi32, #tpu.memory_space<vmem>> -> memref<1x1x4x128xi32, #tpu.memory_space<vmem>>
          %dma_start3A_531 = tpu.memref_squeeze %dma_start3A_530 : memref<1x1x4x128xi32, #tpu.memory_space<vmem>> -> memref<1x4x128xi32, #tpu.memory_space<vmem>>
          %dma_start3A_532 = arith.constant 0 : i32
          %dma_start3A_533 = tpu.memref_slice %dma_start3A_531[%dma_start3A_522, %dma_start3A_523, %dma_start3A_532] : memref<1x4x128xi32, #tpu.memory_space<vmem>> -> memref<1x1x128xi32, #tpu.memory_space<vmem>>
          %dma_start3A_534 = tpu.memref_squeeze %dma_start3A_533 : memref<1x1x128xi32, #tpu.memory_space<vmem>> -> memref<128xi32, #tpu.memory_space<vmem>>
          %dma_start3A_535 = arith.constant 0 : i32
          %dma_start3A_536 = arith.constant 0 : i32
          %dma_start3A_537 = tpu.memref_slice %arg12[%dma_start3A_535, %dma_start3A_536] : memref<10240x16xf32, #tpu.memory_space<vmem_shared>> -> memref<10240x16xf32, #tpu.memory_space<vmem_shared>>
          tpu.enqueue_indirect_dma source(%dma_start3A_537 : memref<10240x16xf32, #tpu.memory_space<vmem_shared>>) target(%dma_start3A_526 : memref<128x16xf32, #tpu.memory_space<vmem>>) offsets(%dma_start3A_534 : memref<128xi32, #tpu.memory_space<vmem>>) semaphore(%arg19 : memref<!tpu.dma_semaphore, #tpu.memory_space<semaphore_mem>>)
          %dma_start3A_538 = arith.constant 0 : i32
          %dma_start3A_539 = arith.constant 2 : i32
          %dma_start3A_540 = arith.constant 256 : i32
          %dma_start3A_541 = arith.constant 0 : i32
          %dma_start3A_542 = tpu.memref_slice %arg15[%dma_start3A_540, %dma_start3A_541] : memref<512x16xf32, #tpu.memory_space<vmem>> -> memref<128x16xf32, #tpu.memory_space<vmem>>
          %dma_start3A_543 = arith.constant 0 : i32
          %dma_start3A_544 = arith.constant 0 : i32
          %dma_start3A_545 = arith.constant 0 : i32
          %dma_start3A_546 = tpu.memref_slice %run_scoped3A_78[%rem3A_455, %dma_start3A_543, %dma_start3A_544, %dma_start3A_545] : memref<2x1x4x128xi32, #tpu.memory_space<vmem>> -> memref<1x1x4x128xi32, #tpu.memory_space<vmem>>
          %dma_start3A_547 = tpu.memref_squeeze %dma_start3A_546 : memref<1x1x4x128xi32, #tpu.memory_space<vmem>> -> memref<1x4x128xi32, #tpu.memory_space<vmem>>
          %dma_start3A_548 = arith.constant 0 : i32
          %dma_start3A_549 = tpu.memref_slice %dma_start3A_547[%dma_start3A_538, %dma_start3A_539, %dma_start3A_548] : memref<1x4x128xi32, #tpu.memory_space<vmem>> -> memref<1x1x128xi32, #tpu.memory_space<vmem>>
          %dma_start3A_550 = tpu.memref_squeeze %dma_start3A_549 : memref<1x1x128xi32, #tpu.memory_space<vmem>> -> memref<128xi32, #tpu.memory_space<vmem>>
          %dma_start3A_551 = arith.constant 0 : i32
          %dma_start3A_552 = arith.constant 0 : i32
          %dma_start3A_553 = tpu.memref_slice %arg13[%dma_start3A_551, %dma_start3A_552] : memref<10240x16xf32, #tpu.memory_space<vmem_shared>> -> memref<10240x16xf32, #tpu.memory_space<vmem_shared>>
          tpu.enqueue_indirect_dma source(%dma_start3A_553 : memref<10240x16xf32, #tpu.memory_space<vmem_shared>>) target(%dma_start3A_542 : memref<128x16xf32, #tpu.memory_space<vmem>>) offsets(%dma_start3A_550 : memref<128xi32, #tpu.memory_space<vmem>>) semaphore(%arg19 : memref<!tpu.dma_semaphore, #tpu.memory_space<semaphore_mem>>)
          %dma_start3A_554 = arith.constant 0 : i32
          %dma_start3A_555 = arith.constant 3 : i32
          %dma_start3A_556 = arith.constant 384 : i32
          %dma_start3A_557 = arith.constant 0 : i32
          %dma_start3A_558 = tpu.memref_slice %arg14[%dma_start3A_556, %dma_start3A_557] : memref<512x16xf32, #tpu.memory_space<vmem>> -> memref<128x16xf32, #tpu.memory_space<vmem>>
          %dma_start3A_559 = arith.constant 0 : i32
          %dma_start3A_560 = arith.constant 0 : i32
          %dma_start3A_561 = arith.constant 0 : i32
          %dma_start3A_562 = tpu.memref_slice %run_scoped3A_76[%rem3A_453, %dma_start3A_559, %dma_start3A_560, %dma_start3A_561] : memref<2x1x4x128xi32, #tpu.memory_space<vmem>> -> memref<1x1x4x128xi32, #tpu.memory_space<vmem>>
          %dma_start3A_563 = tpu.memref_squeeze %dma_start3A_562 : memref<1x1x4x128xi32, #tpu.memory_space<vmem>> -> memref<1x4x128xi32, #tpu.memory_space<vmem>>
          %dma_start3A_564 = arith.constant 0 : i32
          %dma_start3A_565 = tpu.memref_slice %dma_start3A_563[%dma_start3A_554, %dma_start3A_555, %dma_start3A_564] : memref<1x4x128xi32, #tpu.memory_space<vmem>> -> memref<1x1x128xi32, #tpu.memory_space<vmem>>
          %dma_start3A_566 = tpu.memref_squeeze %dma_start3A_565 : memref<1x1x128xi32, #tpu.memory_space<vmem>> -> memref<128xi32, #tpu.memory_space<vmem>>
          %dma_start3A_567 = arith.constant 0 : i32
          %dma_start3A_568 = arith.constant 0 : i32
          %dma_start3A_569 = tpu.memref_slice %arg12[%dma_start3A_567, %dma_start3A_568] : memref<10240x16xf32, #tpu.memory_space<vmem_shared>> -> memref<10240x16xf32, #tpu.memory_space<vmem_shared>>
          tpu.enqueue_indirect_dma source(%dma_start3A_569 : memref<10240x16xf32, #tpu.memory_space<vmem_shared>>) target(%dma_start3A_558 : memref<128x16xf32, #tpu.memory_space<vmem>>) offsets(%dma_start3A_566 : memref<128xi32, #tpu.memory_space<vmem>>) semaphore(%arg19 : memref<!tpu.dma_semaphore, #tpu.memory_space<semaphore_mem>>)
          %dma_start3A_570 = arith.constant 0 : i32
          %dma_start3A_571 = arith.constant 3 : i32
          %dma_start3A_572 = arith.constant 384 : i32
          %dma_start3A_573 = arith.constant 0 : i32
          %dma_start3A_574 = tpu.memref_slice %arg15[%dma_start3A_572, %dma_start3A_573] : memref<512x16xf32, #tpu.memory_space<vmem>> -> memref<128x16xf32, #tpu.memory_space<vmem>>
          %dma_start3A_575 = arith.constant 0 : i32
          %dma_start3A_576 = arith.constant 0 : i32
          %dma_start3A_577 = arith.constant 0 : i32
          %dma_start3A_578 = tpu.memref_slice %run_scoped3A_78[%rem3A_455, %dma_start3A_575, %dma_start3A_576, %dma_start3A_577] : memref<2x1x4x128xi32, #tpu.memory_space<vmem>> -> memref<1x1x4x128xi32, #tpu.memory_space<vmem>>
          %dma_start3A_579 = tpu.memref_squeeze %dma_start3A_578 : memref<1x1x4x128xi32, #tpu.memory_space<vmem>> -> memref<1x4x128xi32, #tpu.memory_space<vmem>>
          %dma_start3A_580 = arith.constant 0 : i32
          %dma_start3A_581 = tpu.memref_slice %dma_start3A_579[%dma_start3A_570, %dma_start3A_571, %dma_start3A_580] : memref<1x4x128xi32, #tpu.memory_space<vmem>> -> memref<1x1x128xi32, #tpu.memory_space<vmem>>
          %dma_start3A_582 = tpu.memref_squeeze %dma_start3A_581 : memref<1x1x128xi32, #tpu.memory_space<vmem>> -> memref<128xi32, #tpu.memory_space<vmem>>
          %dma_start3A_583 = arith.constant 0 : i32
          %dma_start3A_584 = arith.constant 0 : i32
          %dma_start3A_585 = tpu.memref_slice %arg13[%dma_start3A_583, %dma_start3A_584] : memref<10240x16xf32, #tpu.memory_space<vmem_shared>> -> memref<10240x16xf32, #tpu.memory_space<vmem_shared>>
          tpu.enqueue_indirect_dma source(%dma_start3A_585 : memref<10240x16xf32, #tpu.memory_space<vmem_shared>>) target(%dma_start3A_574 : memref<128x16xf32, #tpu.memory_space<vmem>>) offsets(%dma_start3A_582 : memref<128xi32, #tpu.memory_space<vmem>>) semaphore(%arg19 : memref<!tpu.dma_semaphore, #tpu.memory_space<semaphore_mem>>)
          %dma_wait3A = arith.constant 0 : i32
          %dma_wait3A_586 = arith.constant 0 : i32
          %dma_wait3A_587 = arith.constant 0 : i32
          %dma_wait3A_588 = arith.constant 0 : i32
          %dma_wait3A_589 = tpu.memref_slice %arg14[%dma_wait3A_587, %dma_wait3A_588] : memref<512x16xf32, #tpu.memory_space<vmem>> -> memref<128x16xf32, #tpu.memory_space<vmem>>
          %dma_wait3A_590 = arith.constant 0 : i32
          %dma_wait3A_591 = arith.constant 0 : i32
          %dma_wait3A_592 = arith.constant 0 : i32
          %dma_wait3A_593 = tpu.memref_slice %run_scoped3A_76[%rem3A_453, %dma_wait3A_590, %dma_wait3A_591, %dma_wait3A_592] : memref<2x1x4x128xi32, #tpu.memory_space<vmem>> -> memref<1x1x4x128xi32, #tpu.memory_space<vmem>>
          %dma_wait3A_594 = tpu.memref_squeeze %dma_wait3A_593 : memref<1x1x4x128xi32, #tpu.memory_space<vmem>> -> memref<1x4x128xi32, #tpu.memory_space<vmem>>
          %dma_wait3A_595 = arith.constant 0 : i32
          %dma_wait3A_596 = tpu.memref_slice %dma_wait3A_594[%dma_wait3A, %dma_wait3A_586, %dma_wait3A_595] : memref<1x4x128xi32, #tpu.memory_space<vmem>> -> memref<1x1x128xi32, #tpu.memory_space<vmem>>
          %dma_wait3A_597 = tpu.memref_squeeze %dma_wait3A_596 : memref<1x1x128xi32, #tpu.memory_space<vmem>> -> memref<128xi32, #tpu.memory_space<vmem>>
          %dma_wait3A_598 = arith.constant 0 : i32
          %dma_wait3A_599 = arith.constant 0 : i32
          %dma_wait3A_600 = tpu.memref_slice %arg12[%dma_wait3A_598, %dma_wait3A_599] : memref<10240x16xf32, #tpu.memory_space<vmem_shared>> -> memref<10240x16xf32, #tpu.memory_space<vmem_shared>>
          tpu.wait_indirect_dma semaphore(%arg19 : memref<!tpu.dma_semaphore, #tpu.memory_space<semaphore_mem>>) src(%dma_wait3A_600 : memref<10240x16xf32, #tpu.memory_space<vmem_shared>>) dst(%dma_wait3A_589 : memref<128x16xf32, #tpu.memory_space<vmem>>)
          %dma_wait3A_601 = arith.constant 0 : i32
          %dma_wait3A_602 = arith.constant 0 : i32
          %dma_wait3A_603 = arith.constant 0 : i32
          %dma_wait3A_604 = arith.constant 0 : i32
          %dma_wait3A_605 = tpu.memref_slice %arg15[%dma_wait3A_603, %dma_wait3A_604] : memref<512x16xf32, #tpu.memory_space<vmem>> -> memref<128x16xf32, #tpu.memory_space<vmem>>
          %dma_wait3A_606 = arith.constant 0 : i32
          %dma_wait3A_607 = arith.constant 0 : i32
          %dma_wait3A_608 = arith.constant 0 : i32
          %dma_wait3A_609 = tpu.memref_slice %run_scoped3A_78[%rem3A_455, %dma_wait3A_606, %dma_wait3A_607, %dma_wait3A_608] : memref<2x1x4x128xi32, #tpu.memory_space<vmem>> -> memref<1x1x4x128xi32, #tpu.memory_space<vmem>>
          %dma_wait3A_610 = tpu.memref_squeeze %dma_wait3A_609 : memref<1x1x4x128xi32, #tpu.memory_space<vmem>> -> memref<1x4x128xi32, #tpu.memory_space<vmem>>
          %dma_wait3A_611 = arith.constant 0 : i32
          %dma_wait3A_612 = tpu.memref_slice %dma_wait3A_610[%dma_wait3A_601, %dma_wait3A_602, %dma_wait3A_611] : memref<1x4x128xi32, #tpu.memory_space<vmem>> -> memref<1x1x128xi32, #tpu.memory_space<vmem>>
          %dma_wait3A_613 = tpu.memref_squeeze %dma_wait3A_612 : memref<1x1x128xi32, #tpu.memory_space<vmem>> -> memref<128xi32, #tpu.memory_space<vmem>>
          %dma_wait3A_614 = arith.constant 0 : i32
          %dma_wait3A_615 = arith.constant 0 : i32
          %dma_wait3A_616 = tpu.memref_slice %arg13[%dma_wait3A_614, %dma_wait3A_615] : memref<10240x16xf32, #tpu.memory_space<vmem_shared>> -> memref<10240x16xf32, #tpu.memory_space<vmem_shared>>
          tpu.wait_indirect_dma semaphore(%arg19 : memref<!tpu.dma_semaphore, #tpu.memory_space<semaphore_mem>>) src(%dma_wait3A_616 : memref<10240x16xf32, #tpu.memory_space<vmem_shared>>) dst(%dma_wait3A_605 : memref<128x16xf32, #tpu.memory_space<vmem>>)
          %dma_wait3A_617 = arith.constant 0 : i32
          %dma_wait3A_618 = arith.constant 1 : i32
          %dma_wait3A_619 = arith.constant 128 : i32
          %dma_wait3A_620 = arith.constant 0 : i32
          %dma_wait3A_621 = tpu.memref_slice %arg14[%dma_wait3A_619, %dma_wait3A_620] : memref<512x16xf32, #tpu.memory_space<vmem>> -> memref<128x16xf32, #tpu.memory_space<vmem>>
          %dma_wait3A_622 = arith.constant 0 : i32
          %dma_wait3A_623 = arith.constant 0 : i32
          %dma_wait3A_624 = arith.constant 0 : i32
          %dma_wait3A_625 = tpu.memref_slice %run_scoped3A_76[%rem3A_453, %dma_wait3A_622, %dma_wait3A_623, %dma_wait3A_624] : memref<2x1x4x128xi32, #tpu.memory_space<vmem>> -> memref<1x1x4x128xi32, #tpu.memory_space<vmem>>
          %dma_wait3A_626 = tpu.memref_squeeze %dma_wait3A_625 : memref<1x1x4x128xi32, #tpu.memory_space<vmem>> -> memref<1x4x128xi32, #tpu.memory_space<vmem>>
          %dma_wait3A_627 = arith.constant 0 : i32
          %dma_wait3A_628 = tpu.memref_slice %dma_wait3A_626[%dma_wait3A_617, %dma_wait3A_618, %dma_wait3A_627] : memref<1x4x128xi32, #tpu.memory_space<vmem>> -> memref<1x1x128xi32, #tpu.memory_space<vmem>>
          %dma_wait3A_629 = tpu.memref_squeeze %dma_wait3A_628 : memref<1x1x128xi32, #tpu.memory_space<vmem>> -> memref<128xi32, #tpu.memory_space<vmem>>
          %dma_wait3A_630 = arith.constant 0 : i32
          %dma_wait3A_631 = arith.constant 0 : i32
          %dma_wait3A_632 = tpu.memref_slice %arg12[%dma_wait3A_630, %dma_wait3A_631] : memref<10240x16xf32, #tpu.memory_space<vmem_shared>> -> memref<10240x16xf32, #tpu.memory_space<vmem_shared>>
          tpu.wait_indirect_dma semaphore(%arg19 : memref<!tpu.dma_semaphore, #tpu.memory_space<semaphore_mem>>) src(%dma_wait3A_632 : memref<10240x16xf32, #tpu.memory_space<vmem_shared>>) dst(%dma_wait3A_621 : memref<128x16xf32, #tpu.memory_space<vmem>>)
          %dma_wait3A_633 = arith.constant 0 : i32
          %dma_wait3A_634 = arith.constant 1 : i32
          %dma_wait3A_635 = arith.constant 128 : i32
          %dma_wait3A_636 = arith.constant 0 : i32
          %dma_wait3A_637 = tpu.memref_slice %arg15[%dma_wait3A_635, %dma_wait3A_636] : memref<512x16xf32, #tpu.memory_space<vmem>> -> memref<128x16xf32, #tpu.memory_space<vmem>>
          %dma_wait3A_638 = arith.constant 0 : i32
          %dma_wait3A_639 = arith.constant 0 : i32
          %dma_wait3A_640 = arith.constant 0 : i32
          %dma_wait3A_641 = tpu.memref_slice %run_scoped3A_78[%rem3A_455, %dma_wait3A_638, %dma_wait3A_639, %dma_wait3A_640] : memref<2x1x4x128xi32, #tpu.memory_space<vmem>> -> memref<1x1x4x128xi32, #tpu.memory_space<vmem>>
          %dma_wait3A_642 = tpu.memref_squeeze %dma_wait3A_641 : memref<1x1x4x128xi32, #tpu.memory_space<vmem>> -> memref<1x4x128xi32, #tpu.memory_space<vmem>>
          %dma_wait3A_643 = arith.constant 0 : i32
          %dma_wait3A_644 = tpu.memref_slice %dma_wait3A_642[%dma_wait3A_633, %dma_wait3A_634, %dma_wait3A_643] : memref<1x4x128xi32, #tpu.memory_space<vmem>> -> memref<1x1x128xi32, #tpu.memory_space<vmem>>
          %dma_wait3A_645 = tpu.memref_squeeze %dma_wait3A_644 : memref<1x1x128xi32, #tpu.memory_space<vmem>> -> memref<128xi32, #tpu.memory_space<vmem>>
          %dma_wait3A_646 = arith.constant 0 : i32
          %dma_wait3A_647 = arith.constant 0 : i32
          %dma_wait3A_648 = tpu.memref_slice %arg13[%dma_wait3A_646, %dma_wait3A_647] : memref<10240x16xf32, #tpu.memory_space<vmem_shared>> -> memref<10240x16xf32, #tpu.memory_space<vmem_shared>>
          tpu.wait_indirect_dma semaphore(%arg19 : memref<!tpu.dma_semaphore, #tpu.memory_space<semaphore_mem>>) src(%dma_wait3A_648 : memref<10240x16xf32, #tpu.memory_space<vmem_shared>>) dst(%dma_wait3A_637 : memref<128x16xf32, #tpu.memory_space<vmem>>)
          %dma_wait3A_649 = arith.constant 0 : i32
          %dma_wait3A_650 = arith.constant 2 : i32
          %dma_wait3A_651 = arith.constant 256 : i32
          %dma_wait3A_652 = arith.constant 0 : i32
          %dma_wait3A_653 = tpu.memref_slice %arg14[%dma_wait3A_651, %dma_wait3A_652] : memref<512x16xf32, #tpu.memory_space<vmem>> -> memref<128x16xf32, #tpu.memory_space<vmem>>
          %dma_wait3A_654 = arith.constant 0 : i32
          %dma_wait3A_655 = arith.constant 0 : i32
          %dma_wait3A_656 = arith.constant 0 : i32
          %dma_wait3A_657 = tpu.memref_slice %run_scoped3A_76[%rem3A_453, %dma_wait3A_654, %dma_wait3A_655, %dma_wait3A_656] : memref<2x1x4x128xi32, #tpu.memory_space<vmem>> -> memref<1x1x4x128xi32, #tpu.memory_space<vmem>>
          %dma_wait3A_658 = tpu.memref_squeeze %dma_wait3A_657 : memref<1x1x4x128xi32, #tpu.memory_space<vmem>> -> memref<1x4x128xi32, #tpu.memory_space<vmem>>
          %dma_wait3A_659 = arith.constant 0 : i32
          %dma_wait3A_660 = tpu.memref_slice %dma_wait3A_658[%dma_wait3A_649, %dma_wait3A_650, %dma_wait3A_659] : memref<1x4x128xi32, #tpu.memory_space<vmem>> -> memref<1x1x128xi32, #tpu.memory_space<vmem>>
          %dma_wait3A_661 = tpu.memref_squeeze %dma_wait3A_660 : memref<1x1x128xi32, #tpu.memory_space<vmem>> -> memref<128xi32, #tpu.memory_space<vmem>>
          %dma_wait3A_662 = arith.constant 0 : i32
          %dma_wait3A_663 = arith.constant 0 : i32
          %dma_wait3A_664 = tpu.memref_slice %arg12[%dma_wait3A_662, %dma_wait3A_663] : memref<10240x16xf32, #tpu.memory_space<vmem_shared>> -> memref<10240x16xf32, #tpu.memory_space<vmem_shared>>
          tpu.wait_indirect_dma semaphore(%arg19 : memref<!tpu.dma_semaphore, #tpu.memory_space<semaphore_mem>>) src(%dma_wait3A_664 : memref<10240x16xf32, #tpu.memory_space<vmem_shared>>) dst(%dma_wait3A_653 : memref<128x16xf32, #tpu.memory_space<vmem>>)
          %dma_wait3A_665 = arith.constant 0 : i32
          %dma_wait3A_666 = arith.constant 2 : i32
          %dma_wait3A_667 = arith.constant 256 : i32
          %dma_wait3A_668 = arith.constant 0 : i32
          %dma_wait3A_669 = tpu.memref_slice %arg15[%dma_wait3A_667, %dma_wait3A_668] : memref<512x16xf32, #tpu.memory_space<vmem>> -> memref<128x16xf32, #tpu.memory_space<vmem>>
          %dma_wait3A_670 = arith.constant 0 : i32
          %dma_wait3A_671 = arith.constant 0 : i32
          %dma_wait3A_672 = arith.constant 0 : i32
          %dma_wait3A_673 = tpu.memref_slice %run_scoped3A_78[%rem3A_455, %dma_wait3A_670, %dma_wait3A_671, %dma_wait3A_672] : memref<2x1x4x128xi32, #tpu.memory_space<vmem>> -> memref<1x1x4x128xi32, #tpu.memory_space<vmem>>
          %dma_wait3A_674 = tpu.memref_squeeze %dma_wait3A_673 : memref<1x1x4x128xi32, #tpu.memory_space<vmem>> -> memref<1x4x128xi32, #tpu.memory_space<vmem>>
          %dma_wait3A_675 = arith.constant 0 : i32
          %dma_wait3A_676 = tpu.memref_slice %dma_wait3A_674[%dma_wait3A_665, %dma_wait3A_666, %dma_wait3A_675] : memref<1x4x128xi32, #tpu.memory_space<vmem>> -> memref<1x1x128xi32, #tpu.memory_space<vmem>>
          %dma_wait3A_677 = tpu.memref_squeeze %dma_wait3A_676 : memref<1x1x128xi32, #tpu.memory_space<vmem>> -> memref<128xi32, #tpu.memory_space<vmem>>
          %dma_wait3A_678 = arith.constant 0 : i32
          %dma_wait3A_679 = arith.constant 0 : i32
          %dma_wait3A_680 = tpu.memref_slice %arg13[%dma_wait3A_678, %dma_wait3A_679] : memref<10240x16xf32, #tpu.memory_space<vmem_shared>> -> memref<10240x16xf32, #tpu.memory_space<vmem_shared>>
          tpu.wait_indirect_dma semaphore(%arg19 : memref<!tpu.dma_semaphore, #tpu.memory_space<semaphore_mem>>) src(%dma_wait3A_680 : memref<10240x16xf32, #tpu.memory_space<vmem_shared>>) dst(%dma_wait3A_669 : memref<128x16xf32, #tpu.memory_space<vmem>>)
          %dma_wait3A_681 = arith.constant 0 : i32
          %dma_wait3A_682 = arith.constant 3 : i32
          %dma_wait3A_683 = arith.constant 384 : i32
          %dma_wait3A_684 = arith.constant 0 : i32
          %dma_wait3A_685 = tpu.memref_slice %arg14[%dma_wait3A_683, %dma_wait3A_684] : memref<512x16xf32, #tpu.memory_space<vmem>> -> memref<128x16xf32, #tpu.memory_space<vmem>>
          %dma_wait3A_686 = arith.constant 0 : i32
          %dma_wait3A_687 = arith.constant 0 : i32
          %dma_wait3A_688 = arith.constant 0 : i32
          %dma_wait3A_689 = tpu.memref_slice %run_scoped3A_76[%rem3A_453, %dma_wait3A_686, %dma_wait3A_687, %dma_wait3A_688] : memref<2x1x4x128xi32, #tpu.memory_space<vmem>> -> memref<1x1x4x128xi32, #tpu.memory_space<vmem>>
          %dma_wait3A_690 = tpu.memref_squeeze %dma_wait3A_689 : memref<1x1x4x128xi32, #tpu.memory_space<vmem>> -> memref<1x4x128xi32, #tpu.memory_space<vmem>>
          %dma_wait3A_691 = arith.constant 0 : i32
          %dma_wait3A_692 = tpu.memref_slice %dma_wait3A_690[%dma_wait3A_681, %dma_wait3A_682, %dma_wait3A_691] : memref<1x4x128xi32, #tpu.memory_space<vmem>> -> memref<1x1x128xi32, #tpu.memory_space<vmem>>
          %dma_wait3A_693 = tpu.memref_squeeze %dma_wait3A_692 : memref<1x1x128xi32, #tpu.memory_space<vmem>> -> memref<128xi32, #tpu.memory_space<vmem>>
          %dma_wait3A_694 = arith.constant 0 : i32
          %dma_wait3A_695 = arith.constant 0 : i32
          %dma_wait3A_696 = tpu.memref_slice %arg12[%dma_wait3A_694, %dma_wait3A_695] : memref<10240x16xf32, #tpu.memory_space<vmem_shared>> -> memref<10240x16xf32, #tpu.memory_space<vmem_shared>>
          tpu.wait_indirect_dma semaphore(%arg19 : memref<!tpu.dma_semaphore, #tpu.memory_space<semaphore_mem>>) src(%dma_wait3A_696 : memref<10240x16xf32, #tpu.memory_space<vmem_shared>>) dst(%dma_wait3A_685 : memref<128x16xf32, #tpu.memory_space<vmem>>)
          %dma_wait3A_697 = arith.constant 0 : i32
          %dma_wait3A_698 = arith.constant 3 : i32
          %dma_wait3A_699 = arith.constant 384 : i32
          %dma_wait3A_700 = arith.constant 0 : i32
          %dma_wait3A_701 = tpu.memref_slice %arg15[%dma_wait3A_699, %dma_wait3A_700] : memref<512x16xf32, #tpu.memory_space<vmem>> -> memref<128x16xf32, #tpu.memory_space<vmem>>
          %dma_wait3A_702 = arith.constant 0 : i32
          %dma_wait3A_703 = arith.constant 0 : i32
          %dma_wait3A_704 = arith.constant 0 : i32
          %dma_wait3A_705 = tpu.memref_slice %run_scoped3A_78[%rem3A_455, %dma_wait3A_702, %dma_wait3A_703, %dma_wait3A_704] : memref<2x1x4x128xi32, #tpu.memory_space<vmem>> -> memref<1x1x4x128xi32, #tpu.memory_space<vmem>>
          %dma_wait3A_706 = tpu.memref_squeeze %dma_wait3A_705 : memref<1x1x4x128xi32, #tpu.memory_space<vmem>> -> memref<1x4x128xi32, #tpu.memory_space<vmem>>
          %dma_wait3A_707 = arith.constant 0 : i32
          %dma_wait3A_708 = tpu.memref_slice %dma_wait3A_706[%dma_wait3A_697, %dma_wait3A_698, %dma_wait3A_707] : memref<1x4x128xi32, #tpu.memory_space<vmem>> -> memref<1x1x128xi32, #tpu.memory_space<vmem>>
          %dma_wait3A_709 = tpu.memref_squeeze %dma_wait3A_708 : memref<1x1x128xi32, #tpu.memory_space<vmem>> -> memref<128xi32, #tpu.memory_space<vmem>>
          %dma_wait3A_710 = arith.constant 0 : i32
          %dma_wait3A_711 = arith.constant 0 : i32
          %dma_wait3A_712 = tpu.memref_slice %arg13[%dma_wait3A_710, %dma_wait3A_711] : memref<10240x16xf32, #tpu.memory_space<vmem_shared>> -> memref<10240x16xf32, #tpu.memory_space<vmem_shared>>
          tpu.wait_indirect_dma semaphore(%arg19 : memref<!tpu.dma_semaphore, #tpu.memory_space<semaphore_mem>>) src(%dma_wait3A_712 : memref<10240x16xf32, #tpu.memory_space<vmem_shared>>) dst(%dma_wait3A_701 : memref<128x16xf32, #tpu.memory_space<vmem>>)
          %broadcast_in_dim3A = arith.constant 0 : i32
          %broadcast_in_dim3A_713 = vector.broadcast %broadcast_in_dim3A : i32 to vector<16xi32>
          %scan3A_714 = arith.constant 0 : i32
          %scan3A_715 = arith.constant 128 : i32
          %scan3A_716 = arith.addi %scan3A_714, %scan3A_715 : i32
          %scan3A_717 = arith.constant 1 : i32
          scf.for %scan3A_1130 = %scan3A_714 to %scan3A_716 step %scan3A_717  : i32 {
            %mul3A_1131 = arith.constant 1 : i32
            %mul3A_1132 = arith.muli %scan3A_1130, %mul3A_1131 : i32
            %add3A_1133 = arith.constant 0 : i32
            %add3A_1134 = arith.addi %add3A_1133, %mul3A_1132 : i32
            %add3A_1135 = arith.constant 0 : i32
            %add3A_1136 = arith.addi %add3A_1135, %add3A_1134 : i32
            %broadcast_in_dim3A_1137 = vector.broadcast %add3A_1134 : i32 to vector<16xi32>
            %gather3A = arith.constant 0 : i32
            %gather3A_1138 = arith.constant 0 : i32
            %gather3A_1139 = arith.constant 0 : i32
            %gather3A_1140 = arith.constant 0 : i32
            %gather3A_1141 = tpu.memref_slice %run_scoped3A[%rem3A_451, %gather3A, %gather3A_1138, %gather3A_1139, %gather3A_1140] : memref<2x2x4x8x128xf32, #tpu.memory_space<vmem>> -> memref<1x2x4x8x128xf32, #tpu.memory_space<vmem>>
            %gather3A_1142 = tpu.memref_squeeze %gather3A_1141 : memref<1x2x4x8x128xf32, #tpu.memory_space<vmem>> -> memref<2x4x8x128xf32, #tpu.memory_space<vmem>>
            %gather3A_1143 = tpu.vector_load_idx %gather3A_1142[%select_n3A, %broadcast_in_dim3A_713, %select_n3A_41, %broadcast_in_dim3A_1137] : memref<2x4x8x128xf32, #tpu.memory_space<vmem>>[vector<16xi32>, vector<16xi32>, vector<16xi32>, vector<16xi32>], vector<16xf32>,
            %get3A = arith.index_cast %add3A_1136 : i32 to index
            %get3A_1144 = arith.constant 0 : index
            %get3A_1145 = tpu.vector_load %arg14[%get3A, %get3A_1144] {strides = array<i32>} : memref<512x16xf32, #tpu.memory_space<vmem>>, vector<16xf32>,
            %add3A_1146 = arith.addf %gather3A_1143, %get3A_1145 : vector<16xf32>
            %get3A_1147 = arith.index_cast %add3A_1136 : i32 to index
            %get3A_1148 = arith.constant 0 : index
            %get3A_1149 = tpu.vector_load %arg15[%get3A_1147, %get3A_1148] {strides = array<i32>} : memref<512x16xf32, #tpu.memory_space<vmem>>, vector<16xf32>,
            %add3A_1150 = arith.addf %add3A_1146, %get3A_1149 : vector<16xf32>
            %swap3A = arith.index_cast %add3A_1136 : i32 to index
            %swap3A_1151 = arith.constant 0 : index
            %swap3A_1152 = tpu.vector_load %arg16[%swap3A, %swap3A_1151] {strides = array<i32>} : memref<512x16xf32, #tpu.memory_space<vmem>>, vector<16xf32>,
            tpu.vector_store %arg16[%swap3A, %swap3A_1151], %add3A_1150 {strides = array<i32>} : memref<512x16xf32, #tpu.memory_space<vmem>>, vector<16xf32>,
            %scatter3A = arith.constant 0 : i32
            %scatter3A_1153 = arith.constant 0 : i32
            %scatter3A_1154 = arith.constant 0 : i32
            %scatter3A_1155 = arith.constant 0 : i32
            %scatter3A_1156 = tpu.memref_slice %run_scoped3A_80[%rem3A_457, %scatter3A, %scatter3A_1153, %scatter3A_1154, %scatter3A_1155] : memref<2x2x4x8x128xf32, #tpu.memory_space<vmem>> -> memref<1x2x4x8x128xf32, #tpu.memory_space<vmem>>
            %scatter3A_1157 = tpu.memref_squeeze %scatter3A_1156 : memref<1x2x4x8x128xf32, #tpu.memory_space<vmem>> -> memref<2x4x8x128xf32, #tpu.memory_space<vmem>>
            tpu.vector_store_idx %scatter3A_1157[%select_n3A, %broadcast_in_dim3A_713, %select_n3A_41, %broadcast_in_dim3A_1137], %add3A_1150 : memref<2x4x8x128xf32, #tpu.memory_space<vmem>>[vector<16xi32>, vector<16xi32>, vector<16xi32>, vector<16xi32>], vector<16xf32>,
          }
          %scan3A_718 = arith.constant 128 : i32
          %broadcast_in_dim3A_719 = arith.constant 1 : i32
          %broadcast_in_dim3A_720 = vector.broadcast %broadcast_in_dim3A_719 : i32 to vector<16xi32>
          %scan3A_721 = arith.constant 0 : i32
          %scan3A_722 = arith.constant 128 : i32
          %scan3A_723 = arith.addi %scan3A_721, %scan3A_722 : i32
          %scan3A_724 = arith.constant 1 : i32
          scf.for %scan3A_1130 = %scan3A_721 to %scan3A_723 step %scan3A_724  : i32 {
            %mul3A_1131 = arith.constant 1 : i32
            %mul3A_1132 = arith.muli %scan3A_1130, %mul3A_1131 : i32
            %add3A_1133 = arith.constant 0 : i32
            %add3A_1134 = arith.addi %add3A_1133, %mul3A_1132 : i32
            %add3A_1135 = arith.constant 128 : i32
            %add3A_1136 = arith.addi %add3A_1135, %add3A_1134 : i32
            %broadcast_in_dim3A_1137 = vector.broadcast %add3A_1134 : i32 to vector<16xi32>
            %gather3A = arith.constant 0 : i32
            %gather3A_1138 = arith.constant 0 : i32
            %gather3A_1139 = arith.constant 0 : i32
            %gather3A_1140 = arith.constant 0 : i32
            %gather3A_1141 = tpu.memref_slice %run_scoped3A[%rem3A_451, %gather3A, %gather3A_1138, %gather3A_1139, %gather3A_1140] : memref<2x2x4x8x128xf32, #tpu.memory_space<vmem>> -> memref<1x2x4x8x128xf32, #tpu.memory_space<vmem>>
            %gather3A_1142 = tpu.memref_squeeze %gather3A_1141 : memref<1x2x4x8x128xf32, #tpu.memory_space<vmem>> -> memref<2x4x8x128xf32, #tpu.memory_space<vmem>>
            %gather3A_1143 = tpu.vector_load_idx %gather3A_1142[%select_n3A, %broadcast_in_dim3A_720, %select_n3A_41, %broadcast_in_dim3A_1137] : memref<2x4x8x128xf32, #tpu.memory_space<vmem>>[vector<16xi32>, vector<16xi32>, vector<16xi32>, vector<16xi32>], vector<16xf32>,
            %get3A = arith.index_cast %add3A_1136 : i32 to index
            %get3A_1144 = arith.constant 0 : index
            %get3A_1145 = tpu.vector_load %arg14[%get3A, %get3A_1144] {strides = array<i32>} : memref<512x16xf32, #tpu.memory_space<vmem>>, vector<16xf32>,
            %add3A_1146 = arith.addf %gather3A_1143, %get3A_1145 : vector<16xf32>
            %get3A_1147 = arith.index_cast %add3A_1136 : i32 to index
            %get3A_1148 = arith.constant 0 : index
            %get3A_1149 = tpu.vector_load %arg15[%get3A_1147, %get3A_1148] {strides = array<i32>} : memref<512x16xf32, #tpu.memory_space<vmem>>, vector<16xf32>,
            %add3A_1150 = arith.addf %add3A_1146, %get3A_1149 : vector<16xf32>
            %swap3A = arith.index_cast %add3A_1136 : i32 to index
            %swap3A_1151 = arith.constant 0 : index
            %swap3A_1152 = tpu.vector_load %arg16[%swap3A, %swap3A_1151] {strides = array<i32>} : memref<512x16xf32, #tpu.memory_space<vmem>>, vector<16xf32>,
            tpu.vector_store %arg16[%swap3A, %swap3A_1151], %add3A_1150 {strides = array<i32>} : memref<512x16xf32, #tpu.memory_space<vmem>>, vector<16xf32>,
            %scatter3A = arith.constant 0 : i32
            %scatter3A_1153 = arith.constant 0 : i32
            %scatter3A_1154 = arith.constant 0 : i32
            %scatter3A_1155 = arith.constant 0 : i32
            %scatter3A_1156 = tpu.memref_slice %run_scoped3A_80[%rem3A_457, %scatter3A, %scatter3A_1153, %scatter3A_1154, %scatter3A_1155] : memref<2x2x4x8x128xf32, #tpu.memory_space<vmem>> -> memref<1x2x4x8x128xf32, #tpu.memory_space<vmem>>
            %scatter3A_1157 = tpu.memref_squeeze %scatter3A_1156 : memref<1x2x4x8x128xf32, #tpu.memory_space<vmem>> -> memref<2x4x8x128xf32, #tpu.memory_space<vmem>>
            tpu.vector_store_idx %scatter3A_1157[%select_n3A, %broadcast_in_dim3A_720, %select_n3A_41, %broadcast_in_dim3A_1137], %add3A_1150 : memref<2x4x8x128xf32, #tpu.memory_space<vmem>>[vector<16xi32>, vector<16xi32>, vector<16xi32>, vector<16xi32>], vector<16xf32>,
          }
          %scan3A_725 = arith.constant 128 : i32
          %broadcast_in_dim3A_726 = arith.constant 2 : i32
          %broadcast_in_dim3A_727 = vector.broadcast %broadcast_in_dim3A_726 : i32 to vector<16xi32>
          %scan3A_728 = arith.constant 0 : i32
          %scan3A_729 = arith.constant 128 : i32
          %scan3A_730 = arith.addi %scan3A_728, %scan3A_729 : i32
          %scan3A_731 = arith.constant 1 : i32
          scf.for %scan3A_1130 = %scan3A_728 to %scan3A_730 step %scan3A_731  : i32 {
            %mul3A_1131 = arith.constant 1 : i32
            %mul3A_1132 = arith.muli %scan3A_1130, %mul3A_1131 : i32
            %add3A_1133 = arith.constant 0 : i32
            %add3A_1134 = arith.addi %add3A_1133, %mul3A_1132 : i32
            %add3A_1135 = arith.constant 256 : i32
            %add3A_1136 = arith.addi %add3A_1135, %add3A_1134 : i32
            %broadcast_in_dim3A_1137 = vector.broadcast %add3A_1134 : i32 to vector<16xi32>
            %gather3A = arith.constant 0 : i32
            %gather3A_1138 = arith.constant 0 : i32
            %gather3A_1139 = arith.constant 0 : i32
            %gather3A_1140 = arith.constant 0 : i32
            %gather3A_1141 = tpu.memref_slice %run_scoped3A[%rem3A_451, %gather3A, %gather3A_1138, %gather3A_1139, %gather3A_1140] : memref<2x2x4x8x128xf32, #tpu.memory_space<vmem>> -> memref<1x2x4x8x128xf32, #tpu.memory_space<vmem>>
            %gather3A_1142 = tpu.memref_squeeze %gather3A_1141 : memref<1x2x4x8x128xf32, #tpu.memory_space<vmem>> -> memref<2x4x8x128xf32, #tpu.memory_space<vmem>>
            %gather3A_1143 = tpu.vector_load_idx %gather3A_1142[%select_n3A, %broadcast_in_dim3A_727, %select_n3A_41, %broadcast_in_dim3A_1137] : memref<2x4x8x128xf32, #tpu.memory_space<vmem>>[vector<16xi32>, vector<16xi32>, vector<16xi32>, vector<16xi32>], vector<16xf32>,
            %get3A = arith.index_cast %add3A_1136 : i32 to index
            %get3A_1144 = arith.constant 0 : index
            %get3A_1145 = tpu.vector_load %arg14[%get3A, %get3A_1144] {strides = array<i32>} : memref<512x16xf32, #tpu.memory_space<vmem>>, vector<16xf32>,
            %add3A_1146 = arith.addf %gather3A_1143, %get3A_1145 : vector<16xf32>
            %get3A_1147 = arith.index_cast %add3A_1136 : i32 to index
            %get3A_1148 = arith.constant 0 : index
            %get3A_1149 = tpu.vector_load %arg15[%get3A_1147, %get3A_1148] {strides = array<i32>} : memref<512x16xf32, #tpu.memory_space<vmem>>, vector<16xf32>,
            %add3A_1150 = arith.addf %add3A_1146, %get3A_1149 : vector<16xf32>
            %swap3A = arith.index_cast %add3A_1136 : i32 to index
            %swap3A_1151 = arith.constant 0 : index
            %swap3A_1152 = tpu.vector_load %arg16[%swap3A, %swap3A_1151] {strides = array<i32>} : memref<512x16xf32, #tpu.memory_space<vmem>>, vector<16xf32>,
            tpu.vector_store %arg16[%swap3A, %swap3A_1151], %add3A_1150 {strides = array<i32>} : memref<512x16xf32, #tpu.memory_space<vmem>>, vector<16xf32>,
            %scatter3A = arith.constant 0 : i32
            %scatter3A_1153 = arith.constant 0 : i32
            %scatter3A_1154 = arith.constant 0 : i32
            %scatter3A_1155 = arith.constant 0 : i32
            %scatter3A_1156 = tpu.memref_slice %run_scoped3A_80[%rem3A_457, %scatter3A, %scatter3A_1153, %scatter3A_1154, %scatter3A_1155] : memref<2x2x4x8x128xf32, #tpu.memory_space<vmem>> -> memref<1x2x4x8x128xf32, #tpu.memory_space<vmem>>
            %scatter3A_1157 = tpu.memref_squeeze %scatter3A_1156 : memref<1x2x4x8x128xf32, #tpu.memory_space<vmem>> -> memref<2x4x8x128xf32, #tpu.memory_space<vmem>>
            tpu.vector_store_idx %scatter3A_1157[%select_n3A, %broadcast_in_dim3A_727, %select_n3A_41, %broadcast_in_dim3A_1137], %add3A_1150 : memref<2x4x8x128xf32, #tpu.memory_space<vmem>>[vector<16xi32>, vector<16xi32>, vector<16xi32>, vector<16xi32>], vector<16xf32>,
          }
          %scan3A_732 = arith.constant 128 : i32
          %broadcast_in_dim3A_733 = arith.constant 3 : i32
          %broadcast_in_dim3A_734 = vector.broadcast %broadcast_in_dim3A_733 : i32 to vector<16xi32>
          %scan3A_735 = arith.constant 0 : i32
          %scan3A_736 = arith.constant 128 : i32
          %scan3A_737 = arith.addi %scan3A_735, %scan3A_736 : i32
          %scan3A_738 = arith.constant 1 : i32
          scf.for %scan3A_1130 = %scan3A_735 to %scan3A_737 step %scan3A_738  : i32 {
            %mul3A_1131 = arith.constant 1 : i32
            %mul3A_1132 = arith.muli %scan3A_1130, %mul3A_1131 : i32
            %add3A_1133 = arith.constant 0 : i32
            %add3A_1134 = arith.addi %add3A_1133, %mul3A_1132 : i32
            %add3A_1135 = arith.constant 384 : i32
            %add3A_1136 = arith.addi %add3A_1135, %add3A_1134 : i32
            %broadcast_in_dim3A_1137 = vector.broadcast %add3A_1134 : i32 to vector<16xi32>
            %gather3A = arith.constant 0 : i32
            %gather3A_1138 = arith.constant 0 : i32
            %gather3A_1139 = arith.constant 0 : i32
            %gather3A_1140 = arith.constant 0 : i32
            %gather3A_1141 = tpu.memref_slice %run_scoped3A[%rem3A_451, %gather3A, %gather3A_1138, %gather3A_1139, %gather3A_1140] : memref<2x2x4x8x128xf32, #tpu.memory_space<vmem>> -> memref<1x2x4x8x128xf32, #tpu.memory_space<vmem>>
            %gather3A_1142 = tpu.memref_squeeze %gather3A_1141 : memref<1x2x4x8x128xf32, #tpu.memory_space<vmem>> -> memref<2x4x8x128xf32, #tpu.memory_space<vmem>>
            %gather3A_1143 = tpu.vector_load_idx %gather3A_1142[%select_n3A, %broadcast_in_dim3A_734, %select_n3A_41, %broadcast_in_dim3A_1137] : memref<2x4x8x128xf32, #tpu.memory_space<vmem>>[vector<16xi32>, vector<16xi32>, vector<16xi32>, vector<16xi32>], vector<16xf32>,
            %get3A = arith.index_cast %add3A_1136 : i32 to index
            %get3A_1144 = arith.constant 0 : index
            %get3A_1145 = tpu.vector_load %arg14[%get3A, %get3A_1144] {strides = array<i32>} : memref<512x16xf32, #tpu.memory_space<vmem>>, vector<16xf32>,
            %add3A_1146 = arith.addf %gather3A_1143, %get3A_1145 : vector<16xf32>
            %get3A_1147 = arith.index_cast %add3A_1136 : i32 to index
            %get3A_1148 = arith.constant 0 : index
            %get3A_1149 = tpu.vector_load %arg15[%get3A_1147, %get3A_1148] {strides = array<i32>} : memref<512x16xf32, #tpu.memory_space<vmem>>, vector<16xf32>,
            %add3A_1150 = arith.addf %add3A_1146, %get3A_1149 : vector<16xf32>
            %swap3A = arith.index_cast %add3A_1136 : i32 to index
            %swap3A_1151 = arith.constant 0 : index
            %swap3A_1152 = tpu.vector_load %arg16[%swap3A, %swap3A_1151] {strides = array<i32>} : memref<512x16xf32, #tpu.memory_space<vmem>>, vector<16xf32>,
            tpu.vector_store %arg16[%swap3A, %swap3A_1151], %add3A_1150 {strides = array<i32>} : memref<512x16xf32, #tpu.memory_space<vmem>>, vector<16xf32>,
            %scatter3A = arith.constant 0 : i32
            %scatter3A_1153 = arith.constant 0 : i32
            %scatter3A_1154 = arith.constant 0 : i32
            %scatter3A_1155 = arith.constant 0 : i32
            %scatter3A_1156 = tpu.memref_slice %run_scoped3A_80[%rem3A_457, %scatter3A, %scatter3A_1153, %scatter3A_1154, %scatter3A_1155] : memref<2x2x4x8x128xf32, #tpu.memory_space<vmem>> -> memref<1x2x4x8x128xf32, #tpu.memory_space<vmem>>
            %scatter3A_1157 = tpu.memref_squeeze %scatter3A_1156 : memref<1x2x4x8x128xf32, #tpu.memory_space<vmem>> -> memref<2x4x8x128xf32, #tpu.memory_space<vmem>>
            tpu.vector_store_idx %scatter3A_1157[%select_n3A, %broadcast_in_dim3A_734, %select_n3A_41, %broadcast_in_dim3A_1137], %add3A_1150 : memref<2x4x8x128xf32, #tpu.memory_space<vmem>>[vector<16xi32>, vector<16xi32>, vector<16xi32>, vector<16xi32>], vector<16xf32>,
          }
          %scan3A_739 = arith.constant 128 : i32
          %dma_start3A_740 = arith.constant 0 : i32
          %dma_start3A_741 = arith.constant 0 : i32
          %dma_start3A_742 = arith.constant 0 : i32
          %dma_start3A_743 = arith.constant 0 : i32
          %dma_start3A_744 = tpu.memref_slice %arg16[%dma_start3A_742, %dma_start3A_743] : memref<512x16xf32, #tpu.memory_space<vmem>> -> memref<128x16xf32, #tpu.memory_space<vmem>>
          %dma_start3A_745 = arith.constant 0 : i32
          %dma_start3A_746 = arith.constant 0 : i32
          %dma_start3A_747 = arith.constant 0 : i32
          %dma_start3A_748 = tpu.memref_slice %run_scoped3A_76[%rem3A_453, %dma_start3A_745, %dma_start3A_746, %dma_start3A_747] : memref<2x1x4x128xi32, #tpu.memory_space<vmem>> -> memref<1x1x4x128xi32, #tpu.memory_space<vmem>>
          %dma_start3A_749 = tpu.memref_squeeze %dma_start3A_748 : memref<1x1x4x128xi32, #tpu.memory_space<vmem>> -> memref<1x4x128xi32, #tpu.memory_space<vmem>>
          %dma_start3A_750 = arith.constant 0 : i32
          %dma_start3A_751 = tpu.memref_slice %dma_start3A_749[%dma_start3A_740, %dma_start3A_741, %dma_start3A_750] : memref<1x4x128xi32, #tpu.memory_space<vmem>> -> memref<1x1x128xi32, #tpu.memory_space<vmem>>
          %dma_start3A_752 = tpu.memref_squeeze %dma_start3A_751 : memref<1x1x128xi32, #tpu.memory_space<vmem>> -> memref<128xi32, #tpu.memory_space<vmem>>
          %dma_start3A_753 = arith.constant 0 : i32
          %dma_start3A_754 = arith.constant 0 : i32
          %dma_start3A_755 = tpu.memref_slice %arg10[%dma_start3A_753, %dma_start3A_754] : memref<10240x16xf32, #tpu.memory_space<vmem_shared>> -> memref<10240x16xf32, #tpu.memory_space<vmem_shared>>
          tpu.enqueue_indirect_dma source(%dma_start3A_744 : memref<128x16xf32, #tpu.memory_space<vmem>>) target(%dma_start3A_755 : memref<10240x16xf32, #tpu.memory_space<vmem_shared>>) offsets(%dma_start3A_752 : memref<128xi32, #tpu.memory_space<vmem>>) semaphore(%arg20 : memref<!tpu.dma_semaphore, #tpu.memory_space<semaphore_mem>>) {add = true}
          %dma_start3A_756 = arith.constant 0 : i32
          %dma_start3A_757 = arith.constant 0 : i32
          %dma_start3A_758 = arith.constant 0 : i32
          %dma_start3A_759 = arith.constant 0 : i32
          %dma_start3A_760 = arith.constant 0 : i32
          %dma_start3A_761 = tpu.memref_slice %run_scoped3A_76[%rem3A_453, %dma_start3A_758, %dma_start3A_759, %dma_start3A_760] : memref<2x1x4x128xi32, #tpu.memory_space<vmem>> -> memref<1x1x4x128xi32, #tpu.memory_space<vmem>>
          %dma_start3A_762 = tpu.memref_squeeze %dma_start3A_761 : memref<1x1x4x128xi32, #tpu.memory_space<vmem>> -> memref<1x4x128xi32, #tpu.memory_space<vmem>>
          %dma_start3A_763 = arith.constant 0 : i32
          %dma_start3A_764 = tpu.memref_slice %dma_start3A_762[%dma_start3A_756, %dma_start3A_757, %dma_start3A_763] : memref<1x4x128xi32, #tpu.memory_space<vmem>> -> memref<1x1x128xi32, #tpu.memory_space<vmem>>
          %dma_start3A_765 = tpu.memref_squeeze %dma_start3A_764 : memref<1x1x128xi32, #tpu.memory_space<vmem>> -> memref<128xi32, #tpu.memory_space<vmem>>
          %dma_start3A_766 = arith.constant 0 : i32
          %dma_start3A_767 = arith.constant 0 : i32
          %dma_start3A_768 = tpu.memref_slice %arg11[%dma_start3A_766, %dma_start3A_767] : memref<10240x16xf32, #tpu.memory_space<vmem_shared>> -> memref<10240x16xf32, #tpu.memory_space<vmem_shared>>
          tpu.enqueue_indirect_dma source(%arg17 : memref<128x16xf32, #tpu.memory_space<vmem>>) target(%dma_start3A_768 : memref<10240x16xf32, #tpu.memory_space<vmem_shared>>) offsets(%dma_start3A_765 : memref<128xi32, #tpu.memory_space<vmem>>) semaphore(%arg20 : memref<!tpu.dma_semaphore, #tpu.memory_space<semaphore_mem>>) {add = true}
          %dma_start3A_769 = arith.constant 0 : i32
          %dma_start3A_770 = arith.constant 1 : i32
          %dma_start3A_771 = arith.constant 128 : i32
          %dma_start3A_772 = arith.constant 0 : i32
          %dma_start3A_773 = tpu.memref_slice %arg16[%dma_start3A_771, %dma_start3A_772] : memref<512x16xf32, #tpu.memory_space<vmem>> -> memref<128x16xf32, #tpu.memory_space<vmem>>
          %dma_start3A_774 = arith.constant 0 : i32
          %dma_start3A_775 = arith.constant 0 : i32
          %dma_start3A_776 = arith.constant 0 : i32
          %dma_start3A_777 = tpu.memref_slice %run_scoped3A_76[%rem3A_453, %dma_start3A_774, %dma_start3A_775, %dma_start3A_776] : memref<2x1x4x128xi32, #tpu.memory_space<vmem>> -> memref<1x1x4x128xi32, #tpu.memory_space<vmem>>
          %dma_start3A_778 = tpu.memref_squeeze %dma_start3A_777 : memref<1x1x4x128xi32, #tpu.memory_space<vmem>> -> memref<1x4x128xi32, #tpu.memory_space<vmem>>
          %dma_start3A_779 = arith.constant 0 : i32
          %dma_start3A_780 = tpu.memref_slice %dma_start3A_778[%dma_start3A_769, %dma_start3A_770, %dma_start3A_779] : memref<1x4x128xi32, #tpu.memory_space<vmem>> -> memref<1x1x128xi32, #tpu.memory_space<vmem>>
          %dma_start3A_781 = tpu.memref_squeeze %dma_start3A_780 : memref<1x1x128xi32, #tpu.memory_space<vmem>> -> memref<128xi32, #tpu.memory_space<vmem>>
          %dma_start3A_782 = arith.constant 0 : i32
          %dma_start3A_783 = arith.constant 0 : i32
          %dma_start3A_784 = tpu.memref_slice %arg10[%dma_start3A_782, %dma_start3A_783] : memref<10240x16xf32, #tpu.memory_space<vmem_shared>> -> memref<10240x16xf32, #tpu.memory_space<vmem_shared>>
          tpu.enqueue_indirect_dma source(%dma_start3A_773 : memref<128x16xf32, #tpu.memory_space<vmem>>) target(%dma_start3A_784 : memref<10240x16xf32, #tpu.memory_space<vmem_shared>>) offsets(%dma_start3A_781 : memref<128xi32, #tpu.memory_space<vmem>>) semaphore(%arg20 : memref<!tpu.dma_semaphore, #tpu.memory_space<semaphore_mem>>) {add = true}
          %dma_start3A_785 = arith.constant 0 : i32
          %dma_start3A_786 = arith.constant 1 : i32
          %dma_start3A_787 = arith.constant 0 : i32
          %dma_start3A_788 = arith.constant 0 : i32
          %dma_start3A_789 = arith.constant 0 : i32
          %dma_start3A_790 = tpu.memref_slice %run_scoped3A_76[%rem3A_453, %dma_start3A_787, %dma_start3A_788, %dma_start3A_789] : memref<2x1x4x128xi32, #tpu.memory_space<vmem>> -> memref<1x1x4x128xi32, #tpu.memory_space<vmem>>
          %dma_start3A_791 = tpu.memref_squeeze %dma_start3A_790 : memref<1x1x4x128xi32, #tpu.memory_space<vmem>> -> memref<1x4x128xi32, #tpu.memory_space<vmem>>
          %dma_start3A_792 = arith.constant 0 : i32
          %dma_start3A_793 = tpu.memref_slice %dma_start3A_791[%dma_start3A_785, %dma_start3A_786, %dma_start3A_792] : memref<1x4x128xi32, #tpu.memory_space<vmem>> -> memref<1x1x128xi32, #tpu.memory_space<vmem>>
          %dma_start3A_794 = tpu.memref_squeeze %dma_start3A_793 : memref<1x1x128xi32, #tpu.memory_space<vmem>> -> memref<128xi32, #tpu.memory_space<vmem>>
          %dma_start3A_795 = arith.constant 0 : i32
          %dma_start3A_796 = arith.constant 0 : i32
          %dma_start3A_797 = tpu.memref_slice %arg11[%dma_start3A_795, %dma_start3A_796] : memref<10240x16xf32, #tpu.memory_space<vmem_shared>> -> memref<10240x16xf32, #tpu.memory_space<vmem_shared>>
          tpu.enqueue_indirect_dma source(%arg17 : memref<128x16xf32, #tpu.memory_space<vmem>>) target(%dma_start3A_797 : memref<10240x16xf32, #tpu.memory_space<vmem_shared>>) offsets(%dma_start3A_794 : memref<128xi32, #tpu.memory_space<vmem>>) semaphore(%arg20 : memref<!tpu.dma_semaphore, #tpu.memory_space<semaphore_mem>>) {add = true}
          %dma_start3A_798 = arith.constant 0 : i32
          %dma_start3A_799 = arith.constant 2 : i32
          %dma_start3A_800 = arith.constant 256 : i32
          %dma_start3A_801 = arith.constant 0 : i32
          %dma_start3A_802 = tpu.memref_slice %arg16[%dma_start3A_800, %dma_start3A_801] : memref<512x16xf32, #tpu.memory_space<vmem>> -> memref<128x16xf32, #tpu.memory_space<vmem>>
          %dma_start3A_803 = arith.constant 0 : i32
          %dma_start3A_804 = arith.constant 0 : i32
          %dma_start3A_805 = arith.constant 0 : i32
          %dma_start3A_806 = tpu.memref_slice %run_scoped3A_76[%rem3A_453, %dma_start3A_803, %dma_start3A_804, %dma_start3A_805] : memref<2x1x4x128xi32, #tpu.memory_space<vmem>> -> memref<1x1x4x128xi32, #tpu.memory_space<vmem>>
          %dma_start3A_807 = tpu.memref_squeeze %dma_start3A_806 : memref<1x1x4x128xi32, #tpu.memory_space<vmem>> -> memref<1x4x128xi32, #tpu.memory_space<vmem>>
          %dma_start3A_808 = arith.constant 0 : i32
          %dma_start3A_809 = tpu.memref_slice %dma_start3A_807[%dma_start3A_798, %dma_start3A_799, %dma_start3A_808] : memref<1x4x128xi32, #tpu.memory_space<vmem>> -> memref<1x1x128xi32, #tpu.memory_space<vmem>>
          %dma_start3A_810 = tpu.memref_squeeze %dma_start3A_809 : memref<1x1x128xi32, #tpu.memory_space<vmem>> -> memref<128xi32, #tpu.memory_space<vmem>>
          %dma_start3A_811 = arith.constant 0 : i32
          %dma_start3A_812 = arith.constant 0 : i32
          %dma_start3A_813 = tpu.memref_slice %arg10[%dma_start3A_811, %dma_start3A_812] : memref<10240x16xf32, #tpu.memory_space<vmem_shared>> -> memref<10240x16xf32, #tpu.memory_space<vmem_shared>>
          tpu.enqueue_indirect_dma source(%dma_start3A_802 : memref<128x16xf32, #tpu.memory_space<vmem>>) target(%dma_start3A_813 : memref<10240x16xf32, #tpu.memory_space<vmem_shared>>) offsets(%dma_start3A_810 : memref<128xi32, #tpu.memory_space<vmem>>) semaphore(%arg20 : memref<!tpu.dma_semaphore, #tpu.memory_space<semaphore_mem>>) {add = true}
          %dma_start3A_814 = arith.constant 0 : i32
          %dma_start3A_815 = arith.constant 2 : i32
          %dma_start3A_816 = arith.constant 0 : i32
          %dma_start3A_817 = arith.constant 0 : i32
          %dma_start3A_818 = arith.constant 0 : i32
          %dma_start3A_819 = tpu.memref_slice %run_scoped3A_76[%rem3A_453, %dma_start3A_816, %dma_start3A_817, %dma_start3A_818] : memref<2x1x4x128xi32, #tpu.memory_space<vmem>> -> memref<1x1x4x128xi32, #tpu.memory_space<vmem>>
          %dma_start3A_820 = tpu.memref_squeeze %dma_start3A_819 : memref<1x1x4x128xi32, #tpu.memory_space<vmem>> -> memref<1x4x128xi32, #tpu.memory_space<vmem>>
          %dma_start3A_821 = arith.constant 0 : i32
          %dma_start3A_822 = tpu.memref_slice %dma_start3A_820[%dma_start3A_814, %dma_start3A_815, %dma_start3A_821] : memref<1x4x128xi32, #tpu.memory_space<vmem>> -> memref<1x1x128xi32, #tpu.memory_space<vmem>>
          %dma_start3A_823 = tpu.memref_squeeze %dma_start3A_822 : memref<1x1x128xi32, #tpu.memory_space<vmem>> -> memref<128xi32, #tpu.memory_space<vmem>>
          %dma_start3A_824 = arith.constant 0 : i32
          %dma_start3A_825 = arith.constant 0 : i32
          %dma_start3A_826 = tpu.memref_slice %arg11[%dma_start3A_824, %dma_start3A_825] : memref<10240x16xf32, #tpu.memory_space<vmem_shared>> -> memref<10240x16xf32, #tpu.memory_space<vmem_shared>>
          tpu.enqueue_indirect_dma source(%arg17 : memref<128x16xf32, #tpu.memory_space<vmem>>) target(%dma_start3A_826 : memref<10240x16xf32, #tpu.memory_space<vmem_shared>>) offsets(%dma_start3A_823 : memref<128xi32, #tpu.memory_space<vmem>>) semaphore(%arg20 : memref<!tpu.dma_semaphore, #tpu.memory_space<semaphore_mem>>) {add = true}
          %dma_start3A_827 = arith.constant 0 : i32
          %dma_start3A_828 = arith.constant 3 : i32
          %dma_start3A_829 = arith.constant 384 : i32
          %dma_start3A_830 = arith.constant 0 : i32
          %dma_start3A_831 = tpu.memref_slice %arg16[%dma_start3A_829, %dma_start3A_830] : memref<512x16xf32, #tpu.memory_space<vmem>> -> memref<128x16xf32, #tpu.memory_space<vmem>>
          %dma_start3A_832 = arith.constant 0 : i32
          %dma_start3A_833 = arith.constant 0 : i32
          %dma_start3A_834 = arith.constant 0 : i32
          %dma_start3A_835 = tpu.memref_slice %run_scoped3A_76[%rem3A_453, %dma_start3A_832, %dma_start3A_833, %dma_start3A_834] : memref<2x1x4x128xi32, #tpu.memory_space<vmem>> -> memref<1x1x4x128xi32, #tpu.memory_space<vmem>>
          %dma_start3A_836 = tpu.memref_squeeze %dma_start3A_835 : memref<1x1x4x128xi32, #tpu.memory_space<vmem>> -> memref<1x4x128xi32, #tpu.memory_space<vmem>>
          %dma_start3A_837 = arith.constant 0 : i32
          %dma_start3A_838 = tpu.memref_slice %dma_start3A_836[%dma_start3A_827, %dma_start3A_828, %dma_start3A_837] : memref<1x4x128xi32, #tpu.memory_space<vmem>> -> memref<1x1x128xi32, #tpu.memory_space<vmem>>
          %dma_start3A_839 = tpu.memref_squeeze %dma_start3A_838 : memref<1x1x128xi32, #tpu.memory_space<vmem>> -> memref<128xi32, #tpu.memory_space<vmem>>
          %dma_start3A_840 = arith.constant 0 : i32
          %dma_start3A_841 = arith.constant 0 : i32
          %dma_start3A_842 = tpu.memref_slice %arg10[%dma_start3A_840, %dma_start3A_841] : memref<10240x16xf32, #tpu.memory_space<vmem_shared>> -> memref<10240x16xf32, #tpu.memory_space<vmem_shared>>
          tpu.enqueue_indirect_dma source(%dma_start3A_831 : memref<128x16xf32, #tpu.memory_space<vmem>>) target(%dma_start3A_842 : memref<10240x16xf32, #tpu.memory_space<vmem_shared>>) offsets(%dma_start3A_839 : memref<128xi32, #tpu.memory_space<vmem>>) semaphore(%arg20 : memref<!tpu.dma_semaphore, #tpu.memory_space<semaphore_mem>>) {add = true}
          %dma_start3A_843 = arith.constant 0 : i32
          %dma_start3A_844 = arith.constant 3 : i32
          %dma_start3A_845 = arith.constant 0 : i32
          %dma_start3A_846 = arith.constant 0 : i32
          %dma_start3A_847 = arith.constant 0 : i32
          %dma_start3A_848 = tpu.memref_slice %run_scoped3A_76[%rem3A_453, %dma_start3A_845, %dma_start3A_846, %dma_start3A_847] : memref<2x1x4x128xi32, #tpu.memory_space<vmem>> -> memref<1x1x4x128xi32, #tpu.memory_space<vmem>>
          %dma_start3A_849 = tpu.memref_squeeze %dma_start3A_848 : memref<1x1x4x128xi32, #tpu.memory_space<vmem>> -> memref<1x4x128xi32, #tpu.memory_space<vmem>>
          %dma_start3A_850 = arith.constant 0 : i32
          %dma_start3A_851 = tpu.memref_slice %dma_start3A_849[%dma_start3A_843, %dma_start3A_844, %dma_start3A_850] : memref<1x4x128xi32, #tpu.memory_space<vmem>> -> memref<1x1x128xi32, #tpu.memory_space<vmem>>
          %dma_start3A_852 = tpu.memref_squeeze %dma_start3A_851 : memref<1x1x128xi32, #tpu.memory_space<vmem>> -> memref<128xi32, #tpu.memory_space<vmem>>
          %dma_start3A_853 = arith.constant 0 : i32
          %dma_start3A_854 = arith.constant 0 : i32
          %dma_start3A_855 = tpu.memref_slice %arg11[%dma_start3A_853, %dma_start3A_854] : memref<10240x16xf32, #tpu.memory_space<vmem_shared>> -> memref<10240x16xf32, #tpu.memory_space<vmem_shared>>
          tpu.enqueue_indirect_dma source(%arg17 : memref<128x16xf32, #tpu.memory_space<vmem>>) target(%dma_start3A_855 : memref<10240x16xf32, #tpu.memory_space<vmem_shared>>) offsets(%dma_start3A_852 : memref<128xi32, #tpu.memory_space<vmem>>) semaphore(%arg20 : memref<!tpu.dma_semaphore, #tpu.memory_space<semaphore_mem>>) {add = true}
          %dma_wait3A_856 = arith.constant 0 : i32
          %dma_wait3A_857 = arith.constant 0 : i32
          %dma_wait3A_858 = arith.constant 0 : i32
          %dma_wait3A_859 = arith.constant 0 : i32
          %dma_wait3A_860 = tpu.memref_slice %arg16[%dma_wait3A_858, %dma_wait3A_859] : memref<512x16xf32, #tpu.memory_space<vmem>> -> memref<128x16xf32, #tpu.memory_space<vmem>>
          %dma_wait3A_861 = arith.constant 0 : i32
          %dma_wait3A_862 = arith.constant 0 : i32
          %dma_wait3A_863 = arith.constant 0 : i32
          %dma_wait3A_864 = tpu.memref_slice %run_scoped3A_76[%rem3A_453, %dma_wait3A_861, %dma_wait3A_862, %dma_wait3A_863] : memref<2x1x4x128xi32, #tpu.memory_space<vmem>> -> memref<1x1x4x128xi32, #tpu.memory_space<vmem>>
          %dma_wait3A_865 = tpu.memref_squeeze %dma_wait3A_864 : memref<1x1x4x128xi32, #tpu.memory_space<vmem>> -> memref<1x4x128xi32, #tpu.memory_space<vmem>>
          %dma_wait3A_866 = arith.constant 0 : i32
          %dma_wait3A_867 = tpu.memref_slice %dma_wait3A_865[%dma_wait3A_856, %dma_wait3A_857, %dma_wait3A_866] : memref<1x4x128xi32, #tpu.memory_space<vmem>> -> memref<1x1x128xi32, #tpu.memory_space<vmem>>
          %dma_wait3A_868 = tpu.memref_squeeze %dma_wait3A_867 : memref<1x1x128xi32, #tpu.memory_space<vmem>> -> memref<128xi32, #tpu.memory_space<vmem>>
          %dma_wait3A_869 = arith.constant 0 : i32
          %dma_wait3A_870 = arith.constant 0 : i32
          %dma_wait3A_871 = tpu.memref_slice %arg10[%dma_wait3A_869, %dma_wait3A_870] : memref<10240x16xf32, #tpu.memory_space<vmem_shared>> -> memref<10240x16xf32, #tpu.memory_space<vmem_shared>>
          tpu.wait_indirect_dma semaphore(%arg20 : memref<!tpu.dma_semaphore, #tpu.memory_space<semaphore_mem>>) src(%dma_wait3A_860 : memref<128x16xf32, #tpu.memory_space<vmem>>) dst(%dma_wait3A_871 : memref<10240x16xf32, #tpu.memory_space<vmem_shared>>)
          %dma_wait3A_872 = arith.constant 0 : i32
          %dma_wait3A_873 = arith.constant 0 : i32
          %dma_wait3A_874 = arith.constant 0 : i32
          %dma_wait3A_875 = arith.constant 0 : i32
          %dma_wait3A_876 = arith.constant 0 : i32
          %dma_wait3A_877 = tpu.memref_slice %run_scoped3A_76[%rem3A_453, %dma_wait3A_874, %dma_wait3A_875, %dma_wait3A_876] : memref<2x1x4x128xi32, #tpu.memory_space<vmem>> -> memref<1x1x4x128xi32, #tpu.memory_space<vmem>>
          %dma_wait3A_878 = tpu.memref_squeeze %dma_wait3A_877 : memref<1x1x4x128xi32, #tpu.memory_space<vmem>> -> memref<1x4x128xi32, #tpu.memory_space<vmem>>
          %dma_wait3A_879 = arith.constant 0 : i32
          %dma_wait3A_880 = tpu.memref_slice %dma_wait3A_878[%dma_wait3A_872, %dma_wait3A_873, %dma_wait3A_879] : memref<1x4x128xi32, #tpu.memory_space<vmem>> -> memref<1x1x128xi32, #tpu.memory_space<vmem>>
          %dma_wait3A_881 = tpu.memref_squeeze %dma_wait3A_880 : memref<1x1x128xi32, #tpu.memory_space<vmem>> -> memref<128xi32, #tpu.memory_space<vmem>>
          %dma_wait3A_882 = arith.constant 0 : i32
          %dma_wait3A_883 = arith.constant 0 : i32
          %dma_wait3A_884 = tpu.memref_slice %arg11[%dma_wait3A_882, %dma_wait3A_883] : memref<10240x16xf32, #tpu.memory_space<vmem_shared>> -> memref<10240x16xf32, #tpu.memory_space<vmem_shared>>
          tpu.wait_indirect_dma semaphore(%arg20 : memref<!tpu.dma_semaphore, #tpu.memory_space<semaphore_mem>>) src(%arg17 : memref<128x16xf32, #tpu.memory_space<vmem>>) dst(%dma_wait3A_884 : memref<10240x16xf32, #tpu.memory_space<vmem_shared>>)
          %dma_wait3A_885 = arith.constant 0 : i32
          %dma_wait3A_886 = arith.constant 1 : i32
          %dma_wait3A_887 = arith.constant 128 : i32
          %dma_wait3A_888 = arith.constant 0 : i32
          %dma_wait3A_889 = tpu.memref_slice %arg16[%dma_wait3A_887, %dma_wait3A_888] : memref<512x16xf32, #tpu.memory_space<vmem>> -> memref<128x16xf32, #tpu.memory_space<vmem>>
          %dma_wait3A_890 = arith.constant 0 : i32
          %dma_wait3A_891 = arith.constant 0 : i32
          %dma_wait3A_892 = arith.constant 0 : i32
          %dma_wait3A_893 = tpu.memref_slice %run_scoped3A_76[%rem3A_453, %dma_wait3A_890, %dma_wait3A_891, %dma_wait3A_892] : memref<2x1x4x128xi32, #tpu.memory_space<vmem>> -> memref<1x1x4x128xi32, #tpu.memory_space<vmem>>
          %dma_wait3A_894 = tpu.memref_squeeze %dma_wait3A_893 : memref<1x1x4x128xi32, #tpu.memory_space<vmem>> -> memref<1x4x128xi32, #tpu.memory_space<vmem>>
          %dma_wait3A_895 = arith.constant 0 : i32
          %dma_wait3A_896 = tpu.memref_slice %dma_wait3A_894[%dma_wait3A_885, %dma_wait3A_886, %dma_wait3A_895] : memref<1x4x128xi32, #tpu.memory_space<vmem>> -> memref<1x1x128xi32, #tpu.memory_space<vmem>>
          %dma_wait3A_897 = tpu.memref_squeeze %dma_wait3A_896 : memref<1x1x128xi32, #tpu.memory_space<vmem>> -> memref<128xi32, #tpu.memory_space<vmem>>
          %dma_wait3A_898 = arith.constant 0 : i32
          %dma_wait3A_899 = arith.constant 0 : i32
          %dma_wait3A_900 = tpu.memref_slice %arg10[%dma_wait3A_898, %dma_wait3A_899] : memref<10240x16xf32, #tpu.memory_space<vmem_shared>> -> memref<10240x16xf32, #tpu.memory_space<vmem_shared>>
          tpu.wait_indirect_dma semaphore(%arg20 : memref<!tpu.dma_semaphore, #tpu.memory_space<semaphore_mem>>) src(%dma_wait3A_889 : memref<128x16xf32, #tpu.memory_space<vmem>>) dst(%dma_wait3A_900 : memref<10240x16xf32, #tpu.memory_space<vmem_shared>>)
          %dma_wait3A_901 = arith.constant 0 : i32
          %dma_wait3A_902 = arith.constant 1 : i32
          %dma_wait3A_903 = arith.constant 0 : i32
          %dma_wait3A_904 = arith.constant 0 : i32
          %dma_wait3A_905 = arith.constant 0 : i32
          %dma_wait3A_906 = tpu.memref_slice %run_scoped3A_76[%rem3A_453, %dma_wait3A_903, %dma_wait3A_904, %dma_wait3A_905] : memref<2x1x4x128xi32, #tpu.memory_space<vmem>> -> memref<1x1x4x128xi32, #tpu.memory_space<vmem>>
          %dma_wait3A_907 = tpu.memref_squeeze %dma_wait3A_906 : memref<1x1x4x128xi32, #tpu.memory_space<vmem>> -> memref<1x4x128xi32, #tpu.memory_space<vmem>>
          %dma_wait3A_908 = arith.constant 0 : i32
          %dma_wait3A_909 = tpu.memref_slice %dma_wait3A_907[%dma_wait3A_901, %dma_wait3A_902, %dma_wait3A_908] : memref<1x4x128xi32, #tpu.memory_space<vmem>> -> memref<1x1x128xi32, #tpu.memory_space<vmem>>
          %dma_wait3A_910 = tpu.memref_squeeze %dma_wait3A_909 : memref<1x1x128xi32, #tpu.memory_space<vmem>> -> memref<128xi32, #tpu.memory_space<vmem>>
          %dma_wait3A_911 = arith.constant 0 : i32
          %dma_wait3A_912 = arith.constant 0 : i32
          %dma_wait3A_913 = tpu.memref_slice %arg11[%dma_wait3A_911, %dma_wait3A_912] : memref<10240x16xf32, #tpu.memory_space<vmem_shared>> -> memref<10240x16xf32, #tpu.memory_space<vmem_shared>>
          tpu.wait_indirect_dma semaphore(%arg20 : memref<!tpu.dma_semaphore, #tpu.memory_space<semaphore_mem>>) src(%arg17 : memref<128x16xf32, #tpu.memory_space<vmem>>) dst(%dma_wait3A_913 : memref<10240x16xf32, #tpu.memory_space<vmem_shared>>)
          %dma_wait3A_914 = arith.constant 0 : i32
          %dma_wait3A_915 = arith.constant 2 : i32
          %dma_wait3A_916 = arith.constant 256 : i32
          %dma_wait3A_917 = arith.constant 0 : i32
          %dma_wait3A_918 = tpu.memref_slice %arg16[%dma_wait3A_916, %dma_wait3A_917] : memref<512x16xf32, #tpu.memory_space<vmem>> -> memref<128x16xf32, #tpu.memory_space<vmem>>
          %dma_wait3A_919 = arith.constant 0 : i32
          %dma_wait3A_920 = arith.constant 0 : i32
          %dma_wait3A_921 = arith.constant 0 : i32
          %dma_wait3A_922 = tpu.memref_slice %run_scoped3A_76[%rem3A_453, %dma_wait3A_919, %dma_wait3A_920, %dma_wait3A_921] : memref<2x1x4x128xi32, #tpu.memory_space<vmem>> -> memref<1x1x4x128xi32, #tpu.memory_space<vmem>>
          %dma_wait3A_923 = tpu.memref_squeeze %dma_wait3A_922 : memref<1x1x4x128xi32, #tpu.memory_space<vmem>> -> memref<1x4x128xi32, #tpu.memory_space<vmem>>
          %dma_wait3A_924 = arith.constant 0 : i32
          %dma_wait3A_925 = tpu.memref_slice %dma_wait3A_923[%dma_wait3A_914, %dma_wait3A_915, %dma_wait3A_924] : memref<1x4x128xi32, #tpu.memory_space<vmem>> -> memref<1x1x128xi32, #tpu.memory_space<vmem>>
          %dma_wait3A_926 = tpu.memref_squeeze %dma_wait3A_925 : memref<1x1x128xi32, #tpu.memory_space<vmem>> -> memref<128xi32, #tpu.memory_space<vmem>>
          %dma_wait3A_927 = arith.constant 0 : i32
          %dma_wait3A_928 = arith.constant 0 : i32
          %dma_wait3A_929 = tpu.memref_slice %arg10[%dma_wait3A_927, %dma_wait3A_928] : memref<10240x16xf32, #tpu.memory_space<vmem_shared>> -> memref<10240x16xf32, #tpu.memory_space<vmem_shared>>
          tpu.wait_indirect_dma semaphore(%arg20 : memref<!tpu.dma_semaphore, #tpu.memory_space<semaphore_mem>>) src(%dma_wait3A_918 : memref<128x16xf32, #tpu.memory_space<vmem>>) dst(%dma_wait3A_929 : memref<10240x16xf32, #tpu.memory_space<vmem_shared>>)
          %dma_wait3A_930 = arith.constant 0 : i32
          %dma_wait3A_931 = arith.constant 2 : i32
          %dma_wait3A_932 = arith.constant 0 : i32
          %dma_wait3A_933 = arith.constant 0 : i32
          %dma_wait3A_934 = arith.constant 0 : i32
          %dma_wait3A_935 = tpu.memref_slice %run_scoped3A_76[%rem3A_453, %dma_wait3A_932, %dma_wait3A_933, %dma_wait3A_934] : memref<2x1x4x128xi32, #tpu.memory_space<vmem>> -> memref<1x1x4x128xi32, #tpu.memory_space<vmem>>
          %dma_wait3A_936 = tpu.memref_squeeze %dma_wait3A_935 : memref<1x1x4x128xi32, #tpu.memory_space<vmem>> -> memref<1x4x128xi32, #tpu.memory_space<vmem>>
          %dma_wait3A_937 = arith.constant 0 : i32
          %dma_wait3A_938 = tpu.memref_slice %dma_wait3A_936[%dma_wait3A_930, %dma_wait3A_931, %dma_wait3A_937] : memref<1x4x128xi32, #tpu.memory_space<vmem>> -> memref<1x1x128xi32, #tpu.memory_space<vmem>>
          %dma_wait3A_939 = tpu.memref_squeeze %dma_wait3A_938 : memref<1x1x128xi32, #tpu.memory_space<vmem>> -> memref<128xi32, #tpu.memory_space<vmem>>
          %dma_wait3A_940 = arith.constant 0 : i32
          %dma_wait3A_941 = arith.constant 0 : i32
          %dma_wait3A_942 = tpu.memref_slice %arg11[%dma_wait3A_940, %dma_wait3A_941] : memref<10240x16xf32, #tpu.memory_space<vmem_shared>> -> memref<10240x16xf32, #tpu.memory_space<vmem_shared>>
          tpu.wait_indirect_dma semaphore(%arg20 : memref<!tpu.dma_semaphore, #tpu.memory_space<semaphore_mem>>) src(%arg17 : memref<128x16xf32, #tpu.memory_space<vmem>>) dst(%dma_wait3A_942 : memref<10240x16xf32, #tpu.memory_space<vmem_shared>>)
          %dma_wait3A_943 = arith.constant 0 : i32
          %dma_wait3A_944 = arith.constant 3 : i32
          %dma_wait3A_945 = arith.constant 384 : i32
          %dma_wait3A_946 = arith.constant 0 : i32
          %dma_wait3A_947 = tpu.memref_slice %arg16[%dma_wait3A_945, %dma_wait3A_946] : memref<512x16xf32, #tpu.memory_space<vmem>> -> memref<128x16xf32, #tpu.memory_space<vmem>>
          %dma_wait3A_948 = arith.constant 0 : i32
          %dma_wait3A_949 = arith.constant 0 : i32
          %dma_wait3A_950 = arith.constant 0 : i32
          %dma_wait3A_951 = tpu.memref_slice %run_scoped3A_76[%rem3A_453, %dma_wait3A_948, %dma_wait3A_949, %dma_wait3A_950] : memref<2x1x4x128xi32, #tpu.memory_space<vmem>> -> memref<1x1x4x128xi32, #tpu.memory_space<vmem>>
          %dma_wait3A_952 = tpu.memref_squeeze %dma_wait3A_951 : memref<1x1x4x128xi32, #tpu.memory_space<vmem>> -> memref<1x4x128xi32, #tpu.memory_space<vmem>>
          %dma_wait3A_953 = arith.constant 0 : i32
          %dma_wait3A_954 = tpu.memref_slice %dma_wait3A_952[%dma_wait3A_943, %dma_wait3A_944, %dma_wait3A_953] : memref<1x4x128xi32, #tpu.memory_space<vmem>> -> memref<1x1x128xi32, #tpu.memory_space<vmem>>
          %dma_wait3A_955 = tpu.memref_squeeze %dma_wait3A_954 : memref<1x1x128xi32, #tpu.memory_space<vmem>> -> memref<128xi32, #tpu.memory_space<vmem>>
          %dma_wait3A_956 = arith.constant 0 : i32
          %dma_wait3A_957 = arith.constant 0 : i32
          %dma_wait3A_958 = tpu.memref_slice %arg10[%dma_wait3A_956, %dma_wait3A_957] : memref<10240x16xf32, #tpu.memory_space<vmem_shared>> -> memref<10240x16xf32, #tpu.memory_space<vmem_shared>>
          tpu.wait_indirect_dma semaphore(%arg20 : memref<!tpu.dma_semaphore, #tpu.memory_space<semaphore_mem>>) src(%dma_wait3A_947 : memref<128x16xf32, #tpu.memory_space<vmem>>) dst(%dma_wait3A_958 : memref<10240x16xf32, #tpu.memory_space<vmem_shared>>)
          %dma_wait3A_959 = arith.constant 0 : i32
          %dma_wait3A_960 = arith.constant 3 : i32
          %dma_wait3A_961 = arith.constant 0 : i32
          %dma_wait3A_962 = arith.constant 0 : i32
          %dma_wait3A_963 = arith.constant 0 : i32
          %dma_wait3A_964 = tpu.memref_slice %run_scoped3A_76[%rem3A_453, %dma_wait3A_961, %dma_wait3A_962, %dma_wait3A_963] : memref<2x1x4x128xi32, #tpu.memory_space<vmem>> -> memref<1x1x4x128xi32, #tpu.memory_space<vmem>>
          %dma_wait3A_965 = tpu.memref_squeeze %dma_wait3A_964 : memref<1x1x4x128xi32, #tpu.memory_space<vmem>> -> memref<1x4x128xi32, #tpu.memory_space<vmem>>
          %dma_wait3A_966 = arith.constant 0 : i32
          %dma_wait3A_967 = tpu.memref_slice %dma_wait3A_965[%dma_wait3A_959, %dma_wait3A_960, %dma_wait3A_966] : memref<1x4x128xi32, #tpu.memory_space<vmem>> -> memref<1x1x128xi32, #tpu.memory_space<vmem>>
          %dma_wait3A_968 = tpu.memref_squeeze %dma_wait3A_967 : memref<1x1x128xi32, #tpu.memory_space<vmem>> -> memref<128xi32, #tpu.memory_space<vmem>>
          %dma_wait3A_969 = arith.constant 0 : i32
          %dma_wait3A_970 = arith.constant 0 : i32
          %dma_wait3A_971 = tpu.memref_slice %arg11[%dma_wait3A_969, %dma_wait3A_970] : memref<10240x16xf32, #tpu.memory_space<vmem_shared>> -> memref<10240x16xf32, #tpu.memory_space<vmem_shared>>
          tpu.wait_indirect_dma semaphore(%arg20 : memref<!tpu.dma_semaphore, #tpu.memory_space<semaphore_mem>>) src(%arg17 : memref<128x16xf32, #tpu.memory_space<vmem>>) dst(%dma_wait3A_971 : memref<10240x16xf32, #tpu.memory_space<vmem_shared>>)
          "tpu.trace_stop"() : () -> ()
          %ne3A_972 = arith.cmpi ne, %add3A_298, %add3A_316 : i32
          %or3A_973 = arith.constant false
          %or3A_974 = arith.ori %or3A_973, %ne3A_972 : i1
          %or3A_975 = arith.constant false
          %or3A_976 = arith.ori %or3A_974, %or3A_975 : i1
          %or3A_977 = arith.constant false
          %or3A_978 = arith.ori %or3A_976, %or3A_977 : i1
          %or3A_979 = arith.ori %or3A_978, %eq3A_297 : i1
          %convert_element_type3A_980 = arith.extui %or3A_979 : i1 to i32
          %cond3A_981 = arith.constant 0 : i32
          %cond3A_982 = arith.cmpi ne, %convert_element_type3A_980, %cond3A_981 : i32
          scf.if %cond3A_982 {
          } else {
          }
          %and3A_983 = arith.constant false
          %and3A_984 = arith.andi %or3A_979, %and3A_983 : i1
          %ne3A_985 = arith.cmpi ne, %add3A_298, %add3A_316 : i32
          %or3A_986 = arith.constant false
          %or3A_987 = arith.ori %or3A_986, %ne3A_985 : i1
          %or3A_988 = arith.constant false
          %or3A_989 = arith.ori %or3A_987, %or3A_988 : i1
          %or3A_990 = arith.constant false
          %or3A_991 = arith.ori %or3A_989, %or3A_990 : i1
          %or3A_992 = arith.ori %or3A_991, %eq3A_297 : i1
          %convert_element_type3A_993 = arith.extui %or3A_992 : i1 to i32
          %cond3A_994 = arith.constant 0 : i32
          %cond3A_995 = arith.cmpi ne, %convert_element_type3A_993, %cond3A_994 : i32
          scf.if %cond3A_995 {
          } else {
          }
          %and3A_996 = arith.constant false
          %and3A_997 = arith.andi %or3A_992, %and3A_996 : i1
          %ne3A_998 = arith.cmpi ne, %add3A_298, %add3A_316 : i32
          %or3A_999 = arith.constant false
          %or3A_1000 = arith.ori %or3A_999, %ne3A_998 : i1
          %or3A_1001 = arith.constant false
          %or3A_1002 = arith.ori %or3A_1000, %or3A_1001 : i1
          %or3A_1003 = arith.constant false
          %or3A_1004 = arith.ori %or3A_1002, %or3A_1003 : i1
          %or3A_1005 = arith.ori %or3A_1004, %eq3A_297 : i1
          %convert_element_type3A_1006 = arith.extui %or3A_1005 : i1 to i32
          %cond3A_1007 = arith.constant 0 : i32
          %cond3A_1008 = arith.cmpi ne, %convert_element_type3A_1006, %cond3A_1007 : i32
          scf.if %cond3A_1008 {
          } else {
          }
          %and3A_1009 = arith.constant false
          %and3A_1010 = arith.andi %or3A_1005, %and3A_1009 : i1
          %ne3A_1011 = arith.cmpi ne, %add3A_298, %add3A_316 : i32
          %or3A_1012 = arith.constant false
          %or3A_1013 = arith.ori %or3A_1012, %ne3A_1011 : i1
          %or3A_1014 = arith.constant false
          %or3A_1015 = arith.ori %or3A_1013, %or3A_1014 : i1
          %or3A_1016 = arith.constant false
          %or3A_1017 = arith.ori %or3A_1015, %or3A_1016 : i1
          %or3A_1018 = arith.ori %or3A_1017, %eq3A_297 : i1
          %convert_element_type3A_1019 = arith.extui %or3A_1018 : i1 to i32
          %cond3A_1020 = arith.constant 0 : i32
          %cond3A_1021 = arith.cmpi ne, %convert_element_type3A_1019, %cond3A_1020 : i32
          scf.if %cond3A_1021 {
            "tpu.trace_start"() <{level = 10 : i32, message = "ep_copy_out"}> : () -> ()
            %rem3A_1130 = arith.constant 2 : i32
            %rem3A_1131 = arith.remui %while3A_288, %rem3A_1130 : i32
            %mul3A_1132 = arith.constant 4 : i32
            %mul3A_1133 = arith.muli %mul3A_1132, %add3A_298 : i32
            %dma_start3A_1134 = arith.constant 0 : i32
            %dma_start3A_1135 = arith.constant 0 : i32
            %dma_start3A_1136 = arith.constant 0 : i32
            %dma_start3A_1137 = arith.constant 0 : i32
            %dma_start3A_1138 = tpu.memref_slice %run_scoped3A_80[%rem3A_1131, %dma_start3A_1134, %dma_start3A_1135, %dma_start3A_1136, %dma_start3A_1137] : memref<2x2x4x8x128xf32, #tpu.memory_space<vmem>> -> memref<1x2x4x8x128xf32, #tpu.memory_space<vmem>>
            %dma_start3A_1139 = tpu.memref_squeeze %dma_start3A_1138 : memref<1x2x4x8x128xf32, #tpu.memory_space<vmem>> -> memref<2x4x8x128xf32, #tpu.memory_space<vmem>>
            %dma_start3A_1140 = arith.constant 0 : i32
            %dma_start3A_1141 = arith.constant 0 : i32
            %dma_start3A_1142 = arith.constant 0 : i32
            %dma_start3A_1143 = tpu.memref_slice %arg7[%dma_start3A_1140, %mul3A_1133, %dma_start3A_1141, %dma_start3A_1142] : memref<2x2500x8x128xf32, #tpu.memory_space<hbm>> -> memref<2x4x8x128xf32, #tpu.memory_space<hbm>>
            %dma_start3A_1144 = tpu.memref_slice %run_scoped3A_81[%rem3A_1131] : memref<2x!tpu.dma_semaphore, #tpu.memory_space<semaphore_mem>> -> memref<1x!tpu.dma_semaphore, #tpu.memory_space<semaphore_mem>>
            %dma_start3A_1145 = tpu.memref_squeeze %dma_start3A_1144 : memref<1x!tpu.dma_semaphore, #tpu.memory_space<semaphore_mem>> -> memref<!tpu.dma_semaphore, #tpu.memory_space<semaphore_mem>>
            %dma_start3A_1146 = arith.constant 0 : i32
            %dma_start3A_1147 = arith.constant 0 : i32
            %dma_start3A_1148 = arith.constant 0 : i32
            %dma_start3A_1149 = tpu.memref_slice %arg7[%dma_start3A_1146, %mul3A_1133, %dma_start3A_1147, %dma_start3A_1148] : memref<2x2500x8x128xf32, #tpu.memory_space<hbm>> -> memref<2x4x8x128xf32, #tpu.memory_space<hbm>>
            %dma_start3A_1150 = arith.constant 0 : i32
            %dma_start3A_1151 = arith.constant 0 : i32
            %dma_start3A_1152 = arith.constant 0 : i32
            %dma_start3A_1153 = arith.constant 0 : i32
            %dma_start3A_1154 = tpu.memref_slice %run_scoped3A_80[%rem3A_1131, %dma_start3A_1150, %dma_start3A_1151, %dma_start3A_1152, %dma_start3A_1153] : memref<2x2x4x8x128xf32, #tpu.memory_space<vmem>> -> memref<1x2x4x8x128xf32, #tpu.memory_space<vmem>>
            %dma_start3A_1155 = tpu.memref_squeeze %dma_start3A_1154 : memref<1x2x4x8x128xf32, #tpu.memory_space<vmem>> -> memref<2x4x8x128xf32, #tpu.memory_space<vmem>>
            tpu.enqueue_dma source(%dma_start3A_1155 : memref<2x4x8x128xf32, #tpu.memory_space<vmem>>) target(%dma_start3A_1149 : memref<2x4x8x128xf32, #tpu.memory_space<hbm>>) target_semaphore(%dma_start3A_1145 : memref<!tpu.dma_semaphore, #tpu.memory_space<semaphore_mem>>)
            "tpu.trace_stop"() : () -> ()
          } else {
          }
          %and3A_1022 = arith.constant true
          %and3A_1023 = arith.andi %or3A_1018, %and3A_1022 : i1
          %add3A_1024 = arith.constant 1 : i32
          %add3A_1025 = arith.addi %while3A_288, %add3A_1024 : i32
          %select_n3A_1026 = arith.select %and3A_1023, %add3A_1025, %while3A_288 : i32
          %ne3A_1027 = arith.cmpi ne, %add3A_298, %add3A_308 : i32
          %or3A_1028 = arith.constant false
          %or3A_1029 = arith.ori %or3A_1028, %ne3A_1027 : i1
          %or3A_1030 = arith.constant false
          %or3A_1031 = arith.ori %or3A_1029, %or3A_1030 : i1
          %or3A_1032 = arith.constant false
          %or3A_1033 = arith.ori %or3A_1031, %or3A_1032 : i1
          %not3A_1034 = arith.constant true
          %not3A_1035 = arith.xori %eq3A_294, %not3A_1034 : i1
          %and3A_1036 = arith.andi %or3A_1033, %not3A_1035 : i1
          %convert_element_type3A_1037 = arith.extui %and3A_1036 : i1 to i32
          %cond3A_1038 = arith.constant 0 : i32
          %cond3A_1039 = arith.cmpi ne, %convert_element_type3A_1037, %cond3A_1038 : i32
          scf.if %cond3A_1039 {
          } else {
          }
          %and3A_1040 = arith.constant false
          %and3A_1041 = arith.andi %and3A_1036, %and3A_1040 : i1
          %ne3A_1042 = arith.cmpi ne, %add3A_298, %add3A_308 : i32
          %or3A_1043 = arith.constant false
          %or3A_1044 = arith.ori %or3A_1043, %ne3A_1042 : i1
          %or3A_1045 = arith.constant false
          %or3A_1046 = arith.ori %or3A_1044, %or3A_1045 : i1
          %or3A_1047 = arith.constant false
          %or3A_1048 = arith.ori %or3A_1046, %or3A_1047 : i1
          %not3A_1049 = arith.constant true
          %not3A_1050 = arith.xori %eq3A_294, %not3A_1049 : i1
          %and3A_1051 = arith.andi %or3A_1048, %not3A_1050 : i1
          %convert_element_type3A_1052 = arith.extui %and3A_1051 : i1 to i32
          %cond3A_1053 = arith.constant 0 : i32
          %cond3A_1054 = arith.cmpi ne, %convert_element_type3A_1052, %cond3A_1053 : i32
          scf.if %cond3A_1054 {
          } else {
          }
          %and3A_1055 = arith.constant false
          %and3A_1056 = arith.andi %and3A_1051, %and3A_1055 : i1
          %ne3A_1057 = arith.cmpi ne, %add3A_298, %add3A_308 : i32
          %or3A_1058 = arith.constant false
          %or3A_1059 = arith.ori %or3A_1058, %ne3A_1057 : i1
          %or3A_1060 = arith.constant false
          %or3A_1061 = arith.ori %or3A_1059, %or3A_1060 : i1
          %or3A_1062 = arith.constant false
          %or3A_1063 = arith.ori %or3A_1061, %or3A_1062 : i1
          %not3A_1064 = arith.constant true
          %not3A_1065 = arith.xori %eq3A_294, %not3A_1064 : i1
          %and3A_1066 = arith.andi %or3A_1063, %not3A_1065 : i1
          %convert_element_type3A_1067 = arith.extui %and3A_1066 : i1 to i32
          %cond3A_1068 = arith.constant 0 : i32
          %cond3A_1069 = arith.cmpi ne, %convert_element_type3A_1067, %cond3A_1068 : i32
          scf.if %cond3A_1069 {
          } else {
          }
          %and3A_1070 = arith.constant false
          %and3A_1071 = arith.andi %and3A_1066, %and3A_1070 : i1
          %ne3A_1072 = arith.cmpi ne, %add3A_298, %add3A_308 : i32
          %or3A_1073 = arith.constant false
          %or3A_1074 = arith.ori %or3A_1073, %ne3A_1072 : i1
          %or3A_1075 = arith.constant false
          %or3A_1076 = arith.ori %or3A_1074, %or3A_1075 : i1
          %or3A_1077 = arith.constant false
          %or3A_1078 = arith.ori %or3A_1076, %or3A_1077 : i1
          %not3A_1079 = arith.constant true
          %not3A_1080 = arith.xori %eq3A_294, %not3A_1079 : i1
          %and3A_1081 = arith.andi %or3A_1078, %not3A_1080 : i1
          %convert_element_type3A_1082 = arith.extui %and3A_1081 : i1 to i32
          %cond3A_1083 = arith.constant 0 : i32
          %cond3A_1084 = arith.cmpi ne, %convert_element_type3A_1082, %cond3A_1083 : i32
          scf.if %cond3A_1084 {
            "tpu.trace_start"() <{level = 10 : i32, message = "ep_wait_out"}> : () -> ()
            %rem3A_1130 = arith.constant 2 : i32
            %rem3A_1131 = arith.remui %while3A_289, %rem3A_1130 : i32
            %mul3A_1132 = arith.constant 4 : i32
            %mul3A_1133 = arith.muli %mul3A_1132, %add3A_308 : i32
            %dma_wait3A_1134 = arith.constant 0 : i32
            %dma_wait3A_1135 = arith.constant 0 : i32
            %dma_wait3A_1136 = arith.constant 0 : i32
            %dma_wait3A_1137 = arith.constant 0 : i32
            %dma_wait3A_1138 = tpu.memref_slice %run_scoped3A_80[%rem3A_1131, %dma_wait3A_1134, %dma_wait3A_1135, %dma_wait3A_1136, %dma_wait3A_1137] : memref<2x2x4x8x128xf32, #tpu.memory_space<vmem>> -> memref<1x2x4x8x128xf32, #tpu.memory_space<vmem>>
            %dma_wait3A_1139 = tpu.memref_squeeze %dma_wait3A_1138 : memref<1x2x4x8x128xf32, #tpu.memory_space<vmem>> -> memref<2x4x8x128xf32, #tpu.memory_space<vmem>>
            %dma_wait3A_1140 = arith.constant 0 : i32
            %dma_wait3A_1141 = arith.constant 0 : i32
            %dma_wait3A_1142 = arith.constant 0 : i32
            %dma_wait3A_1143 = tpu.memref_slice %arg7[%dma_wait3A_1140, %mul3A_1133, %dma_wait3A_1141, %dma_wait3A_1142] : memref<2x2500x8x128xf32, #tpu.memory_space<hbm>> -> memref<2x4x8x128xf32, #tpu.memory_space<hbm>>
            %dma_wait3A_1144 = tpu.memref_slice %run_scoped3A_81[%rem3A_1131] : memref<2x!tpu.dma_semaphore, #tpu.memory_space<semaphore_mem>> -> memref<1x!tpu.dma_semaphore, #tpu.memory_space<semaphore_mem>>
            %dma_wait3A_1145 = tpu.memref_squeeze %dma_wait3A_1144 : memref<1x!tpu.dma_semaphore, #tpu.memory_space<semaphore_mem>> -> memref<!tpu.dma_semaphore, #tpu.memory_space<semaphore_mem>>
            %dma_wait3A_1146 = arith.constant 0 : i32
            %dma_wait3A_1147 = arith.constant 0 : i32
            %dma_wait3A_1148 = arith.constant 0 : i32
            %dma_wait3A_1149 = tpu.memref_slice %arg7[%dma_wait3A_1146, %mul3A_1133, %dma_wait3A_1147, %dma_wait3A_1148] : memref<2x2500x8x128xf32, #tpu.memory_space<hbm>> -> memref<2x4x8x128xf32, #tpu.memory_space<hbm>>
            %dma_wait3A_1150 = arith.constant 0 : i32
            %dma_wait3A_1151 = arith.constant 0 : i32
            %dma_wait3A_1152 = arith.constant 0 : i32
            %dma_wait3A_1153 = arith.constant 0 : i32
            %dma_wait3A_1154 = tpu.memref_slice %run_scoped3A_80[%rem3A_1131, %dma_wait3A_1150, %dma_wait3A_1151, %dma_wait3A_1152, %dma_wait3A_1153] : memref<2x2x4x8x128xf32, #tpu.memory_space<vmem>> -> memref<1x2x4x8x128xf32, #tpu.memory_space<vmem>>
            %dma_wait3A_1155 = tpu.memref_squeeze %dma_wait3A_1154 : memref<1x2x4x8x128xf32, #tpu.memory_space<vmem>> -> memref<2x4x8x128xf32, #tpu.memory_space<vmem>>
            tpu.wait_dma2 semaphore(%dma_wait3A_1145 : memref<!tpu.dma_semaphore, #tpu.memory_space<semaphore_mem>>) src(%dma_wait3A_1155 : memref<2x4x8x128xf32, #tpu.memory_space<vmem>>) dst(%dma_wait3A_1149 : memref<2x4x8x128xf32, #tpu.memory_space<hbm>>)
            "tpu.trace_stop"() : () -> ()
          } else {
          }
          %and3A_1085 = arith.constant true
          %and3A_1086 = arith.andi %and3A_1081, %and3A_1085 : i1
          %add3A_1087 = arith.constant 1 : i32
          %add3A_1088 = arith.addi %while3A_289, %add3A_1087 : i32
          %select_n3A_1089 = arith.select %and3A_1086, %add3A_1088, %while3A_289 : i32
          %ne3A_1090 = arith.cmpi ne, %add3A_298, %add3A_316 : i32
          %or3A_1091 = arith.constant false
          %or3A_1092 = arith.ori %or3A_1091, %ne3A_1090 : i1
          %or3A_1093 = arith.constant false
          %or3A_1094 = arith.ori %or3A_1092, %or3A_1093 : i1
          %or3A_1095 = arith.constant false
          %or3A_1096 = arith.ori %or3A_1094, %or3A_1095 : i1
          %or3A_1097 = arith.ori %or3A_1096, %eq3A_297 : i1
          %add3A_1098 = arith.constant 1 : i32
          %add3A_1099 = arith.addi %while3A_283, %add3A_1098 : i32
          %select_n3A_1100 = arith.select %or3A_1097, %add3A_1099, %while3A_283 : i32
          %ne3A_1101 = arith.cmpi ne, %add3A_298, %add3A_316 : i32
          %or3A_1102 = arith.constant false
          %or3A_1103 = arith.ori %or3A_1102, %ne3A_1101 : i1
          %or3A_1104 = arith.constant false
          %or3A_1105 = arith.ori %or3A_1103, %or3A_1104 : i1
          %or3A_1106 = arith.constant false
          %or3A_1107 = arith.ori %or3A_1105, %or3A_1106 : i1
          %or3A_1108 = arith.ori %or3A_1107, %eq3A_297 : i1
          %add3A_1109 = arith.constant 1 : i32
          %add3A_1110 = arith.addi %while3A_285, %add3A_1109 : i32
          %select_n3A_1111 = arith.select %or3A_1108, %add3A_1110, %while3A_285 : i32
          %ne3A_1112 = arith.cmpi ne, %add3A_298, %add3A_316 : i32
          %or3A_1113 = arith.constant false
          %or3A_1114 = arith.ori %or3A_1113, %ne3A_1112 : i1
          %or3A_1115 = arith.constant false
          %or3A_1116 = arith.ori %or3A_1114, %or3A_1115 : i1
          %or3A_1117 = arith.constant false
          %or3A_1118 = arith.ori %or3A_1116, %or3A_1117 : i1
          %or3A_1119 = arith.ori %or3A_1118, %eq3A_297 : i1
          %add3A_1120 = arith.constant 1 : i32
          %add3A_1121 = arith.addi %while3A_287, %add3A_1120 : i32
          %select_n3A_1122 = arith.select %or3A_1119, %add3A_1121, %while3A_287 : i32
          %add3A_1123 = arith.constant 1 : i32
          %add3A_1124 = arith.addi %while3A_290, %add3A_1123 : i32
          %select_n3A_1125 = arith.constant true
          %select_n3A_1126 = arith.select %select_n3A_1125, %add3A_1124, %while3A_290 : i32
          %eq3A_1127 = arith.cmpi eq, %select_n3A_1126, %select_n3A_63 : i32
          %select_n3A_1128 = arith.constant 0 : i32
          %select_n3A_1129 = arith.select %eq3A_1127, %select_n3A_1128, %select_n3A_1126 : i32
          scf.yield %select_n3A_344, %select_n3A_1100, %select_n3A_367, %select_n3A_1111, %select_n3A_390, %select_n3A_1122, %select_n3A_1026, %select_n3A_1089, %select_n3A_1129 : i32, i32, i32, i32, i32, i32, i32, i32, i32
        }
        %sub3A_224 = arith.constant 1 : i32
        %sub3A_225 = arith.subi %while3A_223#8, %sub3A_224 : i32
        %select_n3A_226 = arith.constant true
        %select_n3A_227 = arith.select %select_n3A_226, %sub3A_225, %while3A_223#8 : i32
        %eq3A_228 = arith.constant -1 : i32
        %eq3A_229 = arith.cmpi eq, %select_n3A_227, %eq3A_228 : i32
        %sub3A_230 = arith.constant 1 : i32
        %sub3A_231 = arith.subi %select_n3A_63, %sub3A_230 : i32
        %select_n3A_232 = arith.select %eq3A_229, %sub3A_231, %select_n3A_227 : i32
        %sub3A_233 = arith.constant 1 : i32
        %sub3A_234 = arith.subi %mul3A_73, %sub3A_233 : i32
        %mul3A_235 = arith.constant 1 : i32
        %mul3A_236 = arith.muli %mul3A_235, %select_n3A_63 : i32
        %eq3A_237 = arith.constant 0 : i32
        %eq3A_238 = arith.cmpi eq, %sub3A_234, %eq3A_237 : i32
        %sub3A_239 = arith.constant 1 : i32
        %sub3A_240 = arith.subi %mul3A_236, %sub3A_239 : i32
        %eq3A_241 = arith.cmpi eq, %sub3A_234, %sub3A_240 : i32
        %add3A_242 = arith.addi %select_n3A_232, %select_n3A_71 : i32
        %sub3A_243 = arith.constant 1 : i32
        %sub3A_244 = arith.subi %select_n3A_232, %sub3A_243 : i32
        %select_n3A_245 = arith.constant true
        %select_n3A_246 = arith.select %select_n3A_245, %sub3A_244, %select_n3A_232 : i32
        %eq3A_247 = arith.constant -1 : i32
        %eq3A_248 = arith.cmpi eq, %select_n3A_246, %eq3A_247 : i32
        %sub3A_249 = arith.constant 1 : i32
        %sub3A_250 = arith.subi %select_n3A_63, %sub3A_249 : i32
        %select_n3A_251 = arith.select %eq3A_248, %sub3A_250, %select_n3A_246 : i32
        %add3A_252 = arith.addi %select_n3A_251, %select_n3A_71 : i32
        %add3A_253 = arith.constant 1 : i32
        %add3A_254 = arith.addi %select_n3A_232, %add3A_253 : i32
        %select_n3A_255 = arith.constant true
        %select_n3A_256 = arith.select %select_n3A_255, %add3A_254, %select_n3A_232 : i32
        %eq3A_257 = arith.cmpi eq, %select_n3A_256, %select_n3A_63 : i32
        %select_n3A_258 = arith.constant 0 : i32
        %select_n3A_259 = arith.select %eq3A_257, %select_n3A_258, %select_n3A_256 : i32
        %add3A_260 = arith.addi %select_n3A_259, %select_n3A_71 : i32
        %add3A_261 = arith.constant 1 : i32
        %add3A_262 = arith.addi %select_n3A_259, %add3A_261 : i32
        %select_n3A_263 = arith.constant true
        %select_n3A_264 = arith.select %select_n3A_263, %add3A_262, %select_n3A_259 : i32
        %eq3A_265 = arith.cmpi eq, %select_n3A_264, %select_n3A_63 : i32
        %select_n3A_266 = arith.constant 0 : i32
        %select_n3A_267 = arith.select %eq3A_265, %select_n3A_266, %select_n3A_264 : i32
        %add3A_268 = arith.addi %select_n3A_267, %select_n3A_71 : i32
        %convert_element_type3A_269 = arith.extui %eq3A_241 : i1 to i32
        %cond3A_270 = arith.constant 0 : i32
        %cond3A_271 = arith.cmpi ne, %convert_element_type3A_269, %cond3A_270 : i32
        scf.if %cond3A_271 {
        } else {
        }
        %convert_element_type3A_272 = arith.extui %eq3A_241 : i1 to i32
        %cond3A_273 = arith.constant 0 : i32
        %cond3A_274 = arith.cmpi ne, %convert_element_type3A_272, %cond3A_273 : i32
        scf.if %cond3A_274 {
        } else {
        }
        %convert_element_type3A_275 = arith.extui %eq3A_241 : i1 to i32
        %cond3A_276 = arith.constant 0 : i32
        %cond3A_277 = arith.cmpi ne, %convert_element_type3A_275, %cond3A_276 : i32
        scf.if %cond3A_277 {
        } else {
        }
        %convert_element_type3A_278 = arith.extui %eq3A_241 : i1 to i32
        %cond3A_279 = arith.constant 0 : i32
        %cond3A_280 = arith.cmpi ne, %convert_element_type3A_278, %cond3A_279 : i32
        scf.if %cond3A_280 {
          "tpu.trace_start"() <{level = 10 : i32, message = "ep_finalize"}> : () -> ()
          %rem3A_281 = arith.constant 2 : i32
          %rem3A_282 = arith.remui %while3A_223#7, %rem3A_281 : i32
          %mul3A_283 = arith.constant 4 : i32
          %mul3A_284 = arith.muli %mul3A_283, %add3A_242 : i32
          %dma_wait3A = arith.constant 0 : i32
          %dma_wait3A_285 = arith.constant 0 : i32
          %dma_wait3A_286 = arith.constant 0 : i32
          %dma_wait3A_287 = arith.constant 0 : i32
          %dma_wait3A_288 = tpu.memref_slice %run_scoped3A_80[%rem3A_282, %dma_wait3A, %dma_wait3A_285, %dma_wait3A_286, %dma_wait3A_287] : memref<2x2x4x8x128xf32, #tpu.memory_space<vmem>> -> memref<1x2x4x8x128xf32, #tpu.memory_space<vmem>>
          %dma_wait3A_289 = tpu.memref_squeeze %dma_wait3A_288 : memref<1x2x4x8x128xf32, #tpu.memory_space<vmem>> -> memref<2x4x8x128xf32, #tpu.memory_space<vmem>>
          %dma_wait3A_290 = arith.constant 0 : i32
          %dma_wait3A_291 = arith.constant 0 : i32
          %dma_wait3A_292 = arith.constant 0 : i32
          %dma_wait3A_293 = tpu.memref_slice %arg7[%dma_wait3A_290, %mul3A_284, %dma_wait3A_291, %dma_wait3A_292] : memref<2x2500x8x128xf32, #tpu.memory_space<hbm>> -> memref<2x4x8x128xf32, #tpu.memory_space<hbm>>
          %dma_wait3A_294 = tpu.memref_slice %run_scoped3A_81[%rem3A_282] : memref<2x!tpu.dma_semaphore, #tpu.memory_space<semaphore_mem>> -> memref<1x!tpu.dma_semaphore, #tpu.memory_space<semaphore_mem>>
          %dma_wait3A_295 = tpu.memref_squeeze %dma_wait3A_294 : memref<1x!tpu.dma_semaphore, #tpu.memory_space<semaphore_mem>> -> memref<!tpu.dma_semaphore, #tpu.memory_space<semaphore_mem>>
          %dma_wait3A_296 = arith.constant 0 : i32
          %dma_wait3A_297 = arith.constant 0 : i32
          %dma_wait3A_298 = arith.constant 0 : i32
          %dma_wait3A_299 = tpu.memref_slice %arg7[%dma_wait3A_296, %mul3A_284, %dma_wait3A_297, %dma_wait3A_298] : memref<2x2500x8x128xf32, #tpu.memory_space<hbm>> -> memref<2x4x8x128xf32, #tpu.memory_space<hbm>>
          %dma_wait3A_300 = arith.constant 0 : i32
          %dma_wait3A_301 = arith.constant 0 : i32
          %dma_wait3A_302 = arith.constant 0 : i32
          %dma_wait3A_303 = arith.constant 0 : i32
          %dma_wait3A_304 = tpu.memref_slice %run_scoped3A_80[%rem3A_282, %dma_wait3A_300, %dma_wait3A_301, %dma_wait3A_302, %dma_wait3A_303] : memref<2x2x4x8x128xf32, #tpu.memory_space<vmem>> -> memref<1x2x4x8x128xf32, #tpu.memory_space<vmem>>
          %dma_wait3A_305 = tpu.memref_squeeze %dma_wait3A_304 : memref<1x2x4x8x128xf32, #tpu.memory_space<vmem>> -> memref<2x4x8x128xf32, #tpu.memory_space<vmem>>
          tpu.wait_dma2 semaphore(%dma_wait3A_295 : memref<!tpu.dma_semaphore, #tpu.memory_space<semaphore_mem>>) src(%dma_wait3A_305 : memref<2x4x8x128xf32, #tpu.memory_space<vmem>>) dst(%dma_wait3A_299 : memref<2x4x8x128xf32, #tpu.memory_space<hbm>>)
          "tpu.trace_stop"() : () -> ()
        } else {
        }
      } else {
      }
      tpu.yield
    }) : () -> ()
    %barrier3A_74 = arith.constant 0 : index
    tpu.barrier barrier_id(%barrier3A_74)
    "tpu.region"() ({
      %run_scoped3A = tpu.sem_alloc : memref<!tpu.dma_semaphore, #tpu.memory_space<semaphore_mem>>
      %dma_start3A = arith.constant 0 : i32
      %dma_start3A_75 = tpu.memref_slice %arg8[%arg0, %mul3A_51, %dma_start3A] : memref<2x10240x16xf32, #tpu.memory_space<hbm>> -> memref<1x640x16xf32, #tpu.memory_space<hbm>>
      %dma_start3A_76 = tpu.memref_squeeze %dma_start3A_75 : memref<1x640x16xf32, #tpu.memory_space<hbm>> -> memref<640x16xf32, #tpu.memory_space<hbm>>
      %dma_start3A_77 = arith.constant 0 : i32
      %dma_start3A_78 = tpu.memref_slice %arg10[%mul3A_51, %dma_start3A_77] : memref<10240x16xf32, #tpu.memory_space<vmem_shared>> -> memref<640x16xf32, #tpu.memory_space<vmem_shared>>
      tpu.enqueue_dma source(%dma_start3A_78 : memref<640x16xf32, #tpu.memory_space<vmem_shared>>) target(%dma_start3A_76 : memref<640x16xf32, #tpu.memory_space<hbm>>) target_semaphore(%run_scoped3A : memref<!tpu.dma_semaphore, #tpu.memory_space<semaphore_mem>>)
      %dma_wait3A = arith.constant 0 : i32
      %dma_wait3A_79 = tpu.memref_slice %arg8[%arg0, %mul3A_51, %dma_wait3A] : memref<2x10240x16xf32, #tpu.memory_space<hbm>> -> memref<1x640x16xf32, #tpu.memory_space<hbm>>
      %dma_wait3A_80 = tpu.memref_squeeze %dma_wait3A_79 : memref<1x640x16xf32, #tpu.memory_space<hbm>> -> memref<640x16xf32, #tpu.memory_space<hbm>>
      %dma_wait3A_81 = arith.constant 0 : i32
      %dma_wait3A_82 = tpu.memref_slice %arg10[%mul3A_51, %dma_wait3A_81] : memref<10240x16xf32, #tpu.memory_space<vmem_shared>> -> memref<640x16xf32, #tpu.memory_space<vmem_shared>>
      tpu.wait_dma2 semaphore(%run_scoped3A : memref<!tpu.dma_semaphore, #tpu.memory_space<semaphore_mem>>) src(%dma_wait3A_82 : memref<640x16xf32, #tpu.memory_space<vmem_shared>>) dst(%dma_wait3A_80 : memref<640x16xf32, #tpu.memory_space<hbm>>)
      tpu.yield
    }) : () -> ()
    "tpu.region"() ({
      %run_scoped3A = tpu.sem_alloc : memref<!tpu.dma_semaphore, #tpu.memory_space<semaphore_mem>>
      %dma_start3A = arith.constant 0 : i32
      %dma_start3A_75 = tpu.memref_slice %arg9[%arg0, %mul3A_51, %dma_start3A] : memref<2x10240x16xf32, #tpu.memory_space<hbm>> -> memref<1x640x16xf32, #tpu.memory_space<hbm>>
      %dma_start3A_76 = tpu.memref_squeeze %dma_start3A_75 : memref<1x640x16xf32, #tpu.memory_space<hbm>> -> memref<640x16xf32, #tpu.memory_space<hbm>>
      %dma_start3A_77 = arith.constant 0 : i32
      %dma_start3A_78 = tpu.memref_slice %arg11[%mul3A_51, %dma_start3A_77] : memref<10240x16xf32, #tpu.memory_space<vmem_shared>> -> memref<640x16xf32, #tpu.memory_space<vmem_shared>>
      tpu.enqueue_dma source(%dma_start3A_78 : memref<640x16xf32, #tpu.memory_space<vmem_shared>>) target(%dma_start3A_76 : memref<640x16xf32, #tpu.memory_space<hbm>>) target_semaphore(%run_scoped3A : memref<!tpu.dma_semaphore, #tpu.memory_space<semaphore_mem>>)
      %dma_wait3A = arith.constant 0 : i32
      %dma_wait3A_79 = tpu.memref_slice %arg9[%arg0, %mul3A_51, %dma_wait3A] : memref<2x10240x16xf32, #tpu.memory_space<hbm>> -> memref<1x640x16xf32, #tpu.memory_space<hbm>>
      %dma_wait3A_80 = tpu.memref_squeeze %dma_wait3A_79 : memref<1x640x16xf32, #tpu.memory_space<hbm>> -> memref<640x16xf32, #tpu.memory_space<hbm>>
      %dma_wait3A_81 = arith.constant 0 : i32
      %dma_wait3A_82 = tpu.memref_slice %arg11[%mul3A_51, %dma_wait3A_81] : memref<10240x16xf32, #tpu.memory_space<vmem_shared>> -> memref<640x16xf32, #tpu.memory_space<vmem_shared>>
      tpu.wait_dma2 semaphore(%run_scoped3A : memref<!tpu.dma_semaphore, #tpu.memory_space<semaphore_mem>>) src(%dma_wait3A_82 : memref<640x16xf32, #tpu.memory_space<vmem_shared>>) dst(%dma_wait3A_80 : memref<640x16xf32, #tpu.memory_space<hbm>>)
      tpu.yield
    }) : () -> ()
    return
  }
}

module attributes {stable_mosaic.version = 14 : i64} {
  func.func @_nodeproj_body(%arg0: i32, %arg1: memref<2048x128xf32, #tpu.memory_space<vmem>>, %arg2: memref<128x16xf32, #tpu.memory_space<vmem>>, %arg3: memref<128x16xf32, #tpu.memory_space<vmem>>, %arg4: memref<2048x16xf32, #tpu.memory_space<vmem>>, %arg5: memref<2048x16xf32, #tpu.memory_space<vmem>>) attributes {dimension_semantics = [#tpu.dimension_semantics<arbitrary>], iteration_bounds = array<i64: 5>, scalar_prefetch = 0 : i64, scratch_operands = 0 : i64, tpu.core_type = #tpu.core_type<tc>, window_params = [{transform_indices = @transform_0, window_bounds = array<i64: 2048, 128>}, {pipeline_mode = #tpu.pipeline_mode<synchronous>, transform_indices = @transform_1, window_bounds = array<i64: 128, 16>}, {pipeline_mode = #tpu.pipeline_mode<synchronous>, transform_indices = @transform_2, window_bounds = array<i64: 128, 16>}, {transform_indices = @transform_3, window_bounds = array<i64: 2048, 16>}, {transform_indices = @transform_4, window_bounds = array<i64: 2048, 16>}]} {
    %get3A = arith.constant 0 : index
    %get3A_0 = arith.constant 0 : index
    %get3A_1 = vector.load %arg1[%get3A, %get3A_0] : memref<2048x128xf32, #tpu.memory_space<vmem>>, vector<2048x128xf32>
    %get3A_2 = arith.constant 0 : index
    %get3A_3 = arith.constant 0 : index
    %get3A_4 = vector.load %arg2[%get3A_2, %get3A_3] : memref<128x16xf32, #tpu.memory_space<vmem>>, vector<128x16xf32>
    %dot_general3A = arith.constant dense<0.000000e+00> : vector<2048x16xf32>
    %dot_general3A_5 = tpu.matmul %get3A_1, %get3A_4, %dot_general3A {dimension_numbers = #tpu.dot_dimension_numbers<[1], [0], [0], [1], [0, 0, 1, 1], [], []>, transpose_lhs_hint = false} : vector<2048x128xf32>, vector<128x16xf32>, vector<2048x16xf32> -> vector<2048x16xf32>
    %swap3A = arith.constant 0 : index
    %swap3A_6 = arith.constant 0 : index
    %swap3A_7 = vector.load %arg4[%swap3A, %swap3A_6] : memref<2048x16xf32, #tpu.memory_space<vmem>>, vector<2048x16xf32>
    tpu.vector_store %arg4[%swap3A, %swap3A_6], %dot_general3A_5 {strides = array<i32>} : memref<2048x16xf32, #tpu.memory_space<vmem>>, vector<2048x16xf32>,
    %get3A_8 = arith.constant 0 : index
    %get3A_9 = arith.constant 0 : index
    %get3A_10 = vector.load %arg3[%get3A_8, %get3A_9] : memref<128x16xf32, #tpu.memory_space<vmem>>, vector<128x16xf32>
    %dot_general3A_11 = arith.constant dense<0.000000e+00> : vector<2048x16xf32>
    %dot_general3A_12 = tpu.matmul %get3A_1, %get3A_10, %dot_general3A_11 {dimension_numbers = #tpu.dot_dimension_numbers<[1], [0], [0], [1], [0, 0, 1, 1], [], []>, transpose_lhs_hint = false} : vector<2048x128xf32>, vector<128x16xf32>, vector<2048x16xf32> -> vector<2048x16xf32>
    %swap3A_13 = arith.constant 0 : index
    %swap3A_14 = arith.constant 0 : index
    %swap3A_15 = vector.load %arg5[%swap3A_13, %swap3A_14] : memref<2048x16xf32, #tpu.memory_space<vmem>>, vector<2048x16xf32>
    tpu.vector_store %arg5[%swap3A_13, %swap3A_14], %dot_general3A_12 {strides = array<i32>} : memref<2048x16xf32, #tpu.memory_space<vmem>>, vector<2048x16xf32>,
    return
  }
  func.func @transform_0(%arg0: i32) -> (i32, i32) {
    %c0_i32 = arith.constant 0 : i32
    %c0_i32_0 = arith.constant 0 : i32
    return %arg0, %c0_i32 : i32, i32
  }
  func.func @transform_1(%arg0: i32) -> (i32, i32) {
    %c0_i32 = arith.constant 0 : i32
    %c0_i32_0 = arith.constant 0 : i32
    %c0_i32_1 = arith.constant 0 : i32
    return %c0_i32, %c0_i32_0 : i32, i32
  }
  func.func @transform_2(%arg0: i32) -> (i32, i32) {
    %c0_i32 = arith.constant 0 : i32
    %c0_i32_0 = arith.constant 0 : i32
    %c0_i32_1 = arith.constant 0 : i32
    return %c0_i32, %c0_i32_0 : i32, i32
  }
  func.func @transform_3(%arg0: i32) -> (i32, i32) {
    %c0_i32 = arith.constant 0 : i32
    %c0_i32_0 = arith.constant 0 : i32
    return %arg0, %c0_i32 : i32, i32
  }
  func.func @transform_4(%arg0: i32) -> (i32, i32) {
    %c0_i32 = arith.constant 0 : i32
    %c0_i32_0 = arith.constant 0 : i32
    return %arg0, %c0_i32 : i32, i32
  }
}

module attributes {stable_mosaic.version = 14 : i64} {
  func.func @_edgeproj_body(%arg0: i32, %arg1: memref<16x2560xf32, #tpu.memory_space<vmem>>, %arg2: memref<16x16xf32, #tpu.memory_space<vmem>>, %arg3: memref<16x1xf32, #tpu.memory_space<vmem>>, %arg4: memref<16x2560xf32, #tpu.memory_space<vmem>>) attributes {dimension_semantics = [#tpu.dimension_semantics<arbitrary>], iteration_bounds = array<i64: 125>, scalar_prefetch = 0 : i64, scratch_operands = 0 : i64, tpu.core_type = #tpu.core_type<tc>, window_params = [{transform_indices = @transform_0, window_bounds = array<i64: 16, 2560>}, {pipeline_mode = #tpu.pipeline_mode<synchronous>, transform_indices = @transform_1, window_bounds = array<i64: 16, 16>}, {pipeline_mode = #tpu.pipeline_mode<synchronous>, transform_indices = @transform_2, window_bounds = array<i64: 16, 1>}, {transform_indices = @transform_3, window_bounds = array<i64: 16, 2560>}]} {
    %get3A = arith.constant 0 : index
    %get3A_0 = arith.constant 0 : index
    %get3A_1 = vector.load %arg2[%get3A, %get3A_0] : memref<16x16xf32, #tpu.memory_space<vmem>>, vector<16x16xf32>
    %get3A_2 = arith.constant 0 : index
    %get3A_3 = arith.constant 0 : index
    %get3A_4 = vector.load %arg1[%get3A_2, %get3A_3] : memref<16x2560xf32, #tpu.memory_space<vmem>>, vector<16x2560xf32>
    %dot_general3A = arith.constant dense<0.000000e+00> : vector<16x2560xf32>
    %dot_general3A_5 = tpu.matmul %get3A_1, %get3A_4, %dot_general3A {dimension_numbers = #tpu.dot_dimension_numbers<[1], [0], [0], [1], [0, 0, 1, 1], [], []>, transpose_lhs_hint = false} : vector<16x16xf32>, vector<16x2560xf32>, vector<16x2560xf32> -> vector<16x2560xf32>
    %get3A_6 = arith.constant 0 : index
    %get3A_7 = arith.constant 0 : index
    %get3A_8 = vector.load %arg3[%get3A_6, %get3A_7] : memref<16x1xf32, #tpu.memory_space<vmem>>, vector<16x1xf32>
    %add3A = vector.broadcast %get3A_8 : vector<16x1xf32> to vector<16x2560xf32>
    %add3A_9 = arith.addf %dot_general3A_5, %add3A : vector<16x2560xf32>
    %swap3A = arith.constant 0 : index
    %swap3A_10 = arith.constant 0 : index
    %swap3A_11 = vector.load %arg4[%swap3A, %swap3A_10] : memref<16x2560xf32, #tpu.memory_space<vmem>>, vector<16x2560xf32>
    tpu.vector_store %arg4[%swap3A, %swap3A_10], %add3A_9 {strides = array<i32>} : memref<16x2560xf32, #tpu.memory_space<vmem>>, vector<16x2560xf32>,
    return
  }
  func.func @transform_0(%arg0: i32) -> (i32, i32) {
    %c0_i32 = arith.constant 0 : i32
    %c0_i32_0 = arith.constant 0 : i32
    return %c0_i32, %arg0 : i32, i32
  }
  func.func @transform_1(%arg0: i32) -> (i32, i32) {
    %c0_i32 = arith.constant 0 : i32
    %c0_i32_0 = arith.constant 0 : i32
    %c0_i32_1 = arith.constant 0 : i32
    return %c0_i32, %c0_i32_0 : i32, i32
  }
  func.func @transform_2(%arg0: i32) -> (i32, i32) {
    %c0_i32 = arith.constant 0 : i32
    %c0_i32_0 = arith.constant 0 : i32
    %c0_i32_1 = arith.constant 0 : i32
    return %c0_i32, %c0_i32_0 : i32, i32
  }
  func.func @transform_3(%arg0: i32) -> (i32, i32) {
    %c0_i32 = arith.constant 0 : i32
    %c0_i32_0 = arith.constant 0 : i32
    return %c0_i32, %arg0 : i32, i32
  }
}

module attributes {stable_mosaic.version = 14 : i64} {
  func.func @_final_body(%arg0: i32, %arg1: memref<10000x128xf32, #tpu.memory_space<vmem>>, %arg2: memref<2x10240x16xf32, #tpu.memory_space<vmem>>, %arg3: memref<2x10240x16xf32, #tpu.memory_space<vmem>>, %arg4: memref<128x128xf32, #tpu.memory_space<vmem>>, %arg5: memref<16x128xf32, #tpu.memory_space<vmem>>, %arg6: memref<1x128xf32, #tpu.memory_space<vmem>>, %arg7: memref<10000x128xf32, #tpu.memory_space<vmem>>) attributes {dimension_semantics = [#tpu.dimension_semantics<arbitrary>], iteration_bounds = array<i64: 1>, scalar_prefetch = 0 : i64, scratch_operands = 0 : i64, tpu.core_type = #tpu.core_type<tc>, window_params = [{pipeline_mode = #tpu.pipeline_mode<synchronous>, transform_indices = @transform_0, window_bounds = array<i64: 10000, 128>}, {pipeline_mode = #tpu.pipeline_mode<synchronous>, transform_indices = @transform_1, window_bounds = array<i64: 2, 10240, 16>}, {pipeline_mode = #tpu.pipeline_mode<synchronous>, transform_indices = @transform_2, window_bounds = array<i64: 2, 10240, 16>}, {pipeline_mode = #tpu.pipeline_mode<synchronous>, transform_indices = @transform_3, window_bounds = array<i64: 128, 128>}, {pipeline_mode = #tpu.pipeline_mode<synchronous>, transform_indices = @transform_4, window_bounds = array<i64: 16, 128>}, {pipeline_mode = #tpu.pipeline_mode<synchronous>, transform_indices = @transform_5, window_bounds = array<i64: 1, 128>}, {pipeline_mode = #tpu.pipeline_mode<synchronous>, transform_indices = @transform_6, window_bounds = array<i64: 10000, 128>}]} {
    %get3A = arith.constant 0 : index
    %get3A_0 = arith.constant 0 : index
    %get3A_1 = arith.constant 0 : index
    %get3A_2 = vector.load %arg2[%get3A, %get3A_0, %get3A_1] : memref<2x10240x16xf32, #tpu.memory_space<vmem>>, vector<2x10240x16xf32>
    %slice3A = vector.extract_strided_slice %get3A_2 {offsets = [0, 0, 0], sizes = [2, 10000, 16], strides = [1, 1, 1]} : vector<2x10240x16xf32> to vector<2x10000x16xf32>
    %get3A_3 = arith.constant 0 : index
    %get3A_4 = arith.constant 0 : index
    %get3A_5 = arith.constant 0 : index
    %get3A_6 = vector.load %arg3[%get3A_3, %get3A_4, %get3A_5] : memref<2x10240x16xf32, #tpu.memory_space<vmem>>, vector<2x10240x16xf32>
    %slice3A_7 = vector.extract_strided_slice %get3A_6 {offsets = [0, 0, 0], sizes = [2, 10000, 16], strides = [1, 1, 1]} : vector<2x10240x16xf32> to vector<2x10000x16xf32>
    %slice3A_8 = vector.extract_strided_slice %slice3A {offsets = [0, 0, 0], sizes = [1, 10000, 16], strides = [1, 1, 1]} : vector<2x10000x16xf32> to vector<1x10000x16xf32>
    %squeeze3A = vector.shape_cast %slice3A_8 : vector<1x10000x16xf32> to vector<10000x16xf32>
    %slice3A_9 = vector.extract_strided_slice %slice3A {offsets = [1, 0, 0], sizes = [1, 10000, 16], strides = [1, 1, 1]} : vector<2x10000x16xf32> to vector<1x10000x16xf32>
    %squeeze3A_10 = vector.shape_cast %slice3A_9 : vector<1x10000x16xf32> to vector<10000x16xf32>
    %add3A = arith.addf %squeeze3A, %squeeze3A_10 : vector<10000x16xf32>
    %slice3A_11 = vector.extract_strided_slice %slice3A_7 {offsets = [0, 0, 0], sizes = [1, 10000, 1], strides = [1, 1, 1]} : vector<2x10000x16xf32> to vector<1x10000x1xf32>
    %squeeze3A_12 = vector.shape_cast %slice3A_11 : vector<1x10000x1xf32> to vector<10000x1xf32>
    %slice3A_13 = vector.extract_strided_slice %slice3A_7 {offsets = [1, 0, 0], sizes = [1, 10000, 1], strides = [1, 1, 1]} : vector<2x10000x16xf32> to vector<1x10000x1xf32>
    %squeeze3A_14 = vector.shape_cast %slice3A_13 : vector<1x10000x1xf32> to vector<10000x1xf32>
    %add3A_15 = arith.addf %squeeze3A_12, %squeeze3A_14 : vector<10000x1xf32>
    %max3A = arith.constant 1.000000e+00 : f32
    %max3A_16 = vector.broadcast %max3A : f32 to vector<10000x1xf32>
    %max3A_17 = arith.maximumf %add3A_15, %max3A_16 : vector<10000x1xf32>
    %div3A = vector.broadcast %max3A_17 : vector<10000x1xf32> to vector<10000x16xf32>
    %div3A_18 = arith.divf %add3A, %div3A : vector<10000x16xf32>
    %get3A_19 = arith.constant 0 : index
    %get3A_20 = arith.constant 0 : index
    %get3A_21 = vector.load %arg1[%get3A_19, %get3A_20] : memref<10000x128xf32, #tpu.memory_space<vmem>>, vector<10000x128xf32>
    %get3A_22 = arith.constant 0 : index
    %get3A_23 = arith.constant 0 : index
    %get3A_24 = vector.load %arg4[%get3A_22, %get3A_23] : memref<128x128xf32, #tpu.memory_space<vmem>>, vector<128x128xf32>
    %dot_general3A = arith.constant dense<0.000000e+00> : vector<10000x128xf32>
    %dot_general3A_25 = tpu.matmul %get3A_21, %get3A_24, %dot_general3A {dimension_numbers = #tpu.dot_dimension_numbers<[1], [0], [0], [1], [0, 0, 1, 1], [], []>, transpose_lhs_hint = false} : vector<10000x128xf32>, vector<128x128xf32>, vector<10000x128xf32> -> vector<10000x128xf32>
    %get3A_26 = arith.constant 0 : index
    %get3A_27 = arith.constant 0 : index
    %get3A_28 = vector.load %arg5[%get3A_26, %get3A_27] : memref<16x128xf32, #tpu.memory_space<vmem>>, vector<16x128xf32>
    %dot_general3A_29 = arith.constant dense<0.000000e+00> : vector<10000x128xf32>
    %dot_general3A_30 = tpu.matmul %div3A_18, %get3A_28, %dot_general3A_29 {dimension_numbers = #tpu.dot_dimension_numbers<[1], [0], [0], [1], [0, 0, 1, 1], [], []>, transpose_lhs_hint = false} : vector<10000x16xf32>, vector<16x128xf32>, vector<10000x128xf32> -> vector<10000x128xf32>
    %add3A_31 = arith.addf %dot_general3A_25, %dot_general3A_30 : vector<10000x128xf32>
    %get3A_32 = arith.constant 0 : index
    %get3A_33 = arith.constant 0 : index
    %get3A_34 = vector.load %arg6[%get3A_32, %get3A_33] : memref<1x128xf32, #tpu.memory_space<vmem>>, vector<1x128xf32>
    %add3A_35 = vector.broadcast %get3A_34 : vector<1x128xf32> to vector<10000x128xf32>
    %add3A_36 = arith.addf %add3A_31, %add3A_35 : vector<10000x128xf32>
    %swap3A = arith.constant 0 : index
    %swap3A_37 = arith.constant 0 : index
    %swap3A_38 = vector.load %arg7[%swap3A, %swap3A_37] : memref<10000x128xf32, #tpu.memory_space<vmem>>, vector<10000x128xf32>
    tpu.vector_store %arg7[%swap3A, %swap3A_37], %add3A_36 {strides = array<i32>} : memref<10000x128xf32, #tpu.memory_space<vmem>>, vector<10000x128xf32>,
    return
  }
  func.func @transform_0(%arg0: i32) -> (i32, i32) {
    %c0_i32 = arith.constant 0 : i32
    %c0_i32_0 = arith.constant 0 : i32
    %c0_i32_1 = arith.constant 0 : i32
    return %c0_i32, %c0_i32_0 : i32, i32
  }
  func.func @transform_1(%arg0: i32) -> (i32, i32, i32) {
    %c0_i32 = arith.constant 0 : i32
    %c0_i32_0 = arith.constant 0 : i32
    %c0_i32_1 = arith.constant 0 : i32
    %c0_i32_2 = arith.constant 0 : i32
    return %c0_i32, %c0_i32_0, %c0_i32_1 : i32, i32, i32
  }
  func.func @transform_2(%arg0: i32) -> (i32, i32, i32) {
    %c0_i32 = arith.constant 0 : i32
    %c0_i32_0 = arith.constant 0 : i32
    %c0_i32_1 = arith.constant 0 : i32
    %c0_i32_2 = arith.constant 0 : i32
    return %c0_i32, %c0_i32_0, %c0_i32_1 : i32, i32, i32
  }
  func.func @transform_3(%arg0: i32) -> (i32, i32) {
    %c0_i32 = arith.constant 0 : i32
    %c0_i32_0 = arith.constant 0 : i32
    %c0_i32_1 = arith.constant 0 : i32
    return %c0_i32, %c0_i32_0 : i32, i32
  }
  func.func @transform_4(%arg0: i32) -> (i32, i32) {
    %c0_i32 = arith.constant 0 : i32
    %c0_i32_0 = arith.constant 0 : i32
    %c0_i32_1 = arith.constant 0 : i32
    return %c0_i32, %c0_i32_0 : i32, i32
  }
  func.func @transform_5(%arg0: i32) -> (i32, i32) {
    %c0_i32 = arith.constant 0 : i32
    %c0_i32_0 = arith.constant 0 : i32
    %c0_i32_1 = arith.constant 0 : i32
    return %c0_i32, %c0_i32_0 : i32, i32
  }
  func.func @transform_6(%arg0: i32) -> (i32, i32) {
    %c0_i32 = arith.constant 0 : i32
    %c0_i32_0 = arith.constant 0 : i32
    %c0_i32_1 = arith.constant 0 : i32
    return %c0_i32, %c0_i32_0 : i32, i32
  }
}

</mosaic_0001>

<sc_bundles>
// kernel: kernel.6.cloned.1.call-start
scs
__scs_entry_jumppad:
0x0: {  	(pc) =	sbr.rel $0x88, $3  }
0x1: {  	(tag) =	ssettag $0x0;
	lr =	simm.s32 $0x1  }
0x2: {  	[smem:$0x3F9A] =	sst lr;
	_ =	strace $0xD0000000  }
0x3: {  	_ = 	snop  }
0x4: {  	_ = 	snop  }
0x5: {  	_ = 	snop  }
0x6: {  	_ = 	snop  }
0x7: {  	_ = 	snop  }
__scs_overlays_trampoline_lowered:
0x8: {  	[smem:$0x3FA9] =	sst s0  }
0x9: {  	[smem:$0x3FAA] =	sst s1  }
0xa: {  	[smem:$0x3FAB] =	sst s2  }
0xb: {  	[smem:$0x3FAC] =	sst s3  }
0xc: {  	[smem:$0x3FAD] =	sst s4  }
0xd: {  	[smem:$0x3FAE] =	sst s5  }
0xe: {  	[smem:$0x3FAF] =	sst s6  }
0xf: {  	[smem:$0x3FB0] =	sst s7  }
0x10: {  	[smem:$0x3FB1] =	sst s8  }
0x11: {  	[smem:$0x3FB2] =	sst s9;
	s0 =	simm.s32 @!p0 $0x0  }
0x12: {  	s1 =	sld [smem:$0x3F98];
	s0 =	simm.s32 @p0 $0x1  }
0x13: {  	[smem:$0x3FB3] =	sst s0;
	s0 =	simm.s32 @!p1 $0x0  }
0x14: {  	s2 =	sld [smem:$0x3F97];
	s0 =	simm.s32 @p1 $0x1  }
0x15: {  	[smem:$0x3FB4] =	sst s0;
	s0 =	simm.s32 @!p2 $0x0  }
0x16: {  	s3 =	sld [smem:$0x3FDB];
	s0 =	simm.s32 @p2 $0x1  }
0x17: {  	s4 =	simm.s32 $0x1BF5;
	[smem:$0x3FB6] =	sst s0  }
0x18: {  	s0 =	sld [smem:$0x3F99];
	_ =	swait.ge [sflag:s4], $0x0  }
0x19: {  	s7 =	sld [smem:$0x3F9A]  }
0x1a: {  	s8 =	sadd.s32 $0xFFFFE003, lr  }
0x1b: {  	s9 =	sadd.s32 $0xFFFFFEF7, lr;
	s5 =	simm.s32 $0xFFFFFFFF;
	p2 =	slt.u32 s8, $0xFFFFF086  }
0x1c: {  	p1 =	slt.u32 s9, $0xF7A;
	s5 =	simm.s32 @!p2 $0x0  }
0x1d: {  	s5 =	simm.s32 @p1 $0x1;
	p0 =	seq.s32 s7, s2  }
0x1e: {  	s7 =	smul.u32 @!p0 $0xF7A, s2;
	p2 =	seq.s32 @!p0 s5, $0x0  }
0x1f: {  	s9 =	smul.u32 $0xF7A, s1;
	s8 =	simm.s32 @!p0 $0x1BF5;
	p2 =	por !p2, p0  }
0x20: {  	[sflag:s8] =	ssyncset.s32 @!p0 $0xFFFFF086;
	s6 =	sadd.s32 @!p0 s3, s7;
	s7 =	simm.s32 @!p0 $0x108  }
0x21: {  	s3 =	sadd.s32 s3, s9;
	s6 =	sadd.s32 @!p0 $0x88, s6;
	s7 =	simm.s32 @p2 $0x1082  }
0x22: {  	[simem:s7], [sflag:s8] =	dma.local @!p0 [hbm:s6], $0xF7A  }
0x23: {  	s9 =	sor.u32 $0xD0000000, s2;
	s6 =	simm.s32 $0x108;
	_ =	swait.ge @!p0 [sflag:s8], $0x0  }
0x24: {  	s3 =	sadd.s32 $0x88, s3;
	s6 =	simm.s32 @!p1 $0x1082;
	[sflag:s4] =	ssyncset.s32 $0xFFFFF086  }
0x25: {  	[simem:s6], [sflag:s4] =	dma.local [hbm:s3], $0xF7A  }
0x26: {  	[smem:$0x3F9A] =	sst s1;
	(tag) =	ssettag s2;
	_ =	strace s9  }
0x27: {  	s1 =	sld [smem:$0x3FAA]  }
0x28: {  	s2 =	sld [smem:$0x3FAB]  }
0x29: {  	s4 =	sld [smem:$0x3FAD]  }
0x2a: {  	p0 =	seq.s32 s5, $0x0;
	s5 =	sld [smem:$0x3FAE]  }
0x2b: {  	s6 =	sld [smem:$0x3FAF]  }
0x2c: {  	s7 =	sld [smem:$0x3FB0]  }
0x2d: {  	s3 =	simm.s32 $0x108;
	s8 =	sld [smem:$0x3FB1]  }
0x2e: {  	s3 =	simm.s32 @!p0 $0x1082;
	s9 =	sld [smem:$0x3FB2]  }
0x2f: {  	lr =	sadd.s32 s0, s3;
	s0 =	sld [smem:$0x3FA9]  }
0x30: {  	s3 =	sld [smem:$0x3FAC]  }
0x31: {  	[smem:$0x3FB5] =	sst s10  }
0x32: {  	s10 =	sld [smem:$0x3FB3];
	_ =	sdelay $0x3  }
0x33: {  	p0 =	seq.s32 s10, $0x1;
	s10 =	sld [smem:$0x3FB5];
	_ =	sdelay $0x3  }
0x34: {  	[smem:$0x3FB5] =	sst s10  }
0x35: {  	s10 =	sld [smem:$0x3FB4];
	_ =	sdelay $0x3  }
0x36: {  	p1 =	seq.s32 s10, $0x1;
	s10 =	sld [smem:$0x3FB5];
	_ =	sdelay $0x3  }
0x37: {  	[smem:$0x3FB5] =	sst s10  }
0x38: {  	s10 =	sld [smem:$0x3FB6]  }
0x39: {  	_ = 	snop;
	(pc) =	sbr.ind lr, $3  }
0x3a: {  	_ = 	snop  }
0x3b: {  	_ = 	snop  }
0x3c: {  	p2 =	seq.s32 s10, $0x1;
	s10 =	sld [smem:$0x3FB5]  }
0x3d: {  	_ =	shalt  }
0x3e: {  	_ =	shalt  }
0x3f: {  	_ =	shalt  }
0x40: {  	_ =	shalt  }
0x41: {  	_ =	shalt  }
0x42: {  	_ =	shalt  }
0x43: {  	_ =	shalt  }
0x44: {  	_ =	shalt  }
0x45: {  	_ =	shalt  }
0x46: {  	_ =	shalt  }
0x47: {  	_ =	shalt  }
0x48: {  	_ =	shalt  }
0x49: {  	_ =	shalt  }
0x4a: {  	_ =	shalt  }
0x4b: {  	_ =	shalt  }
0x4c: {  	_ =	shalt  }
0x4d: {  	_ =	shalt  }
0x4e: {  	_ =	shalt  }
0x4f: {  	_ =	shalt  }
0x50: {  	_ =	shalt  }
0x51: {  	_ =	shalt  }
0x52: {  	_ =	shalt  }
0x53: {  	_ =	shalt  }
0x54: {  	_ =	shalt  }
0x55: {  	_ =	shalt  }
0x56: {  	_ =	shalt  }
0x57: {  	_ =	shalt  }
0x58: {  	_ =	shalt  }
0x59: {  	_ =	shalt  }
0x5a: {  	_ =	shalt  }
0x5b: {  	_ =	shalt  }
0x5c: {  	_ =	shalt  }
0x5d: {  	_ =	shalt  }
0x5e: {  	_ =	shalt  }
0x5f: {  	_ =	shalt  }
0x60: {  	_ =	shalt  }
0x61: {  	_ =	shalt  }
0x62: {  	_ =	shalt  }
0x63: {  	_ =	shalt  }
0x64: {  	_ =	shalt  }
0x65: {  	_ =	shalt  }
0x66: {  	_ =	shalt  }
0x67: {  	_ =	shalt  }
0x68: {  	_ =	shalt  }
0x69: {  	_ =	shalt  }
0x6a: {  	_ =	shalt  }
0x6b: {  	_ =	shalt  }
0x6c: {  	_ =	shalt  }
0x6d: {  	_ =	shalt  }
0x6e: {  	_ =	shalt  }
0x6f: {  	_ =	shalt  }
0x70: {  	_ =	shalt  }
0x71: {  	_ =	shalt  }
0x72: {  	_ =	shalt  }
0x73: {  	_ =	shalt  }
0x74: {  	_ =	shalt  }
0x75: {  	_ =	shalt  }
0x76: {  	_ =	shalt  }
0x77: {  	_ =	shalt  }
0x78: {  	_ =	shalt  }
0x79: {  	_ =	shalt  }
0x7a: {  	_ =	shalt  }
0x7b: {  	_ =	shalt  }
0x7c: {  	_ =	shalt  }
0x7d: {  	_ =	shalt  }
0x7e: {  	_ =	shalt  }
0x7f: {  	_ =	shalt  }
0x80: {  	_ =	shalt  }
0x81: {  	_ =	shalt  }
0x82: {  	_ =	shalt  }
0x83: {  	_ =	shalt  }
0x84: {  	_ =	shalt  }
0x85: {  	_ =	shalt  }
0x86: {  	_ =	shalt  }
0x87: {  	_ =	shalt  }
.Lfunc_end0:
.L_simem_size_0:
called_computation_lowered:
.L_overlay_start_0:
0x88: {  	s2 =	sld [smem:$0x3FD9]  }
0x89: {  	s3 =	sld [smem:$0x3FFE];
	_ =	sdelay $0x1  }
0x8a: {  	s1 =	srdreg.scid  }
0x8b: {  	s0 =	sand.u32 $0x1, s1  }
0x8c: {  	s14 =	sshll.u32 s0, $0xA;
	s2 =	sadd.s32 s3, s2  }
0x8d: {  	s2 =	sadd.s32 s2, s14  }
0x8e: {  	[smem:$0x3FC1] =	sst s2  }
0x8f: {  	_ = 	snop  }
0x90: {  	s2 =	sld [smem:$0x3FD0];
	_ =	sdelay $0x2  }
0x91: {  	s15 =	simm.s32 $0xA;
	s4 =	simm.s32 $0x10  }
0x92: {  	[smem:s4], [sflag:s15] =	dma.local [hbm:s2], $0x1  }
0x93: {  	_ =	swait.eq [sflag:s15], $0x1  }
0x94: {  	[sflag:s15] =	ssyncset.done $0x0  }
0x95: {  	s16 =	sld [smem:$0x10];
	[sflag:s15] =	ssyncadd.s32 $0xFFFFFFFF  }
0x96: {  	s17 =	sld [smem:$0x11];
	(tm) =	ssettm $0x1  }
0x97: {  	s18 =	sld [smem:$0x3FFB];
	_ =	sdelay $0x3  }
0x98: {  	_ =	strace s18  }
0x99: {  	s4 =	sld [smem:$0x3FFC];
	_ =	sdelay $0x3  }
0x9a: {  	_ =	strace s4  }
0x9b: {  	s4 =	sld [smem:$0x3FFD];
	_ =	sdelay $0x3  }
0x9c: {  	_ =	strace s4  }
0x9d: {  	_ =	strace $0x8FFFFFFF  }
0x9e: {  	s19 =	sld [smem:$0x3FDB];
	_ =	sdelay $0x1  }
0x9f: {  	s5 =	simm.s32 $_scs_section_size  }
0xa0: {  	s6 =	simm.s32 $_size__tile_overlayer_lowered;
	s7 =	simm.s32 $_tile_overlayer_lowered  }
0xa1: {  	s22 =	simm.s32 $0x1BFF;
	s21 =	sshll.u32 s7, $0x1;
	s4 =	sadd.s32 s5, s19  }
0xa2: {  	s8 =	simm.s32 $0x0;
	s20 =	sshll.u32 s6, $0x1;
	s6 =	sadd.s32 s21, s4  }
0xa3: {  	[timem:s8], [sflag:s22] =	dma.local [hbm:s6], s20  }
0xa4: {  	_ =	swait.ge [sflag:s22], s20  }
0xa5: {  	s5 =	ssub.s32 $0x0, s20;
	[sflag:s22] =	ssyncset.done $0x0  }
0xa6: {  	[sflag:s22] =	ssyncadd.s32 s5;
	_ =	sdelay $0x1  }
0xa7: {  	s23 =	simm.s32 $0x1B8B  }
0xa8: {  	_ =	swait.ge [sflag:s23], $0x1  }
0xa9: {  	[sflag:s23] =	ssyncset.done $0x0  }
0xaa: {  	s25 =	simm.s32 $0x1B8E;
	s24 =	sld [smem:$0x3FFE];
	[sflag:s23] =	ssyncadd.s32 $0xFFFFFFFF  }
0xab: {  	s26 =	simm.s32 $execute0_lowered;
	[smem:$0x3FD2] =	sst s25  }
0xac: {  	s6 =	sshll.u32 s26, $0x1;
	_ =	strace $0x80000046;
	[dreg:$0x1] =	wrdreg $0xFFFFFFFF  }
0xad: {  	s28 =	simm.s32 $_size_execute0_lowered;
	s4 =	sadd.s32 s4, s6;
	[dreg:$0x0] =	wrdreg $0x0  }
0xae: {  	s6 =	sshll.u32 s28, $0x1;
	[dreg:$0x2] =	wrdreg s4  }
0xaf: {  	[dreg:$0x3] =	wrdreg s6  }
0xb0: {  	[dreg:$0x4] =	wrdreg $0xC0  }
0xb1: {  	_ =	task [dreg:s8], $0x5FFFF  }
0xb2: {  	[dreg:$0x1] =	wrdreg $0xFFFFFFFF  }
0xb3: {  	[dreg:$0x0] =	wrdreg $0x60  }
0xb4: {  	[dreg:$0x2] =	wrdreg s24  }
0xb5: {  	[dreg:$0x3] =	wrdreg s17  }
0xb6: {  	[dreg:$0x4] =	wrdreg s16  }
0xb7: {  	[dreg:$0x5] =	wrdreg $0x0  }
0xb8: {  	[dreg:$0x6] =	wrdreg $0x28000  }
0xb9: {  	[dreg:$0x7] =	wrdreg $0x50000  }
0xba: {  	[dreg:$0x8] =	wrdreg $0x78000  }
0xbb: {  	[dreg:$0x9] =	wrdreg $0x9  }
0xbc: {  	_ =	task.clear_ibuf [dreg:s8], $0xAFFFF;
	_ =	strace $0x90000046  }
0xbd: {  	s29 =	simm.s32 $0x9;
	_ =	strace $0x80000053  }
0xbe: {  	_ =	swait.ge [sflag:s29], $0x1  }
0xbf: {  	[sflag:s29] =	ssyncadd.s32 $0xFFFFFFFF  }
0xc0: {  	_ =	strace $0x90000053  }
0xc1: {  	_ =	sfence  }
0xc2: {  	s30 =	sld [smem:$0x0];
	_ =	sdelay $0x2  }
0xc3: {  	s31 =	sshll.u32 s1, $0xD;
	s1 =	sshrl.u32 s1, $0x2  }
0xc4: {  	s3 =	sand.u32 $0x4000, s31;
	s1 =	sadd.s32 s1, s30  }
0xc5: {  	s0 =	sor.u32 s3, s0;
	s1 =	sshll.u32 s1, $0x11  }
0xc6: {  	s0 =	sor.u32 s1, s0  }
0xc7: {  	s0 =	sadd.s32 $0x8F2B, s0  }
0xc8: {  	[sflag:s0] =	ssyncadd.remote.s32 $0x1  }
0xc9: {  	_ =	sfence.sel $0xFFFF  }
0xca: {  	[dreg:$0x0] =	wrdreg $0xFFFFFFFF;
	(pc) =	sbr.abs _section_cstart, $3  }
0xcb: {  	[dreg:$0x1] =	wrdreg $0xFFFFFFFF  }
0xcc: {  	_ =	task.clear_ibuf [dreg:s8], $0x2FFFF;
	_ =	strace $0x9FFFFFFF  }
0xcd: {  	(tm) =	ssettm $0x7FFFFFFF  }
tec
execute0_lowered:
.L_overlay_start_1:
0x0: {  	(tag) =	ssettag $0x1  }
0x1: {  	s1 =	rddreg [dreg:$0x0]  }
0x2: {  	v0 =	vimm.s32 $0x1380;
	vm14 =	vcmask $0x300;
	vm13 =	vcmask $0x704;
	s0 =	rddreg [dreg:$0x2]  }
0x3: {  	vm12 =	vcmask $0xB08;
	vm11 =	vcmask $0xF0C;
	s9 =	rddreg [dreg:$0x3];
	vm10 =	vcmask $0x1310  }
0x4: {  	s10 =	rddreg [dreg:$0x4];
	vm9 =	vcmask $0x1714;
	vm8 =	vcmask $0x1B18;
	vm6 =	vcmask $0x1F1C  }
0x5: {  	s11 =	rddreg [dreg:$0x5];
	vm7 =	vcmask $0x2320;
	vm5 =	vcmask $0x2724;
	vm4 =	vcmask $0x2B28  }
0x6: {  	s13 =	rddreg [dreg:$0x6];
	s12 =	simm.s32 $0x0;
	vm3 =	vcmask $0x2F2C;
	vm2 =	vcmask $0x3330;
	vm1 =	vcmask $0x3734  }
0x7: {  	s7 =	stileid.u32;
	s3 =	srdreg.scid;
	vm0 =	vcmask $0x3B38;
	v1 =	vimm.f32 $1.000000000e+00;
	v3 =	vimm.s32 $0x1780;
	s15 =	simm.s32 $0x14  }
0x8: {  	v4 =	vimm.s32 $0x1B80;
	v5 =	vimm.s32 $0x1F80;
	s29 =	simm.s32 $0x80;
	v0 =	vsel vm14, $0x0, v0;
	[smem:$0x7FF] =	sst s12;
	s2 =	smul.u32 $0x2800, s7  }
0x9: {  	s14 =	sadd.s32 $0x20000, s1;
	s3 =	sand.u32 $0x1, s3;
	s16 =	sadd.s32 $0x16200, s1;
	v3 =	vsel vm14, $0x400, v3;
	v4 =	vsel vm14, $0x800, v4;
	v5 =	vsel vm14, $0xC00, v5  }
0xa: {  	s17 =	sadd.s32 $0xC400, s1;
	v0 =	vsel vm13, $0x80, v0;
	_ =	strace $0x80000047;
	v3 =	vsel vm13, $0x480, v3;
	v4 =	vsel vm13, $0x880, v4;
	[dreg:$0x9] =	wrdreg s14  }
0xb: {  	s5 =	smul.u32 $0x28000, s3;
	s6 =	sshll.u32 s3, $0x4;
	v5 =	vsel vm13, $0xC80, v5;
	[dreg:$0xa] =	wrdreg s16;
	v0 =	vsel vm12, $0x100, v0;
	v3 =	vsel vm12, $0x500, v3  }
0xc: {  	s3 =	ssub.s32 $0x2, s3;
	[dreg:$0xb] =	wrdreg s17;
	s4 =	sshrl.u32 s2, $0x3;
	v4 =	vsel vm12, $0x900, v4;
	v5 =	vsel vm12, $0xD00, v5;
	v0 =	vsel vm11, $0x180, v0  }
0xd: {  	s6 =	sor.u32 s7, s6;
	s20 =	sshrl.u32 s3, $0x1;
	s9 =	sadd.s32 s2, s9;
	v3 =	vsel vm11, $0x580, v3;
	v4 =	vsel vm11, $0x980, v4;
	v5 =	vsel vm11, $0xD80, v5  }
0xe: {  	s10 =	sadd.s32 s2, s10;
	s21 =	sadd.s32 s2, s11;
	s4 =	sadd.s32 s4, s1;
	v0 =	vsel vm10, $0x200, v0;
	v3 =	vsel vm10, $0x600, v3;
	v4 =	vsel vm10, $0xA00, v4  }
0xf: {  	s5 =	sadd.s32 s2, s5;
	s8 =	smul.u32 $0x13, s6;
	s3 =	ssub.s32 s3, s20;
	v5 =	vsel vm10, $0xE00, v5;
	v0 =	vsel vm9, $0x280, v0;
	v3 =	vsel vm9, $0x680, v3  }
0x10: {  	s7 =	smul.u32 $0x14, s6;
	p0 =	slt.u32 s6, $0x11;
	[dreg:$0xc] =	wrdreg s9;
	v4 =	vsel vm9, $0xA80, v4;
	v5 =	vsel vm9, $0xE80, v5;
	v0 =	vsel vm8, $0x300, v0  }
0x11: {  	s2 =	sadd.s32 s2, s13;
	s30 =	sshrl.u32 s21, $0x3;
	[dreg:$0xe] =	wrdreg s10;
	v3 =	vsel vm8, $0x700, v3;
	v4 =	vsel vm8, $0xB00, v4;
	v5 =	vsel vm8, $0xF00, v5  }
0x12: {  	s5 =	sshrl.u32 s5, $0x3;
	s22 =	sadd.s32 $0x7400, s4;
	[dreg:$0x17] =	wrdreg s30;
	v0 =	vsel vm6, $0x380, v0;
	v3 =	vsel vm6, $0x780, v3;
	v4 =	vsel vm6, $0xB80, v4  }
0x13: {  	s4 =	sadd.s32 $0x2400, s4;
	s15 =	simm.s32 @!p0 $0x13;
	[dreg:$0xf] =	wrdreg s22;
	v5 =	vsel vm6, $0xF80, v5;
	v0 =	vsel vm7, $0x1000, v0;
	v3 =	vsel vm7, $0x1400, v3  }
0x14: {  	s28 =	smax.u32 s3, $0x1;
	s31 =	sshrl.u32 s2, $0x3;
	[dreg:$0x10] =	wrdreg s4;
	v4 =	vsel vm7, $0x1800, v4;
	v5 =	vsel vm7, $0x1C00, v5;
	v0 =	vsel vm5, $0x1080, v0  }
0x15: {  	s1 =	sadd.s32 s5, s1;
	s8 =	sadd.s32 $0x11, s8;
	[dreg:$0x16] =	wrdreg s28;
	v3 =	vsel vm5, $0x1480, v3;
	v4 =	vsel vm5, $0x1880, v4;
	v5 =	vsel vm5, $0x1C80, v5  }
0x16: {  	s0 =	sadd.s32 s0, s5;
	[dreg:$0x18] =	wrdreg s31;
	s8 =	smov.u32 @p0 s7;
	v0 =	vsel vm4, $0x1100, v0;
	v3 =	vsel vm4, $0x1500, v3;
	v4 =	vsel vm4, $0x1900, v4  }
0x17: {  	[dreg:$0x14] =	wrdreg s0;
	s26 =	sadd.s32 $0xBC400, s1;
	s23 =	sshll.u32 s8, $0x9;
	v5 =	vsel vm4, $0x1D00, v5;
	v0 =	vsel vm3, $0x1180, v0;
	v3 =	vsel vm3, $0x1580, v3  }
0x18: {  	[dreg:$0xd] =	wrdreg s8;
	s8 =	sshll.u32 s8, $0x6;
	s7 =	sand.u32 $0x1FFFFE00, s23;
	v4 =	vsel vm3, $0x1980, v4;
	v5 =	vsel vm3, $0x1D80, v5;
	v0 =	vsel vm2, $0x1200, v0  }
0x19: {  	[dreg:$0x15] =	wrdreg s26;
	s24 =	sand.u32 $0x1FFFFFC0, s8;
	s7 =	sadd.s32 s14, s7;
	v3 =	vsel vm2, $0x1600, v3;
	v4 =	vsel vm2, $0x1A00, v4;
	v5 =	vsel vm2, $0x1E00, v5  }
0x1a: {  	s2 =	simm.s32 $0x3;
	s25 =	sadd.s32 s16, s24;
	[dreg:$0x11] =	wrdreg s7;
	v2 =	vsel vm1, $0x1280, v0;
	v0 =	vimm.f32 $0.0e+00;
	v3 =	vsel vm1, $0x1680, v3  }
0x1b: {  	s23 =	simm.s32 $0x2;
	s4 =	sadd.s32 s17, s24;
	[dreg:$0x12] =	wrdreg s25;
	v4 =	vsel vm1, $0x1A80, v4;
	v5 =	vsel vm1, $0x1E80, v5;
	v2 =	vsel vm0, $0x1300, v2  }
0x1c: {  	s16 =	sadd.s32 $0xFFFFFFFF, s15;
	s17 =	simm.s32 $0x1;
	[dreg:$0x13] =	wrdreg s4;
	v3 =	vsel vm0, $0x1700, v3;
	v4 =	vsel vm0, $0x1B00, v4;
	v5 =	vsel vm0, $0x1F00, v5  }
.LBB2_1:
0x1d: {  	s0 =	simm.s32 $0x0  }
.LBB2_2:
0x1e: {  	p0 =	sne.s32 s0, $0x9FC0  }
.Ltmp0:
0x1f: {  	_ = 	snop;
	(pc) =	sbr.rel @p0 .LBB2_2-.Ltmp0, $3  }
0x20: {  	_ =	sdelay $0x1  }
0x21: {  	s1 =	sshra.s32 s0, $0x2  }
0x22: {  	s0 =	sadd.s32 $0x40, s0;
	[tilespmem:s1+$0x10800] =	vst v0  }
0x23: {  	[dreg:$0x8] =	wrdreg s12;
	s0 =	simm.s32 $0x40;
	s1 =	simm.s32 $0x0  }
.LBB2_4:
0x24: {  	p0 =	sne.s32 s0, $0x1FC0;
	[tilespmem:s1+$0x10000] =	vst v1;
	s1 =	smov.u32 s0;
	s0 =	sadd.s32 $0x40, s0  }
.Ltmp1:
0x25: {  	(pc) =	sbr.rel @p0 .LBB2_4-.Ltmp1, $2  }
0x26: {  	_ =	sdelay $0x2  }
0x27: {  	s1 =	sshra.s32 s1, $0x2  }
0x28: {  	[tilespmem:s1+$0x10000] =	vst v1;
	s0 =	simm.s32 $0x10800  }
0x29: {  	[spmem:s9] =	stream.linear.scatter [tilespmem:s0], [sflag:$0x3], $0x2800, $0x38;
	[tilespmem:$0x1B800] =	vst v63  }
0x2a: {  	_ =	swait.ge [sflag:s2], $0x2800  }
0x2b: {  	[sflag:s2] =	ssyncset.done $0x0  }
0x2c: {  	[sflag:s2] =	ssyncadd.s32 $0xFFFFD800  }
0x2d: {  	[spmem:s10] =	stream.linear.scatter [tilespmem:s0], [sflag:$0x3], $0x2800, $0x38;
	[tilespmem:$0x1B800] =	vst v63  }
0x2e: {  	s10 =	stileid.u32;
	_ =	swait.ge [sflag:s2], $0x2800  }
0x2f: {  	s0 =	sshll.u32 s10, $0x6;
	[sflag:s2] =	ssyncset.done $0x0;
	s11 =	rddreg [dreg:$0xf]  }
0x30: {  	s3 =	sor.u32 $0x1C03, s0;
	s12 =	rddreg [dreg:$0x17];
	[sflag:s2] =	ssyncadd.s32 $0xFFFFD800  }
0x31: {  	[spmem:s12], [sflag:s3] =	dma.local [hbm:s11], $0x500  }
0x32: {  	_ =	swait.ge [sflag:s2], $0x500;
	[dreg:$0x19] =	wrdreg s3  }
0x33: {  	[sflag:s2] =	ssyncset.done $0x0;
	s13 =	rddreg [dreg:$0x10]  }
0x34: {  	s14 =	rddreg [dreg:$0x18];
	[sflag:s2] =	ssyncadd.s32 $0xFFFFFB00  }
0x35: {  	[spmem:s14], [sflag:s3] =	dma.local [hbm:s13], $0x500  }
0x36: {  	_ =	swait.ge [sflag:s2], $0x500  }
0x37: {  	s19 =	simm.s32 $0x1000;
	s20 =	simm.s32 $0x271000;
	[sflag:s2] =	ssyncset.done $0x0  }
0x38: {  	s21 =	simm.s32 $0x13000;
	s22 =	simm.s32 $0x0;
	[sflag:s2] =	ssyncadd.s32 $0xFFFFFB00  }
0x39: {  	s25 =	simm.s32 $0x17000;
	s31 =	simm.s32 $0x17400;
	[bflag:$0x0] =	sbarrier.arrive $0xFFFF  }
0x3a: {  	s7 =	simm.s32 $0x0;
	s28 =	simm.s32 $0x1;
	_ =	strace $0x80000048  }
0x3b: {  	s30 =	simm.s32 $0x0;
	s1 =	simm.s32 $0x1;
	s18 =	rddreg [dreg:$0x11]  }
0x3c: {  	[tilespmem:s21], [sflag:$0x3] =	stream.strided.gather [hbm4b:s18+s19], $0x2000, s20, s19, $0x200038;
	[tilespmem:$0x1B800] =	vst v63  }
0x3d: {  	s0 =	simm.s32 $0x0;
	s11 =	simm.s32 $0x1;
	s24 =	rddreg [dreg:$0x12]  }
0x3e: {  	[tilespmem:s25], [sflag:$0x5] =	stream.linear.gather [hbm4b:s24+s22], $0x200, $0x200038;
	[tilespmem:$0x1B800] =	vst v63  }
0x3f: {  	s14 =	simm.s32 $0x0;
	s13 =	simm.s32 $0x0;
	s26 =	rddreg [dreg:$0x13]  }
0x40: {  	[tilespmem:s31], [sflag:$0x7] =	stream.linear.gather [hbm4b:s26+s22], $0x200, $0x200038;
	[tilespmem:$0x1B800] =	vst v63  }
0x41: {  	s3 =	simm.s32 $0x0;
	s24 =	simm.s32 $0x0;
	_ =	strace $0x90000048  }
.LBB2_6:
0x42: {  	s6 =	sadd.s32 $0x1, s14  }
0x43: {  	p0 =	seq.s32 s6, s15  }
0x44: {  	s6 =	simm.s32 @p0 $0x0;
	p0 =	sge.u32 s3, s16  }
0x45: {  	s21 =	smov.u32 s15;
	p1 =	seq.s32 @!p0 s14, s6  }
0x46: {  	s19 =	smov.u32 s16;
	s15 =	rddreg [dreg:$0xd];
	p2 =	por p1, p0  }
0x47: {  	s2 =	sadd.s32 @!p2 s15, s6;
	s4 =	sand.u32 @!p2 $0x1, s1;
	_ =	strace @!p2 $0x80000049  }
0x48: {  	s10 =	simm.s32 @!p2 $0x1000;
	s16 =	simm.s32 @!p2 $0x271000;
	s8 =	sshll.u32 @!p2 s2, $0x9  }
0x49: {  	s5 =	sshll.u32 @!p2 s4, $0xD;
	s9 =	rddreg [dreg:$0x9];
	s8 =	sand.u32 @!p2 $0x1FFFFE00, s8  }
0x4a: {  	s4 =	sadd.s32 @!p2 $0x3, s4;
	s5 =	sadd.s32 @!p2 $0x13000, s5;
	s8 =	sadd.s32 @!p2 s9, s8  }
0x4b: {  	[tilespmem:s5], [sflag:s4] =	stream.strided.gather @!p2 [hbm4b:s8+s10], $0x2000, s16, s10, $0x200038;
	[tilespmem:$0x1B800] =	vst v63  }
0x4c: {  	s2 =	sshll.u32 @!p2 s2, $0x6;
	_ =	strace @!p2 $0x90000049  }
0x4d: {  	s2 =	sand.u32 @!p2 $0x1FFFFFC0, s2;
	s4 =	sand.u32 @!p2 $0x1, s11;
	_ =	strace @!p2 $0x8000004A  }
0x4e: {  	s10 =	simm.s32 @!p2 $0x0;
	s5 =	sshll.u32 @!p2 s4, $0x9;
	s8 =	rddreg [dreg:$0xa]  }
0x4f: {  	s4 =	sadd.s32 @!p2 $0x5, s4;
	s5 =	sor.u32 @!p2 $0x17000, s5;
	s8 =	sadd.s32 @!p2 s8, s2  }
0x50: {  	[tilespmem:s5], [sflag:s4] =	stream.linear.gather @!p2 [hbm4b:s8+s10], $0x200, $0x200038;
	[tilespmem:$0x1B800] =	vst v63  }
0x51: {  	_ =	strace @!p2 $0x9000004A  }
0x52: {  	s4 =	sand.u32 @!p2 $0x1, s28;
	_ =	strace @!p2 $0x8000004B  }
0x53: {  	s5 =	sshll.u32 @!p2 s4, $0x9;
	s8 =	rddreg [dreg:$0xb]  }
0x54: {  	s4 =	sadd.s32 @!p2 $0x7, s4;
	s5 =	sor.u32 @!p2 $0x17400, s5;
	s2 =	sadd.s32 @!p2 s8, s2  }
0x55: {  	[tilespmem:s5], [sflag:s4] =	stream.linear.gather @!p2 [hbm4b:s2+s10], $0x200, $0x200038;
	[tilespmem:$0x1B800] =	vst v63  }
0x56: {  	s8 =	sand.u32 $0x1, s30;
	_ =	strace @!p2 $0x9000004B  }
0x57: {  	s26 =	sadd.s32 $0x3, s8;
	_ =	strace $0x8000004C  }
0x58: {  	_ =	swait.ge [sflag:s26], $0x2000  }
0x59: {  	[sflag:s26] =	ssyncset.done $0x0  }
0x5a: {  	[sflag:s26] =	ssyncadd.s32 $0xFFFFE000  }
0x5b: {  	s4 =	sand.u32 $0x1, s0;
	_ =	strace $0x9000004C  }
0x5c: {  	s2 =	sadd.s32 $0x5, s4;
	_ =	strace $0x8000004D  }
0x5d: {  	_ =	swait.ge [sflag:s2], $0x200  }
0x5e: {  	[sflag:s2] =	ssyncset.done $0x0  }
0x5f: {  	[sflag:s2] =	ssyncadd.s32 $0xFFFFFE00  }
0x60: {  	s5 =	sand.u32 $0x1, s7;
	_ =	strace $0x9000004D  }
0x61: {  	s2 =	sadd.s32 $0x7, s5;
	_ =	strace $0x8000004E  }
0x62: {  	_ =	swait.ge [sflag:s2], $0x200  }
0x63: {  	[sflag:s2] =	ssyncset.done $0x0  }
0x64: {  	[sflag:s2] =	ssyncadd.s32 $0xFFFFFE00  }
0x65: {  	s12 =	sshll.u32 s7, $0x9;
	s10 =	sshll.u32 s0, $0x9;
	_ =	strace $0x9000004E  }
0x66: {  	s4 =	simm.s32 $0xA000;
	s2 =	sand.u32 $0x200, s10;
	_ =	strace $0x8000004F  }
0x67: {  	s5 =	sand.u32 $0x200, s12;
	s16 =	sor.u32 $0x17000, s2;
	s26 =	rddreg [dreg:$0x5]  }
0x68: {  	[tilespmem:s4], [sflag:$0x1] =	stream.indirect.gather [spmem:s26], $0x10, s16, s29, $0x2000b8;
	[tilespmem:$0x1B800] =	vst v63  }
0x69: {  	s25 =	simm.s32 $0xC000;
	s18 =	sor.u32 $0x17400, s5;
	s12 =	rddreg [dreg:$0x6]  }
0x6a: {  	[tilespmem:s25], [sflag:$0x1] =	stream.indirect.gather [spmem:s12], $0x10, s18, s29, $0x2000b8;
	[tilespmem:$0x1B800] =	vst v63  }
0x6b: {  	s20 =	simm.s32 $0xA800;
	s18 =	sor.u32 $0x17080, s2  }
0x6c: {  	[tilespmem:s20], [sflag:$0x1] =	stream.indirect.gather [spmem:s26], $0x10, s18, s29, $0x2000b8;
	[tilespmem:$0x1B800] =	vst v63  }
0x6d: {  	s22 =	sor.u32 $0x17480, s5;
	s20 =	simm.s32 $0xC800  }
0x6e: {  	[tilespmem:s20], [sflag:$0x1] =	stream.indirect.gather [spmem:s12], $0x10, s22, s29, $0x2000b8;
	[tilespmem:$0x1B800] =	vst v63  }
0x6f: {  	s20 =	sor.u32 $0x17100, s2;
	s22 =	simm.s32 $0xB000  }
0x70: {  	[tilespmem:s22], [sflag:$0x1] =	stream.indirect.gather [spmem:s26], $0x10, s20, s29, $0x2000b8;
	[tilespmem:$0x1B800] =	vst v63  }
0x71: {  	s10 =	sor.u32 $0x17500, s5;
	s22 =	simm.s32 $0xD000  }
0x72: {  	[tilespmem:s22], [sflag:$0x1] =	stream.indirect.gather [spmem:s12], $0x10, s10, s29, $0x2000b8;
	[tilespmem:$0x1B800] =	vst v63  }
0x73: {  	s22 =	sor.u32 $0x17180, s2;
	s10 =	simm.s32 $0xB800  }
0x74: {  	[tilespmem:s10], [sflag:$0x1] =	stream.indirect.gather [spmem:s26], $0x10, s22, s29, $0x2000b8;
	[tilespmem:$0x1B800] =	vst v63  }
0x75: {  	s5 =	sor.u32 $0x17580, s5;
	s10 =	simm.s32 $0xD800  }
0x76: {  	[tilespmem:s10], [sflag:$0x1] =	stream.indirect.gather [spmem:s12], $0x10, s5, s29, $0x2000b8;
	[tilespmem:$0x1B800] =	vst v63  }
0x77: {  	_ =	swait.ge [sflag:s17], $0x800  }
0x78: {  	[sflag:s17] =	ssyncset.done $0x0  }
0x79: {  	[sflag:s17] =	ssyncadd.s32 $0xFFFFF800  }
0x7a: {  	_ =	swait.ge [sflag:s17], $0x800  }
0x7b: {  	[sflag:s17] =	ssyncset.done $0x0  }
0x7c: {  	[sflag:s17] =	ssyncadd.s32 $0xFFFFF800  }
0x7d: {  	_ =	swait.ge [sflag:s17], $0x800  }
0x7e: {  	[sflag:s17] =	ssyncset.done $0x0  }
0x7f: {  	[sflag:s17] =	ssyncadd.s32 $0xFFFFF800  }
0x80: {  	_ =	swait.ge [sflag:s17], $0x800  }
0x81: {  	[sflag:s17] =	ssyncset.done $0x0  }
0x82: {  	[sflag:s17] =	ssyncadd.s32 $0xFFFFF800  }
0x83: {  	_ =	swait.ge [sflag:s17], $0x800  }
0x84: {  	[sflag:s17] =	ssyncset.done $0x0  }
0x85: {  	s12 =	simm.s32 $0x0;
	[sflag:s17] =	ssyncadd.s32 $0xFFFFF800  }
0x86: {  	v6 =	vmov s12;
	_ =	swait.ge [sflag:s17], $0x800  }
0x87: {  	v6 =	vand.u32 $0x7F, v6;
	[sflag:s17] =	ssyncset.done $0x0  }
0x88: {  	v6 =	vbroadcast v6, $0x0;
	[sflag:s17] =	ssyncadd.s32 $0xFFFFF800  }
0x89: {  	_ =	swait.ge [sflag:s17], $0x800  }
0x8a: {  	v7 =	vor.u32 v2, v6;
	[sflag:s17] =	ssyncset.done $0x0  }
0x8b: {  	[sflag:s17] =	ssyncadd.s32 $0xFFFFF800  }
0x8c: {  	_ =	swait.ge [sflag:s17], $0x800  }
0x8d: {  	s26 =	sshll.u32 s8, $0xD;
	[sflag:s17] =	ssyncset.done $0x0  }
0x8e: {  	s10 =	sadd.s32 $0x13000, s26;
	[sflag:s17] =	ssyncadd.s32 $0xFFFFF800  }
0x8f: {  	v6 =	vld.idx.msk [tilespmem:v7+s10+$0x0], $0xffff  }
0x90: {  	v8 =	vld [tilespmem:s4+$0x0]  }
0x91: {  	s5 =	simm.s32 $0x1  }
0x92: {  	v9 =	vmov s5;
	v10 =	vld [tilespmem:s25+$0x0]  }
0x93: {  	v9 =	vand.u32 $0x7F, v9  }
0x94: {  	v9 =	vbroadcast v9, $0x0  }
0x95: {  	v8 =	vadd.f32 v8, v6  }
0x96: {  	v6 =	vor.u32 v2, v9  }
0x97: {  	s25 =	sand.u32 $0x1, s24;
	v8 =	vadd.f32 v10, v8  }
0x98: {  	s2 =	simm.s32 $0xE000;
	s8 =	sshll.u32 s25, $0xD  }
0x99: {  	s8 =	sadd.s32 $0x17800, s8;
	[tilespmem:s2+$0x0] =	vst v8  }
0x9a: {  	s31 =	smov.u32 s1;
	p1 =	por !p1, p0;
	s4 =	sadd.s32 @!p2 $0x1, s1;
	[tilespmem:v7+s8+$0x0] =	vst.idx.msk $0xffff, v8  }
0x9b: {  	s26 =	sadd.s32 @!p2 $0x1, s11;
	s1 =	smov.u32 @p1 s4;
	s4 =	simm.s32 $0xA010;
	v7 =	vld.idx.msk [tilespmem:v6+s10+$0x0], $0xffff  }
0x9c: {  	s9 =	smov.u32 s11;
	s11 =	smov.u32 @p1 s26;
	v8 =	vld [tilespmem:s4+$0x0]  }
0x9d: {  	s26 =	simm.s32 $0x0;
	s12 =	simm.s32 $0x2;
	s5 =	simm.s32 $0xC010  }
0x9e: {  	s11 =	smov.u32 @p0 s9;
	s9 =	sadd.s32 s15, s14;
	s26 =	simm.s32 @p1 $0x1;
	v10 =	vmov s12;
	v9 =	vld [tilespmem:s5+$0x0]  }
0x9f: {  	s26 =	simm.s32 @p0 $0x0;
	s1 =	smov.u32 @p0 s31;
	s31 =	simm.s32 $0x3;
	v10 =	vand.u32 $0x7F, v10  }
.LBB2_7:
0xa0: {  	p0 =	sne.s32 s31, $0x7F;
	v10 =	vbroadcast v10, $0x0  }
0xa1: {  	v7 =	vadd.f32 v8, v7  }
0xa2: {  	v8 =	vor.u32 v2, v10  }
0xa3: {  	v7 =	vadd.f32 v9, v7  }
0xa4: {  	s2 =	sadd.s32 $0x10, s2  }
0xa5: {  	[tilespmem:s2+$0x0] =	vst v7  }
0xa6: {  	[tilespmem:v6+s8+$0x0] =	vst.idx.msk $0xffff, v7;
	v6 =	vmov v8  }
.Ltmp2:
0xa7: {  	s4 =	sadd.s32 $0x10, s4;
	v7 =	vld.idx.msk [tilespmem:v8+s10+$0x0], $0xffff;
	(pc) =	sbr.rel @p0 .LBB2_7-.Ltmp2, $4  }
0xa8: {  	v8 =	vld [tilespmem:s4+$0x0]  }
0xa9: {  	s5 =	sadd.s32 $0x10, s5  }
0xaa: {  	v10 =	vmov s31;
	v9 =	vld [tilespmem:s5+$0x0]  }
0xab: {  	s31 =	sadd.s32 $0x1, s31;
	v10 =	vand.u32 $0x7F, v10  }
0xac: {  	v10 =	vbroadcast v10, $0x0  }
0xad: {  	v7 =	vadd.f32 v8, v7  }
0xae: {  	v8 =	vor.u32 v2, v10  }
0xaf: {  	v7 =	vadd.f32 v9, v7  }
0xb0: {  	s2 =	sadd.s32 $0x10, s2  }
0xb1: {  	[tilespmem:s2+$0x0] =	vst v7  }
0xb2: {  	[tilespmem:v6+s8+$0x0] =	vst.idx.msk $0xffff, v7  }
0xb3: {  	s4 =	sadd.s32 $0x10, s4;
	v7 =	vld.idx.msk [tilespmem:v8+s10+$0x0], $0xffff  }
0xb4: {  	v9 =	vld [tilespmem:s4+$0x0]  }
0xb5: {  	s12 =	sadd.s32 $0x10, s5;
	s15 =	simm.s32 $0x0  }
0xb6: {  	v6 =	vmov s15;
	v10 =	vld [tilespmem:s12+$0x0]  }
0xb7: {  	v6 =	vand.u32 $0x7F, v6  }
0xb8: {  	v6 =	vbroadcast v6, $0x0  }
0xb9: {  	v7 =	vadd.f32 v9, v7  }
0xba: {  	v11 =	vor.u32 v3, v6  }
0xbb: {  	v7 =	vadd.f32 v10, v7  }
0xbc: {  	s2 =	sadd.s32 $0x10, s2  }
0xbd: {  	[tilespmem:s2+$0x0] =	vst v7  }
0xbe: {  	[tilespmem:v8+s8+$0x0] =	vst.idx.msk $0xffff, v7  }
0xbf: {  	s5 =	simm.s32 $0xA800;
	v8 =	vld.idx.msk [tilespmem:v11+s10+$0x0], $0xffff  }
0xc0: {  	v9 =	vld [tilespmem:s5+$0x0]  }
0xc1: {  	s15 =	simm.s32 $0x1;
	s12 =	simm.s32 $0xC800  }
0xc2: {  	v7 =	vmov s15;
	v10 =	vld [tilespmem:s12+$0x0]  }
0xc3: {  	v7 =	vand.u32 $0x7F, v7  }
0xc4: {  	v7 =	vbroadcast v7, $0x0  }
0xc5: {  	v8 =	vadd.f32 v9, v8  }
0xc6: {  	v9 =	vor.u32 v3, v7  }
0xc7: {  	v8 =	vadd.f32 v10, v8  }
0xc8: {  	s2 =	simm.s32 $0xE800  }
0xc9: {  	[tilespmem:s2+$0x0] =	vst v8  }
0xca: {  	[tilespmem:v11+s8+$0x0] =	vst.idx.msk $0xffff, v8  }
0xcb: {  	s4 =	simm.s32 $0xA810;
	v10 =	vld.idx.msk [tilespmem:v9+s10+$0x0], $0xffff  }
0xcc: {  	v11 =	vld [tilespmem:s4+$0x0]  }
0xcd: {  	s31 =	simm.s32 $0x2;
	s5 =	simm.s32 $0xC810  }
0xce: {  	v8 =	vmov s31;
	v12 =	vld [tilespmem:s5+$0x0]  }
0xcf: {  	s31 =	simm.s32 $0x3;
	v13 =	vand.u32 $0x7F, v8  }
.LBB2_9:
0xd0: {  	p0 =	sne.s32 s31, $0x7F;
	v13 =	vbroadcast v13, $0x0  }
0xd1: {  	v10 =	vadd.f32 v11, v10  }
0xd2: {  	v11 =	vor.u32 v3, v13  }
0xd3: {  	v10 =	vadd.f32 v12, v10  }
0xd4: {  	s2 =	sadd.s32 $0x10, s2  }
0xd5: {  	[tilespmem:s2+$0x0] =	vst v10  }
0xd6: {  	[tilespmem:v9+s8+$0x0] =	vst.idx.msk $0xffff, v10;
	v9 =	vmov v11  }
.Ltmp3:
0xd7: {  	s4 =	sadd.s32 $0x10, s4;
	v10 =	vld.idx.msk [tilespmem:v11+s10+$0x0], $0xffff;
	(pc) =	sbr.rel @p0 .LBB2_9-.Ltmp3, $4  }
0xd8: {  	v11 =	vld [tilespmem:s4+$0x0]  }
0xd9: {  	s5 =	sadd.s32 $0x10, s5  }
0xda: {  	v13 =	vmov s31;
	v12 =	vld [tilespmem:s5+$0x0]  }
0xdb: {  	s31 =	sadd.s32 $0x1, s31;
	v13 =	vand.u32 $0x7F, v13  }
0xdc: {  	v13 =	vbroadcast v13, $0x0  }
0xdd: {  	v10 =	vadd.f32 v11, v10  }
0xde: {  	v11 =	vor.u32 v3, v13  }
0xdf: {  	v10 =	vadd.f32 v12, v10  }
0xe0: {  	s2 =	sadd.s32 $0x10, s2  }
0xe1: {  	[tilespmem:s2+$0x0] =	vst v10  }
0xe2: {  	[tilespmem:v9+s8+$0x0] =	vst.idx.msk $0xffff, v10  }
0xe3: {  	s4 =	sadd.s32 $0x10, s4;
	v9 =	vld.idx.msk [tilespmem:v11+s10+$0x0], $0xffff  }
0xe4: {  	v10 =	vld [tilespmem:s4+$0x0]  }
0xe5: {  	s5 =	sadd.s32 $0x10, s5  }
0xe6: {  	v63 =	vld [tilespmem:s5+$0x0];
	_ =	sdelay $0x2  }
0xe7: {  	v9 =	vadd.f32 v10, v9  }
0xe8: {  	v10 =	vor.u32 v4, v6  }
0xe9: {  	v6 =	vadd.f32 v63, v9  }
0xea: {  	s2 =	sadd.s32 $0x10, s2  }
0xeb: {  	[tilespmem:s2+$0x0] =	vst v6  }
0xec: {  	[tilespmem:v11+s8+$0x0] =	vst.idx.msk $0xffff, v6  }
0xed: {  	s12 =	simm.s32 $0xB000;
	v6 =	vld.idx.msk [tilespmem:v10+s10+$0x0], $0xffff  }
0xee: {  	v9 =	vld [tilespmem:s12+$0x0]  }
0xef: {  	s15 =	simm.s32 $0xD000  }
0xf0: {  	v11 =	vld [tilespmem:s15+$0x0];
	_ =	sdelay $0x2  }
0xf1: {  	v9 =	vadd.f32 v9, v6  }
0xf2: {  	v6 =	vor.u32 v4, v7  }
0xf3: {  	v7 =	vadd.f32 v11, v9  }
0xf4: {  	s2 =	simm.s32 $0xF000  }
0xf5: {  	[tilespmem:s2+$0x0] =	vst v7  }
0xf6: {  	[tilespmem:v10+s8+$0x0] =	vst.idx.msk $0xffff, v7  }
0xf7: {  	s4 =	simm.s32 $0xB010;
	v7 =	vld.idx.msk [tilespmem:v6+s10+$0x0], $0xffff  }
0xf8: {  	v9 =	vld [tilespmem:s4+$0x0]  }
0xf9: {  	s5 =	simm.s32 $0xD010  }
0xfa: {  	v10 =	vld [tilespmem:s5+$0x0]  }
0xfb: {  	v8 =	vand.u32 $0x7F, v8;
	s31 =	simm.s32 $0x3;
	s15 =	smov.u32 s21  }
.LBB2_11:
0xfc: {  	p0 =	sne.s32 s31, $0x7F;
	v8 =	vbroadcast v8, $0x0  }
0xfd: {  	v7 =	vadd.f32 v9, v7  }
0xfe: {  	v8 =	vor.u32 v4, v8  }
0xff: {  	v7 =	vadd.f32 v10, v7  }
0x100: {  	s2 =	sadd.s32 $0x10, s2  }
0x101: {  	[tilespmem:s2+$0x0] =	vst v7  }
0x102: {  	[tilespmem:v6+s8+$0x0] =	vst.idx.msk $0xffff, v7;
	v6 =	vmov v8  }
.Ltmp4:
0x103: {  	s4 =	sadd.s32 $0x10, s4;
	v7 =	vld.idx.msk [tilespmem:v8+s10+$0x0], $0xffff;
	(pc) =	sbr.rel @p0 .LBB2_11-.Ltmp4, $4  }
0x104: {  	v9 =	vld [tilespmem:s4+$0x0]  }
0x105: {  	s5 =	sadd.s32 $0x10, s5  }
0x106: {  	v8 =	vmov s31;
	v10 =	vld [tilespmem:s5+$0x0]  }
0x107: {  	s31 =	sadd.s32 $0x1, s31;
	v8 =	vand.u32 $0x7F, v8  }
0x108: {  	v8 =	vbroadcast v8, $0x0  }
0x109: {  	v7 =	vadd.f32 v9, v7  }
0x10a: {  	v8 =	vor.u32 v4, v8  }
0x10b: {  	v7 =	vadd.f32 v10, v7  }
0x10c: {  	s2 =	sadd.s32 $0x10, s2  }
0x10d: {  	[tilespmem:s2+$0x0] =	vst v7  }
0x10e: {  	[tilespmem:v6+s8+$0x0] =	vst.idx.msk $0xffff, v7  }
0x10f: {  	s4 =	sadd.s32 $0x10, s4;
	v6 =	vld.idx.msk [tilespmem:v8+s10+$0x0], $0xffff  }
0x110: {  	v7 =	vld [tilespmem:s4+$0x0]  }
0x111: {  	s12 =	sadd.s32 $0x10, s5;
	s21 =	simm.s32 $0x0  }
0x112: {  	v10 =	vmov s21;
	v9 =	vld [tilespmem:s12+$0x0]  }
0x113: {  	v10 =	vand.u32 $0x7F, v10  }
0x114: {  	v10 =	vbroadcast v10, $0x0  }
0x115: {  	v6 =	vadd.f32 v7, v6  }
0x116: {  	v7 =	vor.u32 v5, v10  }
0x117: {  	v6 =	vadd.f32 v9, v6  }
0x118: {  	s2 =	sadd.s32 $0x10, s2  }
0x119: {  	[tilespmem:s2+$0x0] =	vst v6  }
0x11a: {  	[tilespmem:v8+s8+$0x0] =	vst.idx.msk $0xffff, v6  }
0x11b: {  	s5 =	simm.s32 $0xB800;
	v6 =	vld.idx.msk [tilespmem:v7+s10+$0x0], $0xffff  }
0x11c: {  	v8 =	vld [tilespmem:s5+$0x0]  }
0x11d: {  	s21 =	simm.s32 $0x1;
	s12 =	simm.s32 $0xD800  }
0x11e: {  	v9 =	vmov s21;
	v10 =	vld [tilespmem:s12+$0x0]  }
0x11f: {  	v9 =	vand.u32 $0x7F, v9  }
0x120: {  	v9 =	vbroadcast v9, $0x0  }
0x121: {  	v8 =	vadd.f32 v8, v6  }
0x122: {  	v6 =	vor.u32 v5, v9  }
0x123: {  	v8 =	vadd.f32 v10, v8  }
0x124: {  	s2 =	simm.s32 $0xF800  }
0x125: {  	[tilespmem:s2+$0x0] =	vst v8  }
0x126: {  	[tilespmem:v7+s8+$0x0] =	vst.idx.msk $0xffff, v8  }
0x127: {  	s4 =	simm.s32 $0xB810;
	v7 =	vld.idx.msk [tilespmem:v6+s10+$0x0], $0xffff  }
0x128: {  	v8 =	vld [tilespmem:s4+$0x0]  }
0x129: {  	s31 =	simm.s32 $0x2;
	s5 =	simm.s32 $0xD810  }
0x12a: {  	v10 =	vmov s31;
	v9 =	vld [tilespmem:s5+$0x0]  }
0x12b: {  	s31 =	simm.s32 $0x3;
	v10 =	vand.u32 $0x7F, v10  }
.LBB2_13:
0x12c: {  	p0 =	sne.s32 s31, $0x7F;
	v10 =	vbroadcast v10, $0x0  }
0x12d: {  	v7 =	vadd.f32 v8, v7  }
0x12e: {  	v8 =	vor.u32 v5, v10  }
0x12f: {  	v7 =	vadd.f32 v9, v7  }
0x130: {  	s2 =	sadd.s32 $0x10, s2  }
0x131: {  	[tilespmem:s2+$0x0] =	vst v7  }
0x132: {  	[tilespmem:v6+s8+$0x0] =	vst.idx.msk $0xffff, v7;
	v6 =	vmov v8  }
.Ltmp5:
0x133: {  	s4 =	sadd.s32 $0x10, s4;
	v7 =	vld.idx.msk [tilespmem:v8+s10+$0x0], $0xffff;
	(pc) =	sbr.rel @p0 .LBB2_13-.Ltmp5, $4  }
0x134: {  	v8 =	vld [tilespmem:s4+$0x0]  }
0x135: {  	s5 =	sadd.s32 $0x10, s5  }
0x136: {  	v10 =	vmov s31;
	v9 =	vld [tilespmem:s5+$0x0]  }
0x137: {  	s31 =	sadd.s32 $0x1, s31;
	v10 =	vand.u32 $0x7F, v10  }
0x138: {  	v10 =	vbroadcast v10, $0x0  }
0x139: {  	v7 =	vadd.f32 v8, v7  }
0x13a: {  	v62 =	vor.u32 v5, v10  }
0x13b: {  	v7 =	vadd.f32 v9, v7  }
0x13c: {  	s2 =	sadd.s32 $0x10, s2  }
0x13d: {  	[tilespmem:s2+$0x0] =	vst v7  }
0x13e: {  	[tilespmem:v6+s8+$0x0] =	vst.idx.msk $0xffff, v7  }
0x13f: {  	s4 =	sadd.s32 $0x10, s4;
	v6 =	vld.idx.msk [tilespmem:v62+s10+$0x0], $0xffff  }
0x140: {  	v7 =	vld [tilespmem:s4+$0x0]  }
0x141: {  	s21 =	sadd.s32 $0x10, s5  }
0x142: {  	v63 =	vld [tilespmem:s21+$0x0];
	_ =	sdelay $0x2  }
0x143: {  	v6 =	vadd.f32 v7, v6;
	_ =	sdelay $0x1  }
0x144: {  	v6 =	vadd.f32 v63, v6  }
0x145: {  	s2 =	sadd.s32 $0x10, s2  }
0x146: {  	[tilespmem:s2+$0x0] =	vst v6  }
0x147: {  	s31 =	simm.s32 $0xE000;
	s2 =	rddreg [dreg:$0x3];
	[tilespmem:v62+s8+$0x0] =	vst.idx.msk $0xffff, v6  }
0x148: {  	[spmem:s2] =	stream.indirect.scatter.add.f32 [tilespmem:s31], [sflag:$0x2], $0x10, s16, s29, $0x2000b8;
	[tilespmem:$0x1B800] =	vst v63  }
0x149: {  	s5 =	rddreg [dreg:$0x4];
	s12 =	simm.s32 $0x10000  }
0x14a: {  	[spmem:s5] =	stream.indirect.scatter.add.f32 [tilespmem:s12], [sflag:$0x2], $0x10, s16, s29, $0x2000b8;
	[tilespmem:$0x1B800] =	vst v63  }
0x14b: {  	s16 =	simm.s32 $0xE800  }
0x14c: {  	[spmem:s2] =	stream.indirect.scatter.add.f32 [tilespmem:s16], [sflag:$0x2], $0x10, s18, s29, $0x2000b8;
	[tilespmem:$0x1B800] =	vst v63  }
0x14d: {  	_ = 	snop  }
0x14e: {  	[spmem:s5] =	stream.indirect.scatter.add.f32 [tilespmem:s12], [sflag:$0x2], $0x10, s18, s29, $0x2000b8;
	[tilespmem:$0x1B800] =	vst v63  }
0x14f: {  	s21 =	simm.s32 $0xF000  }
0x150: {  	[spmem:s2] =	stream.indirect.scatter.add.f32 [tilespmem:s21], [sflag:$0x2], $0x10, s20, s29, $0x2000b8;
	[tilespmem:$0x1B800] =	vst v63  }
0x151: {  	_ = 	snop  }
0x152: {  	[spmem:s5] =	stream.indirect.scatter.add.f32 [tilespmem:s12], [sflag:$0x2], $0x10, s20, s29, $0x2000b8;
	[tilespmem:$0x1B800] =	vst v63  }
0x153: {  	s31 =	simm.s32 $0xF800  }
0x154: {  	[spmem:s2] =	stream.indirect.scatter.add.f32 [tilespmem:s31], [sflag:$0x2], $0x10, s22, s29, $0x2000b8;
	[tilespmem:$0x1B800] =	vst v63  }
0x155: {  	_ = 	snop  }
0x156: {  	[spmem:s5] =	stream.indirect.scatter.add.f32 [tilespmem:s12], [sflag:$0x2], $0x10, s22, s29, $0x2000b8;
	[tilespmem:$0x1B800] =	vst v63  }
0x157: {  	_ =	swait.ge [sflag:s23], $0x800  }
0x158: {  	[sflag:s23] =	ssyncset.done $0x0  }
0x159: {  	[sflag:s23] =	ssyncadd.s32 $0xFFFFF800  }
0x15a: {  	_ =	swait.ge [sflag:s23], $0x800  }
0x15b: {  	[sflag:s23] =	ssyncset.done $0x0  }
0x15c: {  	[sflag:s23] =	ssyncadd.s32 $0xFFFFF800  }
0x15d: {  	_ =	swait.ge [sflag:s23], $0x800  }
0x15e: {  	[sflag:s23] =	ssyncset.done $0x0  }
0x15f: {  	[sflag:s23] =	ssyncadd.s32 $0xFFFFF800  }
0x160: {  	_ =	swait.ge [sflag:s23], $0x800  }
0x161: {  	[sflag:s23] =	ssyncset.done $0x0  }
0x162: {  	[sflag:s23] =	ssyncadd.s32 $0xFFFFF800  }
0x163: {  	_ =	swait.ge [sflag:s23], $0x800  }
0x164: {  	[sflag:s23] =	ssyncset.done $0x0  }
0x165: {  	[sflag:s23] =	ssyncadd.s32 $0xFFFFF800  }
0x166: {  	_ =	swait.ge [sflag:s23], $0x800  }
0x167: {  	[sflag:s23] =	ssyncset.done $0x0  }
0x168: {  	[sflag:s23] =	ssyncadd.s32 $0xFFFFF800  }
0x169: {  	_ =	swait.ge [sflag:s23], $0x800  }
0x16a: {  	[sflag:s23] =	ssyncset.done $0x0  }
0x16b: {  	[sflag:s23] =	ssyncadd.s32 $0xFFFFF800  }
0x16c: {  	_ =	swait.ge [sflag:s23], $0x800  }
0x16d: {  	[sflag:s23] =	ssyncset.done $0x0  }
0x16e: {  	p0 =	sne.s32 s14, s6;
	p1 =	seq.s32 s3, s19;
	[sflag:s23] =	ssyncadd.s32 $0xFFFFF800  }
0x16f: {  	p0 =	por p1, p0;
	_ =	strace $0x9000004F  }
0x170: {  	p1 =	seq.s32 s3, $0x0;
	s2 =	sshll.u32 @p0 s9, $0x9;
	_ =	strace @p0 $0x80000050  }
0x171: {  	s4 =	sadd.s32 @p0 $0x9, s25;
	s2 =	sand.u32 @p0 $0x1FFFFE00, s2;
	s5 =	rddreg [dreg:$0x1]  }
0x172: {  	s9 =	simm.s32 @p0 $0x271000;
	s2 =	sadd.s32 @p0 s5, s2;
	s5 =	simm.s32 @p0 $0x1000  }
0x173: {  	[hbm4b:s2+s5] =	stream.strided.scatter @p0 [tilespmem:s8], [sflag:s4], $0x2000, s9, s5, $0x200038;
	[tilespmem:$0x1B800] =	vst v63  }
0x174: {  	s2 =	sand.u32 @!p1 $0x1, s13;
	_ =	strace @p0 $0x90000050  }
0x175: {  	s2 =	sadd.s32 @!p1 $0x9, s2;
	_ =	strace @!p1 $0x80000051  }
0x176: {  	_ =	swait.ge @!p1 [sflag:s2], $0x2000  }
0x177: {  	p2 =	sne.s32 s3, $0x0;
	[sflag:s2] =	ssyncset.done @!p1 $0x0  }
0x178: {  	s3 =	sadd.s32 $0x1, s3;
	[sflag:s2] =	ssyncadd.s32 @!p1 $0xFFFFE000;
	s2 =	simm.s32 $0x1  }
0x179: {  	s2 =	simm.s32 @!p0 $0x0;
	p0 =	sne.s32 s3, s15  }
.Ltmp6:
0x17a: {  	_ = 	snop;
	(pc) =	sbr.rel @p0 .LBB2_6-.Ltmp6, $4  }
0x17b: {  	s28 =	sadd.s32 s28, s26;
	s4 =	simm.s32 $0x1  }
0x17c: {  	s14 =	smov.u32 s6;
	s16 =	smov.u32 s19;
	s4 =	simm.s32 @!p2 $0x0  }
0x17d: {  	s13 =	sadd.s32 s4, s13;
	_ =	strace @!p1 $0x90000051;
	s24 =	sadd.s32 s2, s24  }
0x17e: {  	s30 =	sadd.s32 s2, s30;
	s0 =	sadd.s32 s2, s0;
	s7 =	sadd.s32 s2, s7  }
0x17f: {  	s0 =	sand.u32 $0x1, s13  }
0x180: {  	_ =	strace $0x80000052;
	s0 =	sadd.s32 $0x9, s0  }
0x181: {  	_ =	swait.ge [sflag:s0], $0x2000  }
0x182: {  	[sflag:s0] =	ssyncset.done $0x0  }
0x183: {  	[sflag:s0] =	ssyncadd.s32 $0xFFFFE000  }
0x184: {  	_ =	strace $0x90000052  }
0x185: {  	[bflag:$0x0] =	sbarrier.arrive $0xFFFF  }
0x186: {  	s9 =	rddreg [dreg:$0xc]  }
0x187: {  	s1 =	rddreg [dreg:$0x14]  }
0x188: {  	s2 =	simm.s32 $0x3;
	s3 =	rddreg [dreg:$0x19];
	s26 =	sshrl.u32 s9, $0x3  }
0x189: {  	[hbm:s1], [sflag:s3] =	dma.local [spmem:s26], $0x500  }
0x18a: {  	_ =	swait.ge [sflag:s2], $0x500  }
0x18b: {  	[sflag:s2] =	ssyncset.done $0x0;
	s10 =	rddreg [dreg:$0xe]  }
0x18c: {  	s30 =	rddreg [dreg:$0x15];
	[sflag:s2] =	ssyncadd.s32 $0xFFFFFB00;
	s28 =	sshrl.u32 s10, $0x3  }
0x18d: {  	[hbm:s30], [sflag:s3] =	dma.local [spmem:s28], $0x500  }
0x18e: {  	_ =	swait.ge [sflag:s2], $0x500  }
0x18f: {  	s12 =	rddreg [dreg:$0x8]  }
0x190: {  	s31 =	rddreg [dreg:$0x16];
	s12 =	sadd.s32 $0x1, s12  }
0x191: {  	p0 =	sne.s32 s12, s31  }
.Ltmp7:
0x192: {  	_ = 	snop;
	(pc) =	sbr.rel @p0 .LBB2_1-.Ltmp7, $3  }
0x193: {  	_ =	sdelay $0x1  }
0x194: {  	[sflag:s2] =	ssyncset.done $0x0  }
0x195: {  	[sflag:s2] =	ssyncadd.s32 $0xFFFFFB00  }
0x196: {  	_ =	sfence.sel $0x180000  }
0x197: {  	[bflag:$0x0] =	sbarrier.arrive $0xFFFF  }
0x198: {  	_ =	strace $0x90000047  }
0x199: {  	s0 =	stileid.u32;
	[bflag:$0x2] =	sbarrier.arrive $0xFFFF  }
0x19a: {  	p0 =	sne.s32 s0, $0x0;
	s0 =	rddreg [dreg:$0x7]  }
0x19b: {  	s0 =	sadd.s32 @!p0 $0x100000, s0  }
0x19c: {  	[sflag:s0] =	ssyncadd.tile.s32 @!p0 $0x1;
	_ =	shalt  }
.Lfunc_end2:
_tile_overlayer_lowered:
.L_overlay_start_2:
0x19d: {  	(tag) =	ssettag $0x2  }
0x19e: {  	s0 =	rddreg [dreg:$0x0];
	s2 =	stileid.u32  }
0x19f: {  	s1 =	rddreg [dreg:$0x1];
	p0 =	sne.s32 s2, $0x0  }
0x1a0: {  	s3 =	rddreg [dreg:$0x2];
	[bflag:$0x3] =	sbarrier.arrive $0xFFFF;
	s2 =	simm.s32 @!p0 $0x1C03  }
0x1a1: {  	[timem:s3], [sflag:s2] =	dma.local @!p0 [hbm:s0], s1  }
0x1a2: {  	s0 =	simm.s32 @!p0 $0x3  }
0x1a3: {  	_ =	swait.ge @!p0 [sflag:s0], s1  }
0x1a4: {  	s1 =	ssub.s32 @!p0 $0x0, s1;
	[sflag:s0] =	ssyncset.done @!p0 $0x0  }
0x1a5: {  	[sflag:s0] =	ssyncadd.s32 @!p0 s1  }
0x1a6: {  	[bflag:$0x3] =	sbarrier.arrive $0xFFFF  }
0x1a7: {  	_ =	shalt  }

</sc_bundles>
